<compile_context>
chip_gen: v7x
topology: tpu7x:2x2x1
jax: 0.10.2.dev20260603
libtpu: 0.0.44.dev20260713+nightly
codegen_flags: <defaults>
</compile_context>

<pallas_src>
import functools

import jax
import jax.numpy as jnp
from jax import lax
from jax.experimental import pallas as pl
from jax.experimental.pallas import tpu as pltpu
from jax.experimental.pallas import tpu_sc as plsc

B, C, T = 16, 8, 2048
QUANT_LEVELS, QUANT_EMB = 1024, 64
NUM_CLASSES, CLASS_EMB = 1000, 128

NW = 32
ROWS_OUT = B * T * C
ROWS_COND = B * T
PAIRS_PER_W = B * C // NW
COND_PER_W = ROWS_COND // NW
OUT_CHUNK = 1024
L = 16

_mesh = plsc.VectorSubcoreMesh(core_axis_name="c", subcore_axis_name="s")


@functools.partial(
    pl.kernel,
    mesh=_mesh,
    out_type=jax.ShapeDtypeStruct((B * C, T // 2, 2, QUANT_EMB), jnp.float32),
    scratch_types=[
        pltpu.VMEM((OUT_CHUNK // 128, 128), jnp.int32),
        pltpu.VMEM((OUT_CHUNK, QUANT_EMB), jnp.float32),
        pltpu.SemaphoreType.DMA,
    ],
    compiler_params=pltpu.CompilerParams(use_tc_tiling_on_sc=False),
)
def _sc_gather_out(xi_hbm, qtab_hbm, crows_hbm, out_hbm,
                   idx_v, rows_v, sem):
    del crows_hbm
    wid = lax.axis_index("s") * 2 + lax.axis_index("c")
    nr = OUT_CHUNK // 128

    for k in range(PAIRS_PER_W):
        bc = wid * PAIRS_PER_W + k
        for c2 in range(2):
            chunk = bc * 2 + c2
            pltpu.sync_copy(xi_hbm.at[pl.ds(chunk * nr, nr)], idx_v)
            cps = [
                pltpu.async_copy(qtab_hbm.at[idx_v.at[r]],
                                 rows_v.at[pl.ds(r * 128, 128)], sem)
                for r in range(nr)
            ]
            for cp in cps:
                cp.wait()
            pltpu.sync_copy(rows_v, out_hbm.at[bc, :, c2])


@functools.partial(
    pl.kernel,
    mesh=_mesh,
    out_type=jax.ShapeDtypeStruct((ROWS_COND, CLASS_EMB), jnp.float32),
    scratch_types=[
        pltpu.VMEM((COND_PER_W // 128, 128), jnp.int32),
        pltpu.VMEM((2, 128, CLASS_EMB), jnp.float32),
        pltpu.SemaphoreType.DMA,
        pltpu.SemaphoreType.DMA,
    ],
    compiler_params=pltpu.CompilerParams(use_tc_tiling_on_sc=False),
)
def _sc_gather_cond(cidx_hbm, wtab_hbm, crows_hbm, cidx_v, crows_v,
                    sem0, sem1):
    wid = lax.axis_index("s") * 2 + lax.axis_index("c")
    nr = COND_PER_W // 128
    sems = [sem0, sem1]
    pltpu.sync_copy(cidx_hbm.at[pl.ds(wid * nr, nr)], cidx_v)
    cps = [pltpu.async_copy(wtab_hbm.at[cidx_v.at[0]], crows_v.at[0], sems[0])]
    for r in range(nr):
        if r + 1 < nr:
            cps.append(pltpu.async_copy(wtab_hbm.at[cidx_v.at[r + 1]],
                                        crows_v.at[(r + 1) % 2],
                                        sems[(r + 1) % 2]))
        cps[r].wait()
        pltpu.sync_copy(crows_v.at[r % 2],
                        crows_hbm.at[pl.ds(wid * COND_PER_W + r * 128, 128)])


TB = 512


def _tc_expand_body(crows_ref, cond_ref, out_ref):
    rows = crows_ref[0]
    mask = (cond_ref[0] > 0).astype(jnp.float32)
    val = rows.T * mask
    for c in range(C):
        out_ref[c] = val


def _tc_expand(crows3, condition):
    return pl.pallas_call(
        _tc_expand_body,
        grid=(B, T // TB),
        in_specs=[
            pl.BlockSpec((1, TB, CLASS_EMB), lambda b, t: (b, t, 0)),
            pl.BlockSpec((1, 1, TB), lambda b, t: (b, 0, t)),
        ],
        out_specs=pl.BlockSpec((C, CLASS_EMB, TB), lambda b, t: (b, 0, t)),
        out_shape=jax.ShapeDtypeStruct((B * C, CLASS_EMB, T), jnp.float32),
        compiler_params=pltpu.CompilerParams(
            dimension_semantics=("parallel", "parallel")),
    )(crows3, condition)


def _tc_trans_body(rows2_ref, out_ref):
    blk = rows2_ref[...]
    for c in range(C):
        sub = blk[c * (T // 2):(c + 1) * (T // 2), :]
        out_ref[c, :, :T // 2] = sub[:, :QUANT_EMB].T
        out_ref[c, :, T // 2:] = sub[:, QUANT_EMB:].T


def _tc_trans(rows2):
    return pl.pallas_call(
        _tc_trans_body,
        grid=(B,),
        in_specs=[pl.BlockSpec((C * T // 2, 128), lambda b: (b, 0))],
        out_specs=pl.BlockSpec((C, QUANT_EMB, T), lambda b: (0, 0, b)),
        out_shape=jax.ShapeDtypeStruct((C, QUANT_EMB, B * T), jnp.float32),
        compiler_params=pltpu.CompilerParams(
            dimension_semantics=("parallel",)),
    )(rows2)


def kernel(x, condition, quant_emb, cond_emb_weight):
    nrow = ROWS_OUT // 128
    off = ((jnp.arange(nrow, dtype=x.dtype) // 16) % C) * QUANT_LEVELS
    xi = x.reshape(nrow, 128) + off[:, None]
    cidx = condition.reshape(ROWS_COND // 128, 128)
    qtab = quant_emb.reshape(C * QUANT_LEVELS, QUANT_EMB)

    crows = _sc_gather_cond(cidx, cond_emb_weight)
    out_rows = _sc_gather_out(xi, qtab, crows)

    cond = _tc_expand(crows.reshape(B, T, CLASS_EMB), condition)
    out_t = _tc_trans(out_rows.reshape(ROWS_OUT // 2, 2 * QUANT_EMB))
    return jnp.transpose(out_t, (2, 0, 1)), cond

# --- scband reference (transcript-rebuilt; emitter-appended) ---
"""Pipeline reference for scband-embedding-layer-29171417875125 (READ-ONLY COPY).

The authoritative reference and input builder live on the scoring server;
editing this copy changes nothing except your own understanding.
"""

import jax, jax.numpy as jnp
import numpy as np

B, C, T = 16, 8, 2048
QUANT_LEVELS, QUANT_EMB = 1024, 64
NUM_CLASSES, CLASS_EMB = 1000, 128


def setup_inputs(seed: int = 0) -> dict:
    key = jax.random.key(seed)
    k1, k2, k3, k4 = jax.random.split(key, 4)
    x = jax.random.randint(k1, (B, C, T), 0, QUANT_LEVELS)
    condition = jax.random.randint(k2, (B, 1, T), 0, NUM_CLASSES)
    quant_emb = jax.random.normal(k3, (C, QUANT_LEVELS, QUANT_EMB), dtype=jnp.float32)
    cond_emb_weight = jax.random.normal(k4, (NUM_CLASSES, CLASS_EMB), dtype=jnp.float32)
    return {"x": x, "condition": condition, "quant_emb": quant_emb, "cond_emb_weight": cond_emb_weight}


def reference(x, condition, quant_emb, cond_emb_weight):
    b, c, t = x.shape
    # conditioning branch
    inds = jnp.squeeze(condition, axis=1)                       # [B, T]
    cond = jnp.take(cond_emb_weight, inds, axis=0)              # [B, T, class_emb]
    cond = jnp.transpose(cond, (0, 2, 1))                       # [B, class_emb, T]
    cond = cond * (condition > 0).astype(jnp.float32)           # mask via broadcast of [B,1,T]
    cond = jnp.tile(cond[:, None, :, :], (1, c, 1, 1))          # [B, C, class_emb, T]
    cond = cond.reshape(-1, cond.shape[-2], cond.shape[-1])     # [B*C, class_emb, T]
    # quantized-token embedding gather
    xp = jnp.transpose(x, (0, 2, 1)).reshape(-1, c)             # [B*T, C]
    out = quant_emb[jnp.arange(c), xp]                          # [B*T, C, quant_emb]
    return (out, cond)

if __name__ == "__main__":
    import jax
    _d = setup_inputs()
    print(jax.jit(kernel)(*tuple(_d.values())))

</pallas_src>

<mosaic_0001>
#map = affine_map<(d0, d1) -> (0, 0)>
#map1 = affine_map<(d0, d1) -> (0, 0, 0, 0)>
module attributes {stable_mosaic.version = 14 : i64} {
  func.func @_sc_gather_out(%arg0: i32, %arg1: i32, %arg2: memref<2048x128xi32, #tpu.memory_space<hbm>>, %arg3: memref<8192x64xf32, #tpu.memory_space<hbm>>, %arg4: memref<32768x128xf32, #tpu.memory_space<hbm>>, %arg5: memref<128x1024x2x64xf32, #tpu.memory_space<hbm>>, %arg6: memref<8x128xi32, #tpu.memory_space<vmem>>, %arg7: memref<1024x64xf32, #tpu.memory_space<vmem>>, %arg8: memref<!tpu.dma_semaphore, #tpu.memory_space<semaphore_mem>>) attributes {dimension_semantics = [#tpu.dimension_semantics<core_parallel>, #tpu.dimension_semantics<subcore_parallel>], iteration_bounds = array<i64: 2, 16>, scalar_prefetch = 0 : i64, scratch_operands = 3 : i64, tpu.core_type = #tpu.core_type<sc_vector_subcore>, window_params = [{transform_indices = #map}, {transform_indices = #map}, {transform_indices = #map}, {transform_indices = #map1}]} {
    %mul3A = arith.constant 2 : i32
    %mul3A_0 = arith.muli %arg1, %mul3A : i32
    %add3A = arith.addi %mul3A_0, %arg0 : i32
    %mul3A_1 = arith.constant 4 : i32
    %mul3A_2 = arith.muli %add3A, %mul3A_1 : i32
    %add3A_3 = arith.constant 0 : i32
    %add3A_4 = arith.addi %mul3A_2, %add3A_3 : i32
    %mul3A_5 = arith.constant 2 : i32
    %mul3A_6 = arith.muli %add3A_4, %mul3A_5 : i32
    %add3A_7 = arith.constant 0 : i32
    %add3A_8 = arith.addi %mul3A_6, %add3A_7 : i32
    %mul3A_9 = arith.constant 8 : i32
    %mul3A_10 = arith.muli %add3A_8, %mul3A_9 : i32
    "tpu.region"() ({
      %run_scoped3A_1350 = tpu.sem_alloc : memref<!tpu.dma_semaphore, #tpu.memory_space<semaphore_mem>>
      %dma_start3A_1351 = arith.constant 0 : i32
      %dma_start3A_1352 = tpu.memref_slice %arg2[%mul3A_10, %dma_start3A_1351] : memref<2048x128xi32, #tpu.memory_space<hbm>> -> memref<8x128xi32, #tpu.memory_space<hbm>>
      %dma_start3A_1353 = arith.constant 0 : i32
      %dma_start3A_1354 = tpu.memref_slice %arg2[%mul3A_10, %dma_start3A_1353] : memref<2048x128xi32, #tpu.memory_space<hbm>> -> memref<8x128xi32, #tpu.memory_space<hbm>>
      tpu.enqueue_dma source(%dma_start3A_1354 : memref<8x128xi32, #tpu.memory_space<hbm>>) target(%arg6 : memref<8x128xi32, #tpu.memory_space<vmem>>) target_semaphore(%run_scoped3A_1350 : memref<!tpu.dma_semaphore, #tpu.memory_space<semaphore_mem>>)
      %dma_wait3A_1355 = arith.constant 0 : i32
      %dma_wait3A_1356 = tpu.memref_slice %arg2[%mul3A_10, %dma_wait3A_1355] : memref<2048x128xi32, #tpu.memory_space<hbm>> -> memref<8x128xi32, #tpu.memory_space<hbm>>
      %dma_wait3A_1357 = arith.constant 0 : i32
      %dma_wait3A_1358 = tpu.memref_slice %arg2[%mul3A_10, %dma_wait3A_1357] : memref<2048x128xi32, #tpu.memory_space<hbm>> -> memref<8x128xi32, #tpu.memory_space<hbm>>
      tpu.wait_dma2 semaphore(%run_scoped3A_1350 : memref<!tpu.dma_semaphore, #tpu.memory_space<semaphore_mem>>) src(%dma_wait3A_1358 : memref<8x128xi32, #tpu.memory_space<hbm>>) dst(%arg6 : memref<8x128xi32, #tpu.memory_space<vmem>>)
      tpu.yield
    }) : () -> ()
    %dma_start3A = arith.constant 0 : i32
    %dma_start3A_11 = arith.constant 0 : i32
    %dma_start3A_12 = arith.constant 0 : i32
    %dma_start3A_13 = tpu.memref_slice %arg7[%dma_start3A_11, %dma_start3A_12] : memref<1024x64xf32, #tpu.memory_space<vmem>> -> memref<128x64xf32, #tpu.memory_space<vmem>>
    %dma_start3A_14 = arith.constant 0 : i32
    %dma_start3A_15 = tpu.memref_slice %arg6[%dma_start3A, %dma_start3A_14] : memref<8x128xi32, #tpu.memory_space<vmem>> -> memref<1x128xi32, #tpu.memory_space<vmem>>
    %dma_start3A_16 = tpu.memref_squeeze %dma_start3A_15 : memref<1x128xi32, #tpu.memory_space<vmem>> -> memref<128xi32, #tpu.memory_space<vmem>>
    %dma_start3A_17 = arith.constant 0 : i32
    %dma_start3A_18 = arith.constant 0 : i32
    %dma_start3A_19 = tpu.memref_slice %arg3[%dma_start3A_17, %dma_start3A_18] : memref<8192x64xf32, #tpu.memory_space<hbm>> -> memref<8192x64xf32, #tpu.memory_space<hbm>>
    tpu.enqueue_indirect_dma source(%dma_start3A_19 : memref<8192x64xf32, #tpu.memory_space<hbm>>) target(%dma_start3A_13 : memref<128x64xf32, #tpu.memory_space<vmem>>) offsets(%dma_start3A_16 : memref<128xi32, #tpu.memory_space<vmem>>) semaphore(%arg8 : memref<!tpu.dma_semaphore, #tpu.memory_space<semaphore_mem>>)
    %dma_start3A_20 = arith.constant 1 : i32
    %dma_start3A_21 = arith.constant 128 : i32
    %dma_start3A_22 = arith.constant 0 : i32
    %dma_start3A_23 = tpu.memref_slice %arg7[%dma_start3A_21, %dma_start3A_22] : memref<1024x64xf32, #tpu.memory_space<vmem>> -> memref<128x64xf32, #tpu.memory_space<vmem>>
    %dma_start3A_24 = arith.constant 0 : i32
    %dma_start3A_25 = tpu.memref_slice %arg6[%dma_start3A_20, %dma_start3A_24] : memref<8x128xi32, #tpu.memory_space<vmem>> -> memref<1x128xi32, #tpu.memory_space<vmem>>
    %dma_start3A_26 = tpu.memref_squeeze %dma_start3A_25 : memref<1x128xi32, #tpu.memory_space<vmem>> -> memref<128xi32, #tpu.memory_space<vmem>>
    %dma_start3A_27 = arith.constant 0 : i32
    %dma_start3A_28 = arith.constant 0 : i32
    %dma_start3A_29 = tpu.memref_slice %arg3[%dma_start3A_27, %dma_start3A_28] : memref<8192x64xf32, #tpu.memory_space<hbm>> -> memref<8192x64xf32, #tpu.memory_space<hbm>>
    tpu.enqueue_indirect_dma source(%dma_start3A_29 : memref<8192x64xf32, #tpu.memory_space<hbm>>) target(%dma_start3A_23 : memref<128x64xf32, #tpu.memory_space<vmem>>) offsets(%dma_start3A_26 : memref<128xi32, #tpu.memory_space<vmem>>) semaphore(%arg8 : memref<!tpu.dma_semaphore, #tpu.memory_space<semaphore_mem>>)
    %dma_start3A_30 = arith.constant 2 : i32
    %dma_start3A_31 = arith.constant 256 : i32
    %dma_start3A_32 = arith.constant 0 : i32
    %dma_start3A_33 = tpu.memref_slice %arg7[%dma_start3A_31, %dma_start3A_32] : memref<1024x64xf32, #tpu.memory_space<vmem>> -> memref<128x64xf32, #tpu.memory_space<vmem>>
    %dma_start3A_34 = arith.constant 0 : i32
    %dma_start3A_35 = tpu.memref_slice %arg6[%dma_start3A_30, %dma_start3A_34] : memref<8x128xi32, #tpu.memory_space<vmem>> -> memref<1x128xi32, #tpu.memory_space<vmem>>
    %dma_start3A_36 = tpu.memref_squeeze %dma_start3A_35 : memref<1x128xi32, #tpu.memory_space<vmem>> -> memref<128xi32, #tpu.memory_space<vmem>>
    %dma_start3A_37 = arith.constant 0 : i32
    %dma_start3A_38 = arith.constant 0 : i32
    %dma_start3A_39 = tpu.memref_slice %arg3[%dma_start3A_37, %dma_start3A_38] : memref<8192x64xf32, #tpu.memory_space<hbm>> -> memref<8192x64xf32, #tpu.memory_space<hbm>>
    tpu.enqueue_indirect_dma source(%dma_start3A_39 : memref<8192x64xf32, #tpu.memory_space<hbm>>) target(%dma_start3A_33 : memref<128x64xf32, #tpu.memory_space<vmem>>) offsets(%dma_start3A_36 : memref<128xi32, #tpu.memory_space<vmem>>) semaphore(%arg8 : memref<!tpu.dma_semaphore, #tpu.memory_space<semaphore_mem>>)
    %dma_start3A_40 = arith.constant 3 : i32
    %dma_start3A_41 = arith.constant 384 : i32
    %dma_start3A_42 = arith.constant 0 : i32
    %dma_start3A_43 = tpu.memref_slice %arg7[%dma_start3A_41, %dma_start3A_42] : memref<1024x64xf32, #tpu.memory_space<vmem>> -> memref<128x64xf32, #tpu.memory_space<vmem>>
    %dma_start3A_44 = arith.constant 0 : i32
    %dma_start3A_45 = tpu.memref_slice %arg6[%dma_start3A_40, %dma_start3A_44] : memref<8x128xi32, #tpu.memory_space<vmem>> -> memref<1x128xi32, #tpu.memory_space<vmem>>
    %dma_start3A_46 = tpu.memref_squeeze %dma_start3A_45 : memref<1x128xi32, #tpu.memory_space<vmem>> -> memref<128xi32, #tpu.memory_space<vmem>>
    %dma_start3A_47 = arith.constant 0 : i32
    %dma_start3A_48 = arith.constant 0 : i32
    %dma_start3A_49 = tpu.memref_slice %arg3[%dma_start3A_47, %dma_start3A_48] : memref<8192x64xf32, #tpu.memory_space<hbm>> -> memref<8192x64xf32, #tpu.memory_space<hbm>>
    tpu.enqueue_indirect_dma source(%dma_start3A_49 : memref<8192x64xf32, #tpu.memory_space<hbm>>) target(%dma_start3A_43 : memref<128x64xf32, #tpu.memory_space<vmem>>) offsets(%dma_start3A_46 : memref<128xi32, #tpu.memory_space<vmem>>) semaphore(%arg8 : memref<!tpu.dma_semaphore, #tpu.memory_space<semaphore_mem>>)
    %dma_start3A_50 = arith.constant 4 : i32
    %dma_start3A_51 = arith.constant 512 : i32
    %dma_start3A_52 = arith.constant 0 : i32
    %dma_start3A_53 = tpu.memref_slice %arg7[%dma_start3A_51, %dma_start3A_52] : memref<1024x64xf32, #tpu.memory_space<vmem>> -> memref<128x64xf32, #tpu.memory_space<vmem>>
    %dma_start3A_54 = arith.constant 0 : i32
    %dma_start3A_55 = tpu.memref_slice %arg6[%dma_start3A_50, %dma_start3A_54] : memref<8x128xi32, #tpu.memory_space<vmem>> -> memref<1x128xi32, #tpu.memory_space<vmem>>
    %dma_start3A_56 = tpu.memref_squeeze %dma_start3A_55 : memref<1x128xi32, #tpu.memory_space<vmem>> -> memref<128xi32, #tpu.memory_space<vmem>>
    %dma_start3A_57 = arith.constant 0 : i32
    %dma_start3A_58 = arith.constant 0 : i32
    %dma_start3A_59 = tpu.memref_slice %arg3[%dma_start3A_57, %dma_start3A_58] : memref<8192x64xf32, #tpu.memory_space<hbm>> -> memref<8192x64xf32, #tpu.memory_space<hbm>>
    tpu.enqueue_indirect_dma source(%dma_start3A_59 : memref<8192x64xf32, #tpu.memory_space<hbm>>) target(%dma_start3A_53 : memref<128x64xf32, #tpu.memory_space<vmem>>) offsets(%dma_start3A_56 : memref<128xi32, #tpu.memory_space<vmem>>) semaphore(%arg8 : memref<!tpu.dma_semaphore, #tpu.memory_space<semaphore_mem>>)
    %dma_start3A_60 = arith.constant 5 : i32
    %dma_start3A_61 = arith.constant 640 : i32
    %dma_start3A_62 = arith.constant 0 : i32
    %dma_start3A_63 = tpu.memref_slice %arg7[%dma_start3A_61, %dma_start3A_62] : memref<1024x64xf32, #tpu.memory_space<vmem>> -> memref<128x64xf32, #tpu.memory_space<vmem>>
    %dma_start3A_64 = arith.constant 0 : i32
    %dma_start3A_65 = tpu.memref_slice %arg6[%dma_start3A_60, %dma_start3A_64] : memref<8x128xi32, #tpu.memory_space<vmem>> -> memref<1x128xi32, #tpu.memory_space<vmem>>
    %dma_start3A_66 = tpu.memref_squeeze %dma_start3A_65 : memref<1x128xi32, #tpu.memory_space<vmem>> -> memref<128xi32, #tpu.memory_space<vmem>>
    %dma_start3A_67 = arith.constant 0 : i32
    %dma_start3A_68 = arith.constant 0 : i32
    %dma_start3A_69 = tpu.memref_slice %arg3[%dma_start3A_67, %dma_start3A_68] : memref<8192x64xf32, #tpu.memory_space<hbm>> -> memref<8192x64xf32, #tpu.memory_space<hbm>>
    tpu.enqueue_indirect_dma source(%dma_start3A_69 : memref<8192x64xf32, #tpu.memory_space<hbm>>) target(%dma_start3A_63 : memref<128x64xf32, #tpu.memory_space<vmem>>) offsets(%dma_start3A_66 : memref<128xi32, #tpu.memory_space<vmem>>) semaphore(%arg8 : memref<!tpu.dma_semaphore, #tpu.memory_space<semaphore_mem>>)
    %dma_start3A_70 = arith.constant 6 : i32
    %dma_start3A_71 = arith.constant 768 : i32
    %dma_start3A_72 = arith.constant 0 : i32
    %dma_start3A_73 = tpu.memref_slice %arg7[%dma_start3A_71, %dma_start3A_72] : memref<1024x64xf32, #tpu.memory_space<vmem>> -> memref<128x64xf32, #tpu.memory_space<vmem>>
    %dma_start3A_74 = arith.constant 0 : i32
    %dma_start3A_75 = tpu.memref_slice %arg6[%dma_start3A_70, %dma_start3A_74] : memref<8x128xi32, #tpu.memory_space<vmem>> -> memref<1x128xi32, #tpu.memory_space<vmem>>
    %dma_start3A_76 = tpu.memref_squeeze %dma_start3A_75 : memref<1x128xi32, #tpu.memory_space<vmem>> -> memref<128xi32, #tpu.memory_space<vmem>>
    %dma_start3A_77 = arith.constant 0 : i32
    %dma_start3A_78 = arith.constant 0 : i32
    %dma_start3A_79 = tpu.memref_slice %arg3[%dma_start3A_77, %dma_start3A_78] : memref<8192x64xf32, #tpu.memory_space<hbm>> -> memref<8192x64xf32, #tpu.memory_space<hbm>>
    tpu.enqueue_indirect_dma source(%dma_start3A_79 : memref<8192x64xf32, #tpu.memory_space<hbm>>) target(%dma_start3A_73 : memref<128x64xf32, #tpu.memory_space<vmem>>) offsets(%dma_start3A_76 : memref<128xi32, #tpu.memory_space<vmem>>) semaphore(%arg8 : memref<!tpu.dma_semaphore, #tpu.memory_space<semaphore_mem>>)
    %dma_start3A_80 = arith.constant 7 : i32
    %dma_start3A_81 = arith.constant 896 : i32
    %dma_start3A_82 = arith.constant 0 : i32
    %dma_start3A_83 = tpu.memref_slice %arg7[%dma_start3A_81, %dma_start3A_82] : memref<1024x64xf32, #tpu.memory_space<vmem>> -> memref<128x64xf32, #tpu.memory_space<vmem>>
    %dma_start3A_84 = arith.constant 0 : i32
    %dma_start3A_85 = tpu.memref_slice %arg6[%dma_start3A_80, %dma_start3A_84] : memref<8x128xi32, #tpu.memory_space<vmem>> -> memref<1x128xi32, #tpu.memory_space<vmem>>
    %dma_start3A_86 = tpu.memref_squeeze %dma_start3A_85 : memref<1x128xi32, #tpu.memory_space<vmem>> -> memref<128xi32, #tpu.memory_space<vmem>>
    %dma_start3A_87 = arith.constant 0 : i32
    %dma_start3A_88 = arith.constant 0 : i32
    %dma_start3A_89 = tpu.memref_slice %arg3[%dma_start3A_87, %dma_start3A_88] : memref<8192x64xf32, #tpu.memory_space<hbm>> -> memref<8192x64xf32, #tpu.memory_space<hbm>>
    tpu.enqueue_indirect_dma source(%dma_start3A_89 : memref<8192x64xf32, #tpu.memory_space<hbm>>) target(%dma_start3A_83 : memref<128x64xf32, #tpu.memory_space<vmem>>) offsets(%dma_start3A_86 : memref<128xi32, #tpu.memory_space<vmem>>) semaphore(%arg8 : memref<!tpu.dma_semaphore, #tpu.memory_space<semaphore_mem>>)
    %dma_wait3A = arith.constant 0 : i32
    %dma_wait3A_90 = arith.constant 0 : i32
    %dma_wait3A_91 = arith.constant 0 : i32
    %dma_wait3A_92 = tpu.memref_slice %arg7[%dma_wait3A_90, %dma_wait3A_91] : memref<1024x64xf32, #tpu.memory_space<vmem>> -> memref<128x64xf32, #tpu.memory_space<vmem>>
    %dma_wait3A_93 = arith.constant 0 : i32
    %dma_wait3A_94 = tpu.memref_slice %arg6[%dma_wait3A, %dma_wait3A_93] : memref<8x128xi32, #tpu.memory_space<vmem>> -> memref<1x128xi32, #tpu.memory_space<vmem>>
    %dma_wait3A_95 = tpu.memref_squeeze %dma_wait3A_94 : memref<1x128xi32, #tpu.memory_space<vmem>> -> memref<128xi32, #tpu.memory_space<vmem>>
    %dma_wait3A_96 = arith.constant 0 : i32
    %dma_wait3A_97 = arith.constant 0 : i32
    %dma_wait3A_98 = tpu.memref_slice %arg3[%dma_wait3A_96, %dma_wait3A_97] : memref<8192x64xf32, #tpu.memory_space<hbm>> -> memref<8192x64xf32, #tpu.memory_space<hbm>>
    tpu.wait_indirect_dma semaphore(%arg8 : memref<!tpu.dma_semaphore, #tpu.memory_space<semaphore_mem>>) src(%dma_wait3A_98 : memref<8192x64xf32, #tpu.memory_space<hbm>>) dst(%dma_wait3A_92 : memref<128x64xf32, #tpu.memory_space<vmem>>)
    %dma_wait3A_99 = arith.constant 1 : i32
    %dma_wait3A_100 = arith.constant 128 : i32
    %dma_wait3A_101 = arith.constant 0 : i32
    %dma_wait3A_102 = tpu.memref_slice %arg7[%dma_wait3A_100, %dma_wait3A_101] : memref<1024x64xf32, #tpu.memory_space<vmem>> -> memref<128x64xf32, #tpu.memory_space<vmem>>
    %dma_wait3A_103 = arith.constant 0 : i32
    %dma_wait3A_104 = tpu.memref_slice %arg6[%dma_wait3A_99, %dma_wait3A_103] : memref<8x128xi32, #tpu.memory_space<vmem>> -> memref<1x128xi32, #tpu.memory_space<vmem>>
    %dma_wait3A_105 = tpu.memref_squeeze %dma_wait3A_104 : memref<1x128xi32, #tpu.memory_space<vmem>> -> memref<128xi32, #tpu.memory_space<vmem>>
    %dma_wait3A_106 = arith.constant 0 : i32
    %dma_wait3A_107 = arith.constant 0 : i32
    %dma_wait3A_108 = tpu.memref_slice %arg3[%dma_wait3A_106, %dma_wait3A_107] : memref<8192x64xf32, #tpu.memory_space<hbm>> -> memref<8192x64xf32, #tpu.memory_space<hbm>>
    tpu.wait_indirect_dma semaphore(%arg8 : memref<!tpu.dma_semaphore, #tpu.memory_space<semaphore_mem>>) src(%dma_wait3A_108 : memref<8192x64xf32, #tpu.memory_space<hbm>>) dst(%dma_wait3A_102 : memref<128x64xf32, #tpu.memory_space<vmem>>)
    %dma_wait3A_109 = arith.constant 2 : i32
    %dma_wait3A_110 = arith.constant 256 : i32
    %dma_wait3A_111 = arith.constant 0 : i32
    %dma_wait3A_112 = tpu.memref_slice %arg7[%dma_wait3A_110, %dma_wait3A_111] : memref<1024x64xf32, #tpu.memory_space<vmem>> -> memref<128x64xf32, #tpu.memory_space<vmem>>
    %dma_wait3A_113 = arith.constant 0 : i32
    %dma_wait3A_114 = tpu.memref_slice %arg6[%dma_wait3A_109, %dma_wait3A_113] : memref<8x128xi32, #tpu.memory_space<vmem>> -> memref<1x128xi32, #tpu.memory_space<vmem>>
    %dma_wait3A_115 = tpu.memref_squeeze %dma_wait3A_114 : memref<1x128xi32, #tpu.memory_space<vmem>> -> memref<128xi32, #tpu.memory_space<vmem>>
    %dma_wait3A_116 = arith.constant 0 : i32
    %dma_wait3A_117 = arith.constant 0 : i32
    %dma_wait3A_118 = tpu.memref_slice %arg3[%dma_wait3A_116, %dma_wait3A_117] : memref<8192x64xf32, #tpu.memory_space<hbm>> -> memref<8192x64xf32, #tpu.memory_space<hbm>>
    tpu.wait_indirect_dma semaphore(%arg8 : memref<!tpu.dma_semaphore, #tpu.memory_space<semaphore_mem>>) src(%dma_wait3A_118 : memref<8192x64xf32, #tpu.memory_space<hbm>>) dst(%dma_wait3A_112 : memref<128x64xf32, #tpu.memory_space<vmem>>)
    %dma_wait3A_119 = arith.constant 3 : i32
    %dma_wait3A_120 = arith.constant 384 : i32
    %dma_wait3A_121 = arith.constant 0 : i32
    %dma_wait3A_122 = tpu.memref_slice %arg7[%dma_wait3A_120, %dma_wait3A_121] : memref<1024x64xf32, #tpu.memory_space<vmem>> -> memref<128x64xf32, #tpu.memory_space<vmem>>
    %dma_wait3A_123 = arith.constant 0 : i32
    %dma_wait3A_124 = tpu.memref_slice %arg6[%dma_wait3A_119, %dma_wait3A_123] : memref<8x128xi32, #tpu.memory_space<vmem>> -> memref<1x128xi32, #tpu.memory_space<vmem>>
    %dma_wait3A_125 = tpu.memref_squeeze %dma_wait3A_124 : memref<1x128xi32, #tpu.memory_space<vmem>> -> memref<128xi32, #tpu.memory_space<vmem>>
    %dma_wait3A_126 = arith.constant 0 : i32
    %dma_wait3A_127 = arith.constant 0 : i32
    %dma_wait3A_128 = tpu.memref_slice %arg3[%dma_wait3A_126, %dma_wait3A_127] : memref<8192x64xf32, #tpu.memory_space<hbm>> -> memref<8192x64xf32, #tpu.memory_space<hbm>>
    tpu.wait_indirect_dma semaphore(%arg8 : memref<!tpu.dma_semaphore, #tpu.memory_space<semaphore_mem>>) src(%dma_wait3A_128 : memref<8192x64xf32, #tpu.memory_space<hbm>>) dst(%dma_wait3A_122 : memref<128x64xf32, #tpu.memory_space<vmem>>)
    %dma_wait3A_129 = arith.constant 4 : i32
    %dma_wait3A_130 = arith.constant 512 : i32
    %dma_wait3A_131 = arith.constant 0 : i32
    %dma_wait3A_132 = tpu.memref_slice %arg7[%dma_wait3A_130, %dma_wait3A_131] : memref<1024x64xf32, #tpu.memory_space<vmem>> -> memref<128x64xf32, #tpu.memory_space<vmem>>
    %dma_wait3A_133 = arith.constant 0 : i32
    %dma_wait3A_134 = tpu.memref_slice %arg6[%dma_wait3A_129, %dma_wait3A_133] : memref<8x128xi32, #tpu.memory_space<vmem>> -> memref<1x128xi32, #tpu.memory_space<vmem>>
    %dma_wait3A_135 = tpu.memref_squeeze %dma_wait3A_134 : memref<1x128xi32, #tpu.memory_space<vmem>> -> memref<128xi32, #tpu.memory_space<vmem>>
    %dma_wait3A_136 = arith.constant 0 : i32
    %dma_wait3A_137 = arith.constant 0 : i32
    %dma_wait3A_138 = tpu.memref_slice %arg3[%dma_wait3A_136, %dma_wait3A_137] : memref<8192x64xf32, #tpu.memory_space<hbm>> -> memref<8192x64xf32, #tpu.memory_space<hbm>>
    tpu.wait_indirect_dma semaphore(%arg8 : memref<!tpu.dma_semaphore, #tpu.memory_space<semaphore_mem>>) src(%dma_wait3A_138 : memref<8192x64xf32, #tpu.memory_space<hbm>>) dst(%dma_wait3A_132 : memref<128x64xf32, #tpu.memory_space<vmem>>)
    %dma_wait3A_139 = arith.constant 5 : i32
    %dma_wait3A_140 = arith.constant 640 : i32
    %dma_wait3A_141 = arith.constant 0 : i32
    %dma_wait3A_142 = tpu.memref_slice %arg7[%dma_wait3A_140, %dma_wait3A_141] : memref<1024x64xf32, #tpu.memory_space<vmem>> -> memref<128x64xf32, #tpu.memory_space<vmem>>
    %dma_wait3A_143 = arith.constant 0 : i32
    %dma_wait3A_144 = tpu.memref_slice %arg6[%dma_wait3A_139, %dma_wait3A_143] : memref<8x128xi32, #tpu.memory_space<vmem>> -> memref<1x128xi32, #tpu.memory_space<vmem>>
    %dma_wait3A_145 = tpu.memref_squeeze %dma_wait3A_144 : memref<1x128xi32, #tpu.memory_space<vmem>> -> memref<128xi32, #tpu.memory_space<vmem>>
    %dma_wait3A_146 = arith.constant 0 : i32
    %dma_wait3A_147 = arith.constant 0 : i32
    %dma_wait3A_148 = tpu.memref_slice %arg3[%dma_wait3A_146, %dma_wait3A_147] : memref<8192x64xf32, #tpu.memory_space<hbm>> -> memref<8192x64xf32, #tpu.memory_space<hbm>>
    tpu.wait_indirect_dma semaphore(%arg8 : memref<!tpu.dma_semaphore, #tpu.memory_space<semaphore_mem>>) src(%dma_wait3A_148 : memref<8192x64xf32, #tpu.memory_space<hbm>>) dst(%dma_wait3A_142 : memref<128x64xf32, #tpu.memory_space<vmem>>)
    %dma_wait3A_149 = arith.constant 6 : i32
    %dma_wait3A_150 = arith.constant 768 : i32
    %dma_wait3A_151 = arith.constant 0 : i32
    %dma_wait3A_152 = tpu.memref_slice %arg7[%dma_wait3A_150, %dma_wait3A_151] : memref<1024x64xf32, #tpu.memory_space<vmem>> -> memref<128x64xf32, #tpu.memory_space<vmem>>
    %dma_wait3A_153 = arith.constant 0 : i32
    %dma_wait3A_154 = tpu.memref_slice %arg6[%dma_wait3A_149, %dma_wait3A_153] : memref<8x128xi32, #tpu.memory_space<vmem>> -> memref<1x128xi32, #tpu.memory_space<vmem>>
    %dma_wait3A_155 = tpu.memref_squeeze %dma_wait3A_154 : memref<1x128xi32, #tpu.memory_space<vmem>> -> memref<128xi32, #tpu.memory_space<vmem>>
    %dma_wait3A_156 = arith.constant 0 : i32
    %dma_wait3A_157 = arith.constant 0 : i32
    %dma_wait3A_158 = tpu.memref_slice %arg3[%dma_wait3A_156, %dma_wait3A_157] : memref<8192x64xf32, #tpu.memory_space<hbm>> -> memref<8192x64xf32, #tpu.memory_space<hbm>>
    tpu.wait_indirect_dma semaphore(%arg8 : memref<!tpu.dma_semaphore, #tpu.memory_space<semaphore_mem>>) src(%dma_wait3A_158 : memref<8192x64xf32, #tpu.memory_space<hbm>>) dst(%dma_wait3A_152 : memref<128x64xf32, #tpu.memory_space<vmem>>)
    %dma_wait3A_159 = arith.constant 7 : i32
    %dma_wait3A_160 = arith.constant 896 : i32
    %dma_wait3A_161 = arith.constant 0 : i32
    %dma_wait3A_162 = tpu.memref_slice %arg7[%dma_wait3A_160, %dma_wait3A_161] : memref<1024x64xf32, #tpu.memory_space<vmem>> -> memref<128x64xf32, #tpu.memory_space<vmem>>
    %dma_wait3A_163 = arith.constant 0 : i32
    %dma_wait3A_164 = tpu.memref_slice %arg6[%dma_wait3A_159, %dma_wait3A_163] : memref<8x128xi32, #tpu.memory_space<vmem>> -> memref<1x128xi32, #tpu.memory_space<vmem>>
    %dma_wait3A_165 = tpu.memref_squeeze %dma_wait3A_164 : memref<1x128xi32, #tpu.memory_space<vmem>> -> memref<128xi32, #tpu.memory_space<vmem>>
    %dma_wait3A_166 = arith.constant 0 : i32
    %dma_wait3A_167 = arith.constant 0 : i32
    %dma_wait3A_168 = tpu.memref_slice %arg3[%dma_wait3A_166, %dma_wait3A_167] : memref<8192x64xf32, #tpu.memory_space<hbm>> -> memref<8192x64xf32, #tpu.memory_space<hbm>>
    tpu.wait_indirect_dma semaphore(%arg8 : memref<!tpu.dma_semaphore, #tpu.memory_space<semaphore_mem>>) src(%dma_wait3A_168 : memref<8192x64xf32, #tpu.memory_space<hbm>>) dst(%dma_wait3A_162 : memref<128x64xf32, #tpu.memory_space<vmem>>)
    %run_scoped3A = arith.constant 0 : i32
    "tpu.region"() ({
      %run_scoped3A_1350 = tpu.sem_alloc : memref<!tpu.dma_semaphore, #tpu.memory_space<semaphore_mem>>
      %dma_start3A_1351 = arith.constant 0 : i32
      %dma_start3A_1352 = arith.constant 0 : i32
      %dma_start3A_1353 = tpu.memref_slice %arg5[%add3A_4, %dma_start3A_1351, %run_scoped3A, %dma_start3A_1352] : memref<128x1024x2x64xf32, #tpu.memory_space<hbm>> -> memref<1x1024x1x64xf32, #tpu.memory_space<hbm>>
      %dma_start3A_1354 = tpu.memref_squeeze %dma_start3A_1353 : memref<1x1024x1x64xf32, #tpu.memory_space<hbm>> -> memref<1024x64xf32, #tpu.memory_space<hbm>>
      %dma_start3A_1355 = arith.constant 0 : i32
      %dma_start3A_1356 = arith.constant 0 : i32
      %dma_start3A_1357 = tpu.memref_slice %arg5[%add3A_4, %dma_start3A_1355, %run_scoped3A, %dma_start3A_1356] : memref<128x1024x2x64xf32, #tpu.memory_space<hbm>> -> memref<1x1024x1x64xf32, #tpu.memory_space<hbm>>
      %dma_start3A_1358 = tpu.memref_squeeze %dma_start3A_1357 : memref<1x1024x1x64xf32, #tpu.memory_space<hbm>> -> memref<1024x64xf32, #tpu.memory_space<hbm>>
      tpu.enqueue_dma source(%arg7 : memref<1024x64xf32, #tpu.memory_space<vmem>>) target(%dma_start3A_1358 : memref<1024x64xf32, #tpu.memory_space<hbm>>) target_semaphore(%run_scoped3A_1350 : memref<!tpu.dma_semaphore, #tpu.memory_space<semaphore_mem>>)
      %dma_wait3A_1359 = arith.constant 0 : i32
      %dma_wait3A_1360 = arith.constant 0 : i32
      %dma_wait3A_1361 = tpu.memref_slice %arg5[%add3A_4, %dma_wait3A_1359, %run_scoped3A, %dma_wait3A_1360] : memref<128x1024x2x64xf32, #tpu.memory_space<hbm>> -> memref<1x1024x1x64xf32, #tpu.memory_space<hbm>>
      %dma_wait3A_1362 = tpu.memref_squeeze %dma_wait3A_1361 : memref<1x1024x1x64xf32, #tpu.memory_space<hbm>> -> memref<1024x64xf32, #tpu.memory_space<hbm>>
      %dma_wait3A_1363 = arith.constant 0 : i32
      %dma_wait3A_1364 = arith.constant 0 : i32
      %dma_wait3A_1365 = tpu.memref_slice %arg5[%add3A_4, %dma_wait3A_1363, %run_scoped3A, %dma_wait3A_1364] : memref<128x1024x2x64xf32, #tpu.memory_space<hbm>> -> memref<1x1024x1x64xf32, #tpu.memory_space<hbm>>
      %dma_wait3A_1366 = tpu.memref_squeeze %dma_wait3A_1365 : memref<1x1024x1x64xf32, #tpu.memory_space<hbm>> -> memref<1024x64xf32, #tpu.memory_space<hbm>>
      tpu.wait_dma2 semaphore(%run_scoped3A_1350 : memref<!tpu.dma_semaphore, #tpu.memory_space<semaphore_mem>>) src(%arg7 : memref<1024x64xf32, #tpu.memory_space<vmem>>) dst(%dma_wait3A_1366 : memref<1024x64xf32, #tpu.memory_space<hbm>>)
      tpu.yield
    }) : () -> ()
    %mul3A_169 = arith.constant 2 : i32
    %mul3A_170 = arith.muli %add3A_4, %mul3A_169 : i32
    %add3A_171 = arith.constant 1 : i32
    %add3A_172 = arith.addi %mul3A_170, %add3A_171 : i32
    %mul3A_173 = arith.constant 8 : i32
    %mul3A_174 = arith.muli %add3A_172, %mul3A_173 : i32
    "tpu.region"() ({
      %run_scoped3A_1350 = tpu.sem_alloc : memref<!tpu.dma_semaphore, #tpu.memory_space<semaphore_mem>>
      %dma_start3A_1351 = arith.constant 0 : i32
      %dma_start3A_1352 = tpu.memref_slice %arg2[%mul3A_174, %dma_start3A_1351] : memref<2048x128xi32, #tpu.memory_space<hbm>> -> memref<8x128xi32, #tpu.memory_space<hbm>>
      %dma_start3A_1353 = arith.constant 0 : i32
      %dma_start3A_1354 = tpu.memref_slice %arg2[%mul3A_174, %dma_start3A_1353] : memref<2048x128xi32, #tpu.memory_space<hbm>> -> memref<8x128xi32, #tpu.memory_space<hbm>>
      tpu.enqueue_dma source(%dma_start3A_1354 : memref<8x128xi32, #tpu.memory_space<hbm>>) target(%arg6 : memref<8x128xi32, #tpu.memory_space<vmem>>) target_semaphore(%run_scoped3A_1350 : memref<!tpu.dma_semaphore, #tpu.memory_space<semaphore_mem>>)
      %dma_wait3A_1355 = arith.constant 0 : i32
      %dma_wait3A_1356 = tpu.memref_slice %arg2[%mul3A_174, %dma_wait3A_1355] : memref<2048x128xi32, #tpu.memory_space<hbm>> -> memref<8x128xi32, #tpu.memory_space<hbm>>
      %dma_wait3A_1357 = arith.constant 0 : i32
      %dma_wait3A_1358 = tpu.memref_slice %arg2[%mul3A_174, %dma_wait3A_1357] : memref<2048x128xi32, #tpu.memory_space<hbm>> -> memref<8x128xi32, #tpu.memory_space<hbm>>
      tpu.wait_dma2 semaphore(%run_scoped3A_1350 : memref<!tpu.dma_semaphore, #tpu.memory_space<semaphore_mem>>) src(%dma_wait3A_1358 : memref<8x128xi32, #tpu.memory_space<hbm>>) dst(%arg6 : memref<8x128xi32, #tpu.memory_space<vmem>>)
      tpu.yield
    }) : () -> ()
    %dma_start3A_175 = arith.constant 0 : i32
    %dma_start3A_176 = arith.constant 0 : i32
    %dma_start3A_177 = arith.constant 0 : i32
    %dma_start3A_178 = tpu.memref_slice %arg7[%dma_start3A_176, %dma_start3A_177] : memref<1024x64xf32, #tpu.memory_space<vmem>> -> memref<128x64xf32, #tpu.memory_space<vmem>>
    %dma_start3A_179 = arith.constant 0 : i32
    %dma_start3A_180 = tpu.memref_slice %arg6[%dma_start3A_175, %dma_start3A_179] : memref<8x128xi32, #tpu.memory_space<vmem>> -> memref<1x128xi32, #tpu.memory_space<vmem>>
    %dma_start3A_181 = tpu.memref_squeeze %dma_start3A_180 : memref<1x128xi32, #tpu.memory_space<vmem>> -> memref<128xi32, #tpu.memory_space<vmem>>
    %dma_start3A_182 = arith.constant 0 : i32
    %dma_start3A_183 = arith.constant 0 : i32
    %dma_start3A_184 = tpu.memref_slice %arg3[%dma_start3A_182, %dma_start3A_183] : memref<8192x64xf32, #tpu.memory_space<hbm>> -> memref<8192x64xf32, #tpu.memory_space<hbm>>
    tpu.enqueue_indirect_dma source(%dma_start3A_184 : memref<8192x64xf32, #tpu.memory_space<hbm>>) target(%dma_start3A_178 : memref<128x64xf32, #tpu.memory_space<vmem>>) offsets(%dma_start3A_181 : memref<128xi32, #tpu.memory_space<vmem>>) semaphore(%arg8 : memref<!tpu.dma_semaphore, #tpu.memory_space<semaphore_mem>>)
    %dma_start3A_185 = arith.constant 1 : i32
    %dma_start3A_186 = arith.constant 128 : i32
    %dma_start3A_187 = arith.constant 0 : i32
    %dma_start3A_188 = tpu.memref_slice %arg7[%dma_start3A_186, %dma_start3A_187] : memref<1024x64xf32, #tpu.memory_space<vmem>> -> memref<128x64xf32, #tpu.memory_space<vmem>>
    %dma_start3A_189 = arith.constant 0 : i32
    %dma_start3A_190 = tpu.memref_slice %arg6[%dma_start3A_185, %dma_start3A_189] : memref<8x128xi32, #tpu.memory_space<vmem>> -> memref<1x128xi32, #tpu.memory_space<vmem>>
    %dma_start3A_191 = tpu.memref_squeeze %dma_start3A_190 : memref<1x128xi32, #tpu.memory_space<vmem>> -> memref<128xi32, #tpu.memory_space<vmem>>
    %dma_start3A_192 = arith.constant 0 : i32
    %dma_start3A_193 = arith.constant 0 : i32
    %dma_start3A_194 = tpu.memref_slice %arg3[%dma_start3A_192, %dma_start3A_193] : memref<8192x64xf32, #tpu.memory_space<hbm>> -> memref<8192x64xf32, #tpu.memory_space<hbm>>
    tpu.enqueue_indirect_dma source(%dma_start3A_194 : memref<8192x64xf32, #tpu.memory_space<hbm>>) target(%dma_start3A_188 : memref<128x64xf32, #tpu.memory_space<vmem>>) offsets(%dma_start3A_191 : memref<128xi32, #tpu.memory_space<vmem>>) semaphore(%arg8 : memref<!tpu.dma_semaphore, #tpu.memory_space<semaphore_mem>>)
    %dma_start3A_195 = arith.constant 2 : i32
    %dma_start3A_196 = arith.constant 256 : i32
    %dma_start3A_197 = arith.constant 0 : i32
    %dma_start3A_198 = tpu.memref_slice %arg7[%dma_start3A_196, %dma_start3A_197] : memref<1024x64xf32, #tpu.memory_space<vmem>> -> memref<128x64xf32, #tpu.memory_space<vmem>>
    %dma_start3A_199 = arith.constant 0 : i32
    %dma_start3A_200 = tpu.memref_slice %arg6[%dma_start3A_195, %dma_start3A_199] : memref<8x128xi32, #tpu.memory_space<vmem>> -> memref<1x128xi32, #tpu.memory_space<vmem>>
    %dma_start3A_201 = tpu.memref_squeeze %dma_start3A_200 : memref<1x128xi32, #tpu.memory_space<vmem>> -> memref<128xi32, #tpu.memory_space<vmem>>
    %dma_start3A_202 = arith.constant 0 : i32
    %dma_start3A_203 = arith.constant 0 : i32
    %dma_start3A_204 = tpu.memref_slice %arg3[%dma_start3A_202, %dma_start3A_203] : memref<8192x64xf32, #tpu.memory_space<hbm>> -> memref<8192x64xf32, #tpu.memory_space<hbm>>
    tpu.enqueue_indirect_dma source(%dma_start3A_204 : memref<8192x64xf32, #tpu.memory_space<hbm>>) target(%dma_start3A_198 : memref<128x64xf32, #tpu.memory_space<vmem>>) offsets(%dma_start3A_201 : memref<128xi32, #tpu.memory_space<vmem>>) semaphore(%arg8 : memref<!tpu.dma_semaphore, #tpu.memory_space<semaphore_mem>>)
    %dma_start3A_205 = arith.constant 3 : i32
    %dma_start3A_206 = arith.constant 384 : i32
    %dma_start3A_207 = arith.constant 0 : i32
    %dma_start3A_208 = tpu.memref_slice %arg7[%dma_start3A_206, %dma_start3A_207] : memref<1024x64xf32, #tpu.memory_space<vmem>> -> memref<128x64xf32, #tpu.memory_space<vmem>>
    %dma_start3A_209 = arith.constant 0 : i32
    %dma_start3A_210 = tpu.memref_slice %arg6[%dma_start3A_205, %dma_start3A_209] : memref<8x128xi32, #tpu.memory_space<vmem>> -> memref<1x128xi32, #tpu.memory_space<vmem>>
    %dma_start3A_211 = tpu.memref_squeeze %dma_start3A_210 : memref<1x128xi32, #tpu.memory_space<vmem>> -> memref<128xi32, #tpu.memory_space<vmem>>
    %dma_start3A_212 = arith.constant 0 : i32
    %dma_start3A_213 = arith.constant 0 : i32
    %dma_start3A_214 = tpu.memref_slice %arg3[%dma_start3A_212, %dma_start3A_213] : memref<8192x64xf32, #tpu.memory_space<hbm>> -> memref<8192x64xf32, #tpu.memory_space<hbm>>
    tpu.enqueue_indirect_dma source(%dma_start3A_214 : memref<8192x64xf32, #tpu.memory_space<hbm>>) target(%dma_start3A_208 : memref<128x64xf32, #tpu.memory_space<vmem>>) offsets(%dma_start3A_211 : memref<128xi32, #tpu.memory_space<vmem>>) semaphore(%arg8 : memref<!tpu.dma_semaphore, #tpu.memory_space<semaphore_mem>>)
    %dma_start3A_215 = arith.constant 4 : i32
    %dma_start3A_216 = arith.constant 512 : i32
    %dma_start3A_217 = arith.constant 0 : i32
    %dma_start3A_218 = tpu.memref_slice %arg7[%dma_start3A_216, %dma_start3A_217] : memref<1024x64xf32, #tpu.memory_space<vmem>> -> memref<128x64xf32, #tpu.memory_space<vmem>>
    %dma_start3A_219 = arith.constant 0 : i32
    %dma_start3A_220 = tpu.memref_slice %arg6[%dma_start3A_215, %dma_start3A_219] : memref<8x128xi32, #tpu.memory_space<vmem>> -> memref<1x128xi32, #tpu.memory_space<vmem>>
    %dma_start3A_221 = tpu.memref_squeeze %dma_start3A_220 : memref<1x128xi32, #tpu.memory_space<vmem>> -> memref<128xi32, #tpu.memory_space<vmem>>
    %dma_start3A_222 = arith.constant 0 : i32
    %dma_start3A_223 = arith.constant 0 : i32
    %dma_start3A_224 = tpu.memref_slice %arg3[%dma_start3A_222, %dma_start3A_223] : memref<8192x64xf32, #tpu.memory_space<hbm>> -> memref<8192x64xf32, #tpu.memory_space<hbm>>
    tpu.enqueue_indirect_dma source(%dma_start3A_224 : memref<8192x64xf32, #tpu.memory_space<hbm>>) target(%dma_start3A_218 : memref<128x64xf32, #tpu.memory_space<vmem>>) offsets(%dma_start3A_221 : memref<128xi32, #tpu.memory_space<vmem>>) semaphore(%arg8 : memref<!tpu.dma_semaphore, #tpu.memory_space<semaphore_mem>>)
    %dma_start3A_225 = arith.constant 5 : i32
    %dma_start3A_226 = arith.constant 640 : i32
    %dma_start3A_227 = arith.constant 0 : i32
    %dma_start3A_228 = tpu.memref_slice %arg7[%dma_start3A_226, %dma_start3A_227] : memref<1024x64xf32, #tpu.memory_space<vmem>> -> memref<128x64xf32, #tpu.memory_space<vmem>>
    %dma_start3A_229 = arith.constant 0 : i32
    %dma_start3A_230 = tpu.memref_slice %arg6[%dma_start3A_225, %dma_start3A_229] : memref<8x128xi32, #tpu.memory_space<vmem>> -> memref<1x128xi32, #tpu.memory_space<vmem>>
    %dma_start3A_231 = tpu.memref_squeeze %dma_start3A_230 : memref<1x128xi32, #tpu.memory_space<vmem>> -> memref<128xi32, #tpu.memory_space<vmem>>
    %dma_start3A_232 = arith.constant 0 : i32
    %dma_start3A_233 = arith.constant 0 : i32
    %dma_start3A_234 = tpu.memref_slice %arg3[%dma_start3A_232, %dma_start3A_233] : memref<8192x64xf32, #tpu.memory_space<hbm>> -> memref<8192x64xf32, #tpu.memory_space<hbm>>
    tpu.enqueue_indirect_dma source(%dma_start3A_234 : memref<8192x64xf32, #tpu.memory_space<hbm>>) target(%dma_start3A_228 : memref<128x64xf32, #tpu.memory_space<vmem>>) offsets(%dma_start3A_231 : memref<128xi32, #tpu.memory_space<vmem>>) semaphore(%arg8 : memref<!tpu.dma_semaphore, #tpu.memory_space<semaphore_mem>>)
    %dma_start3A_235 = arith.constant 6 : i32
    %dma_start3A_236 = arith.constant 768 : i32
    %dma_start3A_237 = arith.constant 0 : i32
    %dma_start3A_238 = tpu.memref_slice %arg7[%dma_start3A_236, %dma_start3A_237] : memref<1024x64xf32, #tpu.memory_space<vmem>> -> memref<128x64xf32, #tpu.memory_space<vmem>>
    %dma_start3A_239 = arith.constant 0 : i32
    %dma_start3A_240 = tpu.memref_slice %arg6[%dma_start3A_235, %dma_start3A_239] : memref<8x128xi32, #tpu.memory_space<vmem>> -> memref<1x128xi32, #tpu.memory_space<vmem>>
    %dma_start3A_241 = tpu.memref_squeeze %dma_start3A_240 : memref<1x128xi32, #tpu.memory_space<vmem>> -> memref<128xi32, #tpu.memory_space<vmem>>
    %dma_start3A_242 = arith.constant 0 : i32
    %dma_start3A_243 = arith.constant 0 : i32
    %dma_start3A_244 = tpu.memref_slice %arg3[%dma_start3A_242, %dma_start3A_243] : memref<8192x64xf32, #tpu.memory_space<hbm>> -> memref<8192x64xf32, #tpu.memory_space<hbm>>
    tpu.enqueue_indirect_dma source(%dma_start3A_244 : memref<8192x64xf32, #tpu.memory_space<hbm>>) target(%dma_start3A_238 : memref<128x64xf32, #tpu.memory_space<vmem>>) offsets(%dma_start3A_241 : memref<128xi32, #tpu.memory_space<vmem>>) semaphore(%arg8 : memref<!tpu.dma_semaphore, #tpu.memory_space<semaphore_mem>>)
    %dma_start3A_245 = arith.constant 7 : i32
    %dma_start3A_246 = arith.constant 896 : i32
    %dma_start3A_247 = arith.constant 0 : i32
    %dma_start3A_248 = tpu.memref_slice %arg7[%dma_start3A_246, %dma_start3A_247] : memref<1024x64xf32, #tpu.memory_space<vmem>> -> memref<128x64xf32, #tpu.memory_space<vmem>>
    %dma_start3A_249 = arith.constant 0 : i32
    %dma_start3A_250 = tpu.memref_slice %arg6[%dma_start3A_245, %dma_start3A_249] : memref<8x128xi32, #tpu.memory_space<vmem>> -> memref<1x128xi32, #tpu.memory_space<vmem>>
    %dma_start3A_251 = tpu.memref_squeeze %dma_start3A_250 : memref<1x128xi32, #tpu.memory_space<vmem>> -> memref<128xi32, #tpu.memory_space<vmem>>
    %dma_start3A_252 = arith.constant 0 : i32
    %dma_start3A_253 = arith.constant 0 : i32
    %dma_start3A_254 = tpu.memref_slice %arg3[%dma_start3A_252, %dma_start3A_253] : memref<8192x64xf32, #tpu.memory_space<hbm>> -> memref<8192x64xf32, #tpu.memory_space<hbm>>
    tpu.enqueue_indirect_dma source(%dma_start3A_254 : memref<8192x64xf32, #tpu.memory_space<hbm>>) target(%dma_start3A_248 : memref<128x64xf32, #tpu.memory_space<vmem>>) offsets(%dma_start3A_251 : memref<128xi32, #tpu.memory_space<vmem>>) semaphore(%arg8 : memref<!tpu.dma_semaphore, #tpu.memory_space<semaphore_mem>>)
    %dma_wait3A_255 = arith.constant 0 : i32
    %dma_wait3A_256 = arith.constant 0 : i32
    %dma_wait3A_257 = arith.constant 0 : i32
    %dma_wait3A_258 = tpu.memref_slice %arg7[%dma_wait3A_256, %dma_wait3A_257] : memref<1024x64xf32, #tpu.memory_space<vmem>> -> memref<128x64xf32, #tpu.memory_space<vmem>>
    %dma_wait3A_259 = arith.constant 0 : i32
    %dma_wait3A_260 = tpu.memref_slice %arg6[%dma_wait3A_255, %dma_wait3A_259] : memref<8x128xi32, #tpu.memory_space<vmem>> -> memref<1x128xi32, #tpu.memory_space<vmem>>
    %dma_wait3A_261 = tpu.memref_squeeze %dma_wait3A_260 : memref<1x128xi32, #tpu.memory_space<vmem>> -> memref<128xi32, #tpu.memory_space<vmem>>
    %dma_wait3A_262 = arith.constant 0 : i32
    %dma_wait3A_263 = arith.constant 0 : i32
    %dma_wait3A_264 = tpu.memref_slice %arg3[%dma_wait3A_262, %dma_wait3A_263] : memref<8192x64xf32, #tpu.memory_space<hbm>> -> memref<8192x64xf32, #tpu.memory_space<hbm>>
    tpu.wait_indirect_dma semaphore(%arg8 : memref<!tpu.dma_semaphore, #tpu.memory_space<semaphore_mem>>) src(%dma_wait3A_264 : memref<8192x64xf32, #tpu.memory_space<hbm>>) dst(%dma_wait3A_258 : memref<128x64xf32, #tpu.memory_space<vmem>>)
    %dma_wait3A_265 = arith.constant 1 : i32
    %dma_wait3A_266 = arith.constant 128 : i32
    %dma_wait3A_267 = arith.constant 0 : i32
    %dma_wait3A_268 = tpu.memref_slice %arg7[%dma_wait3A_266, %dma_wait3A_267] : memref<1024x64xf32, #tpu.memory_space<vmem>> -> memref<128x64xf32, #tpu.memory_space<vmem>>
    %dma_wait3A_269 = arith.constant 0 : i32
    %dma_wait3A_270 = tpu.memref_slice %arg6[%dma_wait3A_265, %dma_wait3A_269] : memref<8x128xi32, #tpu.memory_space<vmem>> -> memref<1x128xi32, #tpu.memory_space<vmem>>
    %dma_wait3A_271 = tpu.memref_squeeze %dma_wait3A_270 : memref<1x128xi32, #tpu.memory_space<vmem>> -> memref<128xi32, #tpu.memory_space<vmem>>
    %dma_wait3A_272 = arith.constant 0 : i32
    %dma_wait3A_273 = arith.constant 0 : i32
    %dma_wait3A_274 = tpu.memref_slice %arg3[%dma_wait3A_272, %dma_wait3A_273] : memref<8192x64xf32, #tpu.memory_space<hbm>> -> memref<8192x64xf32, #tpu.memory_space<hbm>>
    tpu.wait_indirect_dma semaphore(%arg8 : memref<!tpu.dma_semaphore, #tpu.memory_space<semaphore_mem>>) src(%dma_wait3A_274 : memref<8192x64xf32, #tpu.memory_space<hbm>>) dst(%dma_wait3A_268 : memref<128x64xf32, #tpu.memory_space<vmem>>)
    %dma_wait3A_275 = arith.constant 2 : i32
    %dma_wait3A_276 = arith.constant 256 : i32
    %dma_wait3A_277 = arith.constant 0 : i32
    %dma_wait3A_278 = tpu.memref_slice %arg7[%dma_wait3A_276, %dma_wait3A_277] : memref<1024x64xf32, #tpu.memory_space<vmem>> -> memref<128x64xf32, #tpu.memory_space<vmem>>
    %dma_wait3A_279 = arith.constant 0 : i32
    %dma_wait3A_280 = tpu.memref_slice %arg6[%dma_wait3A_275, %dma_wait3A_279] : memref<8x128xi32, #tpu.memory_space<vmem>> -> memref<1x128xi32, #tpu.memory_space<vmem>>
    %dma_wait3A_281 = tpu.memref_squeeze %dma_wait3A_280 : memref<1x128xi32, #tpu.memory_space<vmem>> -> memref<128xi32, #tpu.memory_space<vmem>>
    %dma_wait3A_282 = arith.constant 0 : i32
    %dma_wait3A_283 = arith.constant 0 : i32
    %dma_wait3A_284 = tpu.memref_slice %arg3[%dma_wait3A_282, %dma_wait3A_283] : memref<8192x64xf32, #tpu.memory_space<hbm>> -> memref<8192x64xf32, #tpu.memory_space<hbm>>
    tpu.wait_indirect_dma semaphore(%arg8 : memref<!tpu.dma_semaphore, #tpu.memory_space<semaphore_mem>>) src(%dma_wait3A_284 : memref<8192x64xf32, #tpu.memory_space<hbm>>) dst(%dma_wait3A_278 : memref<128x64xf32, #tpu.memory_space<vmem>>)
    %dma_wait3A_285 = arith.constant 3 : i32
    %dma_wait3A_286 = arith.constant 384 : i32
    %dma_wait3A_287 = arith.constant 0 : i32
    %dma_wait3A_288 = tpu.memref_slice %arg7[%dma_wait3A_286, %dma_wait3A_287] : memref<1024x64xf32, #tpu.memory_space<vmem>> -> memref<128x64xf32, #tpu.memory_space<vmem>>
    %dma_wait3A_289 = arith.constant 0 : i32
    %dma_wait3A_290 = tpu.memref_slice %arg6[%dma_wait3A_285, %dma_wait3A_289] : memref<8x128xi32, #tpu.memory_space<vmem>> -> memref<1x128xi32, #tpu.memory_space<vmem>>
    %dma_wait3A_291 = tpu.memref_squeeze %dma_wait3A_290 : memref<1x128xi32, #tpu.memory_space<vmem>> -> memref<128xi32, #tpu.memory_space<vmem>>
    %dma_wait3A_292 = arith.constant 0 : i32
    %dma_wait3A_293 = arith.constant 0 : i32
    %dma_wait3A_294 = tpu.memref_slice %arg3[%dma_wait3A_292, %dma_wait3A_293] : memref<8192x64xf32, #tpu.memory_space<hbm>> -> memref<8192x64xf32, #tpu.memory_space<hbm>>
    tpu.wait_indirect_dma semaphore(%arg8 : memref<!tpu.dma_semaphore, #tpu.memory_space<semaphore_mem>>) src(%dma_wait3A_294 : memref<8192x64xf32, #tpu.memory_space<hbm>>) dst(%dma_wait3A_288 : memref<128x64xf32, #tpu.memory_space<vmem>>)
    %dma_wait3A_295 = arith.constant 4 : i32
    %dma_wait3A_296 = arith.constant 512 : i32
    %dma_wait3A_297 = arith.constant 0 : i32
    %dma_wait3A_298 = tpu.memref_slice %arg7[%dma_wait3A_296, %dma_wait3A_297] : memref<1024x64xf32, #tpu.memory_space<vmem>> -> memref<128x64xf32, #tpu.memory_space<vmem>>
    %dma_wait3A_299 = arith.constant 0 : i32
    %dma_wait3A_300 = tpu.memref_slice %arg6[%dma_wait3A_295, %dma_wait3A_299] : memref<8x128xi32, #tpu.memory_space<vmem>> -> memref<1x128xi32, #tpu.memory_space<vmem>>
    %dma_wait3A_301 = tpu.memref_squeeze %dma_wait3A_300 : memref<1x128xi32, #tpu.memory_space<vmem>> -> memref<128xi32, #tpu.memory_space<vmem>>
    %dma_wait3A_302 = arith.constant 0 : i32
    %dma_wait3A_303 = arith.constant 0 : i32
    %dma_wait3A_304 = tpu.memref_slice %arg3[%dma_wait3A_302, %dma_wait3A_303] : memref<8192x64xf32, #tpu.memory_space<hbm>> -> memref<8192x64xf32, #tpu.memory_space<hbm>>
    tpu.wait_indirect_dma semaphore(%arg8 : memref<!tpu.dma_semaphore, #tpu.memory_space<semaphore_mem>>) src(%dma_wait3A_304 : memref<8192x64xf32, #tpu.memory_space<hbm>>) dst(%dma_wait3A_298 : memref<128x64xf32, #tpu.memory_space<vmem>>)
    %dma_wait3A_305 = arith.constant 5 : i32
    %dma_wait3A_306 = arith.constant 640 : i32
    %dma_wait3A_307 = arith.constant 0 : i32
    %dma_wait3A_308 = tpu.memref_slice %arg7[%dma_wait3A_306, %dma_wait3A_307] : memref<1024x64xf32, #tpu.memory_space<vmem>> -> memref<128x64xf32, #tpu.memory_space<vmem>>
    %dma_wait3A_309 = arith.constant 0 : i32
    %dma_wait3A_310 = tpu.memref_slice %arg6[%dma_wait3A_305, %dma_wait3A_309] : memref<8x128xi32, #tpu.memory_space<vmem>> -> memref<1x128xi32, #tpu.memory_space<vmem>>
    %dma_wait3A_311 = tpu.memref_squeeze %dma_wait3A_310 : memref<1x128xi32, #tpu.memory_space<vmem>> -> memref<128xi32, #tpu.memory_space<vmem>>
    %dma_wait3A_312 = arith.constant 0 : i32
    %dma_wait3A_313 = arith.constant 0 : i32
    %dma_wait3A_314 = tpu.memref_slice %arg3[%dma_wait3A_312, %dma_wait3A_313] : memref<8192x64xf32, #tpu.memory_space<hbm>> -> memref<8192x64xf32, #tpu.memory_space<hbm>>
    tpu.wait_indirect_dma semaphore(%arg8 : memref<!tpu.dma_semaphore, #tpu.memory_space<semaphore_mem>>) src(%dma_wait3A_314 : memref<8192x64xf32, #tpu.memory_space<hbm>>) dst(%dma_wait3A_308 : memref<128x64xf32, #tpu.memory_space<vmem>>)
    %dma_wait3A_315 = arith.constant 6 : i32
    %dma_wait3A_316 = arith.constant 768 : i32
    %dma_wait3A_317 = arith.constant 0 : i32
    %dma_wait3A_318 = tpu.memref_slice %arg7[%dma_wait3A_316, %dma_wait3A_317] : memref<1024x64xf32, #tpu.memory_space<vmem>> -> memref<128x64xf32, #tpu.memory_space<vmem>>
    %dma_wait3A_319 = arith.constant 0 : i32
    %dma_wait3A_320 = tpu.memref_slice %arg6[%dma_wait3A_315, %dma_wait3A_319] : memref<8x128xi32, #tpu.memory_space<vmem>> -> memref<1x128xi32, #tpu.memory_space<vmem>>
    %dma_wait3A_321 = tpu.memref_squeeze %dma_wait3A_320 : memref<1x128xi32, #tpu.memory_space<vmem>> -> memref<128xi32, #tpu.memory_space<vmem>>
    %dma_wait3A_322 = arith.constant 0 : i32
    %dma_wait3A_323 = arith.constant 0 : i32
    %dma_wait3A_324 = tpu.memref_slice %arg3[%dma_wait3A_322, %dma_wait3A_323] : memref<8192x64xf32, #tpu.memory_space<hbm>> -> memref<8192x64xf32, #tpu.memory_space<hbm>>
    tpu.wait_indirect_dma semaphore(%arg8 : memref<!tpu.dma_semaphore, #tpu.memory_space<semaphore_mem>>) src(%dma_wait3A_324 : memref<8192x64xf32, #tpu.memory_space<hbm>>) dst(%dma_wait3A_318 : memref<128x64xf32, #tpu.memory_space<vmem>>)
    %dma_wait3A_325 = arith.constant 7 : i32
    %dma_wait3A_326 = arith.constant 896 : i32
    %dma_wait3A_327 = arith.constant 0 : i32
    %dma_wait3A_328 = tpu.memref_slice %arg7[%dma_wait3A_326, %dma_wait3A_327] : memref<1024x64xf32, #tpu.memory_space<vmem>> -> memref<128x64xf32, #tpu.memory_space<vmem>>
    %dma_wait3A_329 = arith.constant 0 : i32
    %dma_wait3A_330 = tpu.memref_slice %arg6[%dma_wait3A_325, %dma_wait3A_329] : memref<8x128xi32, #tpu.memory_space<vmem>> -> memref<1x128xi32, #tpu.memory_space<vmem>>
    %dma_wait3A_331 = tpu.memref_squeeze %dma_wait3A_330 : memref<1x128xi32, #tpu.memory_space<vmem>> -> memref<128xi32, #tpu.memory_space<vmem>>
    %dma_wait3A_332 = arith.constant 0 : i32
    %dma_wait3A_333 = arith.constant 0 : i32
    %dma_wait3A_334 = tpu.memref_slice %arg3[%dma_wait3A_332, %dma_wait3A_333] : memref<8192x64xf32, #tpu.memory_space<hbm>> -> memref<8192x64xf32, #tpu.memory_space<hbm>>
    tpu.wait_indirect_dma semaphore(%arg8 : memref<!tpu.dma_semaphore, #tpu.memory_space<semaphore_mem>>) src(%dma_wait3A_334 : memref<8192x64xf32, #tpu.memory_space<hbm>>) dst(%dma_wait3A_328 : memref<128x64xf32, #tpu.memory_space<vmem>>)
    %run_scoped3A_335 = arith.constant 1 : i32
    "tpu.region"() ({
      %run_scoped3A_1350 = tpu.sem_alloc : memref<!tpu.dma_semaphore, #tpu.memory_space<semaphore_mem>>
      %dma_start3A_1351 = arith.constant 0 : i32
      %dma_start3A_1352 = arith.constant 0 : i32
      %dma_start3A_1353 = tpu.memref_slice %arg5[%add3A_4, %dma_start3A_1351, %run_scoped3A_335, %dma_start3A_1352] : memref<128x1024x2x64xf32, #tpu.memory_space<hbm>> -> memref<1x1024x1x64xf32, #tpu.memory_space<hbm>>
      %dma_start3A_1354 = tpu.memref_squeeze %dma_start3A_1353 : memref<1x1024x1x64xf32, #tpu.memory_space<hbm>> -> memref<1024x64xf32, #tpu.memory_space<hbm>>
      %dma_start3A_1355 = arith.constant 0 : i32
      %dma_start3A_1356 = arith.constant 0 : i32
      %dma_start3A_1357 = tpu.memref_slice %arg5[%add3A_4, %dma_start3A_1355, %run_scoped3A_335, %dma_start3A_1356] : memref<128x1024x2x64xf32, #tpu.memory_space<hbm>> -> memref<1x1024x1x64xf32, #tpu.memory_space<hbm>>
      %dma_start3A_1358 = tpu.memref_squeeze %dma_start3A_1357 : memref<1x1024x1x64xf32, #tpu.memory_space<hbm>> -> memref<1024x64xf32, #tpu.memory_space<hbm>>
      tpu.enqueue_dma source(%arg7 : memref<1024x64xf32, #tpu.memory_space<vmem>>) target(%dma_start3A_1358 : memref<1024x64xf32, #tpu.memory_space<hbm>>) target_semaphore(%run_scoped3A_1350 : memref<!tpu.dma_semaphore, #tpu.memory_space<semaphore_mem>>)
      %dma_wait3A_1359 = arith.constant 0 : i32
      %dma_wait3A_1360 = arith.constant 0 : i32
      %dma_wait3A_1361 = tpu.memref_slice %arg5[%add3A_4, %dma_wait3A_1359, %run_scoped3A_335, %dma_wait3A_1360] : memref<128x1024x2x64xf32, #tpu.memory_space<hbm>> -> memref<1x1024x1x64xf32, #tpu.memory_space<hbm>>
      %dma_wait3A_1362 = tpu.memref_squeeze %dma_wait3A_1361 : memref<1x1024x1x64xf32, #tpu.memory_space<hbm>> -> memref<1024x64xf32, #tpu.memory_space<hbm>>
      %dma_wait3A_1363 = arith.constant 0 : i32
      %dma_wait3A_1364 = arith.constant 0 : i32
      %dma_wait3A_1365 = tpu.memref_slice %arg5[%add3A_4, %dma_wait3A_1363, %run_scoped3A_335, %dma_wait3A_1364] : memref<128x1024x2x64xf32, #tpu.memory_space<hbm>> -> memref<1x1024x1x64xf32, #tpu.memory_space<hbm>>
      %dma_wait3A_1366 = tpu.memref_squeeze %dma_wait3A_1365 : memref<1x1024x1x64xf32, #tpu.memory_space<hbm>> -> memref<1024x64xf32, #tpu.memory_space<hbm>>
      tpu.wait_dma2 semaphore(%run_scoped3A_1350 : memref<!tpu.dma_semaphore, #tpu.memory_space<semaphore_mem>>) src(%arg7 : memref<1024x64xf32, #tpu.memory_space<vmem>>) dst(%dma_wait3A_1366 : memref<1024x64xf32, #tpu.memory_space<hbm>>)
      tpu.yield
    }) : () -> ()
    %mul3A_336 = arith.constant 4 : i32
    %mul3A_337 = arith.muli %add3A, %mul3A_336 : i32
    %add3A_338 = arith.constant 1 : i32
    %add3A_339 = arith.addi %mul3A_337, %add3A_338 : i32
    %mul3A_340 = arith.constant 2 : i32
    %mul3A_341 = arith.muli %add3A_339, %mul3A_340 : i32
    %add3A_342 = arith.constant 0 : i32
    %add3A_343 = arith.addi %mul3A_341, %add3A_342 : i32
    %mul3A_344 = arith.constant 8 : i32
    %mul3A_345 = arith.muli %add3A_343, %mul3A_344 : i32
    "tpu.region"() ({
      %run_scoped3A_1350 = tpu.sem_alloc : memref<!tpu.dma_semaphore, #tpu.memory_space<semaphore_mem>>
      %dma_start3A_1351 = arith.constant 0 : i32
      %dma_start3A_1352 = tpu.memref_slice %arg2[%mul3A_345, %dma_start3A_1351] : memref<2048x128xi32, #tpu.memory_space<hbm>> -> memref<8x128xi32, #tpu.memory_space<hbm>>
      %dma_start3A_1353 = arith.constant 0 : i32
      %dma_start3A_1354 = tpu.memref_slice %arg2[%mul3A_345, %dma_start3A_1353] : memref<2048x128xi32, #tpu.memory_space<hbm>> -> memref<8x128xi32, #tpu.memory_space<hbm>>
      tpu.enqueue_dma source(%dma_start3A_1354 : memref<8x128xi32, #tpu.memory_space<hbm>>) target(%arg6 : memref<8x128xi32, #tpu.memory_space<vmem>>) target_semaphore(%run_scoped3A_1350 : memref<!tpu.dma_semaphore, #tpu.memory_space<semaphore_mem>>)
      %dma_wait3A_1355 = arith.constant 0 : i32
      %dma_wait3A_1356 = tpu.memref_slice %arg2[%mul3A_345, %dma_wait3A_1355] : memref<2048x128xi32, #tpu.memory_space<hbm>> -> memref<8x128xi32, #tpu.memory_space<hbm>>
      %dma_wait3A_1357 = arith.constant 0 : i32
      %dma_wait3A_1358 = tpu.memref_slice %arg2[%mul3A_345, %dma_wait3A_1357] : memref<2048x128xi32, #tpu.memory_space<hbm>> -> memref<8x128xi32, #tpu.memory_space<hbm>>
      tpu.wait_dma2 semaphore(%run_scoped3A_1350 : memref<!tpu.dma_semaphore, #tpu.memory_space<semaphore_mem>>) src(%dma_wait3A_1358 : memref<8x128xi32, #tpu.memory_space<hbm>>) dst(%arg6 : memref<8x128xi32, #tpu.memory_space<vmem>>)
      tpu.yield
    }) : () -> ()
    %dma_start3A_346 = arith.constant 0 : i32
    %dma_start3A_347 = arith.constant 0 : i32
    %dma_start3A_348 = arith.constant 0 : i32
    %dma_start3A_349 = tpu.memref_slice %arg7[%dma_start3A_347, %dma_start3A_348] : memref<1024x64xf32, #tpu.memory_space<vmem>> -> memref<128x64xf32, #tpu.memory_space<vmem>>
    %dma_start3A_350 = arith.constant 0 : i32
    %dma_start3A_351 = tpu.memref_slice %arg6[%dma_start3A_346, %dma_start3A_350] : memref<8x128xi32, #tpu.memory_space<vmem>> -> memref<1x128xi32, #tpu.memory_space<vmem>>
    %dma_start3A_352 = tpu.memref_squeeze %dma_start3A_351 : memref<1x128xi32, #tpu.memory_space<vmem>> -> memref<128xi32, #tpu.memory_space<vmem>>
    %dma_start3A_353 = arith.constant 0 : i32
    %dma_start3A_354 = arith.constant 0 : i32
    %dma_start3A_355 = tpu.memref_slice %arg3[%dma_start3A_353, %dma_start3A_354] : memref<8192x64xf32, #tpu.memory_space<hbm>> -> memref<8192x64xf32, #tpu.memory_space<hbm>>
    tpu.enqueue_indirect_dma source(%dma_start3A_355 : memref<8192x64xf32, #tpu.memory_space<hbm>>) target(%dma_start3A_349 : memref<128x64xf32, #tpu.memory_space<vmem>>) offsets(%dma_start3A_352 : memref<128xi32, #tpu.memory_space<vmem>>) semaphore(%arg8 : memref<!tpu.dma_semaphore, #tpu.memory_space<semaphore_mem>>)
    %dma_start3A_356 = arith.constant 1 : i32
    %dma_start3A_357 = arith.constant 128 : i32
    %dma_start3A_358 = arith.constant 0 : i32
    %dma_start3A_359 = tpu.memref_slice %arg7[%dma_start3A_357, %dma_start3A_358] : memref<1024x64xf32, #tpu.memory_space<vmem>> -> memref<128x64xf32, #tpu.memory_space<vmem>>
    %dma_start3A_360 = arith.constant 0 : i32
    %dma_start3A_361 = tpu.memref_slice %arg6[%dma_start3A_356, %dma_start3A_360] : memref<8x128xi32, #tpu.memory_space<vmem>> -> memref<1x128xi32, #tpu.memory_space<vmem>>
    %dma_start3A_362 = tpu.memref_squeeze %dma_start3A_361 : memref<1x128xi32, #tpu.memory_space<vmem>> -> memref<128xi32, #tpu.memory_space<vmem>>
    %dma_start3A_363 = arith.constant 0 : i32
    %dma_start3A_364 = arith.constant 0 : i32
    %dma_start3A_365 = tpu.memref_slice %arg3[%dma_start3A_363, %dma_start3A_364] : memref<8192x64xf32, #tpu.memory_space<hbm>> -> memref<8192x64xf32, #tpu.memory_space<hbm>>
    tpu.enqueue_indirect_dma source(%dma_start3A_365 : memref<8192x64xf32, #tpu.memory_space<hbm>>) target(%dma_start3A_359 : memref<128x64xf32, #tpu.memory_space<vmem>>) offsets(%dma_start3A_362 : memref<128xi32, #tpu.memory_space<vmem>>) semaphore(%arg8 : memref<!tpu.dma_semaphore, #tpu.memory_space<semaphore_mem>>)
    %dma_start3A_366 = arith.constant 2 : i32
    %dma_start3A_367 = arith.constant 256 : i32
    %dma_start3A_368 = arith.constant 0 : i32
    %dma_start3A_369 = tpu.memref_slice %arg7[%dma_start3A_367, %dma_start3A_368] : memref<1024x64xf32, #tpu.memory_space<vmem>> -> memref<128x64xf32, #tpu.memory_space<vmem>>
    %dma_start3A_370 = arith.constant 0 : i32
    %dma_start3A_371 = tpu.memref_slice %arg6[%dma_start3A_366, %dma_start3A_370] : memref<8x128xi32, #tpu.memory_space<vmem>> -> memref<1x128xi32, #tpu.memory_space<vmem>>
    %dma_start3A_372 = tpu.memref_squeeze %dma_start3A_371 : memref<1x128xi32, #tpu.memory_space<vmem>> -> memref<128xi32, #tpu.memory_space<vmem>>
    %dma_start3A_373 = arith.constant 0 : i32
    %dma_start3A_374 = arith.constant 0 : i32
    %dma_start3A_375 = tpu.memref_slice %arg3[%dma_start3A_373, %dma_start3A_374] : memref<8192x64xf32, #tpu.memory_space<hbm>> -> memref<8192x64xf32, #tpu.memory_space<hbm>>
    tpu.enqueue_indirect_dma source(%dma_start3A_375 : memref<8192x64xf32, #tpu.memory_space<hbm>>) target(%dma_start3A_369 : memref<128x64xf32, #tpu.memory_space<vmem>>) offsets(%dma_start3A_372 : memref<128xi32, #tpu.memory_space<vmem>>) semaphore(%arg8 : memref<!tpu.dma_semaphore, #tpu.memory_space<semaphore_mem>>)
    %dma_start3A_376 = arith.constant 3 : i32
    %dma_start3A_377 = arith.constant 384 : i32
    %dma_start3A_378 = arith.constant 0 : i32
    %dma_start3A_379 = tpu.memref_slice %arg7[%dma_start3A_377, %dma_start3A_378] : memref<1024x64xf32, #tpu.memory_space<vmem>> -> memref<128x64xf32, #tpu.memory_space<vmem>>
    %dma_start3A_380 = arith.constant 0 : i32
    %dma_start3A_381 = tpu.memref_slice %arg6[%dma_start3A_376, %dma_start3A_380] : memref<8x128xi32, #tpu.memory_space<vmem>> -> memref<1x128xi32, #tpu.memory_space<vmem>>
    %dma_start3A_382 = tpu.memref_squeeze %dma_start3A_381 : memref<1x128xi32, #tpu.memory_space<vmem>> -> memref<128xi32, #tpu.memory_space<vmem>>
    %dma_start3A_383 = arith.constant 0 : i32
    %dma_start3A_384 = arith.constant 0 : i32
    %dma_start3A_385 = tpu.memref_slice %arg3[%dma_start3A_383, %dma_start3A_384] : memref<8192x64xf32, #tpu.memory_space<hbm>> -> memref<8192x64xf32, #tpu.memory_space<hbm>>
    tpu.enqueue_indirect_dma source(%dma_start3A_385 : memref<8192x64xf32, #tpu.memory_space<hbm>>) target(%dma_start3A_379 : memref<128x64xf32, #tpu.memory_space<vmem>>) offsets(%dma_start3A_382 : memref<128xi32, #tpu.memory_space<vmem>>) semaphore(%arg8 : memref<!tpu.dma_semaphore, #tpu.memory_space<semaphore_mem>>)
    %dma_start3A_386 = arith.constant 4 : i32
    %dma_start3A_387 = arith.constant 512 : i32
    %dma_start3A_388 = arith.constant 0 : i32
    %dma_start3A_389 = tpu.memref_slice %arg7[%dma_start3A_387, %dma_start3A_388] : memref<1024x64xf32, #tpu.memory_space<vmem>> -> memref<128x64xf32, #tpu.memory_space<vmem>>
    %dma_start3A_390 = arith.constant 0 : i32
    %dma_start3A_391 = tpu.memref_slice %arg6[%dma_start3A_386, %dma_start3A_390] : memref<8x128xi32, #tpu.memory_space<vmem>> -> memref<1x128xi32, #tpu.memory_space<vmem>>
    %dma_start3A_392 = tpu.memref_squeeze %dma_start3A_391 : memref<1x128xi32, #tpu.memory_space<vmem>> -> memref<128xi32, #tpu.memory_space<vmem>>
    %dma_start3A_393 = arith.constant 0 : i32
    %dma_start3A_394 = arith.constant 0 : i32
    %dma_start3A_395 = tpu.memref_slice %arg3[%dma_start3A_393, %dma_start3A_394] : memref<8192x64xf32, #tpu.memory_space<hbm>> -> memref<8192x64xf32, #tpu.memory_space<hbm>>
    tpu.enqueue_indirect_dma source(%dma_start3A_395 : memref<8192x64xf32, #tpu.memory_space<hbm>>) target(%dma_start3A_389 : memref<128x64xf32, #tpu.memory_space<vmem>>) offsets(%dma_start3A_392 : memref<128xi32, #tpu.memory_space<vmem>>) semaphore(%arg8 : memref<!tpu.dma_semaphore, #tpu.memory_space<semaphore_mem>>)
    %dma_start3A_396 = arith.constant 5 : i32
    %dma_start3A_397 = arith.constant 640 : i32
    %dma_start3A_398 = arith.constant 0 : i32
    %dma_start3A_399 = tpu.memref_slice %arg7[%dma_start3A_397, %dma_start3A_398] : memref<1024x64xf32, #tpu.memory_space<vmem>> -> memref<128x64xf32, #tpu.memory_space<vmem>>
    %dma_start3A_400 = arith.constant 0 : i32
    %dma_start3A_401 = tpu.memref_slice %arg6[%dma_start3A_396, %dma_start3A_400] : memref<8x128xi32, #tpu.memory_space<vmem>> -> memref<1x128xi32, #tpu.memory_space<vmem>>
    %dma_start3A_402 = tpu.memref_squeeze %dma_start3A_401 : memref<1x128xi32, #tpu.memory_space<vmem>> -> memref<128xi32, #tpu.memory_space<vmem>>
    %dma_start3A_403 = arith.constant 0 : i32
    %dma_start3A_404 = arith.constant 0 : i32
    %dma_start3A_405 = tpu.memref_slice %arg3[%dma_start3A_403, %dma_start3A_404] : memref<8192x64xf32, #tpu.memory_space<hbm>> -> memref<8192x64xf32, #tpu.memory_space<hbm>>
    tpu.enqueue_indirect_dma source(%dma_start3A_405 : memref<8192x64xf32, #tpu.memory_space<hbm>>) target(%dma_start3A_399 : memref<128x64xf32, #tpu.memory_space<vmem>>) offsets(%dma_start3A_402 : memref<128xi32, #tpu.memory_space<vmem>>) semaphore(%arg8 : memref<!tpu.dma_semaphore, #tpu.memory_space<semaphore_mem>>)
    %dma_start3A_406 = arith.constant 6 : i32
    %dma_start3A_407 = arith.constant 768 : i32
    %dma_start3A_408 = arith.constant 0 : i32
    %dma_start3A_409 = tpu.memref_slice %arg7[%dma_start3A_407, %dma_start3A_408] : memref<1024x64xf32, #tpu.memory_space<vmem>> -> memref<128x64xf32, #tpu.memory_space<vmem>>
    %dma_start3A_410 = arith.constant 0 : i32
    %dma_start3A_411 = tpu.memref_slice %arg6[%dma_start3A_406, %dma_start3A_410] : memref<8x128xi32, #tpu.memory_space<vmem>> -> memref<1x128xi32, #tpu.memory_space<vmem>>
    %dma_start3A_412 = tpu.memref_squeeze %dma_start3A_411 : memref<1x128xi32, #tpu.memory_space<vmem>> -> memref<128xi32, #tpu.memory_space<vmem>>
    %dma_start3A_413 = arith.constant 0 : i32
    %dma_start3A_414 = arith.constant 0 : i32
    %dma_start3A_415 = tpu.memref_slice %arg3[%dma_start3A_413, %dma_start3A_414] : memref<8192x64xf32, #tpu.memory_space<hbm>> -> memref<8192x64xf32, #tpu.memory_space<hbm>>
    tpu.enqueue_indirect_dma source(%dma_start3A_415 : memref<8192x64xf32, #tpu.memory_space<hbm>>) target(%dma_start3A_409 : memref<128x64xf32, #tpu.memory_space<vmem>>) offsets(%dma_start3A_412 : memref<128xi32, #tpu.memory_space<vmem>>) semaphore(%arg8 : memref<!tpu.dma_semaphore, #tpu.memory_space<semaphore_mem>>)
    %dma_start3A_416 = arith.constant 7 : i32
    %dma_start3A_417 = arith.constant 896 : i32
    %dma_start3A_418 = arith.constant 0 : i32
    %dma_start3A_419 = tpu.memref_slice %arg7[%dma_start3A_417, %dma_start3A_418] : memref<1024x64xf32, #tpu.memory_space<vmem>> -> memref<128x64xf32, #tpu.memory_space<vmem>>
    %dma_start3A_420 = arith.constant 0 : i32
    %dma_start3A_421 = tpu.memref_slice %arg6[%dma_start3A_416, %dma_start3A_420] : memref<8x128xi32, #tpu.memory_space<vmem>> -> memref<1x128xi32, #tpu.memory_space<vmem>>
    %dma_start3A_422 = tpu.memref_squeeze %dma_start3A_421 : memref<1x128xi32, #tpu.memory_space<vmem>> -> memref<128xi32, #tpu.memory_space<vmem>>
    %dma_start3A_423 = arith.constant 0 : i32
    %dma_start3A_424 = arith.constant 0 : i32
    %dma_start3A_425 = tpu.memref_slice %arg3[%dma_start3A_423, %dma_start3A_424] : memref<8192x64xf32, #tpu.memory_space<hbm>> -> memref<8192x64xf32, #tpu.memory_space<hbm>>
    tpu.enqueue_indirect_dma source(%dma_start3A_425 : memref<8192x64xf32, #tpu.memory_space<hbm>>) target(%dma_start3A_419 : memref<128x64xf32, #tpu.memory_space<vmem>>) offsets(%dma_start3A_422 : memref<128xi32, #tpu.memory_space<vmem>>) semaphore(%arg8 : memref<!tpu.dma_semaphore, #tpu.memory_space<semaphore_mem>>)
    %dma_wait3A_426 = arith.constant 0 : i32
    %dma_wait3A_427 = arith.constant 0 : i32
    %dma_wait3A_428 = arith.constant 0 : i32
    %dma_wait3A_429 = tpu.memref_slice %arg7[%dma_wait3A_427, %dma_wait3A_428] : memref<1024x64xf32, #tpu.memory_space<vmem>> -> memref<128x64xf32, #tpu.memory_space<vmem>>
    %dma_wait3A_430 = arith.constant 0 : i32
    %dma_wait3A_431 = tpu.memref_slice %arg6[%dma_wait3A_426, %dma_wait3A_430] : memref<8x128xi32, #tpu.memory_space<vmem>> -> memref<1x128xi32, #tpu.memory_space<vmem>>
    %dma_wait3A_432 = tpu.memref_squeeze %dma_wait3A_431 : memref<1x128xi32, #tpu.memory_space<vmem>> -> memref<128xi32, #tpu.memory_space<vmem>>
    %dma_wait3A_433 = arith.constant 0 : i32
    %dma_wait3A_434 = arith.constant 0 : i32
    %dma_wait3A_435 = tpu.memref_slice %arg3[%dma_wait3A_433, %dma_wait3A_434] : memref<8192x64xf32, #tpu.memory_space<hbm>> -> memref<8192x64xf32, #tpu.memory_space<hbm>>
    tpu.wait_indirect_dma semaphore(%arg8 : memref<!tpu.dma_semaphore, #tpu.memory_space<semaphore_mem>>) src(%dma_wait3A_435 : memref<8192x64xf32, #tpu.memory_space<hbm>>) dst(%dma_wait3A_429 : memref<128x64xf32, #tpu.memory_space<vmem>>)
    %dma_wait3A_436 = arith.constant 1 : i32
    %dma_wait3A_437 = arith.constant 128 : i32
    %dma_wait3A_438 = arith.constant 0 : i32
    %dma_wait3A_439 = tpu.memref_slice %arg7[%dma_wait3A_437, %dma_wait3A_438] : memref<1024x64xf32, #tpu.memory_space<vmem>> -> memref<128x64xf32, #tpu.memory_space<vmem>>
    %dma_wait3A_440 = arith.constant 0 : i32
    %dma_wait3A_441 = tpu.memref_slice %arg6[%dma_wait3A_436, %dma_wait3A_440] : memref<8x128xi32, #tpu.memory_space<vmem>> -> memref<1x128xi32, #tpu.memory_space<vmem>>
    %dma_wait3A_442 = tpu.memref_squeeze %dma_wait3A_441 : memref<1x128xi32, #tpu.memory_space<vmem>> -> memref<128xi32, #tpu.memory_space<vmem>>
    %dma_wait3A_443 = arith.constant 0 : i32
    %dma_wait3A_444 = arith.constant 0 : i32
    %dma_wait3A_445 = tpu.memref_slice %arg3[%dma_wait3A_443, %dma_wait3A_444] : memref<8192x64xf32, #tpu.memory_space<hbm>> -> memref<8192x64xf32, #tpu.memory_space<hbm>>
    tpu.wait_indirect_dma semaphore(%arg8 : memref<!tpu.dma_semaphore, #tpu.memory_space<semaphore_mem>>) src(%dma_wait3A_445 : memref<8192x64xf32, #tpu.memory_space<hbm>>) dst(%dma_wait3A_439 : memref<128x64xf32, #tpu.memory_space<vmem>>)
    %dma_wait3A_446 = arith.constant 2 : i32
    %dma_wait3A_447 = arith.constant 256 : i32
    %dma_wait3A_448 = arith.constant 0 : i32
    %dma_wait3A_449 = tpu.memref_slice %arg7[%dma_wait3A_447, %dma_wait3A_448] : memref<1024x64xf32, #tpu.memory_space<vmem>> -> memref<128x64xf32, #tpu.memory_space<vmem>>
    %dma_wait3A_450 = arith.constant 0 : i32
    %dma_wait3A_451 = tpu.memref_slice %arg6[%dma_wait3A_446, %dma_wait3A_450] : memref<8x128xi32, #tpu.memory_space<vmem>> -> memref<1x128xi32, #tpu.memory_space<vmem>>
    %dma_wait3A_452 = tpu.memref_squeeze %dma_wait3A_451 : memref<1x128xi32, #tpu.memory_space<vmem>> -> memref<128xi32, #tpu.memory_space<vmem>>
    %dma_wait3A_453 = arith.constant 0 : i32
    %dma_wait3A_454 = arith.constant 0 : i32
    %dma_wait3A_455 = tpu.memref_slice %arg3[%dma_wait3A_453, %dma_wait3A_454] : memref<8192x64xf32, #tpu.memory_space<hbm>> -> memref<8192x64xf32, #tpu.memory_space<hbm>>
    tpu.wait_indirect_dma semaphore(%arg8 : memref<!tpu.dma_semaphore, #tpu.memory_space<semaphore_mem>>) src(%dma_wait3A_455 : memref<8192x64xf32, #tpu.memory_space<hbm>>) dst(%dma_wait3A_449 : memref<128x64xf32, #tpu.memory_space<vmem>>)
    %dma_wait3A_456 = arith.constant 3 : i32
    %dma_wait3A_457 = arith.constant 384 : i32
    %dma_wait3A_458 = arith.constant 0 : i32
    %dma_wait3A_459 = tpu.memref_slice %arg7[%dma_wait3A_457, %dma_wait3A_458] : memref<1024x64xf32, #tpu.memory_space<vmem>> -> memref<128x64xf32, #tpu.memory_space<vmem>>
    %dma_wait3A_460 = arith.constant 0 : i32
    %dma_wait3A_461 = tpu.memref_slice %arg6[%dma_wait3A_456, %dma_wait3A_460] : memref<8x128xi32, #tpu.memory_space<vmem>> -> memref<1x128xi32, #tpu.memory_space<vmem>>
    %dma_wait3A_462 = tpu.memref_squeeze %dma_wait3A_461 : memref<1x128xi32, #tpu.memory_space<vmem>> -> memref<128xi32, #tpu.memory_space<vmem>>
    %dma_wait3A_463 = arith.constant 0 : i32
    %dma_wait3A_464 = arith.constant 0 : i32
    %dma_wait3A_465 = tpu.memref_slice %arg3[%dma_wait3A_463, %dma_wait3A_464] : memref<8192x64xf32, #tpu.memory_space<hbm>> -> memref<8192x64xf32, #tpu.memory_space<hbm>>
    tpu.wait_indirect_dma semaphore(%arg8 : memref<!tpu.dma_semaphore, #tpu.memory_space<semaphore_mem>>) src(%dma_wait3A_465 : memref<8192x64xf32, #tpu.memory_space<hbm>>) dst(%dma_wait3A_459 : memref<128x64xf32, #tpu.memory_space<vmem>>)
    %dma_wait3A_466 = arith.constant 4 : i32
    %dma_wait3A_467 = arith.constant 512 : i32
    %dma_wait3A_468 = arith.constant 0 : i32
    %dma_wait3A_469 = tpu.memref_slice %arg7[%dma_wait3A_467, %dma_wait3A_468] : memref<1024x64xf32, #tpu.memory_space<vmem>> -> memref<128x64xf32, #tpu.memory_space<vmem>>
    %dma_wait3A_470 = arith.constant 0 : i32
    %dma_wait3A_471 = tpu.memref_slice %arg6[%dma_wait3A_466, %dma_wait3A_470] : memref<8x128xi32, #tpu.memory_space<vmem>> -> memref<1x128xi32, #tpu.memory_space<vmem>>
    %dma_wait3A_472 = tpu.memref_squeeze %dma_wait3A_471 : memref<1x128xi32, #tpu.memory_space<vmem>> -> memref<128xi32, #tpu.memory_space<vmem>>
    %dma_wait3A_473 = arith.constant 0 : i32
    %dma_wait3A_474 = arith.constant 0 : i32
    %dma_wait3A_475 = tpu.memref_slice %arg3[%dma_wait3A_473, %dma_wait3A_474] : memref<8192x64xf32, #tpu.memory_space<hbm>> -> memref<8192x64xf32, #tpu.memory_space<hbm>>
    tpu.wait_indirect_dma semaphore(%arg8 : memref<!tpu.dma_semaphore, #tpu.memory_space<semaphore_mem>>) src(%dma_wait3A_475 : memref<8192x64xf32, #tpu.memory_space<hbm>>) dst(%dma_wait3A_469 : memref<128x64xf32, #tpu.memory_space<vmem>>)
    %dma_wait3A_476 = arith.constant 5 : i32
    %dma_wait3A_477 = arith.constant 640 : i32
    %dma_wait3A_478 = arith.constant 0 : i32
    %dma_wait3A_479 = tpu.memref_slice %arg7[%dma_wait3A_477, %dma_wait3A_478] : memref<1024x64xf32, #tpu.memory_space<vmem>> -> memref<128x64xf32, #tpu.memory_space<vmem>>
    %dma_wait3A_480 = arith.constant 0 : i32
    %dma_wait3A_481 = tpu.memref_slice %arg6[%dma_wait3A_476, %dma_wait3A_480] : memref<8x128xi32, #tpu.memory_space<vmem>> -> memref<1x128xi32, #tpu.memory_space<vmem>>
    %dma_wait3A_482 = tpu.memref_squeeze %dma_wait3A_481 : memref<1x128xi32, #tpu.memory_space<vmem>> -> memref<128xi32, #tpu.memory_space<vmem>>
    %dma_wait3A_483 = arith.constant 0 : i32
    %dma_wait3A_484 = arith.constant 0 : i32
    %dma_wait3A_485 = tpu.memref_slice %arg3[%dma_wait3A_483, %dma_wait3A_484] : memref<8192x64xf32, #tpu.memory_space<hbm>> -> memref<8192x64xf32, #tpu.memory_space<hbm>>
    tpu.wait_indirect_dma semaphore(%arg8 : memref<!tpu.dma_semaphore, #tpu.memory_space<semaphore_mem>>) src(%dma_wait3A_485 : memref<8192x64xf32, #tpu.memory_space<hbm>>) dst(%dma_wait3A_479 : memref<128x64xf32, #tpu.memory_space<vmem>>)
    %dma_wait3A_486 = arith.constant 6 : i32
    %dma_wait3A_487 = arith.constant 768 : i32
    %dma_wait3A_488 = arith.constant 0 : i32
    %dma_wait3A_489 = tpu.memref_slice %arg7[%dma_wait3A_487, %dma_wait3A_488] : memref<1024x64xf32, #tpu.memory_space<vmem>> -> memref<128x64xf32, #tpu.memory_space<vmem>>
    %dma_wait3A_490 = arith.constant 0 : i32
    %dma_wait3A_491 = tpu.memref_slice %arg6[%dma_wait3A_486, %dma_wait3A_490] : memref<8x128xi32, #tpu.memory_space<vmem>> -> memref<1x128xi32, #tpu.memory_space<vmem>>
    %dma_wait3A_492 = tpu.memref_squeeze %dma_wait3A_491 : memref<1x128xi32, #tpu.memory_space<vmem>> -> memref<128xi32, #tpu.memory_space<vmem>>
    %dma_wait3A_493 = arith.constant 0 : i32
    %dma_wait3A_494 = arith.constant 0 : i32
    %dma_wait3A_495 = tpu.memref_slice %arg3[%dma_wait3A_493, %dma_wait3A_494] : memref<8192x64xf32, #tpu.memory_space<hbm>> -> memref<8192x64xf32, #tpu.memory_space<hbm>>
    tpu.wait_indirect_dma semaphore(%arg8 : memref<!tpu.dma_semaphore, #tpu.memory_space<semaphore_mem>>) src(%dma_wait3A_495 : memref<8192x64xf32, #tpu.memory_space<hbm>>) dst(%dma_wait3A_489 : memref<128x64xf32, #tpu.memory_space<vmem>>)
    %dma_wait3A_496 = arith.constant 7 : i32
    %dma_wait3A_497 = arith.constant 896 : i32
    %dma_wait3A_498 = arith.constant 0 : i32
    %dma_wait3A_499 = tpu.memref_slice %arg7[%dma_wait3A_497, %dma_wait3A_498] : memref<1024x64xf32, #tpu.memory_space<vmem>> -> memref<128x64xf32, #tpu.memory_space<vmem>>
    %dma_wait3A_500 = arith.constant 0 : i32
    %dma_wait3A_501 = tpu.memref_slice %arg6[%dma_wait3A_496, %dma_wait3A_500] : memref<8x128xi32, #tpu.memory_space<vmem>> -> memref<1x128xi32, #tpu.memory_space<vmem>>
    %dma_wait3A_502 = tpu.memref_squeeze %dma_wait3A_501 : memref<1x128xi32, #tpu.memory_space<vmem>> -> memref<128xi32, #tpu.memory_space<vmem>>
    %dma_wait3A_503 = arith.constant 0 : i32
    %dma_wait3A_504 = arith.constant 0 : i32
    %dma_wait3A_505 = tpu.memref_slice %arg3[%dma_wait3A_503, %dma_wait3A_504] : memref<8192x64xf32, #tpu.memory_space<hbm>> -> memref<8192x64xf32, #tpu.memory_space<hbm>>
    tpu.wait_indirect_dma semaphore(%arg8 : memref<!tpu.dma_semaphore, #tpu.memory_space<semaphore_mem>>) src(%dma_wait3A_505 : memref<8192x64xf32, #tpu.memory_space<hbm>>) dst(%dma_wait3A_499 : memref<128x64xf32, #tpu.memory_space<vmem>>)
    %run_scoped3A_506 = arith.constant 0 : i32
    "tpu.region"() ({
      %run_scoped3A_1350 = tpu.sem_alloc : memref<!tpu.dma_semaphore, #tpu.memory_space<semaphore_mem>>
      %dma_start3A_1351 = arith.constant 0 : i32
      %dma_start3A_1352 = arith.constant 0 : i32
      %dma_start3A_1353 = tpu.memref_slice %arg5[%add3A_339, %dma_start3A_1351, %run_scoped3A_506, %dma_start3A_1352] : memref<128x1024x2x64xf32, #tpu.memory_space<hbm>> -> memref<1x1024x1x64xf32, #tpu.memory_space<hbm>>
      %dma_start3A_1354 = tpu.memref_squeeze %dma_start3A_1353 : memref<1x1024x1x64xf32, #tpu.memory_space<hbm>> -> memref<1024x64xf32, #tpu.memory_space<hbm>>
      %dma_start3A_1355 = arith.constant 0 : i32
      %dma_start3A_1356 = arith.constant 0 : i32
      %dma_start3A_1357 = tpu.memref_slice %arg5[%add3A_339, %dma_start3A_1355, %run_scoped3A_506, %dma_start3A_1356] : memref<128x1024x2x64xf32, #tpu.memory_space<hbm>> -> memref<1x1024x1x64xf32, #tpu.memory_space<hbm>>
      %dma_start3A_1358 = tpu.memref_squeeze %dma_start3A_1357 : memref<1x1024x1x64xf32, #tpu.memory_space<hbm>> -> memref<1024x64xf32, #tpu.memory_space<hbm>>
      tpu.enqueue_dma source(%arg7 : memref<1024x64xf32, #tpu.memory_space<vmem>>) target(%dma_start3A_1358 : memref<1024x64xf32, #tpu.memory_space<hbm>>) target_semaphore(%run_scoped3A_1350 : memref<!tpu.dma_semaphore, #tpu.memory_space<semaphore_mem>>)
      %dma_wait3A_1359 = arith.constant 0 : i32
      %dma_wait3A_1360 = arith.constant 0 : i32
      %dma_wait3A_1361 = tpu.memref_slice %arg5[%add3A_339, %dma_wait3A_1359, %run_scoped3A_506, %dma_wait3A_1360] : memref<128x1024x2x64xf32, #tpu.memory_space<hbm>> -> memref<1x1024x1x64xf32, #tpu.memory_space<hbm>>
      %dma_wait3A_1362 = tpu.memref_squeeze %dma_wait3A_1361 : memref<1x1024x1x64xf32, #tpu.memory_space<hbm>> -> memref<1024x64xf32, #tpu.memory_space<hbm>>
      %dma_wait3A_1363 = arith.constant 0 : i32
      %dma_wait3A_1364 = arith.constant 0 : i32
      %dma_wait3A_1365 = tpu.memref_slice %arg5[%add3A_339, %dma_wait3A_1363, %run_scoped3A_506, %dma_wait3A_1364] : memref<128x1024x2x64xf32, #tpu.memory_space<hbm>> -> memref<1x1024x1x64xf32, #tpu.memory_space<hbm>>
      %dma_wait3A_1366 = tpu.memref_squeeze %dma_wait3A_1365 : memref<1x1024x1x64xf32, #tpu.memory_space<hbm>> -> memref<1024x64xf32, #tpu.memory_space<hbm>>
      tpu.wait_dma2 semaphore(%run_scoped3A_1350 : memref<!tpu.dma_semaphore, #tpu.memory_space<semaphore_mem>>) src(%arg7 : memref<1024x64xf32, #tpu.memory_space<vmem>>) dst(%dma_wait3A_1366 : memref<1024x64xf32, #tpu.memory_space<hbm>>)
      tpu.yield
    }) : () -> ()
    %mul3A_507 = arith.constant 2 : i32
    %mul3A_508 = arith.muli %add3A_339, %mul3A_507 : i32
    %add3A_509 = arith.constant 1 : i32
    %add3A_510 = arith.addi %mul3A_508, %add3A_509 : i32
    %mul3A_511 = arith.constant 8 : i32
    %mul3A_512 = arith.muli %add3A_510, %mul3A_511 : i32
    "tpu.region"() ({
      %run_scoped3A_1350 = tpu.sem_alloc : memref<!tpu.dma_semaphore, #tpu.memory_space<semaphore_mem>>
      %dma_start3A_1351 = arith.constant 0 : i32
      %dma_start3A_1352 = tpu.memref_slice %arg2[%mul3A_512, %dma_start3A_1351] : memref<2048x128xi32, #tpu.memory_space<hbm>> -> memref<8x128xi32, #tpu.memory_space<hbm>>
      %dma_start3A_1353 = arith.constant 0 : i32
      %dma_start3A_1354 = tpu.memref_slice %arg2[%mul3A_512, %dma_start3A_1353] : memref<2048x128xi32, #tpu.memory_space<hbm>> -> memref<8x128xi32, #tpu.memory_space<hbm>>
      tpu.enqueue_dma source(%dma_start3A_1354 : memref<8x128xi32, #tpu.memory_space<hbm>>) target(%arg6 : memref<8x128xi32, #tpu.memory_space<vmem>>) target_semaphore(%run_scoped3A_1350 : memref<!tpu.dma_semaphore, #tpu.memory_space<semaphore_mem>>)
      %dma_wait3A_1355 = arith.constant 0 : i32
      %dma_wait3A_1356 = tpu.memref_slice %arg2[%mul3A_512, %dma_wait3A_1355] : memref<2048x128xi32, #tpu.memory_space<hbm>> -> memref<8x128xi32, #tpu.memory_space<hbm>>
      %dma_wait3A_1357 = arith.constant 0 : i32
      %dma_wait3A_1358 = tpu.memref_slice %arg2[%mul3A_512, %dma_wait3A_1357] : memref<2048x128xi32, #tpu.memory_space<hbm>> -> memref<8x128xi32, #tpu.memory_space<hbm>>
      tpu.wait_dma2 semaphore(%run_scoped3A_1350 : memref<!tpu.dma_semaphore, #tpu.memory_space<semaphore_mem>>) src(%dma_wait3A_1358 : memref<8x128xi32, #tpu.memory_space<hbm>>) dst(%arg6 : memref<8x128xi32, #tpu.memory_space<vmem>>)
      tpu.yield
    }) : () -> ()
    %dma_start3A_513 = arith.constant 0 : i32
    %dma_start3A_514 = arith.constant 0 : i32
    %dma_start3A_515 = arith.constant 0 : i32
    %dma_start3A_516 = tpu.memref_slice %arg7[%dma_start3A_514, %dma_start3A_515] : memref<1024x64xf32, #tpu.memory_space<vmem>> -> memref<128x64xf32, #tpu.memory_space<vmem>>
    %dma_start3A_517 = arith.constant 0 : i32
    %dma_start3A_518 = tpu.memref_slice %arg6[%dma_start3A_513, %dma_start3A_517] : memref<8x128xi32, #tpu.memory_space<vmem>> -> memref<1x128xi32, #tpu.memory_space<vmem>>
    %dma_start3A_519 = tpu.memref_squeeze %dma_start3A_518 : memref<1x128xi32, #tpu.memory_space<vmem>> -> memref<128xi32, #tpu.memory_space<vmem>>
    %dma_start3A_520 = arith.constant 0 : i32
    %dma_start3A_521 = arith.constant 0 : i32
    %dma_start3A_522 = tpu.memref_slice %arg3[%dma_start3A_520, %dma_start3A_521] : memref<8192x64xf32, #tpu.memory_space<hbm>> -> memref<8192x64xf32, #tpu.memory_space<hbm>>
    tpu.enqueue_indirect_dma source(%dma_start3A_522 : memref<8192x64xf32, #tpu.memory_space<hbm>>) target(%dma_start3A_516 : memref<128x64xf32, #tpu.memory_space<vmem>>) offsets(%dma_start3A_519 : memref<128xi32, #tpu.memory_space<vmem>>) semaphore(%arg8 : memref<!tpu.dma_semaphore, #tpu.memory_space<semaphore_mem>>)
    %dma_start3A_523 = arith.constant 1 : i32
    %dma_start3A_524 = arith.constant 128 : i32
    %dma_start3A_525 = arith.constant 0 : i32
    %dma_start3A_526 = tpu.memref_slice %arg7[%dma_start3A_524, %dma_start3A_525] : memref<1024x64xf32, #tpu.memory_space<vmem>> -> memref<128x64xf32, #tpu.memory_space<vmem>>
    %dma_start3A_527 = arith.constant 0 : i32
    %dma_start3A_528 = tpu.memref_slice %arg6[%dma_start3A_523, %dma_start3A_527] : memref<8x128xi32, #tpu.memory_space<vmem>> -> memref<1x128xi32, #tpu.memory_space<vmem>>
    %dma_start3A_529 = tpu.memref_squeeze %dma_start3A_528 : memref<1x128xi32, #tpu.memory_space<vmem>> -> memref<128xi32, #tpu.memory_space<vmem>>
    %dma_start3A_530 = arith.constant 0 : i32
    %dma_start3A_531 = arith.constant 0 : i32
    %dma_start3A_532 = tpu.memref_slice %arg3[%dma_start3A_530, %dma_start3A_531] : memref<8192x64xf32, #tpu.memory_space<hbm>> -> memref<8192x64xf32, #tpu.memory_space<hbm>>
    tpu.enqueue_indirect_dma source(%dma_start3A_532 : memref<8192x64xf32, #tpu.memory_space<hbm>>) target(%dma_start3A_526 : memref<128x64xf32, #tpu.memory_space<vmem>>) offsets(%dma_start3A_529 : memref<128xi32, #tpu.memory_space<vmem>>) semaphore(%arg8 : memref<!tpu.dma_semaphore, #tpu.memory_space<semaphore_mem>>)
    %dma_start3A_533 = arith.constant 2 : i32
    %dma_start3A_534 = arith.constant 256 : i32
    %dma_start3A_535 = arith.constant 0 : i32
    %dma_start3A_536 = tpu.memref_slice %arg7[%dma_start3A_534, %dma_start3A_535] : memref<1024x64xf32, #tpu.memory_space<vmem>> -> memref<128x64xf32, #tpu.memory_space<vmem>>
    %dma_start3A_537 = arith.constant 0 : i32
    %dma_start3A_538 = tpu.memref_slice %arg6[%dma_start3A_533, %dma_start3A_537] : memref<8x128xi32, #tpu.memory_space<vmem>> -> memref<1x128xi32, #tpu.memory_space<vmem>>
    %dma_start3A_539 = tpu.memref_squeeze %dma_start3A_538 : memref<1x128xi32, #tpu.memory_space<vmem>> -> memref<128xi32, #tpu.memory_space<vmem>>
    %dma_start3A_540 = arith.constant 0 : i32
    %dma_start3A_541 = arith.constant 0 : i32
    %dma_start3A_542 = tpu.memref_slice %arg3[%dma_start3A_540, %dma_start3A_541] : memref<8192x64xf32, #tpu.memory_space<hbm>> -> memref<8192x64xf32, #tpu.memory_space<hbm>>
    tpu.enqueue_indirect_dma source(%dma_start3A_542 : memref<8192x64xf32, #tpu.memory_space<hbm>>) target(%dma_start3A_536 : memref<128x64xf32, #tpu.memory_space<vmem>>) offsets(%dma_start3A_539 : memref<128xi32, #tpu.memory_space<vmem>>) semaphore(%arg8 : memref<!tpu.dma_semaphore, #tpu.memory_space<semaphore_mem>>)
    %dma_start3A_543 = arith.constant 3 : i32
    %dma_start3A_544 = arith.constant 384 : i32
    %dma_start3A_545 = arith.constant 0 : i32
    %dma_start3A_546 = tpu.memref_slice %arg7[%dma_start3A_544, %dma_start3A_545] : memref<1024x64xf32, #tpu.memory_space<vmem>> -> memref<128x64xf32, #tpu.memory_space<vmem>>
    %dma_start3A_547 = arith.constant 0 : i32
    %dma_start3A_548 = tpu.memref_slice %arg6[%dma_start3A_543, %dma_start3A_547] : memref<8x128xi32, #tpu.memory_space<vmem>> -> memref<1x128xi32, #tpu.memory_space<vmem>>
    %dma_start3A_549 = tpu.memref_squeeze %dma_start3A_548 : memref<1x128xi32, #tpu.memory_space<vmem>> -> memref<128xi32, #tpu.memory_space<vmem>>
    %dma_start3A_550 = arith.constant 0 : i32
    %dma_start3A_551 = arith.constant 0 : i32
    %dma_start3A_552 = tpu.memref_slice %arg3[%dma_start3A_550, %dma_start3A_551] : memref<8192x64xf32, #tpu.memory_space<hbm>> -> memref<8192x64xf32, #tpu.memory_space<hbm>>
    tpu.enqueue_indirect_dma source(%dma_start3A_552 : memref<8192x64xf32, #tpu.memory_space<hbm>>) target(%dma_start3A_546 : memref<128x64xf32, #tpu.memory_space<vmem>>) offsets(%dma_start3A_549 : memref<128xi32, #tpu.memory_space<vmem>>) semaphore(%arg8 : memref<!tpu.dma_semaphore, #tpu.memory_space<semaphore_mem>>)
    %dma_start3A_553 = arith.constant 4 : i32
    %dma_start3A_554 = arith.constant 512 : i32
    %dma_start3A_555 = arith.constant 0 : i32
    %dma_start3A_556 = tpu.memref_slice %arg7[%dma_start3A_554, %dma_start3A_555] : memref<1024x64xf32, #tpu.memory_space<vmem>> -> memref<128x64xf32, #tpu.memory_space<vmem>>
    %dma_start3A_557 = arith.constant 0 : i32
    %dma_start3A_558 = tpu.memref_slice %arg6[%dma_start3A_553, %dma_start3A_557] : memref<8x128xi32, #tpu.memory_space<vmem>> -> memref<1x128xi32, #tpu.memory_space<vmem>>
    %dma_start3A_559 = tpu.memref_squeeze %dma_start3A_558 : memref<1x128xi32, #tpu.memory_space<vmem>> -> memref<128xi32, #tpu.memory_space<vmem>>
    %dma_start3A_560 = arith.constant 0 : i32
    %dma_start3A_561 = arith.constant 0 : i32
    %dma_start3A_562 = tpu.memref_slice %arg3[%dma_start3A_560, %dma_start3A_561] : memref<8192x64xf32, #tpu.memory_space<hbm>> -> memref<8192x64xf32, #tpu.memory_space<hbm>>
    tpu.enqueue_indirect_dma source(%dma_start3A_562 : memref<8192x64xf32, #tpu.memory_space<hbm>>) target(%dma_start3A_556 : memref<128x64xf32, #tpu.memory_space<vmem>>) offsets(%dma_start3A_559 : memref<128xi32, #tpu.memory_space<vmem>>) semaphore(%arg8 : memref<!tpu.dma_semaphore, #tpu.memory_space<semaphore_mem>>)
    %dma_start3A_563 = arith.constant 5 : i32
    %dma_start3A_564 = arith.constant 640 : i32
    %dma_start3A_565 = arith.constant 0 : i32
    %dma_start3A_566 = tpu.memref_slice %arg7[%dma_start3A_564, %dma_start3A_565] : memref<1024x64xf32, #tpu.memory_space<vmem>> -> memref<128x64xf32, #tpu.memory_space<vmem>>
    %dma_start3A_567 = arith.constant 0 : i32
    %dma_start3A_568 = tpu.memref_slice %arg6[%dma_start3A_563, %dma_start3A_567] : memref<8x128xi32, #tpu.memory_space<vmem>> -> memref<1x128xi32, #tpu.memory_space<vmem>>
    %dma_start3A_569 = tpu.memref_squeeze %dma_start3A_568 : memref<1x128xi32, #tpu.memory_space<vmem>> -> memref<128xi32, #tpu.memory_space<vmem>>
    %dma_start3A_570 = arith.constant 0 : i32
    %dma_start3A_571 = arith.constant 0 : i32
    %dma_start3A_572 = tpu.memref_slice %arg3[%dma_start3A_570, %dma_start3A_571] : memref<8192x64xf32, #tpu.memory_space<hbm>> -> memref<8192x64xf32, #tpu.memory_space<hbm>>
    tpu.enqueue_indirect_dma source(%dma_start3A_572 : memref<8192x64xf32, #tpu.memory_space<hbm>>) target(%dma_start3A_566 : memref<128x64xf32, #tpu.memory_space<vmem>>) offsets(%dma_start3A_569 : memref<128xi32, #tpu.memory_space<vmem>>) semaphore(%arg8 : memref<!tpu.dma_semaphore, #tpu.memory_space<semaphore_mem>>)
    %dma_start3A_573 = arith.constant 6 : i32
    %dma_start3A_574 = arith.constant 768 : i32
    %dma_start3A_575 = arith.constant 0 : i32
    %dma_start3A_576 = tpu.memref_slice %arg7[%dma_start3A_574, %dma_start3A_575] : memref<1024x64xf32, #tpu.memory_space<vmem>> -> memref<128x64xf32, #tpu.memory_space<vmem>>
    %dma_start3A_577 = arith.constant 0 : i32
    %dma_start3A_578 = tpu.memref_slice %arg6[%dma_start3A_573, %dma_start3A_577] : memref<8x128xi32, #tpu.memory_space<vmem>> -> memref<1x128xi32, #tpu.memory_space<vmem>>
    %dma_start3A_579 = tpu.memref_squeeze %dma_start3A_578 : memref<1x128xi32, #tpu.memory_space<vmem>> -> memref<128xi32, #tpu.memory_space<vmem>>
    %dma_start3A_580 = arith.constant 0 : i32
    %dma_start3A_581 = arith.constant 0 : i32
    %dma_start3A_582 = tpu.memref_slice %arg3[%dma_start3A_580, %dma_start3A_581] : memref<8192x64xf32, #tpu.memory_space<hbm>> -> memref<8192x64xf32, #tpu.memory_space<hbm>>
    tpu.enqueue_indirect_dma source(%dma_start3A_582 : memref<8192x64xf32, #tpu.memory_space<hbm>>) target(%dma_start3A_576 : memref<128x64xf32, #tpu.memory_space<vmem>>) offsets(%dma_start3A_579 : memref<128xi32, #tpu.memory_space<vmem>>) semaphore(%arg8 : memref<!tpu.dma_semaphore, #tpu.memory_space<semaphore_mem>>)
    %dma_start3A_583 = arith.constant 7 : i32
    %dma_start3A_584 = arith.constant 896 : i32
    %dma_start3A_585 = arith.constant 0 : i32
    %dma_start3A_586 = tpu.memref_slice %arg7[%dma_start3A_584, %dma_start3A_585] : memref<1024x64xf32, #tpu.memory_space<vmem>> -> memref<128x64xf32, #tpu.memory_space<vmem>>
    %dma_start3A_587 = arith.constant 0 : i32
    %dma_start3A_588 = tpu.memref_slice %arg6[%dma_start3A_583, %dma_start3A_587] : memref<8x128xi32, #tpu.memory_space<vmem>> -> memref<1x128xi32, #tpu.memory_space<vmem>>
    %dma_start3A_589 = tpu.memref_squeeze %dma_start3A_588 : memref<1x128xi32, #tpu.memory_space<vmem>> -> memref<128xi32, #tpu.memory_space<vmem>>
    %dma_start3A_590 = arith.constant 0 : i32
    %dma_start3A_591 = arith.constant 0 : i32
    %dma_start3A_592 = tpu.memref_slice %arg3[%dma_start3A_590, %dma_start3A_591] : memref<8192x64xf32, #tpu.memory_space<hbm>> -> memref<8192x64xf32, #tpu.memory_space<hbm>>
    tpu.enqueue_indirect_dma source(%dma_start3A_592 : memref<8192x64xf32, #tpu.memory_space<hbm>>) target(%dma_start3A_586 : memref<128x64xf32, #tpu.memory_space<vmem>>) offsets(%dma_start3A_589 : memref<128xi32, #tpu.memory_space<vmem>>) semaphore(%arg8 : memref<!tpu.dma_semaphore, #tpu.memory_space<semaphore_mem>>)
    %dma_wait3A_593 = arith.constant 0 : i32
    %dma_wait3A_594 = arith.constant 0 : i32
    %dma_wait3A_595 = arith.constant 0 : i32
    %dma_wait3A_596 = tpu.memref_slice %arg7[%dma_wait3A_594, %dma_wait3A_595] : memref<1024x64xf32, #tpu.memory_space<vmem>> -> memref<128x64xf32, #tpu.memory_space<vmem>>
    %dma_wait3A_597 = arith.constant 0 : i32
    %dma_wait3A_598 = tpu.memref_slice %arg6[%dma_wait3A_593, %dma_wait3A_597] : memref<8x128xi32, #tpu.memory_space<vmem>> -> memref<1x128xi32, #tpu.memory_space<vmem>>
    %dma_wait3A_599 = tpu.memref_squeeze %dma_wait3A_598 : memref<1x128xi32, #tpu.memory_space<vmem>> -> memref<128xi32, #tpu.memory_space<vmem>>
    %dma_wait3A_600 = arith.constant 0 : i32
    %dma_wait3A_601 = arith.constant 0 : i32
    %dma_wait3A_602 = tpu.memref_slice %arg3[%dma_wait3A_600, %dma_wait3A_601] : memref<8192x64xf32, #tpu.memory_space<hbm>> -> memref<8192x64xf32, #tpu.memory_space<hbm>>
    tpu.wait_indirect_dma semaphore(%arg8 : memref<!tpu.dma_semaphore, #tpu.memory_space<semaphore_mem>>) src(%dma_wait3A_602 : memref<8192x64xf32, #tpu.memory_space<hbm>>) dst(%dma_wait3A_596 : memref<128x64xf32, #tpu.memory_space<vmem>>)
    %dma_wait3A_603 = arith.constant 1 : i32
    %dma_wait3A_604 = arith.constant 128 : i32
    %dma_wait3A_605 = arith.constant 0 : i32
    %dma_wait3A_606 = tpu.memref_slice %arg7[%dma_wait3A_604, %dma_wait3A_605] : memref<1024x64xf32, #tpu.memory_space<vmem>> -> memref<128x64xf32, #tpu.memory_space<vmem>>
    %dma_wait3A_607 = arith.constant 0 : i32
    %dma_wait3A_608 = tpu.memref_slice %arg6[%dma_wait3A_603, %dma_wait3A_607] : memref<8x128xi32, #tpu.memory_space<vmem>> -> memref<1x128xi32, #tpu.memory_space<vmem>>
    %dma_wait3A_609 = tpu.memref_squeeze %dma_wait3A_608 : memref<1x128xi32, #tpu.memory_space<vmem>> -> memref<128xi32, #tpu.memory_space<vmem>>
    %dma_wait3A_610 = arith.constant 0 : i32
    %dma_wait3A_611 = arith.constant 0 : i32
    %dma_wait3A_612 = tpu.memref_slice %arg3[%dma_wait3A_610, %dma_wait3A_611] : memref<8192x64xf32, #tpu.memory_space<hbm>> -> memref<8192x64xf32, #tpu.memory_space<hbm>>
    tpu.wait_indirect_dma semaphore(%arg8 : memref<!tpu.dma_semaphore, #tpu.memory_space<semaphore_mem>>) src(%dma_wait3A_612 : memref<8192x64xf32, #tpu.memory_space<hbm>>) dst(%dma_wait3A_606 : memref<128x64xf32, #tpu.memory_space<vmem>>)
    %dma_wait3A_613 = arith.constant 2 : i32
    %dma_wait3A_614 = arith.constant 256 : i32
    %dma_wait3A_615 = arith.constant 0 : i32
    %dma_wait3A_616 = tpu.memref_slice %arg7[%dma_wait3A_614, %dma_wait3A_615] : memref<1024x64xf32, #tpu.memory_space<vmem>> -> memref<128x64xf32, #tpu.memory_space<vmem>>
    %dma_wait3A_617 = arith.constant 0 : i32
    %dma_wait3A_618 = tpu.memref_slice %arg6[%dma_wait3A_613, %dma_wait3A_617] : memref<8x128xi32, #tpu.memory_space<vmem>> -> memref<1x128xi32, #tpu.memory_space<vmem>>
    %dma_wait3A_619 = tpu.memref_squeeze %dma_wait3A_618 : memref<1x128xi32, #tpu.memory_space<vmem>> -> memref<128xi32, #tpu.memory_space<vmem>>
    %dma_wait3A_620 = arith.constant 0 : i32
    %dma_wait3A_621 = arith.constant 0 : i32
    %dma_wait3A_622 = tpu.memref_slice %arg3[%dma_wait3A_620, %dma_wait3A_621] : memref<8192x64xf32, #tpu.memory_space<hbm>> -> memref<8192x64xf32, #tpu.memory_space<hbm>>
    tpu.wait_indirect_dma semaphore(%arg8 : memref<!tpu.dma_semaphore, #tpu.memory_space<semaphore_mem>>) src(%dma_wait3A_622 : memref<8192x64xf32, #tpu.memory_space<hbm>>) dst(%dma_wait3A_616 : memref<128x64xf32, #tpu.memory_space<vmem>>)
    %dma_wait3A_623 = arith.constant 3 : i32
    %dma_wait3A_624 = arith.constant 384 : i32
    %dma_wait3A_625 = arith.constant 0 : i32
    %dma_wait3A_626 = tpu.memref_slice %arg7[%dma_wait3A_624, %dma_wait3A_625] : memref<1024x64xf32, #tpu.memory_space<vmem>> -> memref<128x64xf32, #tpu.memory_space<vmem>>
    %dma_wait3A_627 = arith.constant 0 : i32
    %dma_wait3A_628 = tpu.memref_slice %arg6[%dma_wait3A_623, %dma_wait3A_627] : memref<8x128xi32, #tpu.memory_space<vmem>> -> memref<1x128xi32, #tpu.memory_space<vmem>>
    %dma_wait3A_629 = tpu.memref_squeeze %dma_wait3A_628 : memref<1x128xi32, #tpu.memory_space<vmem>> -> memref<128xi32, #tpu.memory_space<vmem>>
    %dma_wait3A_630 = arith.constant 0 : i32
    %dma_wait3A_631 = arith.constant 0 : i32
    %dma_wait3A_632 = tpu.memref_slice %arg3[%dma_wait3A_630, %dma_wait3A_631] : memref<8192x64xf32, #tpu.memory_space<hbm>> -> memref<8192x64xf32, #tpu.memory_space<hbm>>
    tpu.wait_indirect_dma semaphore(%arg8 : memref<!tpu.dma_semaphore, #tpu.memory_space<semaphore_mem>>) src(%dma_wait3A_632 : memref<8192x64xf32, #tpu.memory_space<hbm>>) dst(%dma_wait3A_626 : memref<128x64xf32, #tpu.memory_space<vmem>>)
    %dma_wait3A_633 = arith.constant 4 : i32
    %dma_wait3A_634 = arith.constant 512 : i32
    %dma_wait3A_635 = arith.constant 0 : i32
    %dma_wait3A_636 = tpu.memref_slice %arg7[%dma_wait3A_634, %dma_wait3A_635] : memref<1024x64xf32, #tpu.memory_space<vmem>> -> memref<128x64xf32, #tpu.memory_space<vmem>>
    %dma_wait3A_637 = arith.constant 0 : i32
    %dma_wait3A_638 = tpu.memref_slice %arg6[%dma_wait3A_633, %dma_wait3A_637] : memref<8x128xi32, #tpu.memory_space<vmem>> -> memref<1x128xi32, #tpu.memory_space<vmem>>
    %dma_wait3A_639 = tpu.memref_squeeze %dma_wait3A_638 : memref<1x128xi32, #tpu.memory_space<vmem>> -> memref<128xi32, #tpu.memory_space<vmem>>
    %dma_wait3A_640 = arith.constant 0 : i32
    %dma_wait3A_641 = arith.constant 0 : i32
    %dma_wait3A_642 = tpu.memref_slice %arg3[%dma_wait3A_640, %dma_wait3A_641] : memref<8192x64xf32, #tpu.memory_space<hbm>> -> memref<8192x64xf32, #tpu.memory_space<hbm>>
    tpu.wait_indirect_dma semaphore(%arg8 : memref<!tpu.dma_semaphore, #tpu.memory_space<semaphore_mem>>) src(%dma_wait3A_642 : memref<8192x64xf32, #tpu.memory_space<hbm>>) dst(%dma_wait3A_636 : memref<128x64xf32, #tpu.memory_space<vmem>>)
    %dma_wait3A_643 = arith.constant 5 : i32
    %dma_wait3A_644 = arith.constant 640 : i32
    %dma_wait3A_645 = arith.constant 0 : i32
    %dma_wait3A_646 = tpu.memref_slice %arg7[%dma_wait3A_644, %dma_wait3A_645] : memref<1024x64xf32, #tpu.memory_space<vmem>> -> memref<128x64xf32, #tpu.memory_space<vmem>>
    %dma_wait3A_647 = arith.constant 0 : i32
    %dma_wait3A_648 = tpu.memref_slice %arg6[%dma_wait3A_643, %dma_wait3A_647] : memref<8x128xi32, #tpu.memory_space<vmem>> -> memref<1x128xi32, #tpu.memory_space<vmem>>
    %dma_wait3A_649 = tpu.memref_squeeze %dma_wait3A_648 : memref<1x128xi32, #tpu.memory_space<vmem>> -> memref<128xi32, #tpu.memory_space<vmem>>
    %dma_wait3A_650 = arith.constant 0 : i32
    %dma_wait3A_651 = arith.constant 0 : i32
    %dma_wait3A_652 = tpu.memref_slice %arg3[%dma_wait3A_650, %dma_wait3A_651] : memref<8192x64xf32, #tpu.memory_space<hbm>> -> memref<8192x64xf32, #tpu.memory_space<hbm>>
    tpu.wait_indirect_dma semaphore(%arg8 : memref<!tpu.dma_semaphore, #tpu.memory_space<semaphore_mem>>) src(%dma_wait3A_652 : memref<8192x64xf32, #tpu.memory_space<hbm>>) dst(%dma_wait3A_646 : memref<128x64xf32, #tpu.memory_space<vmem>>)
    %dma_wait3A_653 = arith.constant 6 : i32
    %dma_wait3A_654 = arith.constant 768 : i32
    %dma_wait3A_655 = arith.constant 0 : i32
    %dma_wait3A_656 = tpu.memref_slice %arg7[%dma_wait3A_654, %dma_wait3A_655] : memref<1024x64xf32, #tpu.memory_space<vmem>> -> memref<128x64xf32, #tpu.memory_space<vmem>>
    %dma_wait3A_657 = arith.constant 0 : i32
    %dma_wait3A_658 = tpu.memref_slice %arg6[%dma_wait3A_653, %dma_wait3A_657] : memref<8x128xi32, #tpu.memory_space<vmem>> -> memref<1x128xi32, #tpu.memory_space<vmem>>
    %dma_wait3A_659 = tpu.memref_squeeze %dma_wait3A_658 : memref<1x128xi32, #tpu.memory_space<vmem>> -> memref<128xi32, #tpu.memory_space<vmem>>
    %dma_wait3A_660 = arith.constant 0 : i32
    %dma_wait3A_661 = arith.constant 0 : i32
    %dma_wait3A_662 = tpu.memref_slice %arg3[%dma_wait3A_660, %dma_wait3A_661] : memref<8192x64xf32, #tpu.memory_space<hbm>> -> memref<8192x64xf32, #tpu.memory_space<hbm>>
    tpu.wait_indirect_dma semaphore(%arg8 : memref<!tpu.dma_semaphore, #tpu.memory_space<semaphore_mem>>) src(%dma_wait3A_662 : memref<8192x64xf32, #tpu.memory_space<hbm>>) dst(%dma_wait3A_656 : memref<128x64xf32, #tpu.memory_space<vmem>>)
    %dma_wait3A_663 = arith.constant 7 : i32
    %dma_wait3A_664 = arith.constant 896 : i32
    %dma_wait3A_665 = arith.constant 0 : i32
    %dma_wait3A_666 = tpu.memref_slice %arg7[%dma_wait3A_664, %dma_wait3A_665] : memref<1024x64xf32, #tpu.memory_space<vmem>> -> memref<128x64xf32, #tpu.memory_space<vmem>>
    %dma_wait3A_667 = arith.constant 0 : i32
    %dma_wait3A_668 = tpu.memref_slice %arg6[%dma_wait3A_663, %dma_wait3A_667] : memref<8x128xi32, #tpu.memory_space<vmem>> -> memref<1x128xi32, #tpu.memory_space<vmem>>
    %dma_wait3A_669 = tpu.memref_squeeze %dma_wait3A_668 : memref<1x128xi32, #tpu.memory_space<vmem>> -> memref<128xi32, #tpu.memory_space<vmem>>
    %dma_wait3A_670 = arith.constant 0 : i32
    %dma_wait3A_671 = arith.constant 0 : i32
    %dma_wait3A_672 = tpu.memref_slice %arg3[%dma_wait3A_670, %dma_wait3A_671] : memref<8192x64xf32, #tpu.memory_space<hbm>> -> memref<8192x64xf32, #tpu.memory_space<hbm>>
    tpu.wait_indirect_dma semaphore(%arg8 : memref<!tpu.dma_semaphore, #tpu.memory_space<semaphore_mem>>) src(%dma_wait3A_672 : memref<8192x64xf32, #tpu.memory_space<hbm>>) dst(%dma_wait3A_666 : memref<128x64xf32, #tpu.memory_space<vmem>>)
    %run_scoped3A_673 = arith.constant 1 : i32
    "tpu.region"() ({
      %run_scoped3A_1350 = tpu.sem_alloc : memref<!tpu.dma_semaphore, #tpu.memory_space<semaphore_mem>>
      %dma_start3A_1351 = arith.constant 0 : i32
      %dma_start3A_1352 = arith.constant 0 : i32
      %dma_start3A_1353 = tpu.memref_slice %arg5[%add3A_339, %dma_start3A_1351, %run_scoped3A_673, %dma_start3A_1352] : memref<128x1024x2x64xf32, #tpu.memory_space<hbm>> -> memref<1x1024x1x64xf32, #tpu.memory_space<hbm>>
      %dma_start3A_1354 = tpu.memref_squeeze %dma_start3A_1353 : memref<1x1024x1x64xf32, #tpu.memory_space<hbm>> -> memref<1024x64xf32, #tpu.memory_space<hbm>>
      %dma_start3A_1355 = arith.constant 0 : i32
      %dma_start3A_1356 = arith.constant 0 : i32
      %dma_start3A_1357 = tpu.memref_slice %arg5[%add3A_339, %dma_start3A_1355, %run_scoped3A_673, %dma_start3A_1356] : memref<128x1024x2x64xf32, #tpu.memory_space<hbm>> -> memref<1x1024x1x64xf32, #tpu.memory_space<hbm>>
      %dma_start3A_1358 = tpu.memref_squeeze %dma_start3A_1357 : memref<1x1024x1x64xf32, #tpu.memory_space<hbm>> -> memref<1024x64xf32, #tpu.memory_space<hbm>>
      tpu.enqueue_dma source(%arg7 : memref<1024x64xf32, #tpu.memory_space<vmem>>) target(%dma_start3A_1358 : memref<1024x64xf32, #tpu.memory_space<hbm>>) target_semaphore(%run_scoped3A_1350 : memref<!tpu.dma_semaphore, #tpu.memory_space<semaphore_mem>>)
      %dma_wait3A_1359 = arith.constant 0 : i32
      %dma_wait3A_1360 = arith.constant 0 : i32
      %dma_wait3A_1361 = tpu.memref_slice %arg5[%add3A_339, %dma_wait3A_1359, %run_scoped3A_673, %dma_wait3A_1360] : memref<128x1024x2x64xf32, #tpu.memory_space<hbm>> -> memref<1x1024x1x64xf32, #tpu.memory_space<hbm>>
      %dma_wait3A_1362 = tpu.memref_squeeze %dma_wait3A_1361 : memref<1x1024x1x64xf32, #tpu.memory_space<hbm>> -> memref<1024x64xf32, #tpu.memory_space<hbm>>
      %dma_wait3A_1363 = arith.constant 0 : i32
      %dma_wait3A_1364 = arith.constant 0 : i32
      %dma_wait3A_1365 = tpu.memref_slice %arg5[%add3A_339, %dma_wait3A_1363, %run_scoped3A_673, %dma_wait3A_1364] : memref<128x1024x2x64xf32, #tpu.memory_space<hbm>> -> memref<1x1024x1x64xf32, #tpu.memory_space<hbm>>
      %dma_wait3A_1366 = tpu.memref_squeeze %dma_wait3A_1365 : memref<1x1024x1x64xf32, #tpu.memory_space<hbm>> -> memref<1024x64xf32, #tpu.memory_space<hbm>>
      tpu.wait_dma2 semaphore(%run_scoped3A_1350 : memref<!tpu.dma_semaphore, #tpu.memory_space<semaphore_mem>>) src(%arg7 : memref<1024x64xf32, #tpu.memory_space<vmem>>) dst(%dma_wait3A_1366 : memref<1024x64xf32, #tpu.memory_space<hbm>>)
      tpu.yield
    }) : () -> ()
    %mul3A_674 = arith.constant 4 : i32
    %mul3A_675 = arith.muli %add3A, %mul3A_674 : i32
    %add3A_676 = arith.constant 2 : i32
    %add3A_677 = arith.addi %mul3A_675, %add3A_676 : i32
    %mul3A_678 = arith.constant 2 : i32
    %mul3A_679 = arith.muli %add3A_677, %mul3A_678 : i32
    %add3A_680 = arith.constant 0 : i32
    %add3A_681 = arith.addi %mul3A_679, %add3A_680 : i32
    %mul3A_682 = arith.constant 8 : i32
    %mul3A_683 = arith.muli %add3A_681, %mul3A_682 : i32
    "tpu.region"() ({
      %run_scoped3A_1350 = tpu.sem_alloc : memref<!tpu.dma_semaphore, #tpu.memory_space<semaphore_mem>>
      %dma_start3A_1351 = arith.constant 0 : i32
      %dma_start3A_1352 = tpu.memref_slice %arg2[%mul3A_683, %dma_start3A_1351] : memref<2048x128xi32, #tpu.memory_space<hbm>> -> memref<8x128xi32, #tpu.memory_space<hbm>>
      %dma_start3A_1353 = arith.constant 0 : i32
      %dma_start3A_1354 = tpu.memref_slice %arg2[%mul3A_683, %dma_start3A_1353] : memref<2048x128xi32, #tpu.memory_space<hbm>> -> memref<8x128xi32, #tpu.memory_space<hbm>>
      tpu.enqueue_dma source(%dma_start3A_1354 : memref<8x128xi32, #tpu.memory_space<hbm>>) target(%arg6 : memref<8x128xi32, #tpu.memory_space<vmem>>) target_semaphore(%run_scoped3A_1350 : memref<!tpu.dma_semaphore, #tpu.memory_space<semaphore_mem>>)
      %dma_wait3A_1355 = arith.constant 0 : i32
      %dma_wait3A_1356 = tpu.memref_slice %arg2[%mul3A_683, %dma_wait3A_1355] : memref<2048x128xi32, #tpu.memory_space<hbm>> -> memref<8x128xi32, #tpu.memory_space<hbm>>
      %dma_wait3A_1357 = arith.constant 0 : i32
      %dma_wait3A_1358 = tpu.memref_slice %arg2[%mul3A_683, %dma_wait3A_1357] : memref<2048x128xi32, #tpu.memory_space<hbm>> -> memref<8x128xi32, #tpu.memory_space<hbm>>
      tpu.wait_dma2 semaphore(%run_scoped3A_1350 : memref<!tpu.dma_semaphore, #tpu.memory_space<semaphore_mem>>) src(%dma_wait3A_1358 : memref<8x128xi32, #tpu.memory_space<hbm>>) dst(%arg6 : memref<8x128xi32, #tpu.memory_space<vmem>>)
      tpu.yield
    }) : () -> ()
    %dma_start3A_684 = arith.constant 0 : i32
    %dma_start3A_685 = arith.constant 0 : i32
    %dma_start3A_686 = arith.constant 0 : i32
    %dma_start3A_687 = tpu.memref_slice %arg7[%dma_start3A_685, %dma_start3A_686] : memref<1024x64xf32, #tpu.memory_space<vmem>> -> memref<128x64xf32, #tpu.memory_space<vmem>>
    %dma_start3A_688 = arith.constant 0 : i32
    %dma_start3A_689 = tpu.memref_slice %arg6[%dma_start3A_684, %dma_start3A_688] : memref<8x128xi32, #tpu.memory_space<vmem>> -> memref<1x128xi32, #tpu.memory_space<vmem>>
    %dma_start3A_690 = tpu.memref_squeeze %dma_start3A_689 : memref<1x128xi32, #tpu.memory_space<vmem>> -> memref<128xi32, #tpu.memory_space<vmem>>
    %dma_start3A_691 = arith.constant 0 : i32
    %dma_start3A_692 = arith.constant 0 : i32
    %dma_start3A_693 = tpu.memref_slice %arg3[%dma_start3A_691, %dma_start3A_692] : memref<8192x64xf32, #tpu.memory_space<hbm>> -> memref<8192x64xf32, #tpu.memory_space<hbm>>
    tpu.enqueue_indirect_dma source(%dma_start3A_693 : memref<8192x64xf32, #tpu.memory_space<hbm>>) target(%dma_start3A_687 : memref<128x64xf32, #tpu.memory_space<vmem>>) offsets(%dma_start3A_690 : memref<128xi32, #tpu.memory_space<vmem>>) semaphore(%arg8 : memref<!tpu.dma_semaphore, #tpu.memory_space<semaphore_mem>>)
    %dma_start3A_694 = arith.constant 1 : i32
    %dma_start3A_695 = arith.constant 128 : i32
    %dma_start3A_696 = arith.constant 0 : i32
    %dma_start3A_697 = tpu.memref_slice %arg7[%dma_start3A_695, %dma_start3A_696] : memref<1024x64xf32, #tpu.memory_space<vmem>> -> memref<128x64xf32, #tpu.memory_space<vmem>>
    %dma_start3A_698 = arith.constant 0 : i32
    %dma_start3A_699 = tpu.memref_slice %arg6[%dma_start3A_694, %dma_start3A_698] : memref<8x128xi32, #tpu.memory_space<vmem>> -> memref<1x128xi32, #tpu.memory_space<vmem>>
    %dma_start3A_700 = tpu.memref_squeeze %dma_start3A_699 : memref<1x128xi32, #tpu.memory_space<vmem>> -> memref<128xi32, #tpu.memory_space<vmem>>
    %dma_start3A_701 = arith.constant 0 : i32
    %dma_start3A_702 = arith.constant 0 : i32
    %dma_start3A_703 = tpu.memref_slice %arg3[%dma_start3A_701, %dma_start3A_702] : memref<8192x64xf32, #tpu.memory_space<hbm>> -> memref<8192x64xf32, #tpu.memory_space<hbm>>
    tpu.enqueue_indirect_dma source(%dma_start3A_703 : memref<8192x64xf32, #tpu.memory_space<hbm>>) target(%dma_start3A_697 : memref<128x64xf32, #tpu.memory_space<vmem>>) offsets(%dma_start3A_700 : memref<128xi32, #tpu.memory_space<vmem>>) semaphore(%arg8 : memref<!tpu.dma_semaphore, #tpu.memory_space<semaphore_mem>>)
    %dma_start3A_704 = arith.constant 2 : i32
    %dma_start3A_705 = arith.constant 256 : i32
    %dma_start3A_706 = arith.constant 0 : i32
    %dma_start3A_707 = tpu.memref_slice %arg7[%dma_start3A_705, %dma_start3A_706] : memref<1024x64xf32, #tpu.memory_space<vmem>> -> memref<128x64xf32, #tpu.memory_space<vmem>>
    %dma_start3A_708 = arith.constant 0 : i32
    %dma_start3A_709 = tpu.memref_slice %arg6[%dma_start3A_704, %dma_start3A_708] : memref<8x128xi32, #tpu.memory_space<vmem>> -> memref<1x128xi32, #tpu.memory_space<vmem>>
    %dma_start3A_710 = tpu.memref_squeeze %dma_start3A_709 : memref<1x128xi32, #tpu.memory_space<vmem>> -> memref<128xi32, #tpu.memory_space<vmem>>
    %dma_start3A_711 = arith.constant 0 : i32
    %dma_start3A_712 = arith.constant 0 : i32
    %dma_start3A_713 = tpu.memref_slice %arg3[%dma_start3A_711, %dma_start3A_712] : memref<8192x64xf32, #tpu.memory_space<hbm>> -> memref<8192x64xf32, #tpu.memory_space<hbm>>
    tpu.enqueue_indirect_dma source(%dma_start3A_713 : memref<8192x64xf32, #tpu.memory_space<hbm>>) target(%dma_start3A_707 : memref<128x64xf32, #tpu.memory_space<vmem>>) offsets(%dma_start3A_710 : memref<128xi32, #tpu.memory_space<vmem>>) semaphore(%arg8 : memref<!tpu.dma_semaphore, #tpu.memory_space<semaphore_mem>>)
    %dma_start3A_714 = arith.constant 3 : i32
    %dma_start3A_715 = arith.constant 384 : i32
    %dma_start3A_716 = arith.constant 0 : i32
    %dma_start3A_717 = tpu.memref_slice %arg7[%dma_start3A_715, %dma_start3A_716] : memref<1024x64xf32, #tpu.memory_space<vmem>> -> memref<128x64xf32, #tpu.memory_space<vmem>>
    %dma_start3A_718 = arith.constant 0 : i32
    %dma_start3A_719 = tpu.memref_slice %arg6[%dma_start3A_714, %dma_start3A_718] : memref<8x128xi32, #tpu.memory_space<vmem>> -> memref<1x128xi32, #tpu.memory_space<vmem>>
    %dma_start3A_720 = tpu.memref_squeeze %dma_start3A_719 : memref<1x128xi32, #tpu.memory_space<vmem>> -> memref<128xi32, #tpu.memory_space<vmem>>
    %dma_start3A_721 = arith.constant 0 : i32
    %dma_start3A_722 = arith.constant 0 : i32
    %dma_start3A_723 = tpu.memref_slice %arg3[%dma_start3A_721, %dma_start3A_722] : memref<8192x64xf32, #tpu.memory_space<hbm>> -> memref<8192x64xf32, #tpu.memory_space<hbm>>
    tpu.enqueue_indirect_dma source(%dma_start3A_723 : memref<8192x64xf32, #tpu.memory_space<hbm>>) target(%dma_start3A_717 : memref<128x64xf32, #tpu.memory_space<vmem>>) offsets(%dma_start3A_720 : memref<128xi32, #tpu.memory_space<vmem>>) semaphore(%arg8 : memref<!tpu.dma_semaphore, #tpu.memory_space<semaphore_mem>>)
    %dma_start3A_724 = arith.constant 4 : i32
    %dma_start3A_725 = arith.constant 512 : i32
    %dma_start3A_726 = arith.constant 0 : i32
    %dma_start3A_727 = tpu.memref_slice %arg7[%dma_start3A_725, %dma_start3A_726] : memref<1024x64xf32, #tpu.memory_space<vmem>> -> memref<128x64xf32, #tpu.memory_space<vmem>>
    %dma_start3A_728 = arith.constant 0 : i32
    %dma_start3A_729 = tpu.memref_slice %arg6[%dma_start3A_724, %dma_start3A_728] : memref<8x128xi32, #tpu.memory_space<vmem>> -> memref<1x128xi32, #tpu.memory_space<vmem>>
    %dma_start3A_730 = tpu.memref_squeeze %dma_start3A_729 : memref<1x128xi32, #tpu.memory_space<vmem>> -> memref<128xi32, #tpu.memory_space<vmem>>
    %dma_start3A_731 = arith.constant 0 : i32
    %dma_start3A_732 = arith.constant 0 : i32
    %dma_start3A_733 = tpu.memref_slice %arg3[%dma_start3A_731, %dma_start3A_732] : memref<8192x64xf32, #tpu.memory_space<hbm>> -> memref<8192x64xf32, #tpu.memory_space<hbm>>
    tpu.enqueue_indirect_dma source(%dma_start3A_733 : memref<8192x64xf32, #tpu.memory_space<hbm>>) target(%dma_start3A_727 : memref<128x64xf32, #tpu.memory_space<vmem>>) offsets(%dma_start3A_730 : memref<128xi32, #tpu.memory_space<vmem>>) semaphore(%arg8 : memref<!tpu.dma_semaphore, #tpu.memory_space<semaphore_mem>>)
    %dma_start3A_734 = arith.constant 5 : i32
    %dma_start3A_735 = arith.constant 640 : i32
    %dma_start3A_736 = arith.constant 0 : i32
    %dma_start3A_737 = tpu.memref_slice %arg7[%dma_start3A_735, %dma_start3A_736] : memref<1024x64xf32, #tpu.memory_space<vmem>> -> memref<128x64xf32, #tpu.memory_space<vmem>>
    %dma_start3A_738 = arith.constant 0 : i32
    %dma_start3A_739 = tpu.memref_slice %arg6[%dma_start3A_734, %dma_start3A_738] : memref<8x128xi32, #tpu.memory_space<vmem>> -> memref<1x128xi32, #tpu.memory_space<vmem>>
    %dma_start3A_740 = tpu.memref_squeeze %dma_start3A_739 : memref<1x128xi32, #tpu.memory_space<vmem>> -> memref<128xi32, #tpu.memory_space<vmem>>
    %dma_start3A_741 = arith.constant 0 : i32
    %dma_start3A_742 = arith.constant 0 : i32
    %dma_start3A_743 = tpu.memref_slice %arg3[%dma_start3A_741, %dma_start3A_742] : memref<8192x64xf32, #tpu.memory_space<hbm>> -> memref<8192x64xf32, #tpu.memory_space<hbm>>
    tpu.enqueue_indirect_dma source(%dma_start3A_743 : memref<8192x64xf32, #tpu.memory_space<hbm>>) target(%dma_start3A_737 : memref<128x64xf32, #tpu.memory_space<vmem>>) offsets(%dma_start3A_740 : memref<128xi32, #tpu.memory_space<vmem>>) semaphore(%arg8 : memref<!tpu.dma_semaphore, #tpu.memory_space<semaphore_mem>>)
    %dma_start3A_744 = arith.constant 6 : i32
    %dma_start3A_745 = arith.constant 768 : i32
    %dma_start3A_746 = arith.constant 0 : i32
    %dma_start3A_747 = tpu.memref_slice %arg7[%dma_start3A_745, %dma_start3A_746] : memref<1024x64xf32, #tpu.memory_space<vmem>> -> memref<128x64xf32, #tpu.memory_space<vmem>>
    %dma_start3A_748 = arith.constant 0 : i32
    %dma_start3A_749 = tpu.memref_slice %arg6[%dma_start3A_744, %dma_start3A_748] : memref<8x128xi32, #tpu.memory_space<vmem>> -> memref<1x128xi32, #tpu.memory_space<vmem>>
    %dma_start3A_750 = tpu.memref_squeeze %dma_start3A_749 : memref<1x128xi32, #tpu.memory_space<vmem>> -> memref<128xi32, #tpu.memory_space<vmem>>
    %dma_start3A_751 = arith.constant 0 : i32
    %dma_start3A_752 = arith.constant 0 : i32
    %dma_start3A_753 = tpu.memref_slice %arg3[%dma_start3A_751, %dma_start3A_752] : memref<8192x64xf32, #tpu.memory_space<hbm>> -> memref<8192x64xf32, #tpu.memory_space<hbm>>
    tpu.enqueue_indirect_dma source(%dma_start3A_753 : memref<8192x64xf32, #tpu.memory_space<hbm>>) target(%dma_start3A_747 : memref<128x64xf32, #tpu.memory_space<vmem>>) offsets(%dma_start3A_750 : memref<128xi32, #tpu.memory_space<vmem>>) semaphore(%arg8 : memref<!tpu.dma_semaphore, #tpu.memory_space<semaphore_mem>>)
    %dma_start3A_754 = arith.constant 7 : i32
    %dma_start3A_755 = arith.constant 896 : i32
    %dma_start3A_756 = arith.constant 0 : i32
    %dma_start3A_757 = tpu.memref_slice %arg7[%dma_start3A_755, %dma_start3A_756] : memref<1024x64xf32, #tpu.memory_space<vmem>> -> memref<128x64xf32, #tpu.memory_space<vmem>>
    %dma_start3A_758 = arith.constant 0 : i32
    %dma_start3A_759 = tpu.memref_slice %arg6[%dma_start3A_754, %dma_start3A_758] : memref<8x128xi32, #tpu.memory_space<vmem>> -> memref<1x128xi32, #tpu.memory_space<vmem>>
    %dma_start3A_760 = tpu.memref_squeeze %dma_start3A_759 : memref<1x128xi32, #tpu.memory_space<vmem>> -> memref<128xi32, #tpu.memory_space<vmem>>
    %dma_start3A_761 = arith.constant 0 : i32
    %dma_start3A_762 = arith.constant 0 : i32
    %dma_start3A_763 = tpu.memref_slice %arg3[%dma_start3A_761, %dma_start3A_762] : memref<8192x64xf32, #tpu.memory_space<hbm>> -> memref<8192x64xf32, #tpu.memory_space<hbm>>
    tpu.enqueue_indirect_dma source(%dma_start3A_763 : memref<8192x64xf32, #tpu.memory_space<hbm>>) target(%dma_start3A_757 : memref<128x64xf32, #tpu.memory_space<vmem>>) offsets(%dma_start3A_760 : memref<128xi32, #tpu.memory_space<vmem>>) semaphore(%arg8 : memref<!tpu.dma_semaphore, #tpu.memory_space<semaphore_mem>>)
    %dma_wait3A_764 = arith.constant 0 : i32
    %dma_wait3A_765 = arith.constant 0 : i32
    %dma_wait3A_766 = arith.constant 0 : i32
    %dma_wait3A_767 = tpu.memref_slice %arg7[%dma_wait3A_765, %dma_wait3A_766] : memref<1024x64xf32, #tpu.memory_space<vmem>> -> memref<128x64xf32, #tpu.memory_space<vmem>>
    %dma_wait3A_768 = arith.constant 0 : i32
    %dma_wait3A_769 = tpu.memref_slice %arg6[%dma_wait3A_764, %dma_wait3A_768] : memref<8x128xi32, #tpu.memory_space<vmem>> -> memref<1x128xi32, #tpu.memory_space<vmem>>
    %dma_wait3A_770 = tpu.memref_squeeze %dma_wait3A_769 : memref<1x128xi32, #tpu.memory_space<vmem>> -> memref<128xi32, #tpu.memory_space<vmem>>
    %dma_wait3A_771 = arith.constant 0 : i32
    %dma_wait3A_772 = arith.constant 0 : i32
    %dma_wait3A_773 = tpu.memref_slice %arg3[%dma_wait3A_771, %dma_wait3A_772] : memref<8192x64xf32, #tpu.memory_space<hbm>> -> memref<8192x64xf32, #tpu.memory_space<hbm>>
    tpu.wait_indirect_dma semaphore(%arg8 : memref<!tpu.dma_semaphore, #tpu.memory_space<semaphore_mem>>) src(%dma_wait3A_773 : memref<8192x64xf32, #tpu.memory_space<hbm>>) dst(%dma_wait3A_767 : memref<128x64xf32, #tpu.memory_space<vmem>>)
    %dma_wait3A_774 = arith.constant 1 : i32
    %dma_wait3A_775 = arith.constant 128 : i32
    %dma_wait3A_776 = arith.constant 0 : i32
    %dma_wait3A_777 = tpu.memref_slice %arg7[%dma_wait3A_775, %dma_wait3A_776] : memref<1024x64xf32, #tpu.memory_space<vmem>> -> memref<128x64xf32, #tpu.memory_space<vmem>>
    %dma_wait3A_778 = arith.constant 0 : i32
    %dma_wait3A_779 = tpu.memref_slice %arg6[%dma_wait3A_774, %dma_wait3A_778] : memref<8x128xi32, #tpu.memory_space<vmem>> -> memref<1x128xi32, #tpu.memory_space<vmem>>
    %dma_wait3A_780 = tpu.memref_squeeze %dma_wait3A_779 : memref<1x128xi32, #tpu.memory_space<vmem>> -> memref<128xi32, #tpu.memory_space<vmem>>
    %dma_wait3A_781 = arith.constant 0 : i32
    %dma_wait3A_782 = arith.constant 0 : i32
    %dma_wait3A_783 = tpu.memref_slice %arg3[%dma_wait3A_781, %dma_wait3A_782] : memref<8192x64xf32, #tpu.memory_space<hbm>> -> memref<8192x64xf32, #tpu.memory_space<hbm>>
    tpu.wait_indirect_dma semaphore(%arg8 : memref<!tpu.dma_semaphore, #tpu.memory_space<semaphore_mem>>) src(%dma_wait3A_783 : memref<8192x64xf32, #tpu.memory_space<hbm>>) dst(%dma_wait3A_777 : memref<128x64xf32, #tpu.memory_space<vmem>>)
    %dma_wait3A_784 = arith.constant 2 : i32
    %dma_wait3A_785 = arith.constant 256 : i32
    %dma_wait3A_786 = arith.constant 0 : i32
    %dma_wait3A_787 = tpu.memref_slice %arg7[%dma_wait3A_785, %dma_wait3A_786] : memref<1024x64xf32, #tpu.memory_space<vmem>> -> memref<128x64xf32, #tpu.memory_space<vmem>>
    %dma_wait3A_788 = arith.constant 0 : i32
    %dma_wait3A_789 = tpu.memref_slice %arg6[%dma_wait3A_784, %dma_wait3A_788] : memref<8x128xi32, #tpu.memory_space<vmem>> -> memref<1x128xi32, #tpu.memory_space<vmem>>
    %dma_wait3A_790 = tpu.memref_squeeze %dma_wait3A_789 : memref<1x128xi32, #tpu.memory_space<vmem>> -> memref<128xi32, #tpu.memory_space<vmem>>
    %dma_wait3A_791 = arith.constant 0 : i32
    %dma_wait3A_792 = arith.constant 0 : i32
    %dma_wait3A_793 = tpu.memref_slice %arg3[%dma_wait3A_791, %dma_wait3A_792] : memref<8192x64xf32, #tpu.memory_space<hbm>> -> memref<8192x64xf32, #tpu.memory_space<hbm>>
    tpu.wait_indirect_dma semaphore(%arg8 : memref<!tpu.dma_semaphore, #tpu.memory_space<semaphore_mem>>) src(%dma_wait3A_793 : memref<8192x64xf32, #tpu.memory_space<hbm>>) dst(%dma_wait3A_787 : memref<128x64xf32, #tpu.memory_space<vmem>>)
    %dma_wait3A_794 = arith.constant 3 : i32
    %dma_wait3A_795 = arith.constant 384 : i32
    %dma_wait3A_796 = arith.constant 0 : i32
    %dma_wait3A_797 = tpu.memref_slice %arg7[%dma_wait3A_795, %dma_wait3A_796] : memref<1024x64xf32, #tpu.memory_space<vmem>> -> memref<128x64xf32, #tpu.memory_space<vmem>>
    %dma_wait3A_798 = arith.constant 0 : i32
    %dma_wait3A_799 = tpu.memref_slice %arg6[%dma_wait3A_794, %dma_wait3A_798] : memref<8x128xi32, #tpu.memory_space<vmem>> -> memref<1x128xi32, #tpu.memory_space<vmem>>
    %dma_wait3A_800 = tpu.memref_squeeze %dma_wait3A_799 : memref<1x128xi32, #tpu.memory_space<vmem>> -> memref<128xi32, #tpu.memory_space<vmem>>
    %dma_wait3A_801 = arith.constant 0 : i32
    %dma_wait3A_802 = arith.constant 0 : i32
    %dma_wait3A_803 = tpu.memref_slice %arg3[%dma_wait3A_801, %dma_wait3A_802] : memref<8192x64xf32, #tpu.memory_space<hbm>> -> memref<8192x64xf32, #tpu.memory_space<hbm>>
    tpu.wait_indirect_dma semaphore(%arg8 : memref<!tpu.dma_semaphore, #tpu.memory_space<semaphore_mem>>) src(%dma_wait3A_803 : memref<8192x64xf32, #tpu.memory_space<hbm>>) dst(%dma_wait3A_797 : memref<128x64xf32, #tpu.memory_space<vmem>>)
    %dma_wait3A_804 = arith.constant 4 : i32
    %dma_wait3A_805 = arith.constant 512 : i32
    %dma_wait3A_806 = arith.constant 0 : i32
    %dma_wait3A_807 = tpu.memref_slice %arg7[%dma_wait3A_805, %dma_wait3A_806] : memref<1024x64xf32, #tpu.memory_space<vmem>> -> memref<128x64xf32, #tpu.memory_space<vmem>>
    %dma_wait3A_808 = arith.constant 0 : i32
    %dma_wait3A_809 = tpu.memref_slice %arg6[%dma_wait3A_804, %dma_wait3A_808] : memref<8x128xi32, #tpu.memory_space<vmem>> -> memref<1x128xi32, #tpu.memory_space<vmem>>
    %dma_wait3A_810 = tpu.memref_squeeze %dma_wait3A_809 : memref<1x128xi32, #tpu.memory_space<vmem>> -> memref<128xi32, #tpu.memory_space<vmem>>
    %dma_wait3A_811 = arith.constant 0 : i32
    %dma_wait3A_812 = arith.constant 0 : i32
    %dma_wait3A_813 = tpu.memref_slice %arg3[%dma_wait3A_811, %dma_wait3A_812] : memref<8192x64xf32, #tpu.memory_space<hbm>> -> memref<8192x64xf32, #tpu.memory_space<hbm>>
    tpu.wait_indirect_dma semaphore(%arg8 : memref<!tpu.dma_semaphore, #tpu.memory_space<semaphore_mem>>) src(%dma_wait3A_813 : memref<8192x64xf32, #tpu.memory_space<hbm>>) dst(%dma_wait3A_807 : memref<128x64xf32, #tpu.memory_space<vmem>>)
    %dma_wait3A_814 = arith.constant 5 : i32
    %dma_wait3A_815 = arith.constant 640 : i32
    %dma_wait3A_816 = arith.constant 0 : i32
    %dma_wait3A_817 = tpu.memref_slice %arg7[%dma_wait3A_815, %dma_wait3A_816] : memref<1024x64xf32, #tpu.memory_space<vmem>> -> memref<128x64xf32, #tpu.memory_space<vmem>>
    %dma_wait3A_818 = arith.constant 0 : i32
    %dma_wait3A_819 = tpu.memref_slice %arg6[%dma_wait3A_814, %dma_wait3A_818] : memref<8x128xi32, #tpu.memory_space<vmem>> -> memref<1x128xi32, #tpu.memory_space<vmem>>
    %dma_wait3A_820 = tpu.memref_squeeze %dma_wait3A_819 : memref<1x128xi32, #tpu.memory_space<vmem>> -> memref<128xi32, #tpu.memory_space<vmem>>
    %dma_wait3A_821 = arith.constant 0 : i32
    %dma_wait3A_822 = arith.constant 0 : i32
    %dma_wait3A_823 = tpu.memref_slice %arg3[%dma_wait3A_821, %dma_wait3A_822] : memref<8192x64xf32, #tpu.memory_space<hbm>> -> memref<8192x64xf32, #tpu.memory_space<hbm>>
    tpu.wait_indirect_dma semaphore(%arg8 : memref<!tpu.dma_semaphore, #tpu.memory_space<semaphore_mem>>) src(%dma_wait3A_823 : memref<8192x64xf32, #tpu.memory_space<hbm>>) dst(%dma_wait3A_817 : memref<128x64xf32, #tpu.memory_space<vmem>>)
    %dma_wait3A_824 = arith.constant 6 : i32
    %dma_wait3A_825 = arith.constant 768 : i32
    %dma_wait3A_826 = arith.constant 0 : i32
    %dma_wait3A_827 = tpu.memref_slice %arg7[%dma_wait3A_825, %dma_wait3A_826] : memref<1024x64xf32, #tpu.memory_space<vmem>> -> memref<128x64xf32, #tpu.memory_space<vmem>>
    %dma_wait3A_828 = arith.constant 0 : i32
    %dma_wait3A_829 = tpu.memref_slice %arg6[%dma_wait3A_824, %dma_wait3A_828] : memref<8x128xi32, #tpu.memory_space<vmem>> -> memref<1x128xi32, #tpu.memory_space<vmem>>
    %dma_wait3A_830 = tpu.memref_squeeze %dma_wait3A_829 : memref<1x128xi32, #tpu.memory_space<vmem>> -> memref<128xi32, #tpu.memory_space<vmem>>
    %dma_wait3A_831 = arith.constant 0 : i32
    %dma_wait3A_832 = arith.constant 0 : i32
    %dma_wait3A_833 = tpu.memref_slice %arg3[%dma_wait3A_831, %dma_wait3A_832] : memref<8192x64xf32, #tpu.memory_space<hbm>> -> memref<8192x64xf32, #tpu.memory_space<hbm>>
    tpu.wait_indirect_dma semaphore(%arg8 : memref<!tpu.dma_semaphore, #tpu.memory_space<semaphore_mem>>) src(%dma_wait3A_833 : memref<8192x64xf32, #tpu.memory_space<hbm>>) dst(%dma_wait3A_827 : memref<128x64xf32, #tpu.memory_space<vmem>>)
    %dma_wait3A_834 = arith.constant 7 : i32
    %dma_wait3A_835 = arith.constant 896 : i32
    %dma_wait3A_836 = arith.constant 0 : i32
    %dma_wait3A_837 = tpu.memref_slice %arg7[%dma_wait3A_835, %dma_wait3A_836] : memref<1024x64xf32, #tpu.memory_space<vmem>> -> memref<128x64xf32, #tpu.memory_space<vmem>>
    %dma_wait3A_838 = arith.constant 0 : i32
    %dma_wait3A_839 = tpu.memref_slice %arg6[%dma_wait3A_834, %dma_wait3A_838] : memref<8x128xi32, #tpu.memory_space<vmem>> -> memref<1x128xi32, #tpu.memory_space<vmem>>
    %dma_wait3A_840 = tpu.memref_squeeze %dma_wait3A_839 : memref<1x128xi32, #tpu.memory_space<vmem>> -> memref<128xi32, #tpu.memory_space<vmem>>
    %dma_wait3A_841 = arith.constant 0 : i32
    %dma_wait3A_842 = arith.constant 0 : i32
    %dma_wait3A_843 = tpu.memref_slice %arg3[%dma_wait3A_841, %dma_wait3A_842] : memref<8192x64xf32, #tpu.memory_space<hbm>> -> memref<8192x64xf32, #tpu.memory_space<hbm>>
    tpu.wait_indirect_dma semaphore(%arg8 : memref<!tpu.dma_semaphore, #tpu.memory_space<semaphore_mem>>) src(%dma_wait3A_843 : memref<8192x64xf32, #tpu.memory_space<hbm>>) dst(%dma_wait3A_837 : memref<128x64xf32, #tpu.memory_space<vmem>>)
    %run_scoped3A_844 = arith.constant 0 : i32
    "tpu.region"() ({
      %run_scoped3A_1350 = tpu.sem_alloc : memref<!tpu.dma_semaphore, #tpu.memory_space<semaphore_mem>>
      %dma_start3A_1351 = arith.constant 0 : i32
      %dma_start3A_1352 = arith.constant 0 : i32
      %dma_start3A_1353 = tpu.memref_slice %arg5[%add3A_677, %dma_start3A_1351, %run_scoped3A_844, %dma_start3A_1352] : memref<128x1024x2x64xf32, #tpu.memory_space<hbm>> -> memref<1x1024x1x64xf32, #tpu.memory_space<hbm>>
      %dma_start3A_1354 = tpu.memref_squeeze %dma_start3A_1353 : memref<1x1024x1x64xf32, #tpu.memory_space<hbm>> -> memref<1024x64xf32, #tpu.memory_space<hbm>>
      %dma_start3A_1355 = arith.constant 0 : i32
      %dma_start3A_1356 = arith.constant 0 : i32
      %dma_start3A_1357 = tpu.memref_slice %arg5[%add3A_677, %dma_start3A_1355, %run_scoped3A_844, %dma_start3A_1356] : memref<128x1024x2x64xf32, #tpu.memory_space<hbm>> -> memref<1x1024x1x64xf32, #tpu.memory_space<hbm>>
      %dma_start3A_1358 = tpu.memref_squeeze %dma_start3A_1357 : memref<1x1024x1x64xf32, #tpu.memory_space<hbm>> -> memref<1024x64xf32, #tpu.memory_space<hbm>>
      tpu.enqueue_dma source(%arg7 : memref<1024x64xf32, #tpu.memory_space<vmem>>) target(%dma_start3A_1358 : memref<1024x64xf32, #tpu.memory_space<hbm>>) target_semaphore(%run_scoped3A_1350 : memref<!tpu.dma_semaphore, #tpu.memory_space<semaphore_mem>>)
      %dma_wait3A_1359 = arith.constant 0 : i32
      %dma_wait3A_1360 = arith.constant 0 : i32
      %dma_wait3A_1361 = tpu.memref_slice %arg5[%add3A_677, %dma_wait3A_1359, %run_scoped3A_844, %dma_wait3A_1360] : memref<128x1024x2x64xf32, #tpu.memory_space<hbm>> -> memref<1x1024x1x64xf32, #tpu.memory_space<hbm>>
      %dma_wait3A_1362 = tpu.memref_squeeze %dma_wait3A_1361 : memref<1x1024x1x64xf32, #tpu.memory_space<hbm>> -> memref<1024x64xf32, #tpu.memory_space<hbm>>
      %dma_wait3A_1363 = arith.constant 0 : i32
      %dma_wait3A_1364 = arith.constant 0 : i32
      %dma_wait3A_1365 = tpu.memref_slice %arg5[%add3A_677, %dma_wait3A_1363, %run_scoped3A_844, %dma_wait3A_1364] : memref<128x1024x2x64xf32, #tpu.memory_space<hbm>> -> memref<1x1024x1x64xf32, #tpu.memory_space<hbm>>
      %dma_wait3A_1366 = tpu.memref_squeeze %dma_wait3A_1365 : memref<1x1024x1x64xf32, #tpu.memory_space<hbm>> -> memref<1024x64xf32, #tpu.memory_space<hbm>>
      tpu.wait_dma2 semaphore(%run_scoped3A_1350 : memref<!tpu.dma_semaphore, #tpu.memory_space<semaphore_mem>>) src(%arg7 : memref<1024x64xf32, #tpu.memory_space<vmem>>) dst(%dma_wait3A_1366 : memref<1024x64xf32, #tpu.memory_space<hbm>>)
      tpu.yield
    }) : () -> ()
    %mul3A_845 = arith.constant 2 : i32
    %mul3A_846 = arith.muli %add3A_677, %mul3A_845 : i32
    %add3A_847 = arith.constant 1 : i32
    %add3A_848 = arith.addi %mul3A_846, %add3A_847 : i32
    %mul3A_849 = arith.constant 8 : i32
    %mul3A_850 = arith.muli %add3A_848, %mul3A_849 : i32
    "tpu.region"() ({
      %run_scoped3A_1350 = tpu.sem_alloc : memref<!tpu.dma_semaphore, #tpu.memory_space<semaphore_mem>>
      %dma_start3A_1351 = arith.constant 0 : i32
      %dma_start3A_1352 = tpu.memref_slice %arg2[%mul3A_850, %dma_start3A_1351] : memref<2048x128xi32, #tpu.memory_space<hbm>> -> memref<8x128xi32, #tpu.memory_space<hbm>>
      %dma_start3A_1353 = arith.constant 0 : i32
      %dma_start3A_1354 = tpu.memref_slice %arg2[%mul3A_850, %dma_start3A_1353] : memref<2048x128xi32, #tpu.memory_space<hbm>> -> memref<8x128xi32, #tpu.memory_space<hbm>>
      tpu.enqueue_dma source(%dma_start3A_1354 : memref<8x128xi32, #tpu.memory_space<hbm>>) target(%arg6 : memref<8x128xi32, #tpu.memory_space<vmem>>) target_semaphore(%run_scoped3A_1350 : memref<!tpu.dma_semaphore, #tpu.memory_space<semaphore_mem>>)
      %dma_wait3A_1355 = arith.constant 0 : i32
      %dma_wait3A_1356 = tpu.memref_slice %arg2[%mul3A_850, %dma_wait3A_1355] : memref<2048x128xi32, #tpu.memory_space<hbm>> -> memref<8x128xi32, #tpu.memory_space<hbm>>
      %dma_wait3A_1357 = arith.constant 0 : i32
      %dma_wait3A_1358 = tpu.memref_slice %arg2[%mul3A_850, %dma_wait3A_1357] : memref<2048x128xi32, #tpu.memory_space<hbm>> -> memref<8x128xi32, #tpu.memory_space<hbm>>
      tpu.wait_dma2 semaphore(%run_scoped3A_1350 : memref<!tpu.dma_semaphore, #tpu.memory_space<semaphore_mem>>) src(%dma_wait3A_1358 : memref<8x128xi32, #tpu.memory_space<hbm>>) dst(%arg6 : memref<8x128xi32, #tpu.memory_space<vmem>>)
      tpu.yield
    }) : () -> ()
    %dma_start3A_851 = arith.constant 0 : i32
    %dma_start3A_852 = arith.constant 0 : i32
    %dma_start3A_853 = arith.constant 0 : i32
    %dma_start3A_854 = tpu.memref_slice %arg7[%dma_start3A_852, %dma_start3A_853] : memref<1024x64xf32, #tpu.memory_space<vmem>> -> memref<128x64xf32, #tpu.memory_space<vmem>>
    %dma_start3A_855 = arith.constant 0 : i32
    %dma_start3A_856 = tpu.memref_slice %arg6[%dma_start3A_851, %dma_start3A_855] : memref<8x128xi32, #tpu.memory_space<vmem>> -> memref<1x128xi32, #tpu.memory_space<vmem>>
    %dma_start3A_857 = tpu.memref_squeeze %dma_start3A_856 : memref<1x128xi32, #tpu.memory_space<vmem>> -> memref<128xi32, #tpu.memory_space<vmem>>
    %dma_start3A_858 = arith.constant 0 : i32
    %dma_start3A_859 = arith.constant 0 : i32
    %dma_start3A_860 = tpu.memref_slice %arg3[%dma_start3A_858, %dma_start3A_859] : memref<8192x64xf32, #tpu.memory_space<hbm>> -> memref<8192x64xf32, #tpu.memory_space<hbm>>
    tpu.enqueue_indirect_dma source(%dma_start3A_860 : memref<8192x64xf32, #tpu.memory_space<hbm>>) target(%dma_start3A_854 : memref<128x64xf32, #tpu.memory_space<vmem>>) offsets(%dma_start3A_857 : memref<128xi32, #tpu.memory_space<vmem>>) semaphore(%arg8 : memref<!tpu.dma_semaphore, #tpu.memory_space<semaphore_mem>>)
    %dma_start3A_861 = arith.constant 1 : i32
    %dma_start3A_862 = arith.constant 128 : i32
    %dma_start3A_863 = arith.constant 0 : i32
    %dma_start3A_864 = tpu.memref_slice %arg7[%dma_start3A_862, %dma_start3A_863] : memref<1024x64xf32, #tpu.memory_space<vmem>> -> memref<128x64xf32, #tpu.memory_space<vmem>>
    %dma_start3A_865 = arith.constant 0 : i32
    %dma_start3A_866 = tpu.memref_slice %arg6[%dma_start3A_861, %dma_start3A_865] : memref<8x128xi32, #tpu.memory_space<vmem>> -> memref<1x128xi32, #tpu.memory_space<vmem>>
    %dma_start3A_867 = tpu.memref_squeeze %dma_start3A_866 : memref<1x128xi32, #tpu.memory_space<vmem>> -> memref<128xi32, #tpu.memory_space<vmem>>
    %dma_start3A_868 = arith.constant 0 : i32
    %dma_start3A_869 = arith.constant 0 : i32
    %dma_start3A_870 = tpu.memref_slice %arg3[%dma_start3A_868, %dma_start3A_869] : memref<8192x64xf32, #tpu.memory_space<hbm>> -> memref<8192x64xf32, #tpu.memory_space<hbm>>
    tpu.enqueue_indirect_dma source(%dma_start3A_870 : memref<8192x64xf32, #tpu.memory_space<hbm>>) target(%dma_start3A_864 : memref<128x64xf32, #tpu.memory_space<vmem>>) offsets(%dma_start3A_867 : memref<128xi32, #tpu.memory_space<vmem>>) semaphore(%arg8 : memref<!tpu.dma_semaphore, #tpu.memory_space<semaphore_mem>>)
    %dma_start3A_871 = arith.constant 2 : i32
    %dma_start3A_872 = arith.constant 256 : i32
    %dma_start3A_873 = arith.constant 0 : i32
    %dma_start3A_874 = tpu.memref_slice %arg7[%dma_start3A_872, %dma_start3A_873] : memref<1024x64xf32, #tpu.memory_space<vmem>> -> memref<128x64xf32, #tpu.memory_space<vmem>>
    %dma_start3A_875 = arith.constant 0 : i32
    %dma_start3A_876 = tpu.memref_slice %arg6[%dma_start3A_871, %dma_start3A_875] : memref<8x128xi32, #tpu.memory_space<vmem>> -> memref<1x128xi32, #tpu.memory_space<vmem>>
    %dma_start3A_877 = tpu.memref_squeeze %dma_start3A_876 : memref<1x128xi32, #tpu.memory_space<vmem>> -> memref<128xi32, #tpu.memory_space<vmem>>
    %dma_start3A_878 = arith.constant 0 : i32
    %dma_start3A_879 = arith.constant 0 : i32
    %dma_start3A_880 = tpu.memref_slice %arg3[%dma_start3A_878, %dma_start3A_879] : memref<8192x64xf32, #tpu.memory_space<hbm>> -> memref<8192x64xf32, #tpu.memory_space<hbm>>
    tpu.enqueue_indirect_dma source(%dma_start3A_880 : memref<8192x64xf32, #tpu.memory_space<hbm>>) target(%dma_start3A_874 : memref<128x64xf32, #tpu.memory_space<vmem>>) offsets(%dma_start3A_877 : memref<128xi32, #tpu.memory_space<vmem>>) semaphore(%arg8 : memref<!tpu.dma_semaphore, #tpu.memory_space<semaphore_mem>>)
    %dma_start3A_881 = arith.constant 3 : i32
    %dma_start3A_882 = arith.constant 384 : i32
    %dma_start3A_883 = arith.constant 0 : i32
    %dma_start3A_884 = tpu.memref_slice %arg7[%dma_start3A_882, %dma_start3A_883] : memref<1024x64xf32, #tpu.memory_space<vmem>> -> memref<128x64xf32, #tpu.memory_space<vmem>>
    %dma_start3A_885 = arith.constant 0 : i32
    %dma_start3A_886 = tpu.memref_slice %arg6[%dma_start3A_881, %dma_start3A_885] : memref<8x128xi32, #tpu.memory_space<vmem>> -> memref<1x128xi32, #tpu.memory_space<vmem>>
    %dma_start3A_887 = tpu.memref_squeeze %dma_start3A_886 : memref<1x128xi32, #tpu.memory_space<vmem>> -> memref<128xi32, #tpu.memory_space<vmem>>
    %dma_start3A_888 = arith.constant 0 : i32
    %dma_start3A_889 = arith.constant 0 : i32
    %dma_start3A_890 = tpu.memref_slice %arg3[%dma_start3A_888, %dma_start3A_889] : memref<8192x64xf32, #tpu.memory_space<hbm>> -> memref<8192x64xf32, #tpu.memory_space<hbm>>
    tpu.enqueue_indirect_dma source(%dma_start3A_890 : memref<8192x64xf32, #tpu.memory_space<hbm>>) target(%dma_start3A_884 : memref<128x64xf32, #tpu.memory_space<vmem>>) offsets(%dma_start3A_887 : memref<128xi32, #tpu.memory_space<vmem>>) semaphore(%arg8 : memref<!tpu.dma_semaphore, #tpu.memory_space<semaphore_mem>>)
    %dma_start3A_891 = arith.constant 4 : i32
    %dma_start3A_892 = arith.constant 512 : i32
    %dma_start3A_893 = arith.constant 0 : i32
    %dma_start3A_894 = tpu.memref_slice %arg7[%dma_start3A_892, %dma_start3A_893] : memref<1024x64xf32, #tpu.memory_space<vmem>> -> memref<128x64xf32, #tpu.memory_space<vmem>>
    %dma_start3A_895 = arith.constant 0 : i32
    %dma_start3A_896 = tpu.memref_slice %arg6[%dma_start3A_891, %dma_start3A_895] : memref<8x128xi32, #tpu.memory_space<vmem>> -> memref<1x128xi32, #tpu.memory_space<vmem>>
    %dma_start3A_897 = tpu.memref_squeeze %dma_start3A_896 : memref<1x128xi32, #tpu.memory_space<vmem>> -> memref<128xi32, #tpu.memory_space<vmem>>
    %dma_start3A_898 = arith.constant 0 : i32
    %dma_start3A_899 = arith.constant 0 : i32
    %dma_start3A_900 = tpu.memref_slice %arg3[%dma_start3A_898, %dma_start3A_899] : memref<8192x64xf32, #tpu.memory_space<hbm>> -> memref<8192x64xf32, #tpu.memory_space<hbm>>
    tpu.enqueue_indirect_dma source(%dma_start3A_900 : memref<8192x64xf32, #tpu.memory_space<hbm>>) target(%dma_start3A_894 : memref<128x64xf32, #tpu.memory_space<vmem>>) offsets(%dma_start3A_897 : memref<128xi32, #tpu.memory_space<vmem>>) semaphore(%arg8 : memref<!tpu.dma_semaphore, #tpu.memory_space<semaphore_mem>>)
    %dma_start3A_901 = arith.constant 5 : i32
    %dma_start3A_902 = arith.constant 640 : i32
    %dma_start3A_903 = arith.constant 0 : i32
    %dma_start3A_904 = tpu.memref_slice %arg7[%dma_start3A_902, %dma_start3A_903] : memref<1024x64xf32, #tpu.memory_space<vmem>> -> memref<128x64xf32, #tpu.memory_space<vmem>>
    %dma_start3A_905 = arith.constant 0 : i32
    %dma_start3A_906 = tpu.memref_slice %arg6[%dma_start3A_901, %dma_start3A_905] : memref<8x128xi32, #tpu.memory_space<vmem>> -> memref<1x128xi32, #tpu.memory_space<vmem>>
    %dma_start3A_907 = tpu.memref_squeeze %dma_start3A_906 : memref<1x128xi32, #tpu.memory_space<vmem>> -> memref<128xi32, #tpu.memory_space<vmem>>
    %dma_start3A_908 = arith.constant 0 : i32
    %dma_start3A_909 = arith.constant 0 : i32
    %dma_start3A_910 = tpu.memref_slice %arg3[%dma_start3A_908, %dma_start3A_909] : memref<8192x64xf32, #tpu.memory_space<hbm>> -> memref<8192x64xf32, #tpu.memory_space<hbm>>
    tpu.enqueue_indirect_dma source(%dma_start3A_910 : memref<8192x64xf32, #tpu.memory_space<hbm>>) target(%dma_start3A_904 : memref<128x64xf32, #tpu.memory_space<vmem>>) offsets(%dma_start3A_907 : memref<128xi32, #tpu.memory_space<vmem>>) semaphore(%arg8 : memref<!tpu.dma_semaphore, #tpu.memory_space<semaphore_mem>>)
    %dma_start3A_911 = arith.constant 6 : i32
    %dma_start3A_912 = arith.constant 768 : i32
    %dma_start3A_913 = arith.constant 0 : i32
    %dma_start3A_914 = tpu.memref_slice %arg7[%dma_start3A_912, %dma_start3A_913] : memref<1024x64xf32, #tpu.memory_space<vmem>> -> memref<128x64xf32, #tpu.memory_space<vmem>>
    %dma_start3A_915 = arith.constant 0 : i32
    %dma_start3A_916 = tpu.memref_slice %arg6[%dma_start3A_911, %dma_start3A_915] : memref<8x128xi32, #tpu.memory_space<vmem>> -> memref<1x128xi32, #tpu.memory_space<vmem>>
    %dma_start3A_917 = tpu.memref_squeeze %dma_start3A_916 : memref<1x128xi32, #tpu.memory_space<vmem>> -> memref<128xi32, #tpu.memory_space<vmem>>
    %dma_start3A_918 = arith.constant 0 : i32
    %dma_start3A_919 = arith.constant 0 : i32
    %dma_start3A_920 = tpu.memref_slice %arg3[%dma_start3A_918, %dma_start3A_919] : memref<8192x64xf32, #tpu.memory_space<hbm>> -> memref<8192x64xf32, #tpu.memory_space<hbm>>
    tpu.enqueue_indirect_dma source(%dma_start3A_920 : memref<8192x64xf32, #tpu.memory_space<hbm>>) target(%dma_start3A_914 : memref<128x64xf32, #tpu.memory_space<vmem>>) offsets(%dma_start3A_917 : memref<128xi32, #tpu.memory_space<vmem>>) semaphore(%arg8 : memref<!tpu.dma_semaphore, #tpu.memory_space<semaphore_mem>>)
    %dma_start3A_921 = arith.constant 7 : i32
    %dma_start3A_922 = arith.constant 896 : i32
    %dma_start3A_923 = arith.constant 0 : i32
    %dma_start3A_924 = tpu.memref_slice %arg7[%dma_start3A_922, %dma_start3A_923] : memref<1024x64xf32, #tpu.memory_space<vmem>> -> memref<128x64xf32, #tpu.memory_space<vmem>>
    %dma_start3A_925 = arith.constant 0 : i32
    %dma_start3A_926 = tpu.memref_slice %arg6[%dma_start3A_921, %dma_start3A_925] : memref<8x128xi32, #tpu.memory_space<vmem>> -> memref<1x128xi32, #tpu.memory_space<vmem>>
    %dma_start3A_927 = tpu.memref_squeeze %dma_start3A_926 : memref<1x128xi32, #tpu.memory_space<vmem>> -> memref<128xi32, #tpu.memory_space<vmem>>
    %dma_start3A_928 = arith.constant 0 : i32
    %dma_start3A_929 = arith.constant 0 : i32
    %dma_start3A_930 = tpu.memref_slice %arg3[%dma_start3A_928, %dma_start3A_929] : memref<8192x64xf32, #tpu.memory_space<hbm>> -> memref<8192x64xf32, #tpu.memory_space<hbm>>
    tpu.enqueue_indirect_dma source(%dma_start3A_930 : memref<8192x64xf32, #tpu.memory_space<hbm>>) target(%dma_start3A_924 : memref<128x64xf32, #tpu.memory_space<vmem>>) offsets(%dma_start3A_927 : memref<128xi32, #tpu.memory_space<vmem>>) semaphore(%arg8 : memref<!tpu.dma_semaphore, #tpu.memory_space<semaphore_mem>>)
    %dma_wait3A_931 = arith.constant 0 : i32
    %dma_wait3A_932 = arith.constant 0 : i32
    %dma_wait3A_933 = arith.constant 0 : i32
    %dma_wait3A_934 = tpu.memref_slice %arg7[%dma_wait3A_932, %dma_wait3A_933] : memref<1024x64xf32, #tpu.memory_space<vmem>> -> memref<128x64xf32, #tpu.memory_space<vmem>>
    %dma_wait3A_935 = arith.constant 0 : i32
    %dma_wait3A_936 = tpu.memref_slice %arg6[%dma_wait3A_931, %dma_wait3A_935] : memref<8x128xi32, #tpu.memory_space<vmem>> -> memref<1x128xi32, #tpu.memory_space<vmem>>
    %dma_wait3A_937 = tpu.memref_squeeze %dma_wait3A_936 : memref<1x128xi32, #tpu.memory_space<vmem>> -> memref<128xi32, #tpu.memory_space<vmem>>
    %dma_wait3A_938 = arith.constant 0 : i32
    %dma_wait3A_939 = arith.constant 0 : i32
    %dma_wait3A_940 = tpu.memref_slice %arg3[%dma_wait3A_938, %dma_wait3A_939] : memref<8192x64xf32, #tpu.memory_space<hbm>> -> memref<8192x64xf32, #tpu.memory_space<hbm>>
    tpu.wait_indirect_dma semaphore(%arg8 : memref<!tpu.dma_semaphore, #tpu.memory_space<semaphore_mem>>) src(%dma_wait3A_940 : memref<8192x64xf32, #tpu.memory_space<hbm>>) dst(%dma_wait3A_934 : memref<128x64xf32, #tpu.memory_space<vmem>>)
    %dma_wait3A_941 = arith.constant 1 : i32
    %dma_wait3A_942 = arith.constant 128 : i32
    %dma_wait3A_943 = arith.constant 0 : i32
    %dma_wait3A_944 = tpu.memref_slice %arg7[%dma_wait3A_942, %dma_wait3A_943] : memref<1024x64xf32, #tpu.memory_space<vmem>> -> memref<128x64xf32, #tpu.memory_space<vmem>>
    %dma_wait3A_945 = arith.constant 0 : i32
    %dma_wait3A_946 = tpu.memref_slice %arg6[%dma_wait3A_941, %dma_wait3A_945] : memref<8x128xi32, #tpu.memory_space<vmem>> -> memref<1x128xi32, #tpu.memory_space<vmem>>
    %dma_wait3A_947 = tpu.memref_squeeze %dma_wait3A_946 : memref<1x128xi32, #tpu.memory_space<vmem>> -> memref<128xi32, #tpu.memory_space<vmem>>
    %dma_wait3A_948 = arith.constant 0 : i32
    %dma_wait3A_949 = arith.constant 0 : i32
    %dma_wait3A_950 = tpu.memref_slice %arg3[%dma_wait3A_948, %dma_wait3A_949] : memref<8192x64xf32, #tpu.memory_space<hbm>> -> memref<8192x64xf32, #tpu.memory_space<hbm>>
    tpu.wait_indirect_dma semaphore(%arg8 : memref<!tpu.dma_semaphore, #tpu.memory_space<semaphore_mem>>) src(%dma_wait3A_950 : memref<8192x64xf32, #tpu.memory_space<hbm>>) dst(%dma_wait3A_944 : memref<128x64xf32, #tpu.memory_space<vmem>>)
    %dma_wait3A_951 = arith.constant 2 : i32
    %dma_wait3A_952 = arith.constant 256 : i32
    %dma_wait3A_953 = arith.constant 0 : i32
    %dma_wait3A_954 = tpu.memref_slice %arg7[%dma_wait3A_952, %dma_wait3A_953] : memref<1024x64xf32, #tpu.memory_space<vmem>> -> memref<128x64xf32, #tpu.memory_space<vmem>>
    %dma_wait3A_955 = arith.constant 0 : i32
    %dma_wait3A_956 = tpu.memref_slice %arg6[%dma_wait3A_951, %dma_wait3A_955] : memref<8x128xi32, #tpu.memory_space<vmem>> -> memref<1x128xi32, #tpu.memory_space<vmem>>
    %dma_wait3A_957 = tpu.memref_squeeze %dma_wait3A_956 : memref<1x128xi32, #tpu.memory_space<vmem>> -> memref<128xi32, #tpu.memory_space<vmem>>
    %dma_wait3A_958 = arith.constant 0 : i32
    %dma_wait3A_959 = arith.constant 0 : i32
    %dma_wait3A_960 = tpu.memref_slice %arg3[%dma_wait3A_958, %dma_wait3A_959] : memref<8192x64xf32, #tpu.memory_space<hbm>> -> memref<8192x64xf32, #tpu.memory_space<hbm>>
    tpu.wait_indirect_dma semaphore(%arg8 : memref<!tpu.dma_semaphore, #tpu.memory_space<semaphore_mem>>) src(%dma_wait3A_960 : memref<8192x64xf32, #tpu.memory_space<hbm>>) dst(%dma_wait3A_954 : memref<128x64xf32, #tpu.memory_space<vmem>>)
    %dma_wait3A_961 = arith.constant 3 : i32
    %dma_wait3A_962 = arith.constant 384 : i32
    %dma_wait3A_963 = arith.constant 0 : i32
    %dma_wait3A_964 = tpu.memref_slice %arg7[%dma_wait3A_962, %dma_wait3A_963] : memref<1024x64xf32, #tpu.memory_space<vmem>> -> memref<128x64xf32, #tpu.memory_space<vmem>>
    %dma_wait3A_965 = arith.constant 0 : i32
    %dma_wait3A_966 = tpu.memref_slice %arg6[%dma_wait3A_961, %dma_wait3A_965] : memref<8x128xi32, #tpu.memory_space<vmem>> -> memref<1x128xi32, #tpu.memory_space<vmem>>
    %dma_wait3A_967 = tpu.memref_squeeze %dma_wait3A_966 : memref<1x128xi32, #tpu.memory_space<vmem>> -> memref<128xi32, #tpu.memory_space<vmem>>
    %dma_wait3A_968 = arith.constant 0 : i32
    %dma_wait3A_969 = arith.constant 0 : i32
    %dma_wait3A_970 = tpu.memref_slice %arg3[%dma_wait3A_968, %dma_wait3A_969] : memref<8192x64xf32, #tpu.memory_space<hbm>> -> memref<8192x64xf32, #tpu.memory_space<hbm>>
    tpu.wait_indirect_dma semaphore(%arg8 : memref<!tpu.dma_semaphore, #tpu.memory_space<semaphore_mem>>) src(%dma_wait3A_970 : memref<8192x64xf32, #tpu.memory_space<hbm>>) dst(%dma_wait3A_964 : memref<128x64xf32, #tpu.memory_space<vmem>>)
    %dma_wait3A_971 = arith.constant 4 : i32
    %dma_wait3A_972 = arith.constant 512 : i32
    %dma_wait3A_973 = arith.constant 0 : i32
    %dma_wait3A_974 = tpu.memref_slice %arg7[%dma_wait3A_972, %dma_wait3A_973] : memref<1024x64xf32, #tpu.memory_space<vmem>> -> memref<128x64xf32, #tpu.memory_space<vmem>>
    %dma_wait3A_975 = arith.constant 0 : i32
    %dma_wait3A_976 = tpu.memref_slice %arg6[%dma_wait3A_971, %dma_wait3A_975] : memref<8x128xi32, #tpu.memory_space<vmem>> -> memref<1x128xi32, #tpu.memory_space<vmem>>
    %dma_wait3A_977 = tpu.memref_squeeze %dma_wait3A_976 : memref<1x128xi32, #tpu.memory_space<vmem>> -> memref<128xi32, #tpu.memory_space<vmem>>
    %dma_wait3A_978 = arith.constant 0 : i32
    %dma_wait3A_979 = arith.constant 0 : i32
    %dma_wait3A_980 = tpu.memref_slice %arg3[%dma_wait3A_978, %dma_wait3A_979] : memref<8192x64xf32, #tpu.memory_space<hbm>> -> memref<8192x64xf32, #tpu.memory_space<hbm>>
    tpu.wait_indirect_dma semaphore(%arg8 : memref<!tpu.dma_semaphore, #tpu.memory_space<semaphore_mem>>) src(%dma_wait3A_980 : memref<8192x64xf32, #tpu.memory_space<hbm>>) dst(%dma_wait3A_974 : memref<128x64xf32, #tpu.memory_space<vmem>>)
    %dma_wait3A_981 = arith.constant 5 : i32
    %dma_wait3A_982 = arith.constant 640 : i32
    %dma_wait3A_983 = arith.constant 0 : i32
    %dma_wait3A_984 = tpu.memref_slice %arg7[%dma_wait3A_982, %dma_wait3A_983] : memref<1024x64xf32, #tpu.memory_space<vmem>> -> memref<128x64xf32, #tpu.memory_space<vmem>>
    %dma_wait3A_985 = arith.constant 0 : i32
    %dma_wait3A_986 = tpu.memref_slice %arg6[%dma_wait3A_981, %dma_wait3A_985] : memref<8x128xi32, #tpu.memory_space<vmem>> -> memref<1x128xi32, #tpu.memory_space<vmem>>
    %dma_wait3A_987 = tpu.memref_squeeze %dma_wait3A_986 : memref<1x128xi32, #tpu.memory_space<vmem>> -> memref<128xi32, #tpu.memory_space<vmem>>
    %dma_wait3A_988 = arith.constant 0 : i32
    %dma_wait3A_989 = arith.constant 0 : i32
    %dma_wait3A_990 = tpu.memref_slice %arg3[%dma_wait3A_988, %dma_wait3A_989] : memref<8192x64xf32, #tpu.memory_space<hbm>> -> memref<8192x64xf32, #tpu.memory_space<hbm>>
    tpu.wait_indirect_dma semaphore(%arg8 : memref<!tpu.dma_semaphore, #tpu.memory_space<semaphore_mem>>) src(%dma_wait3A_990 : memref<8192x64xf32, #tpu.memory_space<hbm>>) dst(%dma_wait3A_984 : memref<128x64xf32, #tpu.memory_space<vmem>>)
    %dma_wait3A_991 = arith.constant 6 : i32
    %dma_wait3A_992 = arith.constant 768 : i32
    %dma_wait3A_993 = arith.constant 0 : i32
    %dma_wait3A_994 = tpu.memref_slice %arg7[%dma_wait3A_992, %dma_wait3A_993] : memref<1024x64xf32, #tpu.memory_space<vmem>> -> memref<128x64xf32, #tpu.memory_space<vmem>>
    %dma_wait3A_995 = arith.constant 0 : i32
    %dma_wait3A_996 = tpu.memref_slice %arg6[%dma_wait3A_991, %dma_wait3A_995] : memref<8x128xi32, #tpu.memory_space<vmem>> -> memref<1x128xi32, #tpu.memory_space<vmem>>
    %dma_wait3A_997 = tpu.memref_squeeze %dma_wait3A_996 : memref<1x128xi32, #tpu.memory_space<vmem>> -> memref<128xi32, #tpu.memory_space<vmem>>
    %dma_wait3A_998 = arith.constant 0 : i32
    %dma_wait3A_999 = arith.constant 0 : i32
    %dma_wait3A_1000 = tpu.memref_slice %arg3[%dma_wait3A_998, %dma_wait3A_999] : memref<8192x64xf32, #tpu.memory_space<hbm>> -> memref<8192x64xf32, #tpu.memory_space<hbm>>
    tpu.wait_indirect_dma semaphore(%arg8 : memref<!tpu.dma_semaphore, #tpu.memory_space<semaphore_mem>>) src(%dma_wait3A_1000 : memref<8192x64xf32, #tpu.memory_space<hbm>>) dst(%dma_wait3A_994 : memref<128x64xf32, #tpu.memory_space<vmem>>)
    %dma_wait3A_1001 = arith.constant 7 : i32
    %dma_wait3A_1002 = arith.constant 896 : i32
    %dma_wait3A_1003 = arith.constant 0 : i32
    %dma_wait3A_1004 = tpu.memref_slice %arg7[%dma_wait3A_1002, %dma_wait3A_1003] : memref<1024x64xf32, #tpu.memory_space<vmem>> -> memref<128x64xf32, #tpu.memory_space<vmem>>
    %dma_wait3A_1005 = arith.constant 0 : i32
    %dma_wait3A_1006 = tpu.memref_slice %arg6[%dma_wait3A_1001, %dma_wait3A_1005] : memref<8x128xi32, #tpu.memory_space<vmem>> -> memref<1x128xi32, #tpu.memory_space<vmem>>
    %dma_wait3A_1007 = tpu.memref_squeeze %dma_wait3A_1006 : memref<1x128xi32, #tpu.memory_space<vmem>> -> memref<128xi32, #tpu.memory_space<vmem>>
    %dma_wait3A_1008 = arith.constant 0 : i32
    %dma_wait3A_1009 = arith.constant 0 : i32
    %dma_wait3A_1010 = tpu.memref_slice %arg3[%dma_wait3A_1008, %dma_wait3A_1009] : memref<8192x64xf32, #tpu.memory_space<hbm>> -> memref<8192x64xf32, #tpu.memory_space<hbm>>
    tpu.wait_indirect_dma semaphore(%arg8 : memref<!tpu.dma_semaphore, #tpu.memory_space<semaphore_mem>>) src(%dma_wait3A_1010 : memref<8192x64xf32, #tpu.memory_space<hbm>>) dst(%dma_wait3A_1004 : memref<128x64xf32, #tpu.memory_space<vmem>>)
    %run_scoped3A_1011 = arith.constant 1 : i32
    "tpu.region"() ({
      %run_scoped3A_1350 = tpu.sem_alloc : memref<!tpu.dma_semaphore, #tpu.memory_space<semaphore_mem>>
      %dma_start3A_1351 = arith.constant 0 : i32
      %dma_start3A_1352 = arith.constant 0 : i32
      %dma_start3A_1353 = tpu.memref_slice %arg5[%add3A_677, %dma_start3A_1351, %run_scoped3A_1011, %dma_start3A_1352] : memref<128x1024x2x64xf32, #tpu.memory_space<hbm>> -> memref<1x1024x1x64xf32, #tpu.memory_space<hbm>>
      %dma_start3A_1354 = tpu.memref_squeeze %dma_start3A_1353 : memref<1x1024x1x64xf32, #tpu.memory_space<hbm>> -> memref<1024x64xf32, #tpu.memory_space<hbm>>
      %dma_start3A_1355 = arith.constant 0 : i32
      %dma_start3A_1356 = arith.constant 0 : i32
      %dma_start3A_1357 = tpu.memref_slice %arg5[%add3A_677, %dma_start3A_1355, %run_scoped3A_1011, %dma_start3A_1356] : memref<128x1024x2x64xf32, #tpu.memory_space<hbm>> -> memref<1x1024x1x64xf32, #tpu.memory_space<hbm>>
      %dma_start3A_1358 = tpu.memref_squeeze %dma_start3A_1357 : memref<1x1024x1x64xf32, #tpu.memory_space<hbm>> -> memref<1024x64xf32, #tpu.memory_space<hbm>>
      tpu.enqueue_dma source(%arg7 : memref<1024x64xf32, #tpu.memory_space<vmem>>) target(%dma_start3A_1358 : memref<1024x64xf32, #tpu.memory_space<hbm>>) target_semaphore(%run_scoped3A_1350 : memref<!tpu.dma_semaphore, #tpu.memory_space<semaphore_mem>>)
      %dma_wait3A_1359 = arith.constant 0 : i32
      %dma_wait3A_1360 = arith.constant 0 : i32
      %dma_wait3A_1361 = tpu.memref_slice %arg5[%add3A_677, %dma_wait3A_1359, %run_scoped3A_1011, %dma_wait3A_1360] : memref<128x1024x2x64xf32, #tpu.memory_space<hbm>> -> memref<1x1024x1x64xf32, #tpu.memory_space<hbm>>
      %dma_wait3A_1362 = tpu.memref_squeeze %dma_wait3A_1361 : memref<1x1024x1x64xf32, #tpu.memory_space<hbm>> -> memref<1024x64xf32, #tpu.memory_space<hbm>>
      %dma_wait3A_1363 = arith.constant 0 : i32
      %dma_wait3A_1364 = arith.constant 0 : i32
      %dma_wait3A_1365 = tpu.memref_slice %arg5[%add3A_677, %dma_wait3A_1363, %run_scoped3A_1011, %dma_wait3A_1364] : memref<128x1024x2x64xf32, #tpu.memory_space<hbm>> -> memref<1x1024x1x64xf32, #tpu.memory_space<hbm>>
      %dma_wait3A_1366 = tpu.memref_squeeze %dma_wait3A_1365 : memref<1x1024x1x64xf32, #tpu.memory_space<hbm>> -> memref<1024x64xf32, #tpu.memory_space<hbm>>
      tpu.wait_dma2 semaphore(%run_scoped3A_1350 : memref<!tpu.dma_semaphore, #tpu.memory_space<semaphore_mem>>) src(%arg7 : memref<1024x64xf32, #tpu.memory_space<vmem>>) dst(%dma_wait3A_1366 : memref<1024x64xf32, #tpu.memory_space<hbm>>)
      tpu.yield
    }) : () -> ()
    %mul3A_1012 = arith.constant 4 : i32
    %mul3A_1013 = arith.muli %add3A, %mul3A_1012 : i32
    %add3A_1014 = arith.constant 3 : i32
    %add3A_1015 = arith.addi %mul3A_1013, %add3A_1014 : i32
    %mul3A_1016 = arith.constant 2 : i32
    %mul3A_1017 = arith.muli %add3A_1015, %mul3A_1016 : i32
    %add3A_1018 = arith.constant 0 : i32
    %add3A_1019 = arith.addi %mul3A_1017, %add3A_1018 : i32
    %mul3A_1020 = arith.constant 8 : i32
    %mul3A_1021 = arith.muli %add3A_1019, %mul3A_1020 : i32
    "tpu.region"() ({
      %run_scoped3A_1350 = tpu.sem_alloc : memref<!tpu.dma_semaphore, #tpu.memory_space<semaphore_mem>>
      %dma_start3A_1351 = arith.constant 0 : i32
      %dma_start3A_1352 = tpu.memref_slice %arg2[%mul3A_1021, %dma_start3A_1351] : memref<2048x128xi32, #tpu.memory_space<hbm>> -> memref<8x128xi32, #tpu.memory_space<hbm>>
      %dma_start3A_1353 = arith.constant 0 : i32
      %dma_start3A_1354 = tpu.memref_slice %arg2[%mul3A_1021, %dma_start3A_1353] : memref<2048x128xi32, #tpu.memory_space<hbm>> -> memref<8x128xi32, #tpu.memory_space<hbm>>
      tpu.enqueue_dma source(%dma_start3A_1354 : memref<8x128xi32, #tpu.memory_space<hbm>>) target(%arg6 : memref<8x128xi32, #tpu.memory_space<vmem>>) target_semaphore(%run_scoped3A_1350 : memref<!tpu.dma_semaphore, #tpu.memory_space<semaphore_mem>>)
      %dma_wait3A_1355 = arith.constant 0 : i32
      %dma_wait3A_1356 = tpu.memref_slice %arg2[%mul3A_1021, %dma_wait3A_1355] : memref<2048x128xi32, #tpu.memory_space<hbm>> -> memref<8x128xi32, #tpu.memory_space<hbm>>
      %dma_wait3A_1357 = arith.constant 0 : i32
      %dma_wait3A_1358 = tpu.memref_slice %arg2[%mul3A_1021, %dma_wait3A_1357] : memref<2048x128xi32, #tpu.memory_space<hbm>> -> memref<8x128xi32, #tpu.memory_space<hbm>>
      tpu.wait_dma2 semaphore(%run_scoped3A_1350 : memref<!tpu.dma_semaphore, #tpu.memory_space<semaphore_mem>>) src(%dma_wait3A_1358 : memref<8x128xi32, #tpu.memory_space<hbm>>) dst(%arg6 : memref<8x128xi32, #tpu.memory_space<vmem>>)
      tpu.yield
    }) : () -> ()
    %dma_start3A_1022 = arith.constant 0 : i32
    %dma_start3A_1023 = arith.constant 0 : i32
    %dma_start3A_1024 = arith.constant 0 : i32
    %dma_start3A_1025 = tpu.memref_slice %arg7[%dma_start3A_1023, %dma_start3A_1024] : memref<1024x64xf32, #tpu.memory_space<vmem>> -> memref<128x64xf32, #tpu.memory_space<vmem>>
    %dma_start3A_1026 = arith.constant 0 : i32
    %dma_start3A_1027 = tpu.memref_slice %arg6[%dma_start3A_1022, %dma_start3A_1026] : memref<8x128xi32, #tpu.memory_space<vmem>> -> memref<1x128xi32, #tpu.memory_space<vmem>>
    %dma_start3A_1028 = tpu.memref_squeeze %dma_start3A_1027 : memref<1x128xi32, #tpu.memory_space<vmem>> -> memref<128xi32, #tpu.memory_space<vmem>>
    %dma_start3A_1029 = arith.constant 0 : i32
    %dma_start3A_1030 = arith.constant 0 : i32
    %dma_start3A_1031 = tpu.memref_slice %arg3[%dma_start3A_1029, %dma_start3A_1030] : memref<8192x64xf32, #tpu.memory_space<hbm>> -> memref<8192x64xf32, #tpu.memory_space<hbm>>
    tpu.enqueue_indirect_dma source(%dma_start3A_1031 : memref<8192x64xf32, #tpu.memory_space<hbm>>) target(%dma_start3A_1025 : memref<128x64xf32, #tpu.memory_space<vmem>>) offsets(%dma_start3A_1028 : memref<128xi32, #tpu.memory_space<vmem>>) semaphore(%arg8 : memref<!tpu.dma_semaphore, #tpu.memory_space<semaphore_mem>>)
    %dma_start3A_1032 = arith.constant 1 : i32
    %dma_start3A_1033 = arith.constant 128 : i32
    %dma_start3A_1034 = arith.constant 0 : i32
    %dma_start3A_1035 = tpu.memref_slice %arg7[%dma_start3A_1033, %dma_start3A_1034] : memref<1024x64xf32, #tpu.memory_space<vmem>> -> memref<128x64xf32, #tpu.memory_space<vmem>>
    %dma_start3A_1036 = arith.constant 0 : i32
    %dma_start3A_1037 = tpu.memref_slice %arg6[%dma_start3A_1032, %dma_start3A_1036] : memref<8x128xi32, #tpu.memory_space<vmem>> -> memref<1x128xi32, #tpu.memory_space<vmem>>
    %dma_start3A_1038 = tpu.memref_squeeze %dma_start3A_1037 : memref<1x128xi32, #tpu.memory_space<vmem>> -> memref<128xi32, #tpu.memory_space<vmem>>
    %dma_start3A_1039 = arith.constant 0 : i32
    %dma_start3A_1040 = arith.constant 0 : i32
    %dma_start3A_1041 = tpu.memref_slice %arg3[%dma_start3A_1039, %dma_start3A_1040] : memref<8192x64xf32, #tpu.memory_space<hbm>> -> memref<8192x64xf32, #tpu.memory_space<hbm>>
    tpu.enqueue_indirect_dma source(%dma_start3A_1041 : memref<8192x64xf32, #tpu.memory_space<hbm>>) target(%dma_start3A_1035 : memref<128x64xf32, #tpu.memory_space<vmem>>) offsets(%dma_start3A_1038 : memref<128xi32, #tpu.memory_space<vmem>>) semaphore(%arg8 : memref<!tpu.dma_semaphore, #tpu.memory_space<semaphore_mem>>)
    %dma_start3A_1042 = arith.constant 2 : i32
    %dma_start3A_1043 = arith.constant 256 : i32
    %dma_start3A_1044 = arith.constant 0 : i32
    %dma_start3A_1045 = tpu.memref_slice %arg7[%dma_start3A_1043, %dma_start3A_1044] : memref<1024x64xf32, #tpu.memory_space<vmem>> -> memref<128x64xf32, #tpu.memory_space<vmem>>
    %dma_start3A_1046 = arith.constant 0 : i32
    %dma_start3A_1047 = tpu.memref_slice %arg6[%dma_start3A_1042, %dma_start3A_1046] : memref<8x128xi32, #tpu.memory_space<vmem>> -> memref<1x128xi32, #tpu.memory_space<vmem>>
    %dma_start3A_1048 = tpu.memref_squeeze %dma_start3A_1047 : memref<1x128xi32, #tpu.memory_space<vmem>> -> memref<128xi32, #tpu.memory_space<vmem>>
    %dma_start3A_1049 = arith.constant 0 : i32
    %dma_start3A_1050 = arith.constant 0 : i32
    %dma_start3A_1051 = tpu.memref_slice %arg3[%dma_start3A_1049, %dma_start3A_1050] : memref<8192x64xf32, #tpu.memory_space<hbm>> -> memref<8192x64xf32, #tpu.memory_space<hbm>>
    tpu.enqueue_indirect_dma source(%dma_start3A_1051 : memref<8192x64xf32, #tpu.memory_space<hbm>>) target(%dma_start3A_1045 : memref<128x64xf32, #tpu.memory_space<vmem>>) offsets(%dma_start3A_1048 : memref<128xi32, #tpu.memory_space<vmem>>) semaphore(%arg8 : memref<!tpu.dma_semaphore, #tpu.memory_space<semaphore_mem>>)
    %dma_start3A_1052 = arith.constant 3 : i32
    %dma_start3A_1053 = arith.constant 384 : i32
    %dma_start3A_1054 = arith.constant 0 : i32
    %dma_start3A_1055 = tpu.memref_slice %arg7[%dma_start3A_1053, %dma_start3A_1054] : memref<1024x64xf32, #tpu.memory_space<vmem>> -> memref<128x64xf32, #tpu.memory_space<vmem>>
    %dma_start3A_1056 = arith.constant 0 : i32
    %dma_start3A_1057 = tpu.memref_slice %arg6[%dma_start3A_1052, %dma_start3A_1056] : memref<8x128xi32, #tpu.memory_space<vmem>> -> memref<1x128xi32, #tpu.memory_space<vmem>>
    %dma_start3A_1058 = tpu.memref_squeeze %dma_start3A_1057 : memref<1x128xi32, #tpu.memory_space<vmem>> -> memref<128xi32, #tpu.memory_space<vmem>>
    %dma_start3A_1059 = arith.constant 0 : i32
    %dma_start3A_1060 = arith.constant 0 : i32
    %dma_start3A_1061 = tpu.memref_slice %arg3[%dma_start3A_1059, %dma_start3A_1060] : memref<8192x64xf32, #tpu.memory_space<hbm>> -> memref<8192x64xf32, #tpu.memory_space<hbm>>
    tpu.enqueue_indirect_dma source(%dma_start3A_1061 : memref<8192x64xf32, #tpu.memory_space<hbm>>) target(%dma_start3A_1055 : memref<128x64xf32, #tpu.memory_space<vmem>>) offsets(%dma_start3A_1058 : memref<128xi32, #tpu.memory_space<vmem>>) semaphore(%arg8 : memref<!tpu.dma_semaphore, #tpu.memory_space<semaphore_mem>>)
    %dma_start3A_1062 = arith.constant 4 : i32
    %dma_start3A_1063 = arith.constant 512 : i32
    %dma_start3A_1064 = arith.constant 0 : i32
    %dma_start3A_1065 = tpu.memref_slice %arg7[%dma_start3A_1063, %dma_start3A_1064] : memref<1024x64xf32, #tpu.memory_space<vmem>> -> memref<128x64xf32, #tpu.memory_space<vmem>>
    %dma_start3A_1066 = arith.constant 0 : i32
    %dma_start3A_1067 = tpu.memref_slice %arg6[%dma_start3A_1062, %dma_start3A_1066] : memref<8x128xi32, #tpu.memory_space<vmem>> -> memref<1x128xi32, #tpu.memory_space<vmem>>
    %dma_start3A_1068 = tpu.memref_squeeze %dma_start3A_1067 : memref<1x128xi32, #tpu.memory_space<vmem>> -> memref<128xi32, #tpu.memory_space<vmem>>
    %dma_start3A_1069 = arith.constant 0 : i32
    %dma_start3A_1070 = arith.constant 0 : i32
    %dma_start3A_1071 = tpu.memref_slice %arg3[%dma_start3A_1069, %dma_start3A_1070] : memref<8192x64xf32, #tpu.memory_space<hbm>> -> memref<8192x64xf32, #tpu.memory_space<hbm>>
    tpu.enqueue_indirect_dma source(%dma_start3A_1071 : memref<8192x64xf32, #tpu.memory_space<hbm>>) target(%dma_start3A_1065 : memref<128x64xf32, #tpu.memory_space<vmem>>) offsets(%dma_start3A_1068 : memref<128xi32, #tpu.memory_space<vmem>>) semaphore(%arg8 : memref<!tpu.dma_semaphore, #tpu.memory_space<semaphore_mem>>)
    %dma_start3A_1072 = arith.constant 5 : i32
    %dma_start3A_1073 = arith.constant 640 : i32
    %dma_start3A_1074 = arith.constant 0 : i32
    %dma_start3A_1075 = tpu.memref_slice %arg7[%dma_start3A_1073, %dma_start3A_1074] : memref<1024x64xf32, #tpu.memory_space<vmem>> -> memref<128x64xf32, #tpu.memory_space<vmem>>
    %dma_start3A_1076 = arith.constant 0 : i32
    %dma_start3A_1077 = tpu.memref_slice %arg6[%dma_start3A_1072, %dma_start3A_1076] : memref<8x128xi32, #tpu.memory_space<vmem>> -> memref<1x128xi32, #tpu.memory_space<vmem>>
    %dma_start3A_1078 = tpu.memref_squeeze %dma_start3A_1077 : memref<1x128xi32, #tpu.memory_space<vmem>> -> memref<128xi32, #tpu.memory_space<vmem>>
    %dma_start3A_1079 = arith.constant 0 : i32
    %dma_start3A_1080 = arith.constant 0 : i32
    %dma_start3A_1081 = tpu.memref_slice %arg3[%dma_start3A_1079, %dma_start3A_1080] : memref<8192x64xf32, #tpu.memory_space<hbm>> -> memref<8192x64xf32, #tpu.memory_space<hbm>>
    tpu.enqueue_indirect_dma source(%dma_start3A_1081 : memref<8192x64xf32, #tpu.memory_space<hbm>>) target(%dma_start3A_1075 : memref<128x64xf32, #tpu.memory_space<vmem>>) offsets(%dma_start3A_1078 : memref<128xi32, #tpu.memory_space<vmem>>) semaphore(%arg8 : memref<!tpu.dma_semaphore, #tpu.memory_space<semaphore_mem>>)
    %dma_start3A_1082 = arith.constant 6 : i32
    %dma_start3A_1083 = arith.constant 768 : i32
    %dma_start3A_1084 = arith.constant 0 : i32
    %dma_start3A_1085 = tpu.memref_slice %arg7[%dma_start3A_1083, %dma_start3A_1084] : memref<1024x64xf32, #tpu.memory_space<vmem>> -> memref<128x64xf32, #tpu.memory_space<vmem>>
    %dma_start3A_1086 = arith.constant 0 : i32
    %dma_start3A_1087 = tpu.memref_slice %arg6[%dma_start3A_1082, %dma_start3A_1086] : memref<8x128xi32, #tpu.memory_space<vmem>> -> memref<1x128xi32, #tpu.memory_space<vmem>>
    %dma_start3A_1088 = tpu.memref_squeeze %dma_start3A_1087 : memref<1x128xi32, #tpu.memory_space<vmem>> -> memref<128xi32, #tpu.memory_space<vmem>>
    %dma_start3A_1089 = arith.constant 0 : i32
    %dma_start3A_1090 = arith.constant 0 : i32
    %dma_start3A_1091 = tpu.memref_slice %arg3[%dma_start3A_1089, %dma_start3A_1090] : memref<8192x64xf32, #tpu.memory_space<hbm>> -> memref<8192x64xf32, #tpu.memory_space<hbm>>
    tpu.enqueue_indirect_dma source(%dma_start3A_1091 : memref<8192x64xf32, #tpu.memory_space<hbm>>) target(%dma_start3A_1085 : memref<128x64xf32, #tpu.memory_space<vmem>>) offsets(%dma_start3A_1088 : memref<128xi32, #tpu.memory_space<vmem>>) semaphore(%arg8 : memref<!tpu.dma_semaphore, #tpu.memory_space<semaphore_mem>>)
    %dma_start3A_1092 = arith.constant 7 : i32
    %dma_start3A_1093 = arith.constant 896 : i32
    %dma_start3A_1094 = arith.constant 0 : i32
    %dma_start3A_1095 = tpu.memref_slice %arg7[%dma_start3A_1093, %dma_start3A_1094] : memref<1024x64xf32, #tpu.memory_space<vmem>> -> memref<128x64xf32, #tpu.memory_space<vmem>>
    %dma_start3A_1096 = arith.constant 0 : i32
    %dma_start3A_1097 = tpu.memref_slice %arg6[%dma_start3A_1092, %dma_start3A_1096] : memref<8x128xi32, #tpu.memory_space<vmem>> -> memref<1x128xi32, #tpu.memory_space<vmem>>
    %dma_start3A_1098 = tpu.memref_squeeze %dma_start3A_1097 : memref<1x128xi32, #tpu.memory_space<vmem>> -> memref<128xi32, #tpu.memory_space<vmem>>
    %dma_start3A_1099 = arith.constant 0 : i32
    %dma_start3A_1100 = arith.constant 0 : i32
    %dma_start3A_1101 = tpu.memref_slice %arg3[%dma_start3A_1099, %dma_start3A_1100] : memref<8192x64xf32, #tpu.memory_space<hbm>> -> memref<8192x64xf32, #tpu.memory_space<hbm>>
    tpu.enqueue_indirect_dma source(%dma_start3A_1101 : memref<8192x64xf32, #tpu.memory_space<hbm>>) target(%dma_start3A_1095 : memref<128x64xf32, #tpu.memory_space<vmem>>) offsets(%dma_start3A_1098 : memref<128xi32, #tpu.memory_space<vmem>>) semaphore(%arg8 : memref<!tpu.dma_semaphore, #tpu.memory_space<semaphore_mem>>)
    %dma_wait3A_1102 = arith.constant 0 : i32
    %dma_wait3A_1103 = arith.constant 0 : i32
    %dma_wait3A_1104 = arith.constant 0 : i32
    %dma_wait3A_1105 = tpu.memref_slice %arg7[%dma_wait3A_1103, %dma_wait3A_1104] : memref<1024x64xf32, #tpu.memory_space<vmem>> -> memref<128x64xf32, #tpu.memory_space<vmem>>
    %dma_wait3A_1106 = arith.constant 0 : i32
    %dma_wait3A_1107 = tpu.memref_slice %arg6[%dma_wait3A_1102, %dma_wait3A_1106] : memref<8x128xi32, #tpu.memory_space<vmem>> -> memref<1x128xi32, #tpu.memory_space<vmem>>
    %dma_wait3A_1108 = tpu.memref_squeeze %dma_wait3A_1107 : memref<1x128xi32, #tpu.memory_space<vmem>> -> memref<128xi32, #tpu.memory_space<vmem>>
    %dma_wait3A_1109 = arith.constant 0 : i32
    %dma_wait3A_1110 = arith.constant 0 : i32
    %dma_wait3A_1111 = tpu.memref_slice %arg3[%dma_wait3A_1109, %dma_wait3A_1110] : memref<8192x64xf32, #tpu.memory_space<hbm>> -> memref<8192x64xf32, #tpu.memory_space<hbm>>
    tpu.wait_indirect_dma semaphore(%arg8 : memref<!tpu.dma_semaphore, #tpu.memory_space<semaphore_mem>>) src(%dma_wait3A_1111 : memref<8192x64xf32, #tpu.memory_space<hbm>>) dst(%dma_wait3A_1105 : memref<128x64xf32, #tpu.memory_space<vmem>>)
    %dma_wait3A_1112 = arith.constant 1 : i32
    %dma_wait3A_1113 = arith.constant 128 : i32
    %dma_wait3A_1114 = arith.constant 0 : i32
    %dma_wait3A_1115 = tpu.memref_slice %arg7[%dma_wait3A_1113, %dma_wait3A_1114] : memref<1024x64xf32, #tpu.memory_space<vmem>> -> memref<128x64xf32, #tpu.memory_space<vmem>>
    %dma_wait3A_1116 = arith.constant 0 : i32
    %dma_wait3A_1117 = tpu.memref_slice %arg6[%dma_wait3A_1112, %dma_wait3A_1116] : memref<8x128xi32, #tpu.memory_space<vmem>> -> memref<1x128xi32, #tpu.memory_space<vmem>>
    %dma_wait3A_1118 = tpu.memref_squeeze %dma_wait3A_1117 : memref<1x128xi32, #tpu.memory_space<vmem>> -> memref<128xi32, #tpu.memory_space<vmem>>
    %dma_wait3A_1119 = arith.constant 0 : i32
    %dma_wait3A_1120 = arith.constant 0 : i32
    %dma_wait3A_1121 = tpu.memref_slice %arg3[%dma_wait3A_1119, %dma_wait3A_1120] : memref<8192x64xf32, #tpu.memory_space<hbm>> -> memref<8192x64xf32, #tpu.memory_space<hbm>>
    tpu.wait_indirect_dma semaphore(%arg8 : memref<!tpu.dma_semaphore, #tpu.memory_space<semaphore_mem>>) src(%dma_wait3A_1121 : memref<8192x64xf32, #tpu.memory_space<hbm>>) dst(%dma_wait3A_1115 : memref<128x64xf32, #tpu.memory_space<vmem>>)
    %dma_wait3A_1122 = arith.constant 2 : i32
    %dma_wait3A_1123 = arith.constant 256 : i32
    %dma_wait3A_1124 = arith.constant 0 : i32
    %dma_wait3A_1125 = tpu.memref_slice %arg7[%dma_wait3A_1123, %dma_wait3A_1124] : memref<1024x64xf32, #tpu.memory_space<vmem>> -> memref<128x64xf32, #tpu.memory_space<vmem>>
    %dma_wait3A_1126 = arith.constant 0 : i32
    %dma_wait3A_1127 = tpu.memref_slice %arg6[%dma_wait3A_1122, %dma_wait3A_1126] : memref<8x128xi32, #tpu.memory_space<vmem>> -> memref<1x128xi32, #tpu.memory_space<vmem>>
    %dma_wait3A_1128 = tpu.memref_squeeze %dma_wait3A_1127 : memref<1x128xi32, #tpu.memory_space<vmem>> -> memref<128xi32, #tpu.memory_space<vmem>>
    %dma_wait3A_1129 = arith.constant 0 : i32
    %dma_wait3A_1130 = arith.constant 0 : i32
    %dma_wait3A_1131 = tpu.memref_slice %arg3[%dma_wait3A_1129, %dma_wait3A_1130] : memref<8192x64xf32, #tpu.memory_space<hbm>> -> memref<8192x64xf32, #tpu.memory_space<hbm>>
    tpu.wait_indirect_dma semaphore(%arg8 : memref<!tpu.dma_semaphore, #tpu.memory_space<semaphore_mem>>) src(%dma_wait3A_1131 : memref<8192x64xf32, #tpu.memory_space<hbm>>) dst(%dma_wait3A_1125 : memref<128x64xf32, #tpu.memory_space<vmem>>)
    %dma_wait3A_1132 = arith.constant 3 : i32
    %dma_wait3A_1133 = arith.constant 384 : i32
    %dma_wait3A_1134 = arith.constant 0 : i32
    %dma_wait3A_1135 = tpu.memref_slice %arg7[%dma_wait3A_1133, %dma_wait3A_1134] : memref<1024x64xf32, #tpu.memory_space<vmem>> -> memref<128x64xf32, #tpu.memory_space<vmem>>
    %dma_wait3A_1136 = arith.constant 0 : i32
    %dma_wait3A_1137 = tpu.memref_slice %arg6[%dma_wait3A_1132, %dma_wait3A_1136] : memref<8x128xi32, #tpu.memory_space<vmem>> -> memref<1x128xi32, #tpu.memory_space<vmem>>
    %dma_wait3A_1138 = tpu.memref_squeeze %dma_wait3A_1137 : memref<1x128xi32, #tpu.memory_space<vmem>> -> memref<128xi32, #tpu.memory_space<vmem>>
    %dma_wait3A_1139 = arith.constant 0 : i32
    %dma_wait3A_1140 = arith.constant 0 : i32
    %dma_wait3A_1141 = tpu.memref_slice %arg3[%dma_wait3A_1139, %dma_wait3A_1140] : memref<8192x64xf32, #tpu.memory_space<hbm>> -> memref<8192x64xf32, #tpu.memory_space<hbm>>
    tpu.wait_indirect_dma semaphore(%arg8 : memref<!tpu.dma_semaphore, #tpu.memory_space<semaphore_mem>>) src(%dma_wait3A_1141 : memref<8192x64xf32, #tpu.memory_space<hbm>>) dst(%dma_wait3A_1135 : memref<128x64xf32, #tpu.memory_space<vmem>>)
    %dma_wait3A_1142 = arith.constant 4 : i32
    %dma_wait3A_1143 = arith.constant 512 : i32
    %dma_wait3A_1144 = arith.constant 0 : i32
    %dma_wait3A_1145 = tpu.memref_slice %arg7[%dma_wait3A_1143, %dma_wait3A_1144] : memref<1024x64xf32, #tpu.memory_space<vmem>> -> memref<128x64xf32, #tpu.memory_space<vmem>>
    %dma_wait3A_1146 = arith.constant 0 : i32
    %dma_wait3A_1147 = tpu.memref_slice %arg6[%dma_wait3A_1142, %dma_wait3A_1146] : memref<8x128xi32, #tpu.memory_space<vmem>> -> memref<1x128xi32, #tpu.memory_space<vmem>>
    %dma_wait3A_1148 = tpu.memref_squeeze %dma_wait3A_1147 : memref<1x128xi32, #tpu.memory_space<vmem>> -> memref<128xi32, #tpu.memory_space<vmem>>
    %dma_wait3A_1149 = arith.constant 0 : i32
    %dma_wait3A_1150 = arith.constant 0 : i32
    %dma_wait3A_1151 = tpu.memref_slice %arg3[%dma_wait3A_1149, %dma_wait3A_1150] : memref<8192x64xf32, #tpu.memory_space<hbm>> -> memref<8192x64xf32, #tpu.memory_space<hbm>>
    tpu.wait_indirect_dma semaphore(%arg8 : memref<!tpu.dma_semaphore, #tpu.memory_space<semaphore_mem>>) src(%dma_wait3A_1151 : memref<8192x64xf32, #tpu.memory_space<hbm>>) dst(%dma_wait3A_1145 : memref<128x64xf32, #tpu.memory_space<vmem>>)
    %dma_wait3A_1152 = arith.constant 5 : i32
    %dma_wait3A_1153 = arith.constant 640 : i32
    %dma_wait3A_1154 = arith.constant 0 : i32
    %dma_wait3A_1155 = tpu.memref_slice %arg7[%dma_wait3A_1153, %dma_wait3A_1154] : memref<1024x64xf32, #tpu.memory_space<vmem>> -> memref<128x64xf32, #tpu.memory_space<vmem>>
    %dma_wait3A_1156 = arith.constant 0 : i32
    %dma_wait3A_1157 = tpu.memref_slice %arg6[%dma_wait3A_1152, %dma_wait3A_1156] : memref<8x128xi32, #tpu.memory_space<vmem>> -> memref<1x128xi32, #tpu.memory_space<vmem>>
    %dma_wait3A_1158 = tpu.memref_squeeze %dma_wait3A_1157 : memref<1x128xi32, #tpu.memory_space<vmem>> -> memref<128xi32, #tpu.memory_space<vmem>>
    %dma_wait3A_1159 = arith.constant 0 : i32
    %dma_wait3A_1160 = arith.constant 0 : i32
    %dma_wait3A_1161 = tpu.memref_slice %arg3[%dma_wait3A_1159, %dma_wait3A_1160] : memref<8192x64xf32, #tpu.memory_space<hbm>> -> memref<8192x64xf32, #tpu.memory_space<hbm>>
    tpu.wait_indirect_dma semaphore(%arg8 : memref<!tpu.dma_semaphore, #tpu.memory_space<semaphore_mem>>) src(%dma_wait3A_1161 : memref<8192x64xf32, #tpu.memory_space<hbm>>) dst(%dma_wait3A_1155 : memref<128x64xf32, #tpu.memory_space<vmem>>)
    %dma_wait3A_1162 = arith.constant 6 : i32
    %dma_wait3A_1163 = arith.constant 768 : i32
    %dma_wait3A_1164 = arith.constant 0 : i32
    %dma_wait3A_1165 = tpu.memref_slice %arg7[%dma_wait3A_1163, %dma_wait3A_1164] : memref<1024x64xf32, #tpu.memory_space<vmem>> -> memref<128x64xf32, #tpu.memory_space<vmem>>
    %dma_wait3A_1166 = arith.constant 0 : i32
    %dma_wait3A_1167 = tpu.memref_slice %arg6[%dma_wait3A_1162, %dma_wait3A_1166] : memref<8x128xi32, #tpu.memory_space<vmem>> -> memref<1x128xi32, #tpu.memory_space<vmem>>
    %dma_wait3A_1168 = tpu.memref_squeeze %dma_wait3A_1167 : memref<1x128xi32, #tpu.memory_space<vmem>> -> memref<128xi32, #tpu.memory_space<vmem>>
    %dma_wait3A_1169 = arith.constant 0 : i32
    %dma_wait3A_1170 = arith.constant 0 : i32
    %dma_wait3A_1171 = tpu.memref_slice %arg3[%dma_wait3A_1169, %dma_wait3A_1170] : memref<8192x64xf32, #tpu.memory_space<hbm>> -> memref<8192x64xf32, #tpu.memory_space<hbm>>
    tpu.wait_indirect_dma semaphore(%arg8 : memref<!tpu.dma_semaphore, #tpu.memory_space<semaphore_mem>>) src(%dma_wait3A_1171 : memref<8192x64xf32, #tpu.memory_space<hbm>>) dst(%dma_wait3A_1165 : memref<128x64xf32, #tpu.memory_space<vmem>>)
    %dma_wait3A_1172 = arith.constant 7 : i32
    %dma_wait3A_1173 = arith.constant 896 : i32
    %dma_wait3A_1174 = arith.constant 0 : i32
    %dma_wait3A_1175 = tpu.memref_slice %arg7[%dma_wait3A_1173, %dma_wait3A_1174] : memref<1024x64xf32, #tpu.memory_space<vmem>> -> memref<128x64xf32, #tpu.memory_space<vmem>>
    %dma_wait3A_1176 = arith.constant 0 : i32
    %dma_wait3A_1177 = tpu.memref_slice %arg6[%dma_wait3A_1172, %dma_wait3A_1176] : memref<8x128xi32, #tpu.memory_space<vmem>> -> memref<1x128xi32, #tpu.memory_space<vmem>>
    %dma_wait3A_1178 = tpu.memref_squeeze %dma_wait3A_1177 : memref<1x128xi32, #tpu.memory_space<vmem>> -> memref<128xi32, #tpu.memory_space<vmem>>
    %dma_wait3A_1179 = arith.constant 0 : i32
    %dma_wait3A_1180 = arith.constant 0 : i32
    %dma_wait3A_1181 = tpu.memref_slice %arg3[%dma_wait3A_1179, %dma_wait3A_1180] : memref<8192x64xf32, #tpu.memory_space<hbm>> -> memref<8192x64xf32, #tpu.memory_space<hbm>>
    tpu.wait_indirect_dma semaphore(%arg8 : memref<!tpu.dma_semaphore, #tpu.memory_space<semaphore_mem>>) src(%dma_wait3A_1181 : memref<8192x64xf32, #tpu.memory_space<hbm>>) dst(%dma_wait3A_1175 : memref<128x64xf32, #tpu.memory_space<vmem>>)
    %run_scoped3A_1182 = arith.constant 0 : i32
    "tpu.region"() ({
      %run_scoped3A_1350 = tpu.sem_alloc : memref<!tpu.dma_semaphore, #tpu.memory_space<semaphore_mem>>
      %dma_start3A_1351 = arith.constant 0 : i32
      %dma_start3A_1352 = arith.constant 0 : i32
      %dma_start3A_1353 = tpu.memref_slice %arg5[%add3A_1015, %dma_start3A_1351, %run_scoped3A_1182, %dma_start3A_1352] : memref<128x1024x2x64xf32, #tpu.memory_space<hbm>> -> memref<1x1024x1x64xf32, #tpu.memory_space<hbm>>
      %dma_start3A_1354 = tpu.memref_squeeze %dma_start3A_1353 : memref<1x1024x1x64xf32, #tpu.memory_space<hbm>> -> memref<1024x64xf32, #tpu.memory_space<hbm>>
      %dma_start3A_1355 = arith.constant 0 : i32
      %dma_start3A_1356 = arith.constant 0 : i32
      %dma_start3A_1357 = tpu.memref_slice %arg5[%add3A_1015, %dma_start3A_1355, %run_scoped3A_1182, %dma_start3A_1356] : memref<128x1024x2x64xf32, #tpu.memory_space<hbm>> -> memref<1x1024x1x64xf32, #tpu.memory_space<hbm>>
      %dma_start3A_1358 = tpu.memref_squeeze %dma_start3A_1357 : memref<1x1024x1x64xf32, #tpu.memory_space<hbm>> -> memref<1024x64xf32, #tpu.memory_space<hbm>>
      tpu.enqueue_dma source(%arg7 : memref<1024x64xf32, #tpu.memory_space<vmem>>) target(%dma_start3A_1358 : memref<1024x64xf32, #tpu.memory_space<hbm>>) target_semaphore(%run_scoped3A_1350 : memref<!tpu.dma_semaphore, #tpu.memory_space<semaphore_mem>>)
      %dma_wait3A_1359 = arith.constant 0 : i32
      %dma_wait3A_1360 = arith.constant 0 : i32
      %dma_wait3A_1361 = tpu.memref_slice %arg5[%add3A_1015, %dma_wait3A_1359, %run_scoped3A_1182, %dma_wait3A_1360] : memref<128x1024x2x64xf32, #tpu.memory_space<hbm>> -> memref<1x1024x1x64xf32, #tpu.memory_space<hbm>>
      %dma_wait3A_1362 = tpu.memref_squeeze %dma_wait3A_1361 : memref<1x1024x1x64xf32, #tpu.memory_space<hbm>> -> memref<1024x64xf32, #tpu.memory_space<hbm>>
      %dma_wait3A_1363 = arith.constant 0 : i32
      %dma_wait3A_1364 = arith.constant 0 : i32
      %dma_wait3A_1365 = tpu.memref_slice %arg5[%add3A_1015, %dma_wait3A_1363, %run_scoped3A_1182, %dma_wait3A_1364] : memref<128x1024x2x64xf32, #tpu.memory_space<hbm>> -> memref<1x1024x1x64xf32, #tpu.memory_space<hbm>>
      %dma_wait3A_1366 = tpu.memref_squeeze %dma_wait3A_1365 : memref<1x1024x1x64xf32, #tpu.memory_space<hbm>> -> memref<1024x64xf32, #tpu.memory_space<hbm>>
      tpu.wait_dma2 semaphore(%run_scoped3A_1350 : memref<!tpu.dma_semaphore, #tpu.memory_space<semaphore_mem>>) src(%arg7 : memref<1024x64xf32, #tpu.memory_space<vmem>>) dst(%dma_wait3A_1366 : memref<1024x64xf32, #tpu.memory_space<hbm>>)
      tpu.yield
    }) : () -> ()
    %mul3A_1183 = arith.constant 2 : i32
    %mul3A_1184 = arith.muli %add3A_1015, %mul3A_1183 : i32
    %add3A_1185 = arith.constant 1 : i32
    %add3A_1186 = arith.addi %mul3A_1184, %add3A_1185 : i32
    %mul3A_1187 = arith.constant 8 : i32
    %mul3A_1188 = arith.muli %add3A_1186, %mul3A_1187 : i32
    "tpu.region"() ({
      %run_scoped3A_1350 = tpu.sem_alloc : memref<!tpu.dma_semaphore, #tpu.memory_space<semaphore_mem>>
      %dma_start3A_1351 = arith.constant 0 : i32
      %dma_start3A_1352 = tpu.memref_slice %arg2[%mul3A_1188, %dma_start3A_1351] : memref<2048x128xi32, #tpu.memory_space<hbm>> -> memref<8x128xi32, #tpu.memory_space<hbm>>
      %dma_start3A_1353 = arith.constant 0 : i32
      %dma_start3A_1354 = tpu.memref_slice %arg2[%mul3A_1188, %dma_start3A_1353] : memref<2048x128xi32, #tpu.memory_space<hbm>> -> memref<8x128xi32, #tpu.memory_space<hbm>>
      tpu.enqueue_dma source(%dma_start3A_1354 : memref<8x128xi32, #tpu.memory_space<hbm>>) target(%arg6 : memref<8x128xi32, #tpu.memory_space<vmem>>) target_semaphore(%run_scoped3A_1350 : memref<!tpu.dma_semaphore, #tpu.memory_space<semaphore_mem>>)
      %dma_wait3A_1355 = arith.constant 0 : i32
      %dma_wait3A_1356 = tpu.memref_slice %arg2[%mul3A_1188, %dma_wait3A_1355] : memref<2048x128xi32, #tpu.memory_space<hbm>> -> memref<8x128xi32, #tpu.memory_space<hbm>>
      %dma_wait3A_1357 = arith.constant 0 : i32
      %dma_wait3A_1358 = tpu.memref_slice %arg2[%mul3A_1188, %dma_wait3A_1357] : memref<2048x128xi32, #tpu.memory_space<hbm>> -> memref<8x128xi32, #tpu.memory_space<hbm>>
      tpu.wait_dma2 semaphore(%run_scoped3A_1350 : memref<!tpu.dma_semaphore, #tpu.memory_space<semaphore_mem>>) src(%dma_wait3A_1358 : memref<8x128xi32, #tpu.memory_space<hbm>>) dst(%arg6 : memref<8x128xi32, #tpu.memory_space<vmem>>)
      tpu.yield
    }) : () -> ()
    %dma_start3A_1189 = arith.constant 0 : i32
    %dma_start3A_1190 = arith.constant 0 : i32
    %dma_start3A_1191 = arith.constant 0 : i32
    %dma_start3A_1192 = tpu.memref_slice %arg7[%dma_start3A_1190, %dma_start3A_1191] : memref<1024x64xf32, #tpu.memory_space<vmem>> -> memref<128x64xf32, #tpu.memory_space<vmem>>
    %dma_start3A_1193 = arith.constant 0 : i32
    %dma_start3A_1194 = tpu.memref_slice %arg6[%dma_start3A_1189, %dma_start3A_1193] : memref<8x128xi32, #tpu.memory_space<vmem>> -> memref<1x128xi32, #tpu.memory_space<vmem>>
    %dma_start3A_1195 = tpu.memref_squeeze %dma_start3A_1194 : memref<1x128xi32, #tpu.memory_space<vmem>> -> memref<128xi32, #tpu.memory_space<vmem>>
    %dma_start3A_1196 = arith.constant 0 : i32
    %dma_start3A_1197 = arith.constant 0 : i32
    %dma_start3A_1198 = tpu.memref_slice %arg3[%dma_start3A_1196, %dma_start3A_1197] : memref<8192x64xf32, #tpu.memory_space<hbm>> -> memref<8192x64xf32, #tpu.memory_space<hbm>>
    tpu.enqueue_indirect_dma source(%dma_start3A_1198 : memref<8192x64xf32, #tpu.memory_space<hbm>>) target(%dma_start3A_1192 : memref<128x64xf32, #tpu.memory_space<vmem>>) offsets(%dma_start3A_1195 : memref<128xi32, #tpu.memory_space<vmem>>) semaphore(%arg8 : memref<!tpu.dma_semaphore, #tpu.memory_space<semaphore_mem>>)
    %dma_start3A_1199 = arith.constant 1 : i32
    %dma_start3A_1200 = arith.constant 128 : i32
    %dma_start3A_1201 = arith.constant 0 : i32
    %dma_start3A_1202 = tpu.memref_slice %arg7[%dma_start3A_1200, %dma_start3A_1201] : memref<1024x64xf32, #tpu.memory_space<vmem>> -> memref<128x64xf32, #tpu.memory_space<vmem>>
    %dma_start3A_1203 = arith.constant 0 : i32
    %dma_start3A_1204 = tpu.memref_slice %arg6[%dma_start3A_1199, %dma_start3A_1203] : memref<8x128xi32, #tpu.memory_space<vmem>> -> memref<1x128xi32, #tpu.memory_space<vmem>>
    %dma_start3A_1205 = tpu.memref_squeeze %dma_start3A_1204 : memref<1x128xi32, #tpu.memory_space<vmem>> -> memref<128xi32, #tpu.memory_space<vmem>>
    %dma_start3A_1206 = arith.constant 0 : i32
    %dma_start3A_1207 = arith.constant 0 : i32
    %dma_start3A_1208 = tpu.memref_slice %arg3[%dma_start3A_1206, %dma_start3A_1207] : memref<8192x64xf32, #tpu.memory_space<hbm>> -> memref<8192x64xf32, #tpu.memory_space<hbm>>
    tpu.enqueue_indirect_dma source(%dma_start3A_1208 : memref<8192x64xf32, #tpu.memory_space<hbm>>) target(%dma_start3A_1202 : memref<128x64xf32, #tpu.memory_space<vmem>>) offsets(%dma_start3A_1205 : memref<128xi32, #tpu.memory_space<vmem>>) semaphore(%arg8 : memref<!tpu.dma_semaphore, #tpu.memory_space<semaphore_mem>>)
    %dma_start3A_1209 = arith.constant 2 : i32
    %dma_start3A_1210 = arith.constant 256 : i32
    %dma_start3A_1211 = arith.constant 0 : i32
    %dma_start3A_1212 = tpu.memref_slice %arg7[%dma_start3A_1210, %dma_start3A_1211] : memref<1024x64xf32, #tpu.memory_space<vmem>> -> memref<128x64xf32, #tpu.memory_space<vmem>>
    %dma_start3A_1213 = arith.constant 0 : i32
    %dma_start3A_1214 = tpu.memref_slice %arg6[%dma_start3A_1209, %dma_start3A_1213] : memref<8x128xi32, #tpu.memory_space<vmem>> -> memref<1x128xi32, #tpu.memory_space<vmem>>
    %dma_start3A_1215 = tpu.memref_squeeze %dma_start3A_1214 : memref<1x128xi32, #tpu.memory_space<vmem>> -> memref<128xi32, #tpu.memory_space<vmem>>
    %dma_start3A_1216 = arith.constant 0 : i32
    %dma_start3A_1217 = arith.constant 0 : i32
    %dma_start3A_1218 = tpu.memref_slice %arg3[%dma_start3A_1216, %dma_start3A_1217] : memref<8192x64xf32, #tpu.memory_space<hbm>> -> memref<8192x64xf32, #tpu.memory_space<hbm>>
    tpu.enqueue_indirect_dma source(%dma_start3A_1218 : memref<8192x64xf32, #tpu.memory_space<hbm>>) target(%dma_start3A_1212 : memref<128x64xf32, #tpu.memory_space<vmem>>) offsets(%dma_start3A_1215 : memref<128xi32, #tpu.memory_space<vmem>>) semaphore(%arg8 : memref<!tpu.dma_semaphore, #tpu.memory_space<semaphore_mem>>)
    %dma_start3A_1219 = arith.constant 3 : i32
    %dma_start3A_1220 = arith.constant 384 : i32
    %dma_start3A_1221 = arith.constant 0 : i32
    %dma_start3A_1222 = tpu.memref_slice %arg7[%dma_start3A_1220, %dma_start3A_1221] : memref<1024x64xf32, #tpu.memory_space<vmem>> -> memref<128x64xf32, #tpu.memory_space<vmem>>
    %dma_start3A_1223 = arith.constant 0 : i32
    %dma_start3A_1224 = tpu.memref_slice %arg6[%dma_start3A_1219, %dma_start3A_1223] : memref<8x128xi32, #tpu.memory_space<vmem>> -> memref<1x128xi32, #tpu.memory_space<vmem>>
    %dma_start3A_1225 = tpu.memref_squeeze %dma_start3A_1224 : memref<1x128xi32, #tpu.memory_space<vmem>> -> memref<128xi32, #tpu.memory_space<vmem>>
    %dma_start3A_1226 = arith.constant 0 : i32
    %dma_start3A_1227 = arith.constant 0 : i32
    %dma_start3A_1228 = tpu.memref_slice %arg3[%dma_start3A_1226, %dma_start3A_1227] : memref<8192x64xf32, #tpu.memory_space<hbm>> -> memref<8192x64xf32, #tpu.memory_space<hbm>>
    tpu.enqueue_indirect_dma source(%dma_start3A_1228 : memref<8192x64xf32, #tpu.memory_space<hbm>>) target(%dma_start3A_1222 : memref<128x64xf32, #tpu.memory_space<vmem>>) offsets(%dma_start3A_1225 : memref<128xi32, #tpu.memory_space<vmem>>) semaphore(%arg8 : memref<!tpu.dma_semaphore, #tpu.memory_space<semaphore_mem>>)
    %dma_start3A_1229 = arith.constant 4 : i32
    %dma_start3A_1230 = arith.constant 512 : i32
    %dma_start3A_1231 = arith.constant 0 : i32
    %dma_start3A_1232 = tpu.memref_slice %arg7[%dma_start3A_1230, %dma_start3A_1231] : memref<1024x64xf32, #tpu.memory_space<vmem>> -> memref<128x64xf32, #tpu.memory_space<vmem>>
    %dma_start3A_1233 = arith.constant 0 : i32
    %dma_start3A_1234 = tpu.memref_slice %arg6[%dma_start3A_1229, %dma_start3A_1233] : memref<8x128xi32, #tpu.memory_space<vmem>> -> memref<1x128xi32, #tpu.memory_space<vmem>>
    %dma_start3A_1235 = tpu.memref_squeeze %dma_start3A_1234 : memref<1x128xi32, #tpu.memory_space<vmem>> -> memref<128xi32, #tpu.memory_space<vmem>>
    %dma_start3A_1236 = arith.constant 0 : i32
    %dma_start3A_1237 = arith.constant 0 : i32
    %dma_start3A_1238 = tpu.memref_slice %arg3[%dma_start3A_1236, %dma_start3A_1237] : memref<8192x64xf32, #tpu.memory_space<hbm>> -> memref<8192x64xf32, #tpu.memory_space<hbm>>
    tpu.enqueue_indirect_dma source(%dma_start3A_1238 : memref<8192x64xf32, #tpu.memory_space<hbm>>) target(%dma_start3A_1232 : memref<128x64xf32, #tpu.memory_space<vmem>>) offsets(%dma_start3A_1235 : memref<128xi32, #tpu.memory_space<vmem>>) semaphore(%arg8 : memref<!tpu.dma_semaphore, #tpu.memory_space<semaphore_mem>>)
    %dma_start3A_1239 = arith.constant 5 : i32
    %dma_start3A_1240 = arith.constant 640 : i32
    %dma_start3A_1241 = arith.constant 0 : i32
    %dma_start3A_1242 = tpu.memref_slice %arg7[%dma_start3A_1240, %dma_start3A_1241] : memref<1024x64xf32, #tpu.memory_space<vmem>> -> memref<128x64xf32, #tpu.memory_space<vmem>>
    %dma_start3A_1243 = arith.constant 0 : i32
    %dma_start3A_1244 = tpu.memref_slice %arg6[%dma_start3A_1239, %dma_start3A_1243] : memref<8x128xi32, #tpu.memory_space<vmem>> -> memref<1x128xi32, #tpu.memory_space<vmem>>
    %dma_start3A_1245 = tpu.memref_squeeze %dma_start3A_1244 : memref<1x128xi32, #tpu.memory_space<vmem>> -> memref<128xi32, #tpu.memory_space<vmem>>
    %dma_start3A_1246 = arith.constant 0 : i32
    %dma_start3A_1247 = arith.constant 0 : i32
    %dma_start3A_1248 = tpu.memref_slice %arg3[%dma_start3A_1246, %dma_start3A_1247] : memref<8192x64xf32, #tpu.memory_space<hbm>> -> memref<8192x64xf32, #tpu.memory_space<hbm>>
    tpu.enqueue_indirect_dma source(%dma_start3A_1248 : memref<8192x64xf32, #tpu.memory_space<hbm>>) target(%dma_start3A_1242 : memref<128x64xf32, #tpu.memory_space<vmem>>) offsets(%dma_start3A_1245 : memref<128xi32, #tpu.memory_space<vmem>>) semaphore(%arg8 : memref<!tpu.dma_semaphore, #tpu.memory_space<semaphore_mem>>)
    %dma_start3A_1249 = arith.constant 6 : i32
    %dma_start3A_1250 = arith.constant 768 : i32
    %dma_start3A_1251 = arith.constant 0 : i32
    %dma_start3A_1252 = tpu.memref_slice %arg7[%dma_start3A_1250, %dma_start3A_1251] : memref<1024x64xf32, #tpu.memory_space<vmem>> -> memref<128x64xf32, #tpu.memory_space<vmem>>
    %dma_start3A_1253 = arith.constant 0 : i32
    %dma_start3A_1254 = tpu.memref_slice %arg6[%dma_start3A_1249, %dma_start3A_1253] : memref<8x128xi32, #tpu.memory_space<vmem>> -> memref<1x128xi32, #tpu.memory_space<vmem>>
    %dma_start3A_1255 = tpu.memref_squeeze %dma_start3A_1254 : memref<1x128xi32, #tpu.memory_space<vmem>> -> memref<128xi32, #tpu.memory_space<vmem>>
    %dma_start3A_1256 = arith.constant 0 : i32
    %dma_start3A_1257 = arith.constant 0 : i32
    %dma_start3A_1258 = tpu.memref_slice %arg3[%dma_start3A_1256, %dma_start3A_1257] : memref<8192x64xf32, #tpu.memory_space<hbm>> -> memref<8192x64xf32, #tpu.memory_space<hbm>>
    tpu.enqueue_indirect_dma source(%dma_start3A_1258 : memref<8192x64xf32, #tpu.memory_space<hbm>>) target(%dma_start3A_1252 : memref<128x64xf32, #tpu.memory_space<vmem>>) offsets(%dma_start3A_1255 : memref<128xi32, #tpu.memory_space<vmem>>) semaphore(%arg8 : memref<!tpu.dma_semaphore, #tpu.memory_space<semaphore_mem>>)
    %dma_start3A_1259 = arith.constant 7 : i32
    %dma_start3A_1260 = arith.constant 896 : i32
    %dma_start3A_1261 = arith.constant 0 : i32
    %dma_start3A_1262 = tpu.memref_slice %arg7[%dma_start3A_1260, %dma_start3A_1261] : memref<1024x64xf32, #tpu.memory_space<vmem>> -> memref<128x64xf32, #tpu.memory_space<vmem>>
    %dma_start3A_1263 = arith.constant 0 : i32
    %dma_start3A_1264 = tpu.memref_slice %arg6[%dma_start3A_1259, %dma_start3A_1263] : memref<8x128xi32, #tpu.memory_space<vmem>> -> memref<1x128xi32, #tpu.memory_space<vmem>>
    %dma_start3A_1265 = tpu.memref_squeeze %dma_start3A_1264 : memref<1x128xi32, #tpu.memory_space<vmem>> -> memref<128xi32, #tpu.memory_space<vmem>>
    %dma_start3A_1266 = arith.constant 0 : i32
    %dma_start3A_1267 = arith.constant 0 : i32
    %dma_start3A_1268 = tpu.memref_slice %arg3[%dma_start3A_1266, %dma_start3A_1267] : memref<8192x64xf32, #tpu.memory_space<hbm>> -> memref<8192x64xf32, #tpu.memory_space<hbm>>
    tpu.enqueue_indirect_dma source(%dma_start3A_1268 : memref<8192x64xf32, #tpu.memory_space<hbm>>) target(%dma_start3A_1262 : memref<128x64xf32, #tpu.memory_space<vmem>>) offsets(%dma_start3A_1265 : memref<128xi32, #tpu.memory_space<vmem>>) semaphore(%arg8 : memref<!tpu.dma_semaphore, #tpu.memory_space<semaphore_mem>>)
    %dma_wait3A_1269 = arith.constant 0 : i32
    %dma_wait3A_1270 = arith.constant 0 : i32
    %dma_wait3A_1271 = arith.constant 0 : i32
    %dma_wait3A_1272 = tpu.memref_slice %arg7[%dma_wait3A_1270, %dma_wait3A_1271] : memref<1024x64xf32, #tpu.memory_space<vmem>> -> memref<128x64xf32, #tpu.memory_space<vmem>>
    %dma_wait3A_1273 = arith.constant 0 : i32
    %dma_wait3A_1274 = tpu.memref_slice %arg6[%dma_wait3A_1269, %dma_wait3A_1273] : memref<8x128xi32, #tpu.memory_space<vmem>> -> memref<1x128xi32, #tpu.memory_space<vmem>>
    %dma_wait3A_1275 = tpu.memref_squeeze %dma_wait3A_1274 : memref<1x128xi32, #tpu.memory_space<vmem>> -> memref<128xi32, #tpu.memory_space<vmem>>
    %dma_wait3A_1276 = arith.constant 0 : i32
    %dma_wait3A_1277 = arith.constant 0 : i32
    %dma_wait3A_1278 = tpu.memref_slice %arg3[%dma_wait3A_1276, %dma_wait3A_1277] : memref<8192x64xf32, #tpu.memory_space<hbm>> -> memref<8192x64xf32, #tpu.memory_space<hbm>>
    tpu.wait_indirect_dma semaphore(%arg8 : memref<!tpu.dma_semaphore, #tpu.memory_space<semaphore_mem>>) src(%dma_wait3A_1278 : memref<8192x64xf32, #tpu.memory_space<hbm>>) dst(%dma_wait3A_1272 : memref<128x64xf32, #tpu.memory_space<vmem>>)
    %dma_wait3A_1279 = arith.constant 1 : i32
    %dma_wait3A_1280 = arith.constant 128 : i32
    %dma_wait3A_1281 = arith.constant 0 : i32
    %dma_wait3A_1282 = tpu.memref_slice %arg7[%dma_wait3A_1280, %dma_wait3A_1281] : memref<1024x64xf32, #tpu.memory_space<vmem>> -> memref<128x64xf32, #tpu.memory_space<vmem>>
    %dma_wait3A_1283 = arith.constant 0 : i32
    %dma_wait3A_1284 = tpu.memref_slice %arg6[%dma_wait3A_1279, %dma_wait3A_1283] : memref<8x128xi32, #tpu.memory_space<vmem>> -> memref<1x128xi32, #tpu.memory_space<vmem>>
    %dma_wait3A_1285 = tpu.memref_squeeze %dma_wait3A_1284 : memref<1x128xi32, #tpu.memory_space<vmem>> -> memref<128xi32, #tpu.memory_space<vmem>>
    %dma_wait3A_1286 = arith.constant 0 : i32
    %dma_wait3A_1287 = arith.constant 0 : i32
    %dma_wait3A_1288 = tpu.memref_slice %arg3[%dma_wait3A_1286, %dma_wait3A_1287] : memref<8192x64xf32, #tpu.memory_space<hbm>> -> memref<8192x64xf32, #tpu.memory_space<hbm>>
    tpu.wait_indirect_dma semaphore(%arg8 : memref<!tpu.dma_semaphore, #tpu.memory_space<semaphore_mem>>) src(%dma_wait3A_1288 : memref<8192x64xf32, #tpu.memory_space<hbm>>) dst(%dma_wait3A_1282 : memref<128x64xf32, #tpu.memory_space<vmem>>)
    %dma_wait3A_1289 = arith.constant 2 : i32
    %dma_wait3A_1290 = arith.constant 256 : i32
    %dma_wait3A_1291 = arith.constant 0 : i32
    %dma_wait3A_1292 = tpu.memref_slice %arg7[%dma_wait3A_1290, %dma_wait3A_1291] : memref<1024x64xf32, #tpu.memory_space<vmem>> -> memref<128x64xf32, #tpu.memory_space<vmem>>
    %dma_wait3A_1293 = arith.constant 0 : i32
    %dma_wait3A_1294 = tpu.memref_slice %arg6[%dma_wait3A_1289, %dma_wait3A_1293] : memref<8x128xi32, #tpu.memory_space<vmem>> -> memref<1x128xi32, #tpu.memory_space<vmem>>
    %dma_wait3A_1295 = tpu.memref_squeeze %dma_wait3A_1294 : memref<1x128xi32, #tpu.memory_space<vmem>> -> memref<128xi32, #tpu.memory_space<vmem>>
    %dma_wait3A_1296 = arith.constant 0 : i32
    %dma_wait3A_1297 = arith.constant 0 : i32
    %dma_wait3A_1298 = tpu.memref_slice %arg3[%dma_wait3A_1296, %dma_wait3A_1297] : memref<8192x64xf32, #tpu.memory_space<hbm>> -> memref<8192x64xf32, #tpu.memory_space<hbm>>
    tpu.wait_indirect_dma semaphore(%arg8 : memref<!tpu.dma_semaphore, #tpu.memory_space<semaphore_mem>>) src(%dma_wait3A_1298 : memref<8192x64xf32, #tpu.memory_space<hbm>>) dst(%dma_wait3A_1292 : memref<128x64xf32, #tpu.memory_space<vmem>>)
    %dma_wait3A_1299 = arith.constant 3 : i32
    %dma_wait3A_1300 = arith.constant 384 : i32
    %dma_wait3A_1301 = arith.constant 0 : i32
    %dma_wait3A_1302 = tpu.memref_slice %arg7[%dma_wait3A_1300, %dma_wait3A_1301] : memref<1024x64xf32, #tpu.memory_space<vmem>> -> memref<128x64xf32, #tpu.memory_space<vmem>>
    %dma_wait3A_1303 = arith.constant 0 : i32
    %dma_wait3A_1304 = tpu.memref_slice %arg6[%dma_wait3A_1299, %dma_wait3A_1303] : memref<8x128xi32, #tpu.memory_space<vmem>> -> memref<1x128xi32, #tpu.memory_space<vmem>>
    %dma_wait3A_1305 = tpu.memref_squeeze %dma_wait3A_1304 : memref<1x128xi32, #tpu.memory_space<vmem>> -> memref<128xi32, #tpu.memory_space<vmem>>
    %dma_wait3A_1306 = arith.constant 0 : i32
    %dma_wait3A_1307 = arith.constant 0 : i32
    %dma_wait3A_1308 = tpu.memref_slice %arg3[%dma_wait3A_1306, %dma_wait3A_1307] : memref<8192x64xf32, #tpu.memory_space<hbm>> -> memref<8192x64xf32, #tpu.memory_space<hbm>>
    tpu.wait_indirect_dma semaphore(%arg8 : memref<!tpu.dma_semaphore, #tpu.memory_space<semaphore_mem>>) src(%dma_wait3A_1308 : memref<8192x64xf32, #tpu.memory_space<hbm>>) dst(%dma_wait3A_1302 : memref<128x64xf32, #tpu.memory_space<vmem>>)
    %dma_wait3A_1309 = arith.constant 4 : i32
    %dma_wait3A_1310 = arith.constant 512 : i32
    %dma_wait3A_1311 = arith.constant 0 : i32
    %dma_wait3A_1312 = tpu.memref_slice %arg7[%dma_wait3A_1310, %dma_wait3A_1311] : memref<1024x64xf32, #tpu.memory_space<vmem>> -> memref<128x64xf32, #tpu.memory_space<vmem>>
    %dma_wait3A_1313 = arith.constant 0 : i32
    %dma_wait3A_1314 = tpu.memref_slice %arg6[%dma_wait3A_1309, %dma_wait3A_1313] : memref<8x128xi32, #tpu.memory_space<vmem>> -> memref<1x128xi32, #tpu.memory_space<vmem>>
    %dma_wait3A_1315 = tpu.memref_squeeze %dma_wait3A_1314 : memref<1x128xi32, #tpu.memory_space<vmem>> -> memref<128xi32, #tpu.memory_space<vmem>>
    %dma_wait3A_1316 = arith.constant 0 : i32
    %dma_wait3A_1317 = arith.constant 0 : i32
    %dma_wait3A_1318 = tpu.memref_slice %arg3[%dma_wait3A_1316, %dma_wait3A_1317] : memref<8192x64xf32, #tpu.memory_space<hbm>> -> memref<8192x64xf32, #tpu.memory_space<hbm>>
    tpu.wait_indirect_dma semaphore(%arg8 : memref<!tpu.dma_semaphore, #tpu.memory_space<semaphore_mem>>) src(%dma_wait3A_1318 : memref<8192x64xf32, #tpu.memory_space<hbm>>) dst(%dma_wait3A_1312 : memref<128x64xf32, #tpu.memory_space<vmem>>)
    %dma_wait3A_1319 = arith.constant 5 : i32
    %dma_wait3A_1320 = arith.constant 640 : i32
    %dma_wait3A_1321 = arith.constant 0 : i32
    %dma_wait3A_1322 = tpu.memref_slice %arg7[%dma_wait3A_1320, %dma_wait3A_1321] : memref<1024x64xf32, #tpu.memory_space<vmem>> -> memref<128x64xf32, #tpu.memory_space<vmem>>
    %dma_wait3A_1323 = arith.constant 0 : i32
    %dma_wait3A_1324 = tpu.memref_slice %arg6[%dma_wait3A_1319, %dma_wait3A_1323] : memref<8x128xi32, #tpu.memory_space<vmem>> -> memref<1x128xi32, #tpu.memory_space<vmem>>
    %dma_wait3A_1325 = tpu.memref_squeeze %dma_wait3A_1324 : memref<1x128xi32, #tpu.memory_space<vmem>> -> memref<128xi32, #tpu.memory_space<vmem>>
    %dma_wait3A_1326 = arith.constant 0 : i32
    %dma_wait3A_1327 = arith.constant 0 : i32
    %dma_wait3A_1328 = tpu.memref_slice %arg3[%dma_wait3A_1326, %dma_wait3A_1327] : memref<8192x64xf32, #tpu.memory_space<hbm>> -> memref<8192x64xf32, #tpu.memory_space<hbm>>
    tpu.wait_indirect_dma semaphore(%arg8 : memref<!tpu.dma_semaphore, #tpu.memory_space<semaphore_mem>>) src(%dma_wait3A_1328 : memref<8192x64xf32, #tpu.memory_space<hbm>>) dst(%dma_wait3A_1322 : memref<128x64xf32, #tpu.memory_space<vmem>>)
    %dma_wait3A_1329 = arith.constant 6 : i32
    %dma_wait3A_1330 = arith.constant 768 : i32
    %dma_wait3A_1331 = arith.constant 0 : i32
    %dma_wait3A_1332 = tpu.memref_slice %arg7[%dma_wait3A_1330, %dma_wait3A_1331] : memref<1024x64xf32, #tpu.memory_space<vmem>> -> memref<128x64xf32, #tpu.memory_space<vmem>>
    %dma_wait3A_1333 = arith.constant 0 : i32
    %dma_wait3A_1334 = tpu.memref_slice %arg6[%dma_wait3A_1329, %dma_wait3A_1333] : memref<8x128xi32, #tpu.memory_space<vmem>> -> memref<1x128xi32, #tpu.memory_space<vmem>>
    %dma_wait3A_1335 = tpu.memref_squeeze %dma_wait3A_1334 : memref<1x128xi32, #tpu.memory_space<vmem>> -> memref<128xi32, #tpu.memory_space<vmem>>
    %dma_wait3A_1336 = arith.constant 0 : i32
    %dma_wait3A_1337 = arith.constant 0 : i32
    %dma_wait3A_1338 = tpu.memref_slice %arg3[%dma_wait3A_1336, %dma_wait3A_1337] : memref<8192x64xf32, #tpu.memory_space<hbm>> -> memref<8192x64xf32, #tpu.memory_space<hbm>>
    tpu.wait_indirect_dma semaphore(%arg8 : memref<!tpu.dma_semaphore, #tpu.memory_space<semaphore_mem>>) src(%dma_wait3A_1338 : memref<8192x64xf32, #tpu.memory_space<hbm>>) dst(%dma_wait3A_1332 : memref<128x64xf32, #tpu.memory_space<vmem>>)
    %dma_wait3A_1339 = arith.constant 7 : i32
    %dma_wait3A_1340 = arith.constant 896 : i32
    %dma_wait3A_1341 = arith.constant 0 : i32
    %dma_wait3A_1342 = tpu.memref_slice %arg7[%dma_wait3A_1340, %dma_wait3A_1341] : memref<1024x64xf32, #tpu.memory_space<vmem>> -> memref<128x64xf32, #tpu.memory_space<vmem>>
    %dma_wait3A_1343 = arith.constant 0 : i32
    %dma_wait3A_1344 = tpu.memref_slice %arg6[%dma_wait3A_1339, %dma_wait3A_1343] : memref<8x128xi32, #tpu.memory_space<vmem>> -> memref<1x128xi32, #tpu.memory_space<vmem>>
    %dma_wait3A_1345 = tpu.memref_squeeze %dma_wait3A_1344 : memref<1x128xi32, #tpu.memory_space<vmem>> -> memref<128xi32, #tpu.memory_space<vmem>>
    %dma_wait3A_1346 = arith.constant 0 : i32
    %dma_wait3A_1347 = arith.constant 0 : i32
    %dma_wait3A_1348 = tpu.memref_slice %arg3[%dma_wait3A_1346, %dma_wait3A_1347] : memref<8192x64xf32, #tpu.memory_space<hbm>> -> memref<8192x64xf32, #tpu.memory_space<hbm>>
    tpu.wait_indirect_dma semaphore(%arg8 : memref<!tpu.dma_semaphore, #tpu.memory_space<semaphore_mem>>) src(%dma_wait3A_1348 : memref<8192x64xf32, #tpu.memory_space<hbm>>) dst(%dma_wait3A_1342 : memref<128x64xf32, #tpu.memory_space<vmem>>)
    %run_scoped3A_1349 = arith.constant 1 : i32
    "tpu.region"() ({
      %run_scoped3A_1350 = tpu.sem_alloc : memref<!tpu.dma_semaphore, #tpu.memory_space<semaphore_mem>>
      %dma_start3A_1351 = arith.constant 0 : i32
      %dma_start3A_1352 = arith.constant 0 : i32
      %dma_start3A_1353 = tpu.memref_slice %arg5[%add3A_1015, %dma_start3A_1351, %run_scoped3A_1349, %dma_start3A_1352] : memref<128x1024x2x64xf32, #tpu.memory_space<hbm>> -> memref<1x1024x1x64xf32, #tpu.memory_space<hbm>>
      %dma_start3A_1354 = tpu.memref_squeeze %dma_start3A_1353 : memref<1x1024x1x64xf32, #tpu.memory_space<hbm>> -> memref<1024x64xf32, #tpu.memory_space<hbm>>
      %dma_start3A_1355 = arith.constant 0 : i32
      %dma_start3A_1356 = arith.constant 0 : i32
      %dma_start3A_1357 = tpu.memref_slice %arg5[%add3A_1015, %dma_start3A_1355, %run_scoped3A_1349, %dma_start3A_1356] : memref<128x1024x2x64xf32, #tpu.memory_space<hbm>> -> memref<1x1024x1x64xf32, #tpu.memory_space<hbm>>
      %dma_start3A_1358 = tpu.memref_squeeze %dma_start3A_1357 : memref<1x1024x1x64xf32, #tpu.memory_space<hbm>> -> memref<1024x64xf32, #tpu.memory_space<hbm>>
      tpu.enqueue_dma source(%arg7 : memref<1024x64xf32, #tpu.memory_space<vmem>>) target(%dma_start3A_1358 : memref<1024x64xf32, #tpu.memory_space<hbm>>) target_semaphore(%run_scoped3A_1350 : memref<!tpu.dma_semaphore, #tpu.memory_space<semaphore_mem>>)
      %dma_wait3A_1359 = arith.constant 0 : i32
      %dma_wait3A_1360 = arith.constant 0 : i32
      %dma_wait3A_1361 = tpu.memref_slice %arg5[%add3A_1015, %dma_wait3A_1359, %run_scoped3A_1349, %dma_wait3A_1360] : memref<128x1024x2x64xf32, #tpu.memory_space<hbm>> -> memref<1x1024x1x64xf32, #tpu.memory_space<hbm>>
      %dma_wait3A_1362 = tpu.memref_squeeze %dma_wait3A_1361 : memref<1x1024x1x64xf32, #tpu.memory_space<hbm>> -> memref<1024x64xf32, #tpu.memory_space<hbm>>
      %dma_wait3A_1363 = arith.constant 0 : i32
      %dma_wait3A_1364 = arith.constant 0 : i32
      %dma_wait3A_1365 = tpu.memref_slice %arg5[%add3A_1015, %dma_wait3A_1363, %run_scoped3A_1349, %dma_wait3A_1364] : memref<128x1024x2x64xf32, #tpu.memory_space<hbm>> -> memref<1x1024x1x64xf32, #tpu.memory_space<hbm>>
      %dma_wait3A_1366 = tpu.memref_squeeze %dma_wait3A_1365 : memref<1x1024x1x64xf32, #tpu.memory_space<hbm>> -> memref<1024x64xf32, #tpu.memory_space<hbm>>
      tpu.wait_dma2 semaphore(%run_scoped3A_1350 : memref<!tpu.dma_semaphore, #tpu.memory_space<semaphore_mem>>) src(%arg7 : memref<1024x64xf32, #tpu.memory_space<vmem>>) dst(%dma_wait3A_1366 : memref<1024x64xf32, #tpu.memory_space<hbm>>)
      tpu.yield
    }) : () -> ()
    return
  }
}

#map = affine_map<(d0, d1) -> (0, 0)>
module attributes {stable_mosaic.version = 14 : i64} {
  func.func @_sc_gather_cond(%arg0: i32, %arg1: i32, %arg2: memref<256x128xi32, #tpu.memory_space<hbm>>, %arg3: memref<1000x128xf32, #tpu.memory_space<hbm>>, %arg4: memref<32768x128xf32, #tpu.memory_space<hbm>>, %arg5: memref<8x128xi32, #tpu.memory_space<vmem>>, %arg6: memref<2x128x128xf32, #tpu.memory_space<vmem>>, %arg7: memref<!tpu.dma_semaphore, #tpu.memory_space<semaphore_mem>>, %arg8: memref<!tpu.dma_semaphore, #tpu.memory_space<semaphore_mem>>) attributes {dimension_semantics = [#tpu.dimension_semantics<core_parallel>, #tpu.dimension_semantics<subcore_parallel>], iteration_bounds = array<i64: 2, 16>, scalar_prefetch = 0 : i64, scratch_operands = 4 : i64, tpu.core_type = #tpu.core_type<sc_vector_subcore>, window_params = [{transform_indices = #map}, {transform_indices = #map}, {transform_indices = #map}]} {
    %mul3A = arith.constant 2 : i32
    %mul3A_0 = arith.muli %arg1, %mul3A : i32
    %add3A = arith.addi %mul3A_0, %arg0 : i32
    %mul3A_1 = arith.constant 8 : i32
    %mul3A_2 = arith.muli %add3A, %mul3A_1 : i32
    "tpu.region"() ({
      %run_scoped3A_232 = tpu.sem_alloc : memref<!tpu.dma_semaphore, #tpu.memory_space<semaphore_mem>>
      %dma_start3A_233 = arith.constant 0 : i32
      %dma_start3A_234 = tpu.memref_slice %arg2[%mul3A_2, %dma_start3A_233] : memref<256x128xi32, #tpu.memory_space<hbm>> -> memref<8x128xi32, #tpu.memory_space<hbm>>
      %dma_start3A_235 = arith.constant 0 : i32
      %dma_start3A_236 = tpu.memref_slice %arg2[%mul3A_2, %dma_start3A_235] : memref<256x128xi32, #tpu.memory_space<hbm>> -> memref<8x128xi32, #tpu.memory_space<hbm>>
      tpu.enqueue_dma source(%dma_start3A_236 : memref<8x128xi32, #tpu.memory_space<hbm>>) target(%arg5 : memref<8x128xi32, #tpu.memory_space<vmem>>) target_semaphore(%run_scoped3A_232 : memref<!tpu.dma_semaphore, #tpu.memory_space<semaphore_mem>>)
      %dma_wait3A_237 = arith.constant 0 : i32
      %dma_wait3A_238 = tpu.memref_slice %arg2[%mul3A_2, %dma_wait3A_237] : memref<256x128xi32, #tpu.memory_space<hbm>> -> memref<8x128xi32, #tpu.memory_space<hbm>>
      %dma_wait3A_239 = arith.constant 0 : i32
      %dma_wait3A_240 = tpu.memref_slice %arg2[%mul3A_2, %dma_wait3A_239] : memref<256x128xi32, #tpu.memory_space<hbm>> -> memref<8x128xi32, #tpu.memory_space<hbm>>
      tpu.wait_dma2 semaphore(%run_scoped3A_232 : memref<!tpu.dma_semaphore, #tpu.memory_space<semaphore_mem>>) src(%dma_wait3A_240 : memref<8x128xi32, #tpu.memory_space<hbm>>) dst(%arg5 : memref<8x128xi32, #tpu.memory_space<vmem>>)
      tpu.yield
    }) : () -> ()
    %dma_start3A = arith.constant 0 : i32
    %dma_start3A_3 = arith.constant 0 : i32
    %dma_start3A_4 = arith.constant 0 : i32
    %dma_start3A_5 = arith.constant 0 : i32
    %dma_start3A_6 = tpu.memref_slice %arg6[%dma_start3A_3, %dma_start3A_4, %dma_start3A_5] : memref<2x128x128xf32, #tpu.memory_space<vmem>> -> memref<1x128x128xf32, #tpu.memory_space<vmem>>
    %dma_start3A_7 = tpu.memref_squeeze %dma_start3A_6 : memref<1x128x128xf32, #tpu.memory_space<vmem>> -> memref<128x128xf32, #tpu.memory_space<vmem>>
    %dma_start3A_8 = arith.constant 0 : i32
    %dma_start3A_9 = tpu.memref_slice %arg5[%dma_start3A, %dma_start3A_8] : memref<8x128xi32, #tpu.memory_space<vmem>> -> memref<1x128xi32, #tpu.memory_space<vmem>>
    %dma_start3A_10 = tpu.memref_squeeze %dma_start3A_9 : memref<1x128xi32, #tpu.memory_space<vmem>> -> memref<128xi32, #tpu.memory_space<vmem>>
    %dma_start3A_11 = arith.constant 0 : i32
    %dma_start3A_12 = arith.constant 0 : i32
    %dma_start3A_13 = tpu.memref_slice %arg3[%dma_start3A_11, %dma_start3A_12] : memref<1000x128xf32, #tpu.memory_space<hbm>> -> memref<1000x128xf32, #tpu.memory_space<hbm>>
    tpu.enqueue_indirect_dma source(%dma_start3A_13 : memref<1000x128xf32, #tpu.memory_space<hbm>>) target(%dma_start3A_7 : memref<128x128xf32, #tpu.memory_space<vmem>>) offsets(%dma_start3A_10 : memref<128xi32, #tpu.memory_space<vmem>>) semaphore(%arg7 : memref<!tpu.dma_semaphore, #tpu.memory_space<semaphore_mem>>)
    %dma_start3A_14 = arith.constant 1 : i32
    %dma_start3A_15 = arith.constant 1 : i32
    %dma_start3A_16 = arith.constant 0 : i32
    %dma_start3A_17 = arith.constant 0 : i32
    %dma_start3A_18 = tpu.memref_slice %arg6[%dma_start3A_15, %dma_start3A_16, %dma_start3A_17] : memref<2x128x128xf32, #tpu.memory_space<vmem>> -> memref<1x128x128xf32, #tpu.memory_space<vmem>>
    %dma_start3A_19 = tpu.memref_squeeze %dma_start3A_18 : memref<1x128x128xf32, #tpu.memory_space<vmem>> -> memref<128x128xf32, #tpu.memory_space<vmem>>
    %dma_start3A_20 = arith.constant 0 : i32
    %dma_start3A_21 = tpu.memref_slice %arg5[%dma_start3A_14, %dma_start3A_20] : memref<8x128xi32, #tpu.memory_space<vmem>> -> memref<1x128xi32, #tpu.memory_space<vmem>>
    %dma_start3A_22 = tpu.memref_squeeze %dma_start3A_21 : memref<1x128xi32, #tpu.memory_space<vmem>> -> memref<128xi32, #tpu.memory_space<vmem>>
    %dma_start3A_23 = arith.constant 0 : i32
    %dma_start3A_24 = arith.constant 0 : i32
    %dma_start3A_25 = tpu.memref_slice %arg3[%dma_start3A_23, %dma_start3A_24] : memref<1000x128xf32, #tpu.memory_space<hbm>> -> memref<1000x128xf32, #tpu.memory_space<hbm>>
    tpu.enqueue_indirect_dma source(%dma_start3A_25 : memref<1000x128xf32, #tpu.memory_space<hbm>>) target(%dma_start3A_19 : memref<128x128xf32, #tpu.memory_space<vmem>>) offsets(%dma_start3A_22 : memref<128xi32, #tpu.memory_space<vmem>>) semaphore(%arg8 : memref<!tpu.dma_semaphore, #tpu.memory_space<semaphore_mem>>)
    %dma_wait3A = arith.constant 0 : i32
    %dma_wait3A_26 = arith.constant 0 : i32
    %dma_wait3A_27 = arith.constant 0 : i32
    %dma_wait3A_28 = arith.constant 0 : i32
    %dma_wait3A_29 = tpu.memref_slice %arg6[%dma_wait3A_26, %dma_wait3A_27, %dma_wait3A_28] : memref<2x128x128xf32, #tpu.memory_space<vmem>> -> memref<1x128x128xf32, #tpu.memory_space<vmem>>
    %dma_wait3A_30 = tpu.memref_squeeze %dma_wait3A_29 : memref<1x128x128xf32, #tpu.memory_space<vmem>> -> memref<128x128xf32, #tpu.memory_space<vmem>>
    %dma_wait3A_31 = arith.constant 0 : i32
    %dma_wait3A_32 = tpu.memref_slice %arg5[%dma_wait3A, %dma_wait3A_31] : memref<8x128xi32, #tpu.memory_space<vmem>> -> memref<1x128xi32, #tpu.memory_space<vmem>>
    %dma_wait3A_33 = tpu.memref_squeeze %dma_wait3A_32 : memref<1x128xi32, #tpu.memory_space<vmem>> -> memref<128xi32, #tpu.memory_space<vmem>>
    %dma_wait3A_34 = arith.constant 0 : i32
    %dma_wait3A_35 = arith.constant 0 : i32
    %dma_wait3A_36 = tpu.memref_slice %arg3[%dma_wait3A_34, %dma_wait3A_35] : memref<1000x128xf32, #tpu.memory_space<hbm>> -> memref<1000x128xf32, #tpu.memory_space<hbm>>
    tpu.wait_indirect_dma semaphore(%arg7 : memref<!tpu.dma_semaphore, #tpu.memory_space<semaphore_mem>>) src(%dma_wait3A_36 : memref<1000x128xf32, #tpu.memory_space<hbm>>) dst(%dma_wait3A_30 : memref<128x128xf32, #tpu.memory_space<vmem>>)
    %mul3A_37 = arith.constant 1024 : i32
    %mul3A_38 = arith.muli %add3A, %mul3A_37 : i32
    %add3A_39 = arith.constant 0 : i32
    %add3A_40 = arith.addi %mul3A_38, %add3A_39 : i32
    %run_scoped3A = arith.constant 0 : i32
    "tpu.region"() ({
      %run_scoped3A_232 = tpu.sem_alloc : memref<!tpu.dma_semaphore, #tpu.memory_space<semaphore_mem>>
      %dma_start3A_233 = arith.constant 0 : i32
      %dma_start3A_234 = arith.constant 0 : i32
      %dma_start3A_235 = tpu.memref_slice %arg6[%run_scoped3A, %dma_start3A_233, %dma_start3A_234] : memref<2x128x128xf32, #tpu.memory_space<vmem>> -> memref<1x128x128xf32, #tpu.memory_space<vmem>>
      %dma_start3A_236 = tpu.memref_squeeze %dma_start3A_235 : memref<1x128x128xf32, #tpu.memory_space<vmem>> -> memref<128x128xf32, #tpu.memory_space<vmem>>
      %dma_start3A_237 = arith.constant 0 : i32
      %dma_start3A_238 = tpu.memref_slice %arg4[%add3A_40, %dma_start3A_237] : memref<32768x128xf32, #tpu.memory_space<hbm>> -> memref<128x128xf32, #tpu.memory_space<hbm>>
      %dma_start3A_239 = arith.constant 0 : i32
      %dma_start3A_240 = tpu.memref_slice %arg4[%add3A_40, %dma_start3A_239] : memref<32768x128xf32, #tpu.memory_space<hbm>> -> memref<128x128xf32, #tpu.memory_space<hbm>>
      %dma_start3A_241 = arith.constant 0 : i32
      %dma_start3A_242 = arith.constant 0 : i32
      %dma_start3A_243 = tpu.memref_slice %arg6[%run_scoped3A, %dma_start3A_241, %dma_start3A_242] : memref<2x128x128xf32, #tpu.memory_space<vmem>> -> memref<1x128x128xf32, #tpu.memory_space<vmem>>
      %dma_start3A_244 = tpu.memref_squeeze %dma_start3A_243 : memref<1x128x128xf32, #tpu.memory_space<vmem>> -> memref<128x128xf32, #tpu.memory_space<vmem>>
      tpu.enqueue_dma source(%dma_start3A_244 : memref<128x128xf32, #tpu.memory_space<vmem>>) target(%dma_start3A_240 : memref<128x128xf32, #tpu.memory_space<hbm>>) target_semaphore(%run_scoped3A_232 : memref<!tpu.dma_semaphore, #tpu.memory_space<semaphore_mem>>)
      %dma_wait3A_245 = arith.constant 0 : i32
      %dma_wait3A_246 = arith.constant 0 : i32
      %dma_wait3A_247 = tpu.memref_slice %arg6[%run_scoped3A, %dma_wait3A_245, %dma_wait3A_246] : memref<2x128x128xf32, #tpu.memory_space<vmem>> -> memref<1x128x128xf32, #tpu.memory_space<vmem>>
      %dma_wait3A_248 = tpu.memref_squeeze %dma_wait3A_247 : memref<1x128x128xf32, #tpu.memory_space<vmem>> -> memref<128x128xf32, #tpu.memory_space<vmem>>
      %dma_wait3A_249 = arith.constant 0 : i32
      %dma_wait3A_250 = tpu.memref_slice %arg4[%add3A_40, %dma_wait3A_249] : memref<32768x128xf32, #tpu.memory_space<hbm>> -> memref<128x128xf32, #tpu.memory_space<hbm>>
      %dma_wait3A_251 = arith.constant 0 : i32
      %dma_wait3A_252 = tpu.memref_slice %arg4[%add3A_40, %dma_wait3A_251] : memref<32768x128xf32, #tpu.memory_space<hbm>> -> memref<128x128xf32, #tpu.memory_space<hbm>>
      %dma_wait3A_253 = arith.constant 0 : i32
      %dma_wait3A_254 = arith.constant 0 : i32
      %dma_wait3A_255 = tpu.memref_slice %arg6[%run_scoped3A, %dma_wait3A_253, %dma_wait3A_254] : memref<2x128x128xf32, #tpu.memory_space<vmem>> -> memref<1x128x128xf32, #tpu.memory_space<vmem>>
      %dma_wait3A_256 = tpu.memref_squeeze %dma_wait3A_255 : memref<1x128x128xf32, #tpu.memory_space<vmem>> -> memref<128x128xf32, #tpu.memory_space<vmem>>
      tpu.wait_dma2 semaphore(%run_scoped3A_232 : memref<!tpu.dma_semaphore, #tpu.memory_space<semaphore_mem>>) src(%dma_wait3A_256 : memref<128x128xf32, #tpu.memory_space<vmem>>) dst(%dma_wait3A_252 : memref<128x128xf32, #tpu.memory_space<hbm>>)
      tpu.yield
    }) : () -> ()
    %dma_start3A_41 = arith.constant 2 : i32
    %dma_start3A_42 = arith.constant 0 : i32
    %dma_start3A_43 = arith.constant 0 : i32
    %dma_start3A_44 = arith.constant 0 : i32
    %dma_start3A_45 = tpu.memref_slice %arg6[%dma_start3A_42, %dma_start3A_43, %dma_start3A_44] : memref<2x128x128xf32, #tpu.memory_space<vmem>> -> memref<1x128x128xf32, #tpu.memory_space<vmem>>
    %dma_start3A_46 = tpu.memref_squeeze %dma_start3A_45 : memref<1x128x128xf32, #tpu.memory_space<vmem>> -> memref<128x128xf32, #tpu.memory_space<vmem>>
    %dma_start3A_47 = arith.constant 0 : i32
    %dma_start3A_48 = tpu.memref_slice %arg5[%dma_start3A_41, %dma_start3A_47] : memref<8x128xi32, #tpu.memory_space<vmem>> -> memref<1x128xi32, #tpu.memory_space<vmem>>
    %dma_start3A_49 = tpu.memref_squeeze %dma_start3A_48 : memref<1x128xi32, #tpu.memory_space<vmem>> -> memref<128xi32, #tpu.memory_space<vmem>>
    %dma_start3A_50 = arith.constant 0 : i32
    %dma_start3A_51 = arith.constant 0 : i32
    %dma_start3A_52 = tpu.memref_slice %arg3[%dma_start3A_50, %dma_start3A_51] : memref<1000x128xf32, #tpu.memory_space<hbm>> -> memref<1000x128xf32, #tpu.memory_space<hbm>>
    tpu.enqueue_indirect_dma source(%dma_start3A_52 : memref<1000x128xf32, #tpu.memory_space<hbm>>) target(%dma_start3A_46 : memref<128x128xf32, #tpu.memory_space<vmem>>) offsets(%dma_start3A_49 : memref<128xi32, #tpu.memory_space<vmem>>) semaphore(%arg7 : memref<!tpu.dma_semaphore, #tpu.memory_space<semaphore_mem>>)
    %dma_wait3A_53 = arith.constant 1 : i32
    %dma_wait3A_54 = arith.constant 1 : i32
    %dma_wait3A_55 = arith.constant 0 : i32
    %dma_wait3A_56 = arith.constant 0 : i32
    %dma_wait3A_57 = tpu.memref_slice %arg6[%dma_wait3A_54, %dma_wait3A_55, %dma_wait3A_56] : memref<2x128x128xf32, #tpu.memory_space<vmem>> -> memref<1x128x128xf32, #tpu.memory_space<vmem>>
    %dma_wait3A_58 = tpu.memref_squeeze %dma_wait3A_57 : memref<1x128x128xf32, #tpu.memory_space<vmem>> -> memref<128x128xf32, #tpu.memory_space<vmem>>
    %dma_wait3A_59 = arith.constant 0 : i32
    %dma_wait3A_60 = tpu.memref_slice %arg5[%dma_wait3A_53, %dma_wait3A_59] : memref<8x128xi32, #tpu.memory_space<vmem>> -> memref<1x128xi32, #tpu.memory_space<vmem>>
    %dma_wait3A_61 = tpu.memref_squeeze %dma_wait3A_60 : memref<1x128xi32, #tpu.memory_space<vmem>> -> memref<128xi32, #tpu.memory_space<vmem>>
    %dma_wait3A_62 = arith.constant 0 : i32
    %dma_wait3A_63 = arith.constant 0 : i32
    %dma_wait3A_64 = tpu.memref_slice %arg3[%dma_wait3A_62, %dma_wait3A_63] : memref<1000x128xf32, #tpu.memory_space<hbm>> -> memref<1000x128xf32, #tpu.memory_space<hbm>>
    tpu.wait_indirect_dma semaphore(%arg8 : memref<!tpu.dma_semaphore, #tpu.memory_space<semaphore_mem>>) src(%dma_wait3A_64 : memref<1000x128xf32, #tpu.memory_space<hbm>>) dst(%dma_wait3A_58 : memref<128x128xf32, #tpu.memory_space<vmem>>)
    %mul3A_65 = arith.constant 1024 : i32
    %mul3A_66 = arith.muli %add3A, %mul3A_65 : i32
    %add3A_67 = arith.constant 128 : i32
    %add3A_68 = arith.addi %mul3A_66, %add3A_67 : i32
    %run_scoped3A_69 = arith.constant 1 : i32
    "tpu.region"() ({
      %run_scoped3A_232 = tpu.sem_alloc : memref<!tpu.dma_semaphore, #tpu.memory_space<semaphore_mem>>
      %dma_start3A_233 = arith.constant 0 : i32
      %dma_start3A_234 = arith.constant 0 : i32
      %dma_start3A_235 = tpu.memref_slice %arg6[%run_scoped3A_69, %dma_start3A_233, %dma_start3A_234] : memref<2x128x128xf32, #tpu.memory_space<vmem>> -> memref<1x128x128xf32, #tpu.memory_space<vmem>>
      %dma_start3A_236 = tpu.memref_squeeze %dma_start3A_235 : memref<1x128x128xf32, #tpu.memory_space<vmem>> -> memref<128x128xf32, #tpu.memory_space<vmem>>
      %dma_start3A_237 = arith.constant 0 : i32
      %dma_start3A_238 = tpu.memref_slice %arg4[%add3A_68, %dma_start3A_237] : memref<32768x128xf32, #tpu.memory_space<hbm>> -> memref<128x128xf32, #tpu.memory_space<hbm>>
      %dma_start3A_239 = arith.constant 0 : i32
      %dma_start3A_240 = tpu.memref_slice %arg4[%add3A_68, %dma_start3A_239] : memref<32768x128xf32, #tpu.memory_space<hbm>> -> memref<128x128xf32, #tpu.memory_space<hbm>>
      %dma_start3A_241 = arith.constant 0 : i32
      %dma_start3A_242 = arith.constant 0 : i32
      %dma_start3A_243 = tpu.memref_slice %arg6[%run_scoped3A_69, %dma_start3A_241, %dma_start3A_242] : memref<2x128x128xf32, #tpu.memory_space<vmem>> -> memref<1x128x128xf32, #tpu.memory_space<vmem>>
      %dma_start3A_244 = tpu.memref_squeeze %dma_start3A_243 : memref<1x128x128xf32, #tpu.memory_space<vmem>> -> memref<128x128xf32, #tpu.memory_space<vmem>>
      tpu.enqueue_dma source(%dma_start3A_244 : memref<128x128xf32, #tpu.memory_space<vmem>>) target(%dma_start3A_240 : memref<128x128xf32, #tpu.memory_space<hbm>>) target_semaphore(%run_scoped3A_232 : memref<!tpu.dma_semaphore, #tpu.memory_space<semaphore_mem>>)
      %dma_wait3A_245 = arith.constant 0 : i32
      %dma_wait3A_246 = arith.constant 0 : i32
      %dma_wait3A_247 = tpu.memref_slice %arg6[%run_scoped3A_69, %dma_wait3A_245, %dma_wait3A_246] : memref<2x128x128xf32, #tpu.memory_space<vmem>> -> memref<1x128x128xf32, #tpu.memory_space<vmem>>
      %dma_wait3A_248 = tpu.memref_squeeze %dma_wait3A_247 : memref<1x128x128xf32, #tpu.memory_space<vmem>> -> memref<128x128xf32, #tpu.memory_space<vmem>>
      %dma_wait3A_249 = arith.constant 0 : i32
      %dma_wait3A_250 = tpu.memref_slice %arg4[%add3A_68, %dma_wait3A_249] : memref<32768x128xf32, #tpu.memory_space<hbm>> -> memref<128x128xf32, #tpu.memory_space<hbm>>
      %dma_wait3A_251 = arith.constant 0 : i32
      %dma_wait3A_252 = tpu.memref_slice %arg4[%add3A_68, %dma_wait3A_251] : memref<32768x128xf32, #tpu.memory_space<hbm>> -> memref<128x128xf32, #tpu.memory_space<hbm>>
      %dma_wait3A_253 = arith.constant 0 : i32
      %dma_wait3A_254 = arith.constant 0 : i32
      %dma_wait3A_255 = tpu.memref_slice %arg6[%run_scoped3A_69, %dma_wait3A_253, %dma_wait3A_254] : memref<2x128x128xf32, #tpu.memory_space<vmem>> -> memref<1x128x128xf32, #tpu.memory_space<vmem>>
      %dma_wait3A_256 = tpu.memref_squeeze %dma_wait3A_255 : memref<1x128x128xf32, #tpu.memory_space<vmem>> -> memref<128x128xf32, #tpu.memory_space<vmem>>
      tpu.wait_dma2 semaphore(%run_scoped3A_232 : memref<!tpu.dma_semaphore, #tpu.memory_space<semaphore_mem>>) src(%dma_wait3A_256 : memref<128x128xf32, #tpu.memory_space<vmem>>) dst(%dma_wait3A_252 : memref<128x128xf32, #tpu.memory_space<hbm>>)
      tpu.yield
    }) : () -> ()
    %dma_start3A_70 = arith.constant 3 : i32
    %dma_start3A_71 = arith.constant 1 : i32
    %dma_start3A_72 = arith.constant 0 : i32
    %dma_start3A_73 = arith.constant 0 : i32
    %dma_start3A_74 = tpu.memref_slice %arg6[%dma_start3A_71, %dma_start3A_72, %dma_start3A_73] : memref<2x128x128xf32, #tpu.memory_space<vmem>> -> memref<1x128x128xf32, #tpu.memory_space<vmem>>
    %dma_start3A_75 = tpu.memref_squeeze %dma_start3A_74 : memref<1x128x128xf32, #tpu.memory_space<vmem>> -> memref<128x128xf32, #tpu.memory_space<vmem>>
    %dma_start3A_76 = arith.constant 0 : i32
    %dma_start3A_77 = tpu.memref_slice %arg5[%dma_start3A_70, %dma_start3A_76] : memref<8x128xi32, #tpu.memory_space<vmem>> -> memref<1x128xi32, #tpu.memory_space<vmem>>
    %dma_start3A_78 = tpu.memref_squeeze %dma_start3A_77 : memref<1x128xi32, #tpu.memory_space<vmem>> -> memref<128xi32, #tpu.memory_space<vmem>>
    %dma_start3A_79 = arith.constant 0 : i32
    %dma_start3A_80 = arith.constant 0 : i32
    %dma_start3A_81 = tpu.memref_slice %arg3[%dma_start3A_79, %dma_start3A_80] : memref<1000x128xf32, #tpu.memory_space<hbm>> -> memref<1000x128xf32, #tpu.memory_space<hbm>>
    tpu.enqueue_indirect_dma source(%dma_start3A_81 : memref<1000x128xf32, #tpu.memory_space<hbm>>) target(%dma_start3A_75 : memref<128x128xf32, #tpu.memory_space<vmem>>) offsets(%dma_start3A_78 : memref<128xi32, #tpu.memory_space<vmem>>) semaphore(%arg8 : memref<!tpu.dma_semaphore, #tpu.memory_space<semaphore_mem>>)
    %dma_wait3A_82 = arith.constant 2 : i32
    %dma_wait3A_83 = arith.constant 0 : i32
    %dma_wait3A_84 = arith.constant 0 : i32
    %dma_wait3A_85 = arith.constant 0 : i32
    %dma_wait3A_86 = tpu.memref_slice %arg6[%dma_wait3A_83, %dma_wait3A_84, %dma_wait3A_85] : memref<2x128x128xf32, #tpu.memory_space<vmem>> -> memref<1x128x128xf32, #tpu.memory_space<vmem>>
    %dma_wait3A_87 = tpu.memref_squeeze %dma_wait3A_86 : memref<1x128x128xf32, #tpu.memory_space<vmem>> -> memref<128x128xf32, #tpu.memory_space<vmem>>
    %dma_wait3A_88 = arith.constant 0 : i32
    %dma_wait3A_89 = tpu.memref_slice %arg5[%dma_wait3A_82, %dma_wait3A_88] : memref<8x128xi32, #tpu.memory_space<vmem>> -> memref<1x128xi32, #tpu.memory_space<vmem>>
    %dma_wait3A_90 = tpu.memref_squeeze %dma_wait3A_89 : memref<1x128xi32, #tpu.memory_space<vmem>> -> memref<128xi32, #tpu.memory_space<vmem>>
    %dma_wait3A_91 = arith.constant 0 : i32
    %dma_wait3A_92 = arith.constant 0 : i32
    %dma_wait3A_93 = tpu.memref_slice %arg3[%dma_wait3A_91, %dma_wait3A_92] : memref<1000x128xf32, #tpu.memory_space<hbm>> -> memref<1000x128xf32, #tpu.memory_space<hbm>>
    tpu.wait_indirect_dma semaphore(%arg7 : memref<!tpu.dma_semaphore, #tpu.memory_space<semaphore_mem>>) src(%dma_wait3A_93 : memref<1000x128xf32, #tpu.memory_space<hbm>>) dst(%dma_wait3A_87 : memref<128x128xf32, #tpu.memory_space<vmem>>)
    %mul3A_94 = arith.constant 1024 : i32
    %mul3A_95 = arith.muli %add3A, %mul3A_94 : i32
    %add3A_96 = arith.constant 256 : i32
    %add3A_97 = arith.addi %mul3A_95, %add3A_96 : i32
    %run_scoped3A_98 = arith.constant 0 : i32
    "tpu.region"() ({
      %run_scoped3A_232 = tpu.sem_alloc : memref<!tpu.dma_semaphore, #tpu.memory_space<semaphore_mem>>
      %dma_start3A_233 = arith.constant 0 : i32
      %dma_start3A_234 = arith.constant 0 : i32
      %dma_start3A_235 = tpu.memref_slice %arg6[%run_scoped3A_98, %dma_start3A_233, %dma_start3A_234] : memref<2x128x128xf32, #tpu.memory_space<vmem>> -> memref<1x128x128xf32, #tpu.memory_space<vmem>>
      %dma_start3A_236 = tpu.memref_squeeze %dma_start3A_235 : memref<1x128x128xf32, #tpu.memory_space<vmem>> -> memref<128x128xf32, #tpu.memory_space<vmem>>
      %dma_start3A_237 = arith.constant 0 : i32
      %dma_start3A_238 = tpu.memref_slice %arg4[%add3A_97, %dma_start3A_237] : memref<32768x128xf32, #tpu.memory_space<hbm>> -> memref<128x128xf32, #tpu.memory_space<hbm>>
      %dma_start3A_239 = arith.constant 0 : i32
      %dma_start3A_240 = tpu.memref_slice %arg4[%add3A_97, %dma_start3A_239] : memref<32768x128xf32, #tpu.memory_space<hbm>> -> memref<128x128xf32, #tpu.memory_space<hbm>>
      %dma_start3A_241 = arith.constant 0 : i32
      %dma_start3A_242 = arith.constant 0 : i32
      %dma_start3A_243 = tpu.memref_slice %arg6[%run_scoped3A_98, %dma_start3A_241, %dma_start3A_242] : memref<2x128x128xf32, #tpu.memory_space<vmem>> -> memref<1x128x128xf32, #tpu.memory_space<vmem>>
      %dma_start3A_244 = tpu.memref_squeeze %dma_start3A_243 : memref<1x128x128xf32, #tpu.memory_space<vmem>> -> memref<128x128xf32, #tpu.memory_space<vmem>>
      tpu.enqueue_dma source(%dma_start3A_244 : memref<128x128xf32, #tpu.memory_space<vmem>>) target(%dma_start3A_240 : memref<128x128xf32, #tpu.memory_space<hbm>>) target_semaphore(%run_scoped3A_232 : memref<!tpu.dma_semaphore, #tpu.memory_space<semaphore_mem>>)
      %dma_wait3A_245 = arith.constant 0 : i32
      %dma_wait3A_246 = arith.constant 0 : i32
      %dma_wait3A_247 = tpu.memref_slice %arg6[%run_scoped3A_98, %dma_wait3A_245, %dma_wait3A_246] : memref<2x128x128xf32, #tpu.memory_space<vmem>> -> memref<1x128x128xf32, #tpu.memory_space<vmem>>
      %dma_wait3A_248 = tpu.memref_squeeze %dma_wait3A_247 : memref<1x128x128xf32, #tpu.memory_space<vmem>> -> memref<128x128xf32, #tpu.memory_space<vmem>>
      %dma_wait3A_249 = arith.constant 0 : i32
      %dma_wait3A_250 = tpu.memref_slice %arg4[%add3A_97, %dma_wait3A_249] : memref<32768x128xf32, #tpu.memory_space<hbm>> -> memref<128x128xf32, #tpu.memory_space<hbm>>
      %dma_wait3A_251 = arith.constant 0 : i32
      %dma_wait3A_252 = tpu.memref_slice %arg4[%add3A_97, %dma_wait3A_251] : memref<32768x128xf32, #tpu.memory_space<hbm>> -> memref<128x128xf32, #tpu.memory_space<hbm>>
      %dma_wait3A_253 = arith.constant 0 : i32
      %dma_wait3A_254 = arith.constant 0 : i32
      %dma_wait3A_255 = tpu.memref_slice %arg6[%run_scoped3A_98, %dma_wait3A_253, %dma_wait3A_254] : memref<2x128x128xf32, #tpu.memory_space<vmem>> -> memref<1x128x128xf32, #tpu.memory_space<vmem>>
      %dma_wait3A_256 = tpu.memref_squeeze %dma_wait3A_255 : memref<1x128x128xf32, #tpu.memory_space<vmem>> -> memref<128x128xf32, #tpu.memory_space<vmem>>
      tpu.wait_dma2 semaphore(%run_scoped3A_232 : memref<!tpu.dma_semaphore, #tpu.memory_space<semaphore_mem>>) src(%dma_wait3A_256 : memref<128x128xf32, #tpu.memory_space<vmem>>) dst(%dma_wait3A_252 : memref<128x128xf32, #tpu.memory_space<hbm>>)
      tpu.yield
    }) : () -> ()
    %dma_start3A_99 = arith.constant 4 : i32
    %dma_start3A_100 = arith.constant 0 : i32
    %dma_start3A_101 = arith.constant 0 : i32
    %dma_start3A_102 = arith.constant 0 : i32
    %dma_start3A_103 = tpu.memref_slice %arg6[%dma_start3A_100, %dma_start3A_101, %dma_start3A_102] : memref<2x128x128xf32, #tpu.memory_space<vmem>> -> memref<1x128x128xf32, #tpu.memory_space<vmem>>
    %dma_start3A_104 = tpu.memref_squeeze %dma_start3A_103 : memref<1x128x128xf32, #tpu.memory_space<vmem>> -> memref<128x128xf32, #tpu.memory_space<vmem>>
    %dma_start3A_105 = arith.constant 0 : i32
    %dma_start3A_106 = tpu.memref_slice %arg5[%dma_start3A_99, %dma_start3A_105] : memref<8x128xi32, #tpu.memory_space<vmem>> -> memref<1x128xi32, #tpu.memory_space<vmem>>
    %dma_start3A_107 = tpu.memref_squeeze %dma_start3A_106 : memref<1x128xi32, #tpu.memory_space<vmem>> -> memref<128xi32, #tpu.memory_space<vmem>>
    %dma_start3A_108 = arith.constant 0 : i32
    %dma_start3A_109 = arith.constant 0 : i32
    %dma_start3A_110 = tpu.memref_slice %arg3[%dma_start3A_108, %dma_start3A_109] : memref<1000x128xf32, #tpu.memory_space<hbm>> -> memref<1000x128xf32, #tpu.memory_space<hbm>>
    tpu.enqueue_indirect_dma source(%dma_start3A_110 : memref<1000x128xf32, #tpu.memory_space<hbm>>) target(%dma_start3A_104 : memref<128x128xf32, #tpu.memory_space<vmem>>) offsets(%dma_start3A_107 : memref<128xi32, #tpu.memory_space<vmem>>) semaphore(%arg7 : memref<!tpu.dma_semaphore, #tpu.memory_space<semaphore_mem>>)
    %dma_wait3A_111 = arith.constant 3 : i32
    %dma_wait3A_112 = arith.constant 1 : i32
    %dma_wait3A_113 = arith.constant 0 : i32
    %dma_wait3A_114 = arith.constant 0 : i32
    %dma_wait3A_115 = tpu.memref_slice %arg6[%dma_wait3A_112, %dma_wait3A_113, %dma_wait3A_114] : memref<2x128x128xf32, #tpu.memory_space<vmem>> -> memref<1x128x128xf32, #tpu.memory_space<vmem>>
    %dma_wait3A_116 = tpu.memref_squeeze %dma_wait3A_115 : memref<1x128x128xf32, #tpu.memory_space<vmem>> -> memref<128x128xf32, #tpu.memory_space<vmem>>
    %dma_wait3A_117 = arith.constant 0 : i32
    %dma_wait3A_118 = tpu.memref_slice %arg5[%dma_wait3A_111, %dma_wait3A_117] : memref<8x128xi32, #tpu.memory_space<vmem>> -> memref<1x128xi32, #tpu.memory_space<vmem>>
    %dma_wait3A_119 = tpu.memref_squeeze %dma_wait3A_118 : memref<1x128xi32, #tpu.memory_space<vmem>> -> memref<128xi32, #tpu.memory_space<vmem>>
    %dma_wait3A_120 = arith.constant 0 : i32
    %dma_wait3A_121 = arith.constant 0 : i32
    %dma_wait3A_122 = tpu.memref_slice %arg3[%dma_wait3A_120, %dma_wait3A_121] : memref<1000x128xf32, #tpu.memory_space<hbm>> -> memref<1000x128xf32, #tpu.memory_space<hbm>>
    tpu.wait_indirect_dma semaphore(%arg8 : memref<!tpu.dma_semaphore, #tpu.memory_space<semaphore_mem>>) src(%dma_wait3A_122 : memref<1000x128xf32, #tpu.memory_space<hbm>>) dst(%dma_wait3A_116 : memref<128x128xf32, #tpu.memory_space<vmem>>)
    %mul3A_123 = arith.constant 1024 : i32
    %mul3A_124 = arith.muli %add3A, %mul3A_123 : i32
    %add3A_125 = arith.constant 384 : i32
    %add3A_126 = arith.addi %mul3A_124, %add3A_125 : i32
    %run_scoped3A_127 = arith.constant 1 : i32
    "tpu.region"() ({
      %run_scoped3A_232 = tpu.sem_alloc : memref<!tpu.dma_semaphore, #tpu.memory_space<semaphore_mem>>
      %dma_start3A_233 = arith.constant 0 : i32
      %dma_start3A_234 = arith.constant 0 : i32
      %dma_start3A_235 = tpu.memref_slice %arg6[%run_scoped3A_127, %dma_start3A_233, %dma_start3A_234] : memref<2x128x128xf32, #tpu.memory_space<vmem>> -> memref<1x128x128xf32, #tpu.memory_space<vmem>>
      %dma_start3A_236 = tpu.memref_squeeze %dma_start3A_235 : memref<1x128x128xf32, #tpu.memory_space<vmem>> -> memref<128x128xf32, #tpu.memory_space<vmem>>
      %dma_start3A_237 = arith.constant 0 : i32
      %dma_start3A_238 = tpu.memref_slice %arg4[%add3A_126, %dma_start3A_237] : memref<32768x128xf32, #tpu.memory_space<hbm>> -> memref<128x128xf32, #tpu.memory_space<hbm>>
      %dma_start3A_239 = arith.constant 0 : i32
      %dma_start3A_240 = tpu.memref_slice %arg4[%add3A_126, %dma_start3A_239] : memref<32768x128xf32, #tpu.memory_space<hbm>> -> memref<128x128xf32, #tpu.memory_space<hbm>>
      %dma_start3A_241 = arith.constant 0 : i32
      %dma_start3A_242 = arith.constant 0 : i32
      %dma_start3A_243 = tpu.memref_slice %arg6[%run_scoped3A_127, %dma_start3A_241, %dma_start3A_242] : memref<2x128x128xf32, #tpu.memory_space<vmem>> -> memref<1x128x128xf32, #tpu.memory_space<vmem>>
      %dma_start3A_244 = tpu.memref_squeeze %dma_start3A_243 : memref<1x128x128xf32, #tpu.memory_space<vmem>> -> memref<128x128xf32, #tpu.memory_space<vmem>>
      tpu.enqueue_dma source(%dma_start3A_244 : memref<128x128xf32, #tpu.memory_space<vmem>>) target(%dma_start3A_240 : memref<128x128xf32, #tpu.memory_space<hbm>>) target_semaphore(%run_scoped3A_232 : memref<!tpu.dma_semaphore, #tpu.memory_space<semaphore_mem>>)
      %dma_wait3A_245 = arith.constant 0 : i32
      %dma_wait3A_246 = arith.constant 0 : i32
      %dma_wait3A_247 = tpu.memref_slice %arg6[%run_scoped3A_127, %dma_wait3A_245, %dma_wait3A_246] : memref<2x128x128xf32, #tpu.memory_space<vmem>> -> memref<1x128x128xf32, #tpu.memory_space<vmem>>
      %dma_wait3A_248 = tpu.memref_squeeze %dma_wait3A_247 : memref<1x128x128xf32, #tpu.memory_space<vmem>> -> memref<128x128xf32, #tpu.memory_space<vmem>>
      %dma_wait3A_249 = arith.constant 0 : i32
      %dma_wait3A_250 = tpu.memref_slice %arg4[%add3A_126, %dma_wait3A_249] : memref<32768x128xf32, #tpu.memory_space<hbm>> -> memref<128x128xf32, #tpu.memory_space<hbm>>
      %dma_wait3A_251 = arith.constant 0 : i32
      %dma_wait3A_252 = tpu.memref_slice %arg4[%add3A_126, %dma_wait3A_251] : memref<32768x128xf32, #tpu.memory_space<hbm>> -> memref<128x128xf32, #tpu.memory_space<hbm>>
      %dma_wait3A_253 = arith.constant 0 : i32
      %dma_wait3A_254 = arith.constant 0 : i32
      %dma_wait3A_255 = tpu.memref_slice %arg6[%run_scoped3A_127, %dma_wait3A_253, %dma_wait3A_254] : memref<2x128x128xf32, #tpu.memory_space<vmem>> -> memref<1x128x128xf32, #tpu.memory_space<vmem>>
      %dma_wait3A_256 = tpu.memref_squeeze %dma_wait3A_255 : memref<1x128x128xf32, #tpu.memory_space<vmem>> -> memref<128x128xf32, #tpu.memory_space<vmem>>
      tpu.wait_dma2 semaphore(%run_scoped3A_232 : memref<!tpu.dma_semaphore, #tpu.memory_space<semaphore_mem>>) src(%dma_wait3A_256 : memref<128x128xf32, #tpu.memory_space<vmem>>) dst(%dma_wait3A_252 : memref<128x128xf32, #tpu.memory_space<hbm>>)
      tpu.yield
    }) : () -> ()
    %dma_start3A_128 = arith.constant 5 : i32
    %dma_start3A_129 = arith.constant 1 : i32
    %dma_start3A_130 = arith.constant 0 : i32
    %dma_start3A_131 = arith.constant 0 : i32
    %dma_start3A_132 = tpu.memref_slice %arg6[%dma_start3A_129, %dma_start3A_130, %dma_start3A_131] : memref<2x128x128xf32, #tpu.memory_space<vmem>> -> memref<1x128x128xf32, #tpu.memory_space<vmem>>
    %dma_start3A_133 = tpu.memref_squeeze %dma_start3A_132 : memref<1x128x128xf32, #tpu.memory_space<vmem>> -> memref<128x128xf32, #tpu.memory_space<vmem>>
    %dma_start3A_134 = arith.constant 0 : i32
    %dma_start3A_135 = tpu.memref_slice %arg5[%dma_start3A_128, %dma_start3A_134] : memref<8x128xi32, #tpu.memory_space<vmem>> -> memref<1x128xi32, #tpu.memory_space<vmem>>
    %dma_start3A_136 = tpu.memref_squeeze %dma_start3A_135 : memref<1x128xi32, #tpu.memory_space<vmem>> -> memref<128xi32, #tpu.memory_space<vmem>>
    %dma_start3A_137 = arith.constant 0 : i32
    %dma_start3A_138 = arith.constant 0 : i32
    %dma_start3A_139 = tpu.memref_slice %arg3[%dma_start3A_137, %dma_start3A_138] : memref<1000x128xf32, #tpu.memory_space<hbm>> -> memref<1000x128xf32, #tpu.memory_space<hbm>>
    tpu.enqueue_indirect_dma source(%dma_start3A_139 : memref<1000x128xf32, #tpu.memory_space<hbm>>) target(%dma_start3A_133 : memref<128x128xf32, #tpu.memory_space<vmem>>) offsets(%dma_start3A_136 : memref<128xi32, #tpu.memory_space<vmem>>) semaphore(%arg8 : memref<!tpu.dma_semaphore, #tpu.memory_space<semaphore_mem>>)
    %dma_wait3A_140 = arith.constant 4 : i32
    %dma_wait3A_141 = arith.constant 0 : i32
    %dma_wait3A_142 = arith.constant 0 : i32
    %dma_wait3A_143 = arith.constant 0 : i32
    %dma_wait3A_144 = tpu.memref_slice %arg6[%dma_wait3A_141, %dma_wait3A_142, %dma_wait3A_143] : memref<2x128x128xf32, #tpu.memory_space<vmem>> -> memref<1x128x128xf32, #tpu.memory_space<vmem>>
    %dma_wait3A_145 = tpu.memref_squeeze %dma_wait3A_144 : memref<1x128x128xf32, #tpu.memory_space<vmem>> -> memref<128x128xf32, #tpu.memory_space<vmem>>
    %dma_wait3A_146 = arith.constant 0 : i32
    %dma_wait3A_147 = tpu.memref_slice %arg5[%dma_wait3A_140, %dma_wait3A_146] : memref<8x128xi32, #tpu.memory_space<vmem>> -> memref<1x128xi32, #tpu.memory_space<vmem>>
    %dma_wait3A_148 = tpu.memref_squeeze %dma_wait3A_147 : memref<1x128xi32, #tpu.memory_space<vmem>> -> memref<128xi32, #tpu.memory_space<vmem>>
    %dma_wait3A_149 = arith.constant 0 : i32
    %dma_wait3A_150 = arith.constant 0 : i32
    %dma_wait3A_151 = tpu.memref_slice %arg3[%dma_wait3A_149, %dma_wait3A_150] : memref<1000x128xf32, #tpu.memory_space<hbm>> -> memref<1000x128xf32, #tpu.memory_space<hbm>>
    tpu.wait_indirect_dma semaphore(%arg7 : memref<!tpu.dma_semaphore, #tpu.memory_space<semaphore_mem>>) src(%dma_wait3A_151 : memref<1000x128xf32, #tpu.memory_space<hbm>>) dst(%dma_wait3A_145 : memref<128x128xf32, #tpu.memory_space<vmem>>)
    %mul3A_152 = arith.constant 1024 : i32
    %mul3A_153 = arith.muli %add3A, %mul3A_152 : i32
    %add3A_154 = arith.constant 512 : i32
    %add3A_155 = arith.addi %mul3A_153, %add3A_154 : i32
    %run_scoped3A_156 = arith.constant 0 : i32
    "tpu.region"() ({
      %run_scoped3A_232 = tpu.sem_alloc : memref<!tpu.dma_semaphore, #tpu.memory_space<semaphore_mem>>
      %dma_start3A_233 = arith.constant 0 : i32
      %dma_start3A_234 = arith.constant 0 : i32
      %dma_start3A_235 = tpu.memref_slice %arg6[%run_scoped3A_156, %dma_start3A_233, %dma_start3A_234] : memref<2x128x128xf32, #tpu.memory_space<vmem>> -> memref<1x128x128xf32, #tpu.memory_space<vmem>>
      %dma_start3A_236 = tpu.memref_squeeze %dma_start3A_235 : memref<1x128x128xf32, #tpu.memory_space<vmem>> -> memref<128x128xf32, #tpu.memory_space<vmem>>
      %dma_start3A_237 = arith.constant 0 : i32
      %dma_start3A_238 = tpu.memref_slice %arg4[%add3A_155, %dma_start3A_237] : memref<32768x128xf32, #tpu.memory_space<hbm>> -> memref<128x128xf32, #tpu.memory_space<hbm>>
      %dma_start3A_239 = arith.constant 0 : i32
      %dma_start3A_240 = tpu.memref_slice %arg4[%add3A_155, %dma_start3A_239] : memref<32768x128xf32, #tpu.memory_space<hbm>> -> memref<128x128xf32, #tpu.memory_space<hbm>>
      %dma_start3A_241 = arith.constant 0 : i32
      %dma_start3A_242 = arith.constant 0 : i32
      %dma_start3A_243 = tpu.memref_slice %arg6[%run_scoped3A_156, %dma_start3A_241, %dma_start3A_242] : memref<2x128x128xf32, #tpu.memory_space<vmem>> -> memref<1x128x128xf32, #tpu.memory_space<vmem>>
      %dma_start3A_244 = tpu.memref_squeeze %dma_start3A_243 : memref<1x128x128xf32, #tpu.memory_space<vmem>> -> memref<128x128xf32, #tpu.memory_space<vmem>>
      tpu.enqueue_dma source(%dma_start3A_244 : memref<128x128xf32, #tpu.memory_space<vmem>>) target(%dma_start3A_240 : memref<128x128xf32, #tpu.memory_space<hbm>>) target_semaphore(%run_scoped3A_232 : memref<!tpu.dma_semaphore, #tpu.memory_space<semaphore_mem>>)
      %dma_wait3A_245 = arith.constant 0 : i32
      %dma_wait3A_246 = arith.constant 0 : i32
      %dma_wait3A_247 = tpu.memref_slice %arg6[%run_scoped3A_156, %dma_wait3A_245, %dma_wait3A_246] : memref<2x128x128xf32, #tpu.memory_space<vmem>> -> memref<1x128x128xf32, #tpu.memory_space<vmem>>
      %dma_wait3A_248 = tpu.memref_squeeze %dma_wait3A_247 : memref<1x128x128xf32, #tpu.memory_space<vmem>> -> memref<128x128xf32, #tpu.memory_space<vmem>>
      %dma_wait3A_249 = arith.constant 0 : i32
      %dma_wait3A_250 = tpu.memref_slice %arg4[%add3A_155, %dma_wait3A_249] : memref<32768x128xf32, #tpu.memory_space<hbm>> -> memref<128x128xf32, #tpu.memory_space<hbm>>
      %dma_wait3A_251 = arith.constant 0 : i32
      %dma_wait3A_252 = tpu.memref_slice %arg4[%add3A_155, %dma_wait3A_251] : memref<32768x128xf32, #tpu.memory_space<hbm>> -> memref<128x128xf32, #tpu.memory_space<hbm>>
      %dma_wait3A_253 = arith.constant 0 : i32
      %dma_wait3A_254 = arith.constant 0 : i32
      %dma_wait3A_255 = tpu.memref_slice %arg6[%run_scoped3A_156, %dma_wait3A_253, %dma_wait3A_254] : memref<2x128x128xf32, #tpu.memory_space<vmem>> -> memref<1x128x128xf32, #tpu.memory_space<vmem>>
      %dma_wait3A_256 = tpu.memref_squeeze %dma_wait3A_255 : memref<1x128x128xf32, #tpu.memory_space<vmem>> -> memref<128x128xf32, #tpu.memory_space<vmem>>
      tpu.wait_dma2 semaphore(%run_scoped3A_232 : memref<!tpu.dma_semaphore, #tpu.memory_space<semaphore_mem>>) src(%dma_wait3A_256 : memref<128x128xf32, #tpu.memory_space<vmem>>) dst(%dma_wait3A_252 : memref<128x128xf32, #tpu.memory_space<hbm>>)
      tpu.yield
    }) : () -> ()
    %dma_start3A_157 = arith.constant 6 : i32
    %dma_start3A_158 = arith.constant 0 : i32
    %dma_start3A_159 = arith.constant 0 : i32
    %dma_start3A_160 = arith.constant 0 : i32
    %dma_start3A_161 = tpu.memref_slice %arg6[%dma_start3A_158, %dma_start3A_159, %dma_start3A_160] : memref<2x128x128xf32, #tpu.memory_space<vmem>> -> memref<1x128x128xf32, #tpu.memory_space<vmem>>
    %dma_start3A_162 = tpu.memref_squeeze %dma_start3A_161 : memref<1x128x128xf32, #tpu.memory_space<vmem>> -> memref<128x128xf32, #tpu.memory_space<vmem>>
    %dma_start3A_163 = arith.constant 0 : i32
    %dma_start3A_164 = tpu.memref_slice %arg5[%dma_start3A_157, %dma_start3A_163] : memref<8x128xi32, #tpu.memory_space<vmem>> -> memref<1x128xi32, #tpu.memory_space<vmem>>
    %dma_start3A_165 = tpu.memref_squeeze %dma_start3A_164 : memref<1x128xi32, #tpu.memory_space<vmem>> -> memref<128xi32, #tpu.memory_space<vmem>>
    %dma_start3A_166 = arith.constant 0 : i32
    %dma_start3A_167 = arith.constant 0 : i32
    %dma_start3A_168 = tpu.memref_slice %arg3[%dma_start3A_166, %dma_start3A_167] : memref<1000x128xf32, #tpu.memory_space<hbm>> -> memref<1000x128xf32, #tpu.memory_space<hbm>>
    tpu.enqueue_indirect_dma source(%dma_start3A_168 : memref<1000x128xf32, #tpu.memory_space<hbm>>) target(%dma_start3A_162 : memref<128x128xf32, #tpu.memory_space<vmem>>) offsets(%dma_start3A_165 : memref<128xi32, #tpu.memory_space<vmem>>) semaphore(%arg7 : memref<!tpu.dma_semaphore, #tpu.memory_space<semaphore_mem>>)
    %dma_wait3A_169 = arith.constant 5 : i32
    %dma_wait3A_170 = arith.constant 1 : i32
    %dma_wait3A_171 = arith.constant 0 : i32
    %dma_wait3A_172 = arith.constant 0 : i32
    %dma_wait3A_173 = tpu.memref_slice %arg6[%dma_wait3A_170, %dma_wait3A_171, %dma_wait3A_172] : memref<2x128x128xf32, #tpu.memory_space<vmem>> -> memref<1x128x128xf32, #tpu.memory_space<vmem>>
    %dma_wait3A_174 = tpu.memref_squeeze %dma_wait3A_173 : memref<1x128x128xf32, #tpu.memory_space<vmem>> -> memref<128x128xf32, #tpu.memory_space<vmem>>
    %dma_wait3A_175 = arith.constant 0 : i32
    %dma_wait3A_176 = tpu.memref_slice %arg5[%dma_wait3A_169, %dma_wait3A_175] : memref<8x128xi32, #tpu.memory_space<vmem>> -> memref<1x128xi32, #tpu.memory_space<vmem>>
    %dma_wait3A_177 = tpu.memref_squeeze %dma_wait3A_176 : memref<1x128xi32, #tpu.memory_space<vmem>> -> memref<128xi32, #tpu.memory_space<vmem>>
    %dma_wait3A_178 = arith.constant 0 : i32
    %dma_wait3A_179 = arith.constant 0 : i32
    %dma_wait3A_180 = tpu.memref_slice %arg3[%dma_wait3A_178, %dma_wait3A_179] : memref<1000x128xf32, #tpu.memory_space<hbm>> -> memref<1000x128xf32, #tpu.memory_space<hbm>>
    tpu.wait_indirect_dma semaphore(%arg8 : memref<!tpu.dma_semaphore, #tpu.memory_space<semaphore_mem>>) src(%dma_wait3A_180 : memref<1000x128xf32, #tpu.memory_space<hbm>>) dst(%dma_wait3A_174 : memref<128x128xf32, #tpu.memory_space<vmem>>)
    %mul3A_181 = arith.constant 1024 : i32
    %mul3A_182 = arith.muli %add3A, %mul3A_181 : i32
    %add3A_183 = arith.constant 640 : i32
    %add3A_184 = arith.addi %mul3A_182, %add3A_183 : i32
    %run_scoped3A_185 = arith.constant 1 : i32
    "tpu.region"() ({
      %run_scoped3A_232 = tpu.sem_alloc : memref<!tpu.dma_semaphore, #tpu.memory_space<semaphore_mem>>
      %dma_start3A_233 = arith.constant 0 : i32
      %dma_start3A_234 = arith.constant 0 : i32
      %dma_start3A_235 = tpu.memref_slice %arg6[%run_scoped3A_185, %dma_start3A_233, %dma_start3A_234] : memref<2x128x128xf32, #tpu.memory_space<vmem>> -> memref<1x128x128xf32, #tpu.memory_space<vmem>>
      %dma_start3A_236 = tpu.memref_squeeze %dma_start3A_235 : memref<1x128x128xf32, #tpu.memory_space<vmem>> -> memref<128x128xf32, #tpu.memory_space<vmem>>
      %dma_start3A_237 = arith.constant 0 : i32
      %dma_start3A_238 = tpu.memref_slice %arg4[%add3A_184, %dma_start3A_237] : memref<32768x128xf32, #tpu.memory_space<hbm>> -> memref<128x128xf32, #tpu.memory_space<hbm>>
      %dma_start3A_239 = arith.constant 0 : i32
      %dma_start3A_240 = tpu.memref_slice %arg4[%add3A_184, %dma_start3A_239] : memref<32768x128xf32, #tpu.memory_space<hbm>> -> memref<128x128xf32, #tpu.memory_space<hbm>>
      %dma_start3A_241 = arith.constant 0 : i32
      %dma_start3A_242 = arith.constant 0 : i32
      %dma_start3A_243 = tpu.memref_slice %arg6[%run_scoped3A_185, %dma_start3A_241, %dma_start3A_242] : memref<2x128x128xf32, #tpu.memory_space<vmem>> -> memref<1x128x128xf32, #tpu.memory_space<vmem>>
      %dma_start3A_244 = tpu.memref_squeeze %dma_start3A_243 : memref<1x128x128xf32, #tpu.memory_space<vmem>> -> memref<128x128xf32, #tpu.memory_space<vmem>>
      tpu.enqueue_dma source(%dma_start3A_244 : memref<128x128xf32, #tpu.memory_space<vmem>>) target(%dma_start3A_240 : memref<128x128xf32, #tpu.memory_space<hbm>>) target_semaphore(%run_scoped3A_232 : memref<!tpu.dma_semaphore, #tpu.memory_space<semaphore_mem>>)
      %dma_wait3A_245 = arith.constant 0 : i32
      %dma_wait3A_246 = arith.constant 0 : i32
      %dma_wait3A_247 = tpu.memref_slice %arg6[%run_scoped3A_185, %dma_wait3A_245, %dma_wait3A_246] : memref<2x128x128xf32, #tpu.memory_space<vmem>> -> memref<1x128x128xf32, #tpu.memory_space<vmem>>
      %dma_wait3A_248 = tpu.memref_squeeze %dma_wait3A_247 : memref<1x128x128xf32, #tpu.memory_space<vmem>> -> memref<128x128xf32, #tpu.memory_space<vmem>>
      %dma_wait3A_249 = arith.constant 0 : i32
      %dma_wait3A_250 = tpu.memref_slice %arg4[%add3A_184, %dma_wait3A_249] : memref<32768x128xf32, #tpu.memory_space<hbm>> -> memref<128x128xf32, #tpu.memory_space<hbm>>
      %dma_wait3A_251 = arith.constant 0 : i32
      %dma_wait3A_252 = tpu.memref_slice %arg4[%add3A_184, %dma_wait3A_251] : memref<32768x128xf32, #tpu.memory_space<hbm>> -> memref<128x128xf32, #tpu.memory_space<hbm>>
      %dma_wait3A_253 = arith.constant 0 : i32
      %dma_wait3A_254 = arith.constant 0 : i32
      %dma_wait3A_255 = tpu.memref_slice %arg6[%run_scoped3A_185, %dma_wait3A_253, %dma_wait3A_254] : memref<2x128x128xf32, #tpu.memory_space<vmem>> -> memref<1x128x128xf32, #tpu.memory_space<vmem>>
      %dma_wait3A_256 = tpu.memref_squeeze %dma_wait3A_255 : memref<1x128x128xf32, #tpu.memory_space<vmem>> -> memref<128x128xf32, #tpu.memory_space<vmem>>
      tpu.wait_dma2 semaphore(%run_scoped3A_232 : memref<!tpu.dma_semaphore, #tpu.memory_space<semaphore_mem>>) src(%dma_wait3A_256 : memref<128x128xf32, #tpu.memory_space<vmem>>) dst(%dma_wait3A_252 : memref<128x128xf32, #tpu.memory_space<hbm>>)
      tpu.yield
    }) : () -> ()
    %dma_start3A_186 = arith.constant 7 : i32
    %dma_start3A_187 = arith.constant 1 : i32
    %dma_start3A_188 = arith.constant 0 : i32
    %dma_start3A_189 = arith.constant 0 : i32
    %dma_start3A_190 = tpu.memref_slice %arg6[%dma_start3A_187, %dma_start3A_188, %dma_start3A_189] : memref<2x128x128xf32, #tpu.memory_space<vmem>> -> memref<1x128x128xf32, #tpu.memory_space<vmem>>
    %dma_start3A_191 = tpu.memref_squeeze %dma_start3A_190 : memref<1x128x128xf32, #tpu.memory_space<vmem>> -> memref<128x128xf32, #tpu.memory_space<vmem>>
    %dma_start3A_192 = arith.constant 0 : i32
    %dma_start3A_193 = tpu.memref_slice %arg5[%dma_start3A_186, %dma_start3A_192] : memref<8x128xi32, #tpu.memory_space<vmem>> -> memref<1x128xi32, #tpu.memory_space<vmem>>
    %dma_start3A_194 = tpu.memref_squeeze %dma_start3A_193 : memref<1x128xi32, #tpu.memory_space<vmem>> -> memref<128xi32, #tpu.memory_space<vmem>>
    %dma_start3A_195 = arith.constant 0 : i32
    %dma_start3A_196 = arith.constant 0 : i32
    %dma_start3A_197 = tpu.memref_slice %arg3[%dma_start3A_195, %dma_start3A_196] : memref<1000x128xf32, #tpu.memory_space<hbm>> -> memref<1000x128xf32, #tpu.memory_space<hbm>>
    tpu.enqueue_indirect_dma source(%dma_start3A_197 : memref<1000x128xf32, #tpu.memory_space<hbm>>) target(%dma_start3A_191 : memref<128x128xf32, #tpu.memory_space<vmem>>) offsets(%dma_start3A_194 : memref<128xi32, #tpu.memory_space<vmem>>) semaphore(%arg8 : memref<!tpu.dma_semaphore, #tpu.memory_space<semaphore_mem>>)
    %dma_wait3A_198 = arith.constant 6 : i32
    %dma_wait3A_199 = arith.constant 0 : i32
    %dma_wait3A_200 = arith.constant 0 : i32
    %dma_wait3A_201 = arith.constant 0 : i32
    %dma_wait3A_202 = tpu.memref_slice %arg6[%dma_wait3A_199, %dma_wait3A_200, %dma_wait3A_201] : memref<2x128x128xf32, #tpu.memory_space<vmem>> -> memref<1x128x128xf32, #tpu.memory_space<vmem>>
    %dma_wait3A_203 = tpu.memref_squeeze %dma_wait3A_202 : memref<1x128x128xf32, #tpu.memory_space<vmem>> -> memref<128x128xf32, #tpu.memory_space<vmem>>
    %dma_wait3A_204 = arith.constant 0 : i32
    %dma_wait3A_205 = tpu.memref_slice %arg5[%dma_wait3A_198, %dma_wait3A_204] : memref<8x128xi32, #tpu.memory_space<vmem>> -> memref<1x128xi32, #tpu.memory_space<vmem>>
    %dma_wait3A_206 = tpu.memref_squeeze %dma_wait3A_205 : memref<1x128xi32, #tpu.memory_space<vmem>> -> memref<128xi32, #tpu.memory_space<vmem>>
    %dma_wait3A_207 = arith.constant 0 : i32
    %dma_wait3A_208 = arith.constant 0 : i32
    %dma_wait3A_209 = tpu.memref_slice %arg3[%dma_wait3A_207, %dma_wait3A_208] : memref<1000x128xf32, #tpu.memory_space<hbm>> -> memref<1000x128xf32, #tpu.memory_space<hbm>>
    tpu.wait_indirect_dma semaphore(%arg7 : memref<!tpu.dma_semaphore, #tpu.memory_space<semaphore_mem>>) src(%dma_wait3A_209 : memref<1000x128xf32, #tpu.memory_space<hbm>>) dst(%dma_wait3A_203 : memref<128x128xf32, #tpu.memory_space<vmem>>)
    %mul3A_210 = arith.constant 1024 : i32
    %mul3A_211 = arith.muli %add3A, %mul3A_210 : i32
    %add3A_212 = arith.constant 768 : i32
    %add3A_213 = arith.addi %mul3A_211, %add3A_212 : i32
    %run_scoped3A_214 = arith.constant 0 : i32
    "tpu.region"() ({
      %run_scoped3A_232 = tpu.sem_alloc : memref<!tpu.dma_semaphore, #tpu.memory_space<semaphore_mem>>
      %dma_start3A_233 = arith.constant 0 : i32
      %dma_start3A_234 = arith.constant 0 : i32
      %dma_start3A_235 = tpu.memref_slice %arg6[%run_scoped3A_214, %dma_start3A_233, %dma_start3A_234] : memref<2x128x128xf32, #tpu.memory_space<vmem>> -> memref<1x128x128xf32, #tpu.memory_space<vmem>>
      %dma_start3A_236 = tpu.memref_squeeze %dma_start3A_235 : memref<1x128x128xf32, #tpu.memory_space<vmem>> -> memref<128x128xf32, #tpu.memory_space<vmem>>
      %dma_start3A_237 = arith.constant 0 : i32
      %dma_start3A_238 = tpu.memref_slice %arg4[%add3A_213, %dma_start3A_237] : memref<32768x128xf32, #tpu.memory_space<hbm>> -> memref<128x128xf32, #tpu.memory_space<hbm>>
      %dma_start3A_239 = arith.constant 0 : i32
      %dma_start3A_240 = tpu.memref_slice %arg4[%add3A_213, %dma_start3A_239] : memref<32768x128xf32, #tpu.memory_space<hbm>> -> memref<128x128xf32, #tpu.memory_space<hbm>>
      %dma_start3A_241 = arith.constant 0 : i32
      %dma_start3A_242 = arith.constant 0 : i32
      %dma_start3A_243 = tpu.memref_slice %arg6[%run_scoped3A_214, %dma_start3A_241, %dma_start3A_242] : memref<2x128x128xf32, #tpu.memory_space<vmem>> -> memref<1x128x128xf32, #tpu.memory_space<vmem>>
      %dma_start3A_244 = tpu.memref_squeeze %dma_start3A_243 : memref<1x128x128xf32, #tpu.memory_space<vmem>> -> memref<128x128xf32, #tpu.memory_space<vmem>>
      tpu.enqueue_dma source(%dma_start3A_244 : memref<128x128xf32, #tpu.memory_space<vmem>>) target(%dma_start3A_240 : memref<128x128xf32, #tpu.memory_space<hbm>>) target_semaphore(%run_scoped3A_232 : memref<!tpu.dma_semaphore, #tpu.memory_space<semaphore_mem>>)
      %dma_wait3A_245 = arith.constant 0 : i32
      %dma_wait3A_246 = arith.constant 0 : i32
      %dma_wait3A_247 = tpu.memref_slice %arg6[%run_scoped3A_214, %dma_wait3A_245, %dma_wait3A_246] : memref<2x128x128xf32, #tpu.memory_space<vmem>> -> memref<1x128x128xf32, #tpu.memory_space<vmem>>
      %dma_wait3A_248 = tpu.memref_squeeze %dma_wait3A_247 : memref<1x128x128xf32, #tpu.memory_space<vmem>> -> memref<128x128xf32, #tpu.memory_space<vmem>>
      %dma_wait3A_249 = arith.constant 0 : i32
      %dma_wait3A_250 = tpu.memref_slice %arg4[%add3A_213, %dma_wait3A_249] : memref<32768x128xf32, #tpu.memory_space<hbm>> -> memref<128x128xf32, #tpu.memory_space<hbm>>
      %dma_wait3A_251 = arith.constant 0 : i32
      %dma_wait3A_252 = tpu.memref_slice %arg4[%add3A_213, %dma_wait3A_251] : memref<32768x128xf32, #tpu.memory_space<hbm>> -> memref<128x128xf32, #tpu.memory_space<hbm>>
      %dma_wait3A_253 = arith.constant 0 : i32
      %dma_wait3A_254 = arith.constant 0 : i32
      %dma_wait3A_255 = tpu.memref_slice %arg6[%run_scoped3A_214, %dma_wait3A_253, %dma_wait3A_254] : memref<2x128x128xf32, #tpu.memory_space<vmem>> -> memref<1x128x128xf32, #tpu.memory_space<vmem>>
      %dma_wait3A_256 = tpu.memref_squeeze %dma_wait3A_255 : memref<1x128x128xf32, #tpu.memory_space<vmem>> -> memref<128x128xf32, #tpu.memory_space<vmem>>
      tpu.wait_dma2 semaphore(%run_scoped3A_232 : memref<!tpu.dma_semaphore, #tpu.memory_space<semaphore_mem>>) src(%dma_wait3A_256 : memref<128x128xf32, #tpu.memory_space<vmem>>) dst(%dma_wait3A_252 : memref<128x128xf32, #tpu.memory_space<hbm>>)
      tpu.yield
    }) : () -> ()
    %dma_wait3A_215 = arith.constant 7 : i32
    %dma_wait3A_216 = arith.constant 1 : i32
    %dma_wait3A_217 = arith.constant 0 : i32
    %dma_wait3A_218 = arith.constant 0 : i32
    %dma_wait3A_219 = tpu.memref_slice %arg6[%dma_wait3A_216, %dma_wait3A_217, %dma_wait3A_218] : memref<2x128x128xf32, #tpu.memory_space<vmem>> -> memref<1x128x128xf32, #tpu.memory_space<vmem>>
    %dma_wait3A_220 = tpu.memref_squeeze %dma_wait3A_219 : memref<1x128x128xf32, #tpu.memory_space<vmem>> -> memref<128x128xf32, #tpu.memory_space<vmem>>
    %dma_wait3A_221 = arith.constant 0 : i32
    %dma_wait3A_222 = tpu.memref_slice %arg5[%dma_wait3A_215, %dma_wait3A_221] : memref<8x128xi32, #tpu.memory_space<vmem>> -> memref<1x128xi32, #tpu.memory_space<vmem>>
    %dma_wait3A_223 = tpu.memref_squeeze %dma_wait3A_222 : memref<1x128xi32, #tpu.memory_space<vmem>> -> memref<128xi32, #tpu.memory_space<vmem>>
    %dma_wait3A_224 = arith.constant 0 : i32
    %dma_wait3A_225 = arith.constant 0 : i32
    %dma_wait3A_226 = tpu.memref_slice %arg3[%dma_wait3A_224, %dma_wait3A_225] : memref<1000x128xf32, #tpu.memory_space<hbm>> -> memref<1000x128xf32, #tpu.memory_space<hbm>>
    tpu.wait_indirect_dma semaphore(%arg8 : memref<!tpu.dma_semaphore, #tpu.memory_space<semaphore_mem>>) src(%dma_wait3A_226 : memref<1000x128xf32, #tpu.memory_space<hbm>>) dst(%dma_wait3A_220 : memref<128x128xf32, #tpu.memory_space<vmem>>)
    %mul3A_227 = arith.constant 1024 : i32
    %mul3A_228 = arith.muli %add3A, %mul3A_227 : i32
    %add3A_229 = arith.constant 896 : i32
    %add3A_230 = arith.addi %mul3A_228, %add3A_229 : i32
    %run_scoped3A_231 = arith.constant 1 : i32
    "tpu.region"() ({
      %run_scoped3A_232 = tpu.sem_alloc : memref<!tpu.dma_semaphore, #tpu.memory_space<semaphore_mem>>
      %dma_start3A_233 = arith.constant 0 : i32
      %dma_start3A_234 = arith.constant 0 : i32
      %dma_start3A_235 = tpu.memref_slice %arg6[%run_scoped3A_231, %dma_start3A_233, %dma_start3A_234] : memref<2x128x128xf32, #tpu.memory_space<vmem>> -> memref<1x128x128xf32, #tpu.memory_space<vmem>>
      %dma_start3A_236 = tpu.memref_squeeze %dma_start3A_235 : memref<1x128x128xf32, #tpu.memory_space<vmem>> -> memref<128x128xf32, #tpu.memory_space<vmem>>
      %dma_start3A_237 = arith.constant 0 : i32
      %dma_start3A_238 = tpu.memref_slice %arg4[%add3A_230, %dma_start3A_237] : memref<32768x128xf32, #tpu.memory_space<hbm>> -> memref<128x128xf32, #tpu.memory_space<hbm>>
      %dma_start3A_239 = arith.constant 0 : i32
      %dma_start3A_240 = tpu.memref_slice %arg4[%add3A_230, %dma_start3A_239] : memref<32768x128xf32, #tpu.memory_space<hbm>> -> memref<128x128xf32, #tpu.memory_space<hbm>>
      %dma_start3A_241 = arith.constant 0 : i32
      %dma_start3A_242 = arith.constant 0 : i32
      %dma_start3A_243 = tpu.memref_slice %arg6[%run_scoped3A_231, %dma_start3A_241, %dma_start3A_242] : memref<2x128x128xf32, #tpu.memory_space<vmem>> -> memref<1x128x128xf32, #tpu.memory_space<vmem>>
      %dma_start3A_244 = tpu.memref_squeeze %dma_start3A_243 : memref<1x128x128xf32, #tpu.memory_space<vmem>> -> memref<128x128xf32, #tpu.memory_space<vmem>>
      tpu.enqueue_dma source(%dma_start3A_244 : memref<128x128xf32, #tpu.memory_space<vmem>>) target(%dma_start3A_240 : memref<128x128xf32, #tpu.memory_space<hbm>>) target_semaphore(%run_scoped3A_232 : memref<!tpu.dma_semaphore, #tpu.memory_space<semaphore_mem>>)
      %dma_wait3A_245 = arith.constant 0 : i32
      %dma_wait3A_246 = arith.constant 0 : i32
      %dma_wait3A_247 = tpu.memref_slice %arg6[%run_scoped3A_231, %dma_wait3A_245, %dma_wait3A_246] : memref<2x128x128xf32, #tpu.memory_space<vmem>> -> memref<1x128x128xf32, #tpu.memory_space<vmem>>
      %dma_wait3A_248 = tpu.memref_squeeze %dma_wait3A_247 : memref<1x128x128xf32, #tpu.memory_space<vmem>> -> memref<128x128xf32, #tpu.memory_space<vmem>>
      %dma_wait3A_249 = arith.constant 0 : i32
      %dma_wait3A_250 = tpu.memref_slice %arg4[%add3A_230, %dma_wait3A_249] : memref<32768x128xf32, #tpu.memory_space<hbm>> -> memref<128x128xf32, #tpu.memory_space<hbm>>
      %dma_wait3A_251 = arith.constant 0 : i32
      %dma_wait3A_252 = tpu.memref_slice %arg4[%add3A_230, %dma_wait3A_251] : memref<32768x128xf32, #tpu.memory_space<hbm>> -> memref<128x128xf32, #tpu.memory_space<hbm>>
      %dma_wait3A_253 = arith.constant 0 : i32
      %dma_wait3A_254 = arith.constant 0 : i32
      %dma_wait3A_255 = tpu.memref_slice %arg6[%run_scoped3A_231, %dma_wait3A_253, %dma_wait3A_254] : memref<2x128x128xf32, #tpu.memory_space<vmem>> -> memref<1x128x128xf32, #tpu.memory_space<vmem>>
      %dma_wait3A_256 = tpu.memref_squeeze %dma_wait3A_255 : memref<1x128x128xf32, #tpu.memory_space<vmem>> -> memref<128x128xf32, #tpu.memory_space<vmem>>
      tpu.wait_dma2 semaphore(%run_scoped3A_232 : memref<!tpu.dma_semaphore, #tpu.memory_space<semaphore_mem>>) src(%dma_wait3A_256 : memref<128x128xf32, #tpu.memory_space<vmem>>) dst(%dma_wait3A_252 : memref<128x128xf32, #tpu.memory_space<hbm>>)
      tpu.yield
    }) : () -> ()
    return
  }
}

module attributes {stable_mosaic.version = 14 : i64} {
  func.func @_tc_expand_body(%arg0: i32, %arg1: i32, %arg2: memref<1x512x128xf32, #tpu.memory_space<vmem>>, %arg3: memref<1x1x512xi32, #tpu.memory_space<vmem>>, %arg4: memref<8x128x512xf32, #tpu.memory_space<vmem>>) attributes {dimension_semantics = [#tpu.dimension_semantics<parallel>, #tpu.dimension_semantics<parallel>], iteration_bounds = array<i64: 16, 4>, scalar_prefetch = 0 : i64, scratch_operands = 0 : i64, tpu.core_type = #tpu.core_type<tc>, window_params = [{transform_indices = @transform_0, window_bounds = array<i64: 1, 512, 128>}, {transform_indices = @transform_1, window_bounds = array<i64: 1, 1, 512>}, {transform_indices = @transform_2, window_bounds = array<i64: 8, 128, 512>}]} {
    %get3A = arith.constant 0 : index
    %get3A_0 = arith.constant 0 : index
    %get3A_1 = arith.constant 0 : index
    %get3A_2 = vector.load %arg2[%get3A, %get3A_0, %get3A_1] : memref<1x512x128xf32, #tpu.memory_space<vmem>>, vector<1x512x128xf32>
    %get3A_3 = vector.shape_cast %get3A_2 : vector<1x512x128xf32> to vector<512x128xf32>
    %get3A_4 = arith.constant 0 : index
    %get3A_5 = arith.constant 0 : index
    %get3A_6 = arith.constant 0 : index
    %get3A_7 = vector.load %arg3[%get3A_4, %get3A_5, %get3A_6] : memref<1x1x512xi32, #tpu.memory_space<vmem>>, vector<1x1x512xi32>
    %get3A_8 = vector.shape_cast %get3A_7 : vector<1x1x512xi32> to vector<1x512xi32>
    %gt3A = arith.constant 0 : i32
    %gt3A_9 = vector.broadcast %gt3A : i32 to vector<1x512xi32>
    %gt3A_10 = arith.cmpi sgt, %get3A_8, %gt3A_9 : vector<1x512xi32>
    %convert_element_type3A = arith.extui %gt3A_10 : vector<1x512xi1> to vector<1x512xi32>
    %convert_element_type3A_11 = arith.sitofp %convert_element_type3A : vector<1x512xi32> to vector<1x512xf32>
    %transpose3A = tpu.transpose %get3A_3, [1, 0] : vector<512x128xf32> -> vector<128x512xf32>
    %mul3A = vector.broadcast %convert_element_type3A_11 : vector<1x512xf32> to vector<128x512xf32>
    %mul3A_12 = arith.mulf %transpose3A, %mul3A : vector<128x512xf32>
    %swap3A = arith.constant 0 : index
    %swap3A_13 = arith.constant 0 : index
    %swap3A_14 = arith.constant 0 : index
    %swap3A_15 = vector.load %arg4[%swap3A, %swap3A_13, %swap3A_14] : memref<8x128x512xf32, #tpu.memory_space<vmem>>, vector<1x128x512xf32>
    %swap3A_16 = vector.shape_cast %swap3A_15 : vector<1x128x512xf32> to vector<128x512xf32>
    %swap3A_17 = vector.shape_cast %mul3A_12 : vector<128x512xf32> to vector<1x128x512xf32>
    tpu.vector_store %arg4[%swap3A, %swap3A_13, %swap3A_14], %swap3A_17 {strides = array<i32>} : memref<8x128x512xf32, #tpu.memory_space<vmem>>, vector<1x128x512xf32>,
    %swap3A_18 = arith.constant 1 : index
    %swap3A_19 = arith.constant 0 : index
    %swap3A_20 = arith.constant 0 : index
    %swap3A_21 = vector.load %arg4[%swap3A_18, %swap3A_19, %swap3A_20] : memref<8x128x512xf32, #tpu.memory_space<vmem>>, vector<1x128x512xf32>
    %swap3A_22 = vector.shape_cast %swap3A_21 : vector<1x128x512xf32> to vector<128x512xf32>
    %swap3A_23 = vector.shape_cast %mul3A_12 : vector<128x512xf32> to vector<1x128x512xf32>
    tpu.vector_store %arg4[%swap3A_18, %swap3A_19, %swap3A_20], %swap3A_23 {strides = array<i32>} : memref<8x128x512xf32, #tpu.memory_space<vmem>>, vector<1x128x512xf32>,
    %swap3A_24 = arith.constant 2 : index
    %swap3A_25 = arith.constant 0 : index
    %swap3A_26 = arith.constant 0 : index
    %swap3A_27 = vector.load %arg4[%swap3A_24, %swap3A_25, %swap3A_26] : memref<8x128x512xf32, #tpu.memory_space<vmem>>, vector<1x128x512xf32>
    %swap3A_28 = vector.shape_cast %swap3A_27 : vector<1x128x512xf32> to vector<128x512xf32>
    %swap3A_29 = vector.shape_cast %mul3A_12 : vector<128x512xf32> to vector<1x128x512xf32>
    tpu.vector_store %arg4[%swap3A_24, %swap3A_25, %swap3A_26], %swap3A_29 {strides = array<i32>} : memref<8x128x512xf32, #tpu.memory_space<vmem>>, vector<1x128x512xf32>,
    %swap3A_30 = arith.constant 3 : index
    %swap3A_31 = arith.constant 0 : index
    %swap3A_32 = arith.constant 0 : index
    %swap3A_33 = vector.load %arg4[%swap3A_30, %swap3A_31, %swap3A_32] : memref<8x128x512xf32, #tpu.memory_space<vmem>>, vector<1x128x512xf32>
    %swap3A_34 = vector.shape_cast %swap3A_33 : vector<1x128x512xf32> to vector<128x512xf32>
    %swap3A_35 = vector.shape_cast %mul3A_12 : vector<128x512xf32> to vector<1x128x512xf32>
    tpu.vector_store %arg4[%swap3A_30, %swap3A_31, %swap3A_32], %swap3A_35 {strides = array<i32>} : memref<8x128x512xf32, #tpu.memory_space<vmem>>, vector<1x128x512xf32>,
    %swap3A_36 = arith.constant 4 : index
    %swap3A_37 = arith.constant 0 : index
    %swap3A_38 = arith.constant 0 : index
    %swap3A_39 = vector.load %arg4[%swap3A_36, %swap3A_37, %swap3A_38] : memref<8x128x512xf32, #tpu.memory_space<vmem>>, vector<1x128x512xf32>
    %swap3A_40 = vector.shape_cast %swap3A_39 : vector<1x128x512xf32> to vector<128x512xf32>
    %swap3A_41 = vector.shape_cast %mul3A_12 : vector<128x512xf32> to vector<1x128x512xf32>
    tpu.vector_store %arg4[%swap3A_36, %swap3A_37, %swap3A_38], %swap3A_41 {strides = array<i32>} : memref<8x128x512xf32, #tpu.memory_space<vmem>>, vector<1x128x512xf32>,
    %swap3A_42 = arith.constant 5 : index
    %swap3A_43 = arith.constant 0 : index
    %swap3A_44 = arith.constant 0 : index
    %swap3A_45 = vector.load %arg4[%swap3A_42, %swap3A_43, %swap3A_44] : memref<8x128x512xf32, #tpu.memory_space<vmem>>, vector<1x128x512xf32>
    %swap3A_46 = vector.shape_cast %swap3A_45 : vector<1x128x512xf32> to vector<128x512xf32>
    %swap3A_47 = vector.shape_cast %mul3A_12 : vector<128x512xf32> to vector<1x128x512xf32>
    tpu.vector_store %arg4[%swap3A_42, %swap3A_43, %swap3A_44], %swap3A_47 {strides = array<i32>} : memref<8x128x512xf32, #tpu.memory_space<vmem>>, vector<1x128x512xf32>,
    %swap3A_48 = arith.constant 6 : index
    %swap3A_49 = arith.constant 0 : index
    %swap3A_50 = arith.constant 0 : index
    %swap3A_51 = vector.load %arg4[%swap3A_48, %swap3A_49, %swap3A_50] : memref<8x128x512xf32, #tpu.memory_space<vmem>>, vector<1x128x512xf32>
    %swap3A_52 = vector.shape_cast %swap3A_51 : vector<1x128x512xf32> to vector<128x512xf32>
    %swap3A_53 = vector.shape_cast %mul3A_12 : vector<128x512xf32> to vector<1x128x512xf32>
    tpu.vector_store %arg4[%swap3A_48, %swap3A_49, %swap3A_50], %swap3A_53 {strides = array<i32>} : memref<8x128x512xf32, #tpu.memory_space<vmem>>, vector<1x128x512xf32>,
    %swap3A_54 = arith.constant 7 : index
    %swap3A_55 = arith.constant 0 : index
    %swap3A_56 = arith.constant 0 : index
    %swap3A_57 = vector.load %arg4[%swap3A_54, %swap3A_55, %swap3A_56] : memref<8x128x512xf32, #tpu.memory_space<vmem>>, vector<1x128x512xf32>
    %swap3A_58 = vector.shape_cast %swap3A_57 : vector<1x128x512xf32> to vector<128x512xf32>
    %swap3A_59 = vector.shape_cast %mul3A_12 : vector<128x512xf32> to vector<1x128x512xf32>
    tpu.vector_store %arg4[%swap3A_54, %swap3A_55, %swap3A_56], %swap3A_59 {strides = array<i32>} : memref<8x128x512xf32, #tpu.memory_space<vmem>>, vector<1x128x512xf32>,
    return
  }
  func.func @transform_0(%arg0: i32, %arg1: i32) -> (i32, i32, i32) {
    %c0_i32 = arith.constant 0 : i32
    %c0_i32_0 = arith.constant 0 : i32
    return %arg0, %arg1, %c0_i32 : i32, i32, i32
  }
  func.func @transform_1(%arg0: i32, %arg1: i32) -> (i32, i32, i32) {
    %c0_i32 = arith.constant 0 : i32
    %c0_i32_0 = arith.constant 0 : i32
    return %arg0, %c0_i32, %arg1 : i32, i32, i32
  }
  func.func @transform_2(%arg0: i32, %arg1: i32) -> (i32, i32, i32) {
    %c0_i32 = arith.constant 0 : i32
    %c0_i32_0 = arith.constant 0 : i32
    return %arg0, %c0_i32, %arg1 : i32, i32, i32
  }
}

module attributes {stable_mosaic.version = 14 : i64} {
  func.func @_tc_trans_body(%arg0: i32, %arg1: memref<8192x128xf32, #tpu.memory_space<vmem>>, %arg2: memref<8x64x2048xf32, #tpu.memory_space<vmem>>) attributes {dimension_semantics = [#tpu.dimension_semantics<parallel>], iteration_bounds = array<i64: 16>, scalar_prefetch = 0 : i64, scratch_operands = 0 : i64, tpu.core_type = #tpu.core_type<tc>, window_params = [{transform_indices = @transform_0, window_bounds = array<i64: 8192, 128>}, {transform_indices = @transform_1, window_bounds = array<i64: 8, 64, 2048>}]} {
    %get3A = arith.constant 0 : index
    %get3A_0 = arith.constant 0 : index
    %get3A_1 = vector.load %arg1[%get3A, %get3A_0] : memref<8192x128xf32, #tpu.memory_space<vmem>>, vector<8192x128xf32>
    %slice3A = vector.extract_strided_slice %get3A_1 {offsets = [0, 0], sizes = [1024, 128], strides = [1, 1]} : vector<8192x128xf32> to vector<1024x128xf32>
    %slice3A_2 = vector.extract_strided_slice %slice3A {offsets = [0, 0], sizes = [1024, 64], strides = [1, 1]} : vector<1024x128xf32> to vector<1024x64xf32>
    %transpose3A = tpu.transpose %slice3A_2, [1, 0] : vector<1024x64xf32> -> vector<64x1024xf32>
    %swap3A = arith.constant 0 : index
    %swap3A_3 = arith.constant 0 : index
    %swap3A_4 = arith.constant 0 : index
    %swap3A_5 = vector.load %arg2[%swap3A, %swap3A_3, %swap3A_4] : memref<8x64x2048xf32, #tpu.memory_space<vmem>>, vector<1x64x1024xf32>
    %swap3A_6 = vector.shape_cast %swap3A_5 : vector<1x64x1024xf32> to vector<64x1024xf32>
    %swap3A_7 = vector.shape_cast %transpose3A : vector<64x1024xf32> to vector<1x64x1024xf32>
    tpu.vector_store %arg2[%swap3A, %swap3A_3, %swap3A_4], %swap3A_7 {strides = array<i32>} : memref<8x64x2048xf32, #tpu.memory_space<vmem>>, vector<1x64x1024xf32>,
    %slice3A_8 = vector.extract_strided_slice %slice3A {offsets = [0, 64], sizes = [1024, 64], strides = [1, 1]} : vector<1024x128xf32> to vector<1024x64xf32>
    %transpose3A_9 = tpu.transpose %slice3A_8, [1, 0] : vector<1024x64xf32> -> vector<64x1024xf32>
    %swap3A_10 = arith.constant 0 : index
    %swap3A_11 = arith.constant 0 : index
    %swap3A_12 = arith.constant 1024 : index
    %swap3A_13 = vector.load %arg2[%swap3A_10, %swap3A_11, %swap3A_12] : memref<8x64x2048xf32, #tpu.memory_space<vmem>>, vector<1x64x1024xf32>
    %swap3A_14 = vector.shape_cast %swap3A_13 : vector<1x64x1024xf32> to vector<64x1024xf32>
    %swap3A_15 = vector.shape_cast %transpose3A_9 : vector<64x1024xf32> to vector<1x64x1024xf32>
    tpu.vector_store %arg2[%swap3A_10, %swap3A_11, %swap3A_12], %swap3A_15 {strides = array<i32>} : memref<8x64x2048xf32, #tpu.memory_space<vmem>>, vector<1x64x1024xf32>,
    %slice3A_16 = vector.extract_strided_slice %get3A_1 {offsets = [1024, 0], sizes = [1024, 128], strides = [1, 1]} : vector<8192x128xf32> to vector<1024x128xf32>
    %slice3A_17 = vector.extract_strided_slice %slice3A_16 {offsets = [0, 0], sizes = [1024, 64], strides = [1, 1]} : vector<1024x128xf32> to vector<1024x64xf32>
    %transpose3A_18 = tpu.transpose %slice3A_17, [1, 0] : vector<1024x64xf32> -> vector<64x1024xf32>
    %swap3A_19 = arith.constant 1 : index
    %swap3A_20 = arith.constant 0 : index
    %swap3A_21 = arith.constant 0 : index
    %swap3A_22 = vector.load %arg2[%swap3A_19, %swap3A_20, %swap3A_21] : memref<8x64x2048xf32, #tpu.memory_space<vmem>>, vector<1x64x1024xf32>
    %swap3A_23 = vector.shape_cast %swap3A_22 : vector<1x64x1024xf32> to vector<64x1024xf32>
    %swap3A_24 = vector.shape_cast %transpose3A_18 : vector<64x1024xf32> to vector<1x64x1024xf32>
    tpu.vector_store %arg2[%swap3A_19, %swap3A_20, %swap3A_21], %swap3A_24 {strides = array<i32>} : memref<8x64x2048xf32, #tpu.memory_space<vmem>>, vector<1x64x1024xf32>,
    %slice3A_25 = vector.extract_strided_slice %slice3A_16 {offsets = [0, 64], sizes = [1024, 64], strides = [1, 1]} : vector<1024x128xf32> to vector<1024x64xf32>
    %transpose3A_26 = tpu.transpose %slice3A_25, [1, 0] : vector<1024x64xf32> -> vector<64x1024xf32>
    %swap3A_27 = arith.constant 1 : index
    %swap3A_28 = arith.constant 0 : index
    %swap3A_29 = arith.constant 1024 : index
    %swap3A_30 = vector.load %arg2[%swap3A_27, %swap3A_28, %swap3A_29] : memref<8x64x2048xf32, #tpu.memory_space<vmem>>, vector<1x64x1024xf32>
    %swap3A_31 = vector.shape_cast %swap3A_30 : vector<1x64x1024xf32> to vector<64x1024xf32>
    %swap3A_32 = vector.shape_cast %transpose3A_26 : vector<64x1024xf32> to vector<1x64x1024xf32>
    tpu.vector_store %arg2[%swap3A_27, %swap3A_28, %swap3A_29], %swap3A_32 {strides = array<i32>} : memref<8x64x2048xf32, #tpu.memory_space<vmem>>, vector<1x64x1024xf32>,
    %slice3A_33 = vector.extract_strided_slice %get3A_1 {offsets = [2048, 0], sizes = [1024, 128], strides = [1, 1]} : vector<8192x128xf32> to vector<1024x128xf32>
    %slice3A_34 = vector.extract_strided_slice %slice3A_33 {offsets = [0, 0], sizes = [1024, 64], strides = [1, 1]} : vector<1024x128xf32> to vector<1024x64xf32>
    %transpose3A_35 = tpu.transpose %slice3A_34, [1, 0] : vector<1024x64xf32> -> vector<64x1024xf32>
    %swap3A_36 = arith.constant 2 : index
    %swap3A_37 = arith.constant 0 : index
    %swap3A_38 = arith.constant 0 : index
    %swap3A_39 = vector.load %arg2[%swap3A_36, %swap3A_37, %swap3A_38] : memref<8x64x2048xf32, #tpu.memory_space<vmem>>, vector<1x64x1024xf32>
    %swap3A_40 = vector.shape_cast %swap3A_39 : vector<1x64x1024xf32> to vector<64x1024xf32>
    %swap3A_41 = vector.shape_cast %transpose3A_35 : vector<64x1024xf32> to vector<1x64x1024xf32>
    tpu.vector_store %arg2[%swap3A_36, %swap3A_37, %swap3A_38], %swap3A_41 {strides = array<i32>} : memref<8x64x2048xf32, #tpu.memory_space<vmem>>, vector<1x64x1024xf32>,
    %slice3A_42 = vector.extract_strided_slice %slice3A_33 {offsets = [0, 64], sizes = [1024, 64], strides = [1, 1]} : vector<1024x128xf32> to vector<1024x64xf32>
    %transpose3A_43 = tpu.transpose %slice3A_42, [1, 0] : vector<1024x64xf32> -> vector<64x1024xf32>
    %swap3A_44 = arith.constant 2 : index
    %swap3A_45 = arith.constant 0 : index
    %swap3A_46 = arith.constant 1024 : index
    %swap3A_47 = vector.load %arg2[%swap3A_44, %swap3A_45, %swap3A_46] : memref<8x64x2048xf32, #tpu.memory_space<vmem>>, vector<1x64x1024xf32>
    %swap3A_48 = vector.shape_cast %swap3A_47 : vector<1x64x1024xf32> to vector<64x1024xf32>
    %swap3A_49 = vector.shape_cast %transpose3A_43 : vector<64x1024xf32> to vector<1x64x1024xf32>
    tpu.vector_store %arg2[%swap3A_44, %swap3A_45, %swap3A_46], %swap3A_49 {strides = array<i32>} : memref<8x64x2048xf32, #tpu.memory_space<vmem>>, vector<1x64x1024xf32>,
    %slice3A_50 = vector.extract_strided_slice %get3A_1 {offsets = [3072, 0], sizes = [1024, 128], strides = [1, 1]} : vector<8192x128xf32> to vector<1024x128xf32>
    %slice3A_51 = vector.extract_strided_slice %slice3A_50 {offsets = [0, 0], sizes = [1024, 64], strides = [1, 1]} : vector<1024x128xf32> to vector<1024x64xf32>
    %transpose3A_52 = tpu.transpose %slice3A_51, [1, 0] : vector<1024x64xf32> -> vector<64x1024xf32>
    %swap3A_53 = arith.constant 3 : index
    %swap3A_54 = arith.constant 0 : index
    %swap3A_55 = arith.constant 0 : index
    %swap3A_56 = vector.load %arg2[%swap3A_53, %swap3A_54, %swap3A_55] : memref<8x64x2048xf32, #tpu.memory_space<vmem>>, vector<1x64x1024xf32>
    %swap3A_57 = vector.shape_cast %swap3A_56 : vector<1x64x1024xf32> to vector<64x1024xf32>
    %swap3A_58 = vector.shape_cast %transpose3A_52 : vector<64x1024xf32> to vector<1x64x1024xf32>
    tpu.vector_store %arg2[%swap3A_53, %swap3A_54, %swap3A_55], %swap3A_58 {strides = array<i32>} : memref<8x64x2048xf32, #tpu.memory_space<vmem>>, vector<1x64x1024xf32>,
    %slice3A_59 = vector.extract_strided_slice %slice3A_50 {offsets = [0, 64], sizes = [1024, 64], strides = [1, 1]} : vector<1024x128xf32> to vector<1024x64xf32>
    %transpose3A_60 = tpu.transpose %slice3A_59, [1, 0] : vector<1024x64xf32> -> vector<64x1024xf32>
    %swap3A_61 = arith.constant 3 : index
    %swap3A_62 = arith.constant 0 : index
    %swap3A_63 = arith.constant 1024 : index
    %swap3A_64 = vector.load %arg2[%swap3A_61, %swap3A_62, %swap3A_63] : memref<8x64x2048xf32, #tpu.memory_space<vmem>>, vector<1x64x1024xf32>
    %swap3A_65 = vector.shape_cast %swap3A_64 : vector<1x64x1024xf32> to vector<64x1024xf32>
    %swap3A_66 = vector.shape_cast %transpose3A_60 : vector<64x1024xf32> to vector<1x64x1024xf32>
    tpu.vector_store %arg2[%swap3A_61, %swap3A_62, %swap3A_63], %swap3A_66 {strides = array<i32>} : memref<8x64x2048xf32, #tpu.memory_space<vmem>>, vector<1x64x1024xf32>,
    %slice3A_67 = vector.extract_strided_slice %get3A_1 {offsets = [4096, 0], sizes = [1024, 128], strides = [1, 1]} : vector<8192x128xf32> to vector<1024x128xf32>
    %slice3A_68 = vector.extract_strided_slice %slice3A_67 {offsets = [0, 0], sizes = [1024, 64], strides = [1, 1]} : vector<1024x128xf32> to vector<1024x64xf32>
    %transpose3A_69 = tpu.transpose %slice3A_68, [1, 0] : vector<1024x64xf32> -> vector<64x1024xf32>
    %swap3A_70 = arith.constant 4 : index
    %swap3A_71 = arith.constant 0 : index
    %swap3A_72 = arith.constant 0 : index
    %swap3A_73 = vector.load %arg2[%swap3A_70, %swap3A_71, %swap3A_72] : memref<8x64x2048xf32, #tpu.memory_space<vmem>>, vector<1x64x1024xf32>
    %swap3A_74 = vector.shape_cast %swap3A_73 : vector<1x64x1024xf32> to vector<64x1024xf32>
    %swap3A_75 = vector.shape_cast %transpose3A_69 : vector<64x1024xf32> to vector<1x64x1024xf32>
    tpu.vector_store %arg2[%swap3A_70, %swap3A_71, %swap3A_72], %swap3A_75 {strides = array<i32>} : memref<8x64x2048xf32, #tpu.memory_space<vmem>>, vector<1x64x1024xf32>,
    %slice3A_76 = vector.extract_strided_slice %slice3A_67 {offsets = [0, 64], sizes = [1024, 64], strides = [1, 1]} : vector<1024x128xf32> to vector<1024x64xf32>
    %transpose3A_77 = tpu.transpose %slice3A_76, [1, 0] : vector<1024x64xf32> -> vector<64x1024xf32>
    %swap3A_78 = arith.constant 4 : index
    %swap3A_79 = arith.constant 0 : index
    %swap3A_80 = arith.constant 1024 : index
    %swap3A_81 = vector.load %arg2[%swap3A_78, %swap3A_79, %swap3A_80] : memref<8x64x2048xf32, #tpu.memory_space<vmem>>, vector<1x64x1024xf32>
    %swap3A_82 = vector.shape_cast %swap3A_81 : vector<1x64x1024xf32> to vector<64x1024xf32>
    %swap3A_83 = vector.shape_cast %transpose3A_77 : vector<64x1024xf32> to vector<1x64x1024xf32>
    tpu.vector_store %arg2[%swap3A_78, %swap3A_79, %swap3A_80], %swap3A_83 {strides = array<i32>} : memref<8x64x2048xf32, #tpu.memory_space<vmem>>, vector<1x64x1024xf32>,
    %slice3A_84 = vector.extract_strided_slice %get3A_1 {offsets = [5120, 0], sizes = [1024, 128], strides = [1, 1]} : vector<8192x128xf32> to vector<1024x128xf32>
    %slice3A_85 = vector.extract_strided_slice %slice3A_84 {offsets = [0, 0], sizes = [1024, 64], strides = [1, 1]} : vector<1024x128xf32> to vector<1024x64xf32>
    %transpose3A_86 = tpu.transpose %slice3A_85, [1, 0] : vector<1024x64xf32> -> vector<64x1024xf32>
    %swap3A_87 = arith.constant 5 : index
    %swap3A_88 = arith.constant 0 : index
    %swap3A_89 = arith.constant 0 : index
    %swap3A_90 = vector.load %arg2[%swap3A_87, %swap3A_88, %swap3A_89] : memref<8x64x2048xf32, #tpu.memory_space<vmem>>, vector<1x64x1024xf32>
    %swap3A_91 = vector.shape_cast %swap3A_90 : vector<1x64x1024xf32> to vector<64x1024xf32>
    %swap3A_92 = vector.shape_cast %transpose3A_86 : vector<64x1024xf32> to vector<1x64x1024xf32>
    tpu.vector_store %arg2[%swap3A_87, %swap3A_88, %swap3A_89], %swap3A_92 {strides = array<i32>} : memref<8x64x2048xf32, #tpu.memory_space<vmem>>, vector<1x64x1024xf32>,
    %slice3A_93 = vector.extract_strided_slice %slice3A_84 {offsets = [0, 64], sizes = [1024, 64], strides = [1, 1]} : vector<1024x128xf32> to vector<1024x64xf32>
    %transpose3A_94 = tpu.transpose %slice3A_93, [1, 0] : vector<1024x64xf32> -> vector<64x1024xf32>
    %swap3A_95 = arith.constant 5 : index
    %swap3A_96 = arith.constant 0 : index
    %swap3A_97 = arith.constant 1024 : index
    %swap3A_98 = vector.load %arg2[%swap3A_95, %swap3A_96, %swap3A_97] : memref<8x64x2048xf32, #tpu.memory_space<vmem>>, vector<1x64x1024xf32>
    %swap3A_99 = vector.shape_cast %swap3A_98 : vector<1x64x1024xf32> to vector<64x1024xf32>
    %swap3A_100 = vector.shape_cast %transpose3A_94 : vector<64x1024xf32> to vector<1x64x1024xf32>
    tpu.vector_store %arg2[%swap3A_95, %swap3A_96, %swap3A_97], %swap3A_100 {strides = array<i32>} : memref<8x64x2048xf32, #tpu.memory_space<vmem>>, vector<1x64x1024xf32>,
    %slice3A_101 = vector.extract_strided_slice %get3A_1 {offsets = [6144, 0], sizes = [1024, 128], strides = [1, 1]} : vector<8192x128xf32> to vector<1024x128xf32>
    %slice3A_102 = vector.extract_strided_slice %slice3A_101 {offsets = [0, 0], sizes = [1024, 64], strides = [1, 1]} : vector<1024x128xf32> to vector<1024x64xf32>
    %transpose3A_103 = tpu.transpose %slice3A_102, [1, 0] : vector<1024x64xf32> -> vector<64x1024xf32>
    %swap3A_104 = arith.constant 6 : index
    %swap3A_105 = arith.constant 0 : index
    %swap3A_106 = arith.constant 0 : index
    %swap3A_107 = vector.load %arg2[%swap3A_104, %swap3A_105, %swap3A_106] : memref<8x64x2048xf32, #tpu.memory_space<vmem>>, vector<1x64x1024xf32>
    %swap3A_108 = vector.shape_cast %swap3A_107 : vector<1x64x1024xf32> to vector<64x1024xf32>
    %swap3A_109 = vector.shape_cast %transpose3A_103 : vector<64x1024xf32> to vector<1x64x1024xf32>
    tpu.vector_store %arg2[%swap3A_104, %swap3A_105, %swap3A_106], %swap3A_109 {strides = array<i32>} : memref<8x64x2048xf32, #tpu.memory_space<vmem>>, vector<1x64x1024xf32>,
    %slice3A_110 = vector.extract_strided_slice %slice3A_101 {offsets = [0, 64], sizes = [1024, 64], strides = [1, 1]} : vector<1024x128xf32> to vector<1024x64xf32>
    %transpose3A_111 = tpu.transpose %slice3A_110, [1, 0] : vector<1024x64xf32> -> vector<64x1024xf32>
    %swap3A_112 = arith.constant 6 : index
    %swap3A_113 = arith.constant 0 : index
    %swap3A_114 = arith.constant 1024 : index
    %swap3A_115 = vector.load %arg2[%swap3A_112, %swap3A_113, %swap3A_114] : memref<8x64x2048xf32, #tpu.memory_space<vmem>>, vector<1x64x1024xf32>
    %swap3A_116 = vector.shape_cast %swap3A_115 : vector<1x64x1024xf32> to vector<64x1024xf32>
    %swap3A_117 = vector.shape_cast %transpose3A_111 : vector<64x1024xf32> to vector<1x64x1024xf32>
    tpu.vector_store %arg2[%swap3A_112, %swap3A_113, %swap3A_114], %swap3A_117 {strides = array<i32>} : memref<8x64x2048xf32, #tpu.memory_space<vmem>>, vector<1x64x1024xf32>,
    %slice3A_118 = vector.extract_strided_slice %get3A_1 {offsets = [7168, 0], sizes = [1024, 128], strides = [1, 1]} : vector<8192x128xf32> to vector<1024x128xf32>
    %slice3A_119 = vector.extract_strided_slice %slice3A_118 {offsets = [0, 0], sizes = [1024, 64], strides = [1, 1]} : vector<1024x128xf32> to vector<1024x64xf32>
    %transpose3A_120 = tpu.transpose %slice3A_119, [1, 0] : vector<1024x64xf32> -> vector<64x1024xf32>
    %swap3A_121 = arith.constant 7 : index
    %swap3A_122 = arith.constant 0 : index
    %swap3A_123 = arith.constant 0 : index
    %swap3A_124 = vector.load %arg2[%swap3A_121, %swap3A_122, %swap3A_123] : memref<8x64x2048xf32, #tpu.memory_space<vmem>>, vector<1x64x1024xf32>
    %swap3A_125 = vector.shape_cast %swap3A_124 : vector<1x64x1024xf32> to vector<64x1024xf32>
    %swap3A_126 = vector.shape_cast %transpose3A_120 : vector<64x1024xf32> to vector<1x64x1024xf32>
    tpu.vector_store %arg2[%swap3A_121, %swap3A_122, %swap3A_123], %swap3A_126 {strides = array<i32>} : memref<8x64x2048xf32, #tpu.memory_space<vmem>>, vector<1x64x1024xf32>,
    %slice3A_127 = vector.extract_strided_slice %slice3A_118 {offsets = [0, 64], sizes = [1024, 64], strides = [1, 1]} : vector<1024x128xf32> to vector<1024x64xf32>
    %transpose3A_128 = tpu.transpose %slice3A_127, [1, 0] : vector<1024x64xf32> -> vector<64x1024xf32>
    %swap3A_129 = arith.constant 7 : index
    %swap3A_130 = arith.constant 0 : index
    %swap3A_131 = arith.constant 1024 : index
    %swap3A_132 = vector.load %arg2[%swap3A_129, %swap3A_130, %swap3A_131] : memref<8x64x2048xf32, #tpu.memory_space<vmem>>, vector<1x64x1024xf32>
    %swap3A_133 = vector.shape_cast %swap3A_132 : vector<1x64x1024xf32> to vector<64x1024xf32>
    %swap3A_134 = vector.shape_cast %transpose3A_128 : vector<64x1024xf32> to vector<1x64x1024xf32>
    tpu.vector_store %arg2[%swap3A_129, %swap3A_130, %swap3A_131], %swap3A_134 {strides = array<i32>} : memref<8x64x2048xf32, #tpu.memory_space<vmem>>, vector<1x64x1024xf32>,
    return
  }
  func.func @transform_0(%arg0: i32) -> (i32, i32) {
    %c0_i32 = arith.constant 0 : i32
    %c0_i32_0 = arith.constant 0 : i32
    return %arg0, %c0_i32 : i32, i32
  }
  func.func @transform_1(%arg0: i32) -> (i32, i32, i32) {
    %c0_i32 = arith.constant 0 : i32
    %c0_i32_0 = arith.constant 0 : i32
    %c0_i32_1 = arith.constant 0 : i32
    return %c0_i32, %c0_i32_0, %arg0 : i32, i32, i32
  }
}

</mosaic_0001>

<sc_bundles>
// kernel: kernel.6.cloned.1.call-start
scs
__scs_entry_jumppad:
0x0: {  	(pc) =	sbr.rel $0x88, $3  }
0x1: {  	(tag) =	ssettag $0x0;
	lr =	simm.s32 $0x1  }
0x2: {  	[smem:$0x3F9D] =	sst lr;
	_ =	strace $0xD0000000  }
0x3: {  	_ = 	snop  }
0x4: {  	_ = 	snop  }
0x5: {  	_ = 	snop  }
0x6: {  	_ = 	snop  }
0x7: {  	_ = 	snop  }
__scs_overlays_trampoline_lowered:
0x8: {  	[smem:$0x3FAC] =	sst s0  }
0x9: {  	[smem:$0x3FAD] =	sst s1  }
0xa: {  	[smem:$0x3FAE] =	sst s2  }
0xb: {  	[smem:$0x3FAF] =	sst s3  }
0xc: {  	[smem:$0x3FB0] =	sst s4  }
0xd: {  	[smem:$0x3FB1] =	sst s5  }
0xe: {  	[smem:$0x3FB2] =	sst s6  }
0xf: {  	[smem:$0x3FB3] =	sst s7  }
0x10: {  	[smem:$0x3FB4] =	sst s8  }
0x11: {  	[smem:$0x3FB5] =	sst s9;
	s0 =	simm.s32 @!p0 $0x0  }
0x12: {  	s1 =	sld [smem:$0x3F9B];
	s0 =	simm.s32 @p0 $0x1  }
0x13: {  	[smem:$0x3FB6] =	sst s0;
	s0 =	simm.s32 @!p1 $0x0  }
0x14: {  	s2 =	sld [smem:$0x3F9A];
	s0 =	simm.s32 @p1 $0x1  }
0x15: {  	[smem:$0x3FB7] =	sst s0;
	s0 =	simm.s32 @!p2 $0x0  }
0x16: {  	s3 =	sld [smem:$0x3FDB];
	s0 =	simm.s32 @p2 $0x1  }
0x17: {  	s4 =	simm.s32 $0x1BF5;
	[smem:$0x3FB9] =	sst s0  }
0x18: {  	s0 =	sld [smem:$0x3F9C];
	_ =	swait.ge [sflag:s4], $0x0  }
0x19: {  	s7 =	sld [smem:$0x3F9D]  }
0x1a: {  	s8 =	sadd.s32 $0xFFFFE003, lr  }
0x1b: {  	s9 =	sadd.s32 $0xFFFFFEF7, lr;
	s5 =	simm.s32 $0xFFFFFFFF;
	p2 =	slt.u32 s8, $0xFFFFF086  }
0x1c: {  	p1 =	slt.u32 s9, $0xF7A;
	s5 =	simm.s32 @!p2 $0x0  }
0x1d: {  	s5 =	simm.s32 @p1 $0x1;
	p0 =	seq.s32 s7, s2  }
0x1e: {  	s7 =	smul.u32 @!p0 $0xF7A, s2;
	p2 =	seq.s32 @!p0 s5, $0x0  }
0x1f: {  	s9 =	smul.u32 $0xF7A, s1;
	s8 =	simm.s32 @!p0 $0x1BF5;
	p2 =	por !p2, p0  }
0x20: {  	[sflag:s8] =	ssyncset.s32 @!p0 $0xFFFFF086;
	s6 =	sadd.s32 @!p0 s3, s7;
	s7 =	simm.s32 @!p0 $0x108  }
0x21: {  	s3 =	sadd.s32 s3, s9;
	s6 =	sadd.s32 @!p0 $0x88, s6;
	s7 =	simm.s32 @p2 $0x1082  }
0x22: {  	[simem:s7], [sflag:s8] =	dma.local @!p0 [hbm:s6], $0xF7A  }
0x23: {  	s9 =	sor.u32 $0xD0000000, s2;
	s6 =	simm.s32 $0x108;
	_ =	swait.ge @!p0 [sflag:s8], $0x0  }
0x24: {  	s3 =	sadd.s32 $0x88, s3;
	s6 =	simm.s32 @!p1 $0x1082;
	[sflag:s4] =	ssyncset.s32 $0xFFFFF086  }
0x25: {  	[simem:s6], [sflag:s4] =	dma.local [hbm:s3], $0xF7A  }
0x26: {  	[smem:$0x3F9D] =	sst s1;
	(tag) =	ssettag s2;
	_ =	strace s9  }
0x27: {  	s1 =	sld [smem:$0x3FAD]  }
0x28: {  	s2 =	sld [smem:$0x3FAE]  }
0x29: {  	s4 =	sld [smem:$0x3FB0]  }
0x2a: {  	p0 =	seq.s32 s5, $0x0;
	s5 =	sld [smem:$0x3FB1]  }
0x2b: {  	s6 =	sld [smem:$0x3FB2]  }
0x2c: {  	s7 =	sld [smem:$0x3FB3]  }
0x2d: {  	s3 =	simm.s32 $0x108;
	s8 =	sld [smem:$0x3FB4]  }
0x2e: {  	s3 =	simm.s32 @!p0 $0x1082;
	s9 =	sld [smem:$0x3FB5]  }
0x2f: {  	lr =	sadd.s32 s0, s3;
	s0 =	sld [smem:$0x3FAC]  }
0x30: {  	s3 =	sld [smem:$0x3FAF]  }
0x31: {  	[smem:$0x3FB8] =	sst s10  }
0x32: {  	s10 =	sld [smem:$0x3FB6];
	_ =	sdelay $0x3  }
0x33: {  	p0 =	seq.s32 s10, $0x1;
	s10 =	sld [smem:$0x3FB8];
	_ =	sdelay $0x3  }
0x34: {  	[smem:$0x3FB8] =	sst s10  }
0x35: {  	s10 =	sld [smem:$0x3FB7];
	_ =	sdelay $0x3  }
0x36: {  	p1 =	seq.s32 s10, $0x1;
	s10 =	sld [smem:$0x3FB8];
	_ =	sdelay $0x3  }
0x37: {  	[smem:$0x3FB8] =	sst s10  }
0x38: {  	s10 =	sld [smem:$0x3FB9]  }
0x39: {  	_ = 	snop;
	(pc) =	sbr.ind lr, $3  }
0x3a: {  	_ = 	snop  }
0x3b: {  	_ = 	snop  }
0x3c: {  	p2 =	seq.s32 s10, $0x1;
	s10 =	sld [smem:$0x3FB8]  }
0x3d: {  	_ =	shalt  }
0x3e: {  	_ =	shalt  }
0x3f: {  	_ =	shalt  }
0x40: {  	_ =	shalt  }
0x41: {  	_ =	shalt  }
0x42: {  	_ =	shalt  }
0x43: {  	_ =	shalt  }
0x44: {  	_ =	shalt  }
0x45: {  	_ =	shalt  }
0x46: {  	_ =	shalt  }
0x47: {  	_ =	shalt  }
0x48: {  	_ =	shalt  }
0x49: {  	_ =	shalt  }
0x4a: {  	_ =	shalt  }
0x4b: {  	_ =	shalt  }
0x4c: {  	_ =	shalt  }
0x4d: {  	_ =	shalt  }
0x4e: {  	_ =	shalt  }
0x4f: {  	_ =	shalt  }
0x50: {  	_ =	shalt  }
0x51: {  	_ =	shalt  }
0x52: {  	_ =	shalt  }
0x53: {  	_ =	shalt  }
0x54: {  	_ =	shalt  }
0x55: {  	_ =	shalt  }
0x56: {  	_ =	shalt  }
0x57: {  	_ =	shalt  }
0x58: {  	_ =	shalt  }
0x59: {  	_ =	shalt  }
0x5a: {  	_ =	shalt  }
0x5b: {  	_ =	shalt  }
0x5c: {  	_ =	shalt  }
0x5d: {  	_ =	shalt  }
0x5e: {  	_ =	shalt  }
0x5f: {  	_ =	shalt  }
0x60: {  	_ =	shalt  }
0x61: {  	_ =	shalt  }
0x62: {  	_ =	shalt  }
0x63: {  	_ =	shalt  }
0x64: {  	_ =	shalt  }
0x65: {  	_ =	shalt  }
0x66: {  	_ =	shalt  }
0x67: {  	_ =	shalt  }
0x68: {  	_ =	shalt  }
0x69: {  	_ =	shalt  }
0x6a: {  	_ =	shalt  }
0x6b: {  	_ =	shalt  }
0x6c: {  	_ =	shalt  }
0x6d: {  	_ =	shalt  }
0x6e: {  	_ =	shalt  }
0x6f: {  	_ =	shalt  }
0x70: {  	_ =	shalt  }
0x71: {  	_ =	shalt  }
0x72: {  	_ =	shalt  }
0x73: {  	_ =	shalt  }
0x74: {  	_ =	shalt  }
0x75: {  	_ =	shalt  }
0x76: {  	_ =	shalt  }
0x77: {  	_ =	shalt  }
0x78: {  	_ =	shalt  }
0x79: {  	_ =	shalt  }
0x7a: {  	_ =	shalt  }
0x7b: {  	_ =	shalt  }
0x7c: {  	_ =	shalt  }
0x7d: {  	_ =	shalt  }
0x7e: {  	_ =	shalt  }
0x7f: {  	_ =	shalt  }
0x80: {  	_ =	shalt  }
0x81: {  	_ =	shalt  }
0x82: {  	_ =	shalt  }
0x83: {  	_ =	shalt  }
0x84: {  	_ =	shalt  }
0x85: {  	_ =	shalt  }
0x86: {  	_ =	shalt  }
0x87: {  	_ =	shalt  }
.Lfunc_end0:
.L_simem_size_0:
called_computation_lowered:
.L_overlay_start_0:
0x88: {  	s2 =	sld [smem:$0x3FD9]  }
0x89: {  	s3 =	sld [smem:$0x3FFE];
	_ =	sdelay $0x1  }
0x8a: {  	s1 =	srdreg.scid  }
0x8b: {  	s0 =	sand.u32 $0x1, s1  }
0x8c: {  	s15 =	sshll.u32 s0, $0xA;
	s2 =	sadd.s32 s3, s2  }
0x8d: {  	s2 =	sadd.s32 s2, s15  }
0x8e: {  	[smem:$0x3FC4] =	sst s2  }
0x8f: {  	_ = 	snop  }
0x90: {  	s2 =	sld [smem:$0x3FD0];
	_ =	sdelay $0x1  }
0x91: {  	s16 =	sld [smem:$0x3FC8]  }
0x92: {  	s5 =	simm.s32 $0xA;
	s6 =	simm.s32 $0x10;
	s4 =	sld [smem:$0x3FC6]  }
0x93: {  	[smem:s6], [sflag:s5] =	dma.local [hbm:s2], $0x1  }
0x94: {  	_ =	swait.eq [sflag:s5], $0x1  }
0x95: {  	[sflag:s5] =	ssyncset.done $0x0  }
0x96: {  	[sflag:s5] =	ssyncadd.s32 $0xFFFFFFFF  }
0x97: {  	s17 =	sld [smem:$0x10];
	(tm) =	ssettm $0x1  }
0x98: {  	s18 =	sld [smem:$0x3FFB];
	_ =	sdelay $0x3  }
0x99: {  	_ =	strace s18  }
0x9a: {  	s5 =	sld [smem:$0x3FFC];
	_ =	sdelay $0x3  }
0x9b: {  	_ =	strace s5  }
0x9c: {  	s5 =	sld [smem:$0x3FFD];
	_ =	sdelay $0x3  }
0x9d: {  	_ =	strace s5  }
0x9e: {  	_ =	strace $0x8FFFFFFF  }
0x9f: {  	s19 =	sld [smem:$0x3FDB];
	_ =	sdelay $0x1  }
0xa0: {  	s20 =	simm.s32 $_scs_section_size  }
0xa1: {  	s7 =	simm.s32 $_size__tile_overlayer_lowered;
	s8 =	simm.s32 $_tile_overlayer_lowered  }
0xa2: {  	s23 =	simm.s32 $0x1BFF;
	s22 =	sshll.u32 s8, $0x1;
	s5 =	sadd.s32 s20, s19  }
0xa3: {  	s9 =	simm.s32 $0x0;
	s21 =	sshll.u32 s7, $0x1;
	s7 =	sadd.s32 s22, s5  }
0xa4: {  	[timem:s9], [sflag:s23] =	dma.local [hbm:s7], s21  }
0xa5: {  	_ =	swait.ge [sflag:s23], s21  }
0xa6: {  	s6 =	ssub.s32 $0x0, s21;
	[sflag:s23] =	ssyncset.done $0x0  }
0xa7: {  	[sflag:s23] =	ssyncadd.s32 s6;
	_ =	sdelay $0x1  }
0xa8: {  	s24 =	simm.s32 $0x1B8B  }
0xa9: {  	_ =	swait.ge [sflag:s24], $0x1  }
0xaa: {  	[sflag:s24] =	ssyncset.done $0x0  }
0xab: {  	s25 =	simm.s32 $0x1B8E;
	[sflag:s24] =	ssyncadd.s32 $0xFFFFFFFF  }
0xac: {  	s26 =	simm.s32 $execute0_lowered;
	[smem:$0x3FD2] =	sst s25  }
0xad: {  	s6 =	sshll.u32 s26, $0x1;
	_ =	strace $0x80000046;
	[dreg:$0x1] =	wrdreg $0xFFFFFFFF  }
0xae: {  	s28 =	simm.s32 $_size_execute0_lowered;
	s5 =	sadd.s32 s5, s6;
	[dreg:$0x0] =	wrdreg $0x0  }
0xaf: {  	s6 =	sshll.u32 s28, $0x1;
	[dreg:$0x2] =	wrdreg s5  }
0xb0: {  	[dreg:$0x3] =	wrdreg s6  }
0xb1: {  	[dreg:$0x4] =	wrdreg $0xC0  }
0xb2: {  	_ =	task [dreg:s9], $0x5FFFF  }
0xb3: {  	[dreg:$0x1] =	wrdreg $0xFFFFFFFF  }
0xb4: {  	[dreg:$0x0] =	wrdreg $0x60  }
0xb5: {  	[dreg:$0x2] =	wrdreg s16  }
0xb6: {  	[dreg:$0x3] =	wrdreg s4  }
0xb7: {  	[dreg:$0x4] =	wrdreg s17  }
0xb8: {  	[dreg:$0x5] =	wrdreg $0x9  }
0xb9: {  	_ =	task.clear_ibuf [dreg:s9], $0x6FFFF;
	_ =	strace $0x90000046  }
0xba: {  	s29 =	simm.s32 $0x9;
	_ =	strace $0x80000048  }
0xbb: {  	_ =	swait.ge [sflag:s29], $0x1  }
0xbc: {  	[sflag:s29] =	ssyncadd.s32 $0xFFFFFFFF  }
0xbd: {  	_ =	strace $0x90000048  }
0xbe: {  	_ =	sfence  }
0xbf: {  	s30 =	sld [smem:$0x0];
	_ =	sdelay $0x2  }
0xc0: {  	s31 =	sshll.u32 s1, $0xD;
	s1 =	sshrl.u32 s1, $0x2  }
0xc1: {  	s3 =	sand.u32 $0x4000, s31;
	s1 =	sadd.s32 s1, s30  }
0xc2: {  	s0 =	sor.u32 s3, s0;
	s1 =	sshll.u32 s1, $0x11  }
0xc3: {  	s0 =	sor.u32 s1, s0  }
0xc4: {  	s0 =	sadd.s32 $0x8F2B, s0  }
0xc5: {  	[sflag:s0] =	ssyncadd.remote.s32 $0x1  }
0xc6: {  	_ =	sfence.sel $0xFFFF  }
0xc7: {  	[dreg:$0x0] =	wrdreg $0xFFFFFFFF;
	(pc) =	sbr.abs _section_cstart, $3  }
0xc8: {  	[dreg:$0x1] =	wrdreg $0xFFFFFFFF  }
0xc9: {  	_ =	task.clear_ibuf [dreg:s9], $0x2FFFF;
	_ =	strace $0x9FFFFFFF  }
0xca: {  	(tm) =	ssettm $0x7FFFFFFF  }
0xcb: {  	_ =	shalt  }
tec
execute0_lowered:
.L_overlay_start_1:
0x0: {  	(tag) =	ssettag $0x1  }
0x1: {  	s4 =	rddreg [dreg:$0x0]  }
0x2: {  	s2 =	rddreg [dreg:$0x1]  }
0x3: {  	s1 =	srdreg.scid;
	s0 =	stileid.u32  }
0x4: {  	s10 =	rddreg [dreg:$0x2];
	s24 =	sand.u32 $0x1, s1;
	s5 =	sshll.u32 s0, $0x1  }
0x5: {  	s3 =	simm.s32 $0x0;
	s1 =	rddreg [dreg:$0x3];
	s11 =	sor.u32 s24, s5  }
0x6: {  	[smem:$0x7FF] =	sst s3;
	s5 =	sshll.u32 s11, $0x7  }
0x7: {  	_ =	strace $0x80000047;
	s5 =	sadd.s32 s4, s5;
	s4 =	simm.s32 $0x3  }
0x8: {  	[tilespmem:s3], [sflag:$0x3] =	stream.linear.gather [hbm4b:s5+s3], $0x400, $0x38;
	[tilespmem:$0x8400] =	vst v63  }
0x9: {  	_ =	swait.ge [sflag:s4], $0x400  }
0xa: {  	[sflag:s4] =	ssyncset.done $0x0  }
0xb: {  	s6 =	simm.s32 $0x80;
	s7 =	simm.s32 $0x400;
	[sflag:s4] =	ssyncadd.s32 $0xFFFFFC00  }
0xc: {  	[tilespmem:s7], [sflag:$0x1] =	stream.indirect.gather [hbm4b:s2+s6], $0x80, s3, s6, $0xb8;
	[tilespmem:$0x8400] =	vst v63  }
0xd: {  	s8 =	simm.s32 $0x4400;
	s9 =	simm.s32 $0x1  }
0xe: {  	[tilespmem:s8], [sflag:$0x2] =	stream.indirect.gather [hbm4b:s2+s6], $0x80, s6, s6, $0xb8;
	[tilespmem:$0x8400] =	vst v63  }
0xf: {  	_ =	swait.ge [sflag:s9], $0x4000  }
0x10: {  	s11 =	sshll.u32 s11, $0xE;
	[sflag:s9] =	ssyncset.done $0x0  }
0x11: {  	s10 =	sadd.s32 s10, s11;
	[sflag:s9] =	ssyncadd.s32 $0xFFFFC000  }
0x12: {  	[hbm4b:s10+s3] =	stream.linear.scatter [tilespmem:s7], [sflag:$0x3], $0x4000, $0x38;
	[tilespmem:$0x8400] =	vst v63  }
0x13: {  	_ =	swait.ge [sflag:s4], $0x4000  }
0x14: {  	[sflag:s4] =	ssyncset.done $0x0  }
0x15: {  	s12 =	simm.s32 $0x2;
	s11 =	simm.s32 $0x100;
	[sflag:s4] =	ssyncadd.s32 $0xFFFFC000  }
0x16: {  	[tilespmem:s7], [sflag:$0x1] =	stream.indirect.gather [hbm4b:s2+s6], $0x80, s11, s6, $0xb8;
	[tilespmem:$0x8400] =	vst v63  }
0x17: {  	_ =	swait.ge [sflag:s12], $0x4000  }
0x18: {  	[sflag:s12] =	ssyncset.done $0x0  }
0x19: {  	s13 =	sadd.s32 $0x800, s10;
	[sflag:s12] =	ssyncadd.s32 $0xFFFFC000  }
0x1a: {  	[hbm4b:s13+s3] =	stream.linear.scatter [tilespmem:s8], [sflag:$0x3], $0x4000, $0x38;
	[tilespmem:$0x8400] =	vst v63  }
0x1b: {  	_ =	swait.ge [sflag:s4], $0x4000  }
0x1c: {  	[sflag:s4] =	ssyncset.done $0x0  }
0x1d: {  	s14 =	simm.s32 $0x180;
	[sflag:s4] =	ssyncadd.s32 $0xFFFFC000  }
0x1e: {  	[tilespmem:s8], [sflag:$0x2] =	stream.indirect.gather [hbm4b:s2+s6], $0x80, s14, s6, $0xb8;
	[tilespmem:$0x8400] =	vst v63  }
0x1f: {  	_ =	swait.ge [sflag:s9], $0x4000  }
0x20: {  	[sflag:s9] =	ssyncset.done $0x0  }
0x21: {  	s15 =	sadd.s32 $0x1000, s10;
	[sflag:s9] =	ssyncadd.s32 $0xFFFFC000  }
0x22: {  	[hbm4b:s15+s3] =	stream.linear.scatter [tilespmem:s7], [sflag:$0x3], $0x4000, $0x38;
	[tilespmem:$0x8400] =	vst v63  }
0x23: {  	_ =	swait.ge [sflag:s4], $0x4000  }
0x24: {  	[sflag:s4] =	ssyncset.done $0x0  }
0x25: {  	s16 =	simm.s32 $0x200;
	[sflag:s4] =	ssyncadd.s32 $0xFFFFC000  }
0x26: {  	[tilespmem:s7], [sflag:$0x1] =	stream.indirect.gather [hbm4b:s2+s6], $0x80, s16, s6, $0xb8;
	[tilespmem:$0x8400] =	vst v63  }
0x27: {  	_ =	swait.ge [sflag:s12], $0x4000  }
0x28: {  	[sflag:s12] =	ssyncset.done $0x0  }
0x29: {  	s17 =	sadd.s32 $0x1800, s10;
	[sflag:s12] =	ssyncadd.s32 $0xFFFFC000  }
0x2a: {  	[hbm4b:s17+s3] =	stream.linear.scatter [tilespmem:s8], [sflag:$0x3], $0x4000, $0x38;
	[tilespmem:$0x8400] =	vst v63  }
0x2b: {  	_ =	swait.ge [sflag:s4], $0x4000  }
0x2c: {  	[sflag:s4] =	ssyncset.done $0x0  }
0x2d: {  	s18 =	simm.s32 $0x280;
	[sflag:s4] =	ssyncadd.s32 $0xFFFFC000  }
0x2e: {  	[tilespmem:s8], [sflag:$0x2] =	stream.indirect.gather [hbm4b:s2+s6], $0x80, s18, s6, $0xb8;
	[tilespmem:$0x8400] =	vst v63  }
0x2f: {  	_ =	swait.ge [sflag:s9], $0x4000  }
0x30: {  	[sflag:s9] =	ssyncset.done $0x0  }
0x31: {  	s19 =	sadd.s32 $0x2000, s10;
	[sflag:s9] =	ssyncadd.s32 $0xFFFFC000  }
0x32: {  	[hbm4b:s19+s3] =	stream.linear.scatter [tilespmem:s7], [sflag:$0x3], $0x4000, $0x38;
	[tilespmem:$0x8400] =	vst v63  }
0x33: {  	_ =	swait.ge [sflag:s4], $0x4000  }
0x34: {  	[sflag:s4] =	ssyncset.done $0x0  }
0x35: {  	s20 =	simm.s32 $0x300;
	[sflag:s4] =	ssyncadd.s32 $0xFFFFC000  }
0x36: {  	[tilespmem:s7], [sflag:$0x1] =	stream.indirect.gather [hbm4b:s2+s6], $0x80, s20, s6, $0xb8;
	[tilespmem:$0x8400] =	vst v63  }
0x37: {  	_ =	swait.ge [sflag:s12], $0x4000  }
0x38: {  	[sflag:s12] =	ssyncset.done $0x0  }
0x39: {  	s21 =	sadd.s32 $0x2800, s10;
	[sflag:s12] =	ssyncadd.s32 $0xFFFFC000  }
0x3a: {  	[hbm4b:s21+s3] =	stream.linear.scatter [tilespmem:s8], [sflag:$0x3], $0x4000, $0x38;
	[tilespmem:$0x8400] =	vst v63  }
0x3b: {  	_ =	swait.ge [sflag:s4], $0x4000  }
0x3c: {  	[sflag:s4] =	ssyncset.done $0x0  }
0x3d: {  	s22 =	simm.s32 $0x380;
	[sflag:s4] =	ssyncadd.s32 $0xFFFFC000  }
0x3e: {  	[tilespmem:s8], [sflag:$0x2] =	stream.indirect.gather [hbm4b:s2+s6], $0x80, s22, s6, $0xb8;
	[tilespmem:$0x8400] =	vst v63  }
0x3f: {  	_ =	swait.ge [sflag:s9], $0x4000  }
0x40: {  	[sflag:s9] =	ssyncset.done $0x0  }
0x41: {  	s24 =	ssub.s32 $0x2, s24;
	s23 =	sadd.s32 $0x3000, s10;
	[sflag:s9] =	ssyncadd.s32 $0xFFFFC000  }
0x42: {  	[hbm4b:s23+s3] =	stream.linear.scatter [tilespmem:s7], [sflag:$0x3], $0x4000, $0x38;
	[tilespmem:$0x8400] =	vst v63  }
0x43: {  	s25 =	sshrl.u32 s24, $0x1;
	_ =	swait.ge [sflag:s4], $0x4000  }
0x44: {  	s25 =	ssub.s32 s24, s25;
	[sflag:s4] =	ssyncset.done $0x0  }
0x45: {  	s25 =	smax.u32 s25, $0x1;
	[sflag:s4] =	ssyncadd.s32 $0xFFFFC000  }
0x46: {  	p0 =	sne.s32 s25, $0x1;
	_ =	swait.ge [sflag:s12], $0x4000  }
.Ltmp0:
0x47: {  	[sflag:s12] =	ssyncset.done $0x0;
	(pc) =	sbr.rel @!p0 .LBB2_2-.Ltmp0, $4  }
0x48: {  	s24 =	sadd.s32 $0x3800, s10;
	[sflag:s12] =	ssyncadd.s32 $0xFFFFC000  }
0x49: {  	[hbm4b:s24+s3] =	stream.linear.scatter [tilespmem:s8], [sflag:$0x3], $0x4000, $0x38;
	[tilespmem:$0x8400] =	vst v63  }
0x4a: {  	_ =	swait.ge [sflag:s4], $0x4000  }
0x4b: {  	s25 =	sadd.s32 $0xFFFFFFFF, s25;
	[sflag:s4] =	ssyncset.done $0x0  }
.LBB2_1:
0x4c: {  	p0 =	sne.s32 s25, $0x1;
	s25 =	sadd.s32 $0xFFFFFFFF, s25;
	[sflag:s4] =	ssyncadd.s32 $0xFFFFC000  }
0x4d: {  	[tilespmem:s3], [sflag:$0x3] =	stream.linear.gather [hbm4b:s5+s3], $0x400, $0x38;
	[tilespmem:$0x8400] =	vst v63  }
0x4e: {  	_ =	swait.ge [sflag:s4], $0x400  }
0x4f: {  	[sflag:s4] =	ssyncset.done $0x0  }
0x50: {  	[sflag:s4] =	ssyncadd.s32 $0xFFFFFC00  }
0x51: {  	[tilespmem:s7], [sflag:$0x1] =	stream.indirect.gather [hbm4b:s2+s6], $0x80, s3, s6, $0xb8;
	[tilespmem:$0x8400] =	vst v63  }
0x52: {  	_ = 	snop  }
0x53: {  	[tilespmem:s8], [sflag:$0x2] =	stream.indirect.gather [hbm4b:s2+s6], $0x80, s6, s6, $0xb8;
	[tilespmem:$0x8400] =	vst v63  }
0x54: {  	_ =	swait.ge [sflag:s9], $0x4000  }
0x55: {  	[sflag:s9] =	ssyncset.done $0x0  }
0x56: {  	[sflag:s9] =	ssyncadd.s32 $0xFFFFC000  }
0x57: {  	[hbm4b:s10+s3] =	stream.linear.scatter [tilespmem:s7], [sflag:$0x3], $0x4000, $0x38;
	[tilespmem:$0x8400] =	vst v63  }
0x58: {  	_ =	swait.ge [sflag:s4], $0x4000  }
0x59: {  	[sflag:s4] =	ssyncset.done $0x0  }
0x5a: {  	[sflag:s4] =	ssyncadd.s32 $0xFFFFC000  }
0x5b: {  	[tilespmem:s7], [sflag:$0x1] =	stream.indirect.gather [hbm4b:s2+s6], $0x80, s11, s6, $0xb8;
	[tilespmem:$0x8400] =	vst v63  }
0x5c: {  	_ =	swait.ge [sflag:s12], $0x4000  }
0x5d: {  	[sflag:s12] =	ssyncset.done $0x0  }
0x5e: {  	[sflag:s12] =	ssyncadd.s32 $0xFFFFC000  }
0x5f: {  	[hbm4b:s13+s3] =	stream.linear.scatter [tilespmem:s8], [sflag:$0x3], $0x4000, $0x38;
	[tilespmem:$0x8400] =	vst v63  }
0x60: {  	_ =	swait.ge [sflag:s4], $0x4000  }
0x61: {  	[sflag:s4] =	ssyncset.done $0x0  }
0x62: {  	[sflag:s4] =	ssyncadd.s32 $0xFFFFC000  }
0x63: {  	[tilespmem:s8], [sflag:$0x2] =	stream.indirect.gather [hbm4b:s2+s6], $0x80, s14, s6, $0xb8;
	[tilespmem:$0x8400] =	vst v63  }
0x64: {  	_ =	swait.ge [sflag:s9], $0x4000  }
0x65: {  	[sflag:s9] =	ssyncset.done $0x0  }
0x66: {  	[sflag:s9] =	ssyncadd.s32 $0xFFFFC000  }
0x67: {  	[hbm4b:s15+s3] =	stream.linear.scatter [tilespmem:s7], [sflag:$0x3], $0x4000, $0x38;
	[tilespmem:$0x8400] =	vst v63  }
0x68: {  	_ =	swait.ge [sflag:s4], $0x4000  }
0x69: {  	[sflag:s4] =	ssyncset.done $0x0  }
0x6a: {  	[sflag:s4] =	ssyncadd.s32 $0xFFFFC000  }
0x6b: {  	[tilespmem:s7], [sflag:$0x1] =	stream.indirect.gather [hbm4b:s2+s6], $0x80, s16, s6, $0xb8;
	[tilespmem:$0x8400] =	vst v63  }
0x6c: {  	_ =	swait.ge [sflag:s12], $0x4000  }
0x6d: {  	[sflag:s12] =	ssyncset.done $0x0  }
0x6e: {  	[sflag:s12] =	ssyncadd.s32 $0xFFFFC000  }
0x6f: {  	[hbm4b:s17+s3] =	stream.linear.scatter [tilespmem:s8], [sflag:$0x3], $0x4000, $0x38;
	[tilespmem:$0x8400] =	vst v63  }
0x70: {  	_ =	swait.ge [sflag:s4], $0x4000  }
0x71: {  	[sflag:s4] =	ssyncset.done $0x0  }
0x72: {  	[sflag:s4] =	ssyncadd.s32 $0xFFFFC000  }
0x73: {  	[tilespmem:s8], [sflag:$0x2] =	stream.indirect.gather [hbm4b:s2+s6], $0x80, s18, s6, $0xb8;
	[tilespmem:$0x8400] =	vst v63  }
0x74: {  	_ =	swait.ge [sflag:s9], $0x4000  }
0x75: {  	[sflag:s9] =	ssyncset.done $0x0  }
0x76: {  	[sflag:s9] =	ssyncadd.s32 $0xFFFFC000  }
0x77: {  	[hbm4b:s19+s3] =	stream.linear.scatter [tilespmem:s7], [sflag:$0x3], $0x4000, $0x38;
	[tilespmem:$0x8400] =	vst v63  }
0x78: {  	_ =	swait.ge [sflag:s4], $0x4000  }
0x79: {  	[sflag:s4] =	ssyncset.done $0x0  }
0x7a: {  	[sflag:s4] =	ssyncadd.s32 $0xFFFFC000  }
0x7b: {  	[tilespmem:s7], [sflag:$0x1] =	stream.indirect.gather [hbm4b:s2+s6], $0x80, s20, s6, $0xb8;
	[tilespmem:$0x8400] =	vst v63  }
0x7c: {  	_ =	swait.ge [sflag:s12], $0x4000  }
0x7d: {  	[sflag:s12] =	ssyncset.done $0x0  }
0x7e: {  	[sflag:s12] =	ssyncadd.s32 $0xFFFFC000  }
0x7f: {  	[hbm4b:s21+s3] =	stream.linear.scatter [tilespmem:s8], [sflag:$0x3], $0x4000, $0x38;
	[tilespmem:$0x8400] =	vst v63  }
0x80: {  	_ =	swait.ge [sflag:s4], $0x4000  }
0x81: {  	[sflag:s4] =	ssyncset.done $0x0  }
0x82: {  	[sflag:s4] =	ssyncadd.s32 $0xFFFFC000  }
0x83: {  	[tilespmem:s8], [sflag:$0x2] =	stream.indirect.gather [hbm4b:s2+s6], $0x80, s22, s6, $0xb8;
	[tilespmem:$0x8400] =	vst v63  }
0x84: {  	_ =	swait.ge [sflag:s9], $0x4000  }
0x85: {  	[sflag:s9] =	ssyncset.done $0x0  }
0x86: {  	[sflag:s9] =	ssyncadd.s32 $0xFFFFC000  }
0x87: {  	[hbm4b:s23+s3] =	stream.linear.scatter [tilespmem:s7], [sflag:$0x3], $0x4000, $0x38;
	[tilespmem:$0x8400] =	vst v63  }
0x88: {  	_ =	swait.ge [sflag:s4], $0x4000  }
0x89: {  	[sflag:s4] =	ssyncset.done $0x0  }
0x8a: {  	[sflag:s4] =	ssyncadd.s32 $0xFFFFC000  }
0x8b: {  	_ =	swait.ge [sflag:s12], $0x4000  }
.Ltmp1:
0x8c: {  	[sflag:s12] =	ssyncset.done $0x0;
	(pc) =	sbr.rel @p0 .LBB2_1-.Ltmp1, $4  }
0x8d: {  	[sflag:s12] =	ssyncadd.s32 $0xFFFFC000  }
0x8e: {  	[hbm4b:s24+s3] =	stream.linear.scatter [tilespmem:s8], [sflag:$0x3], $0x4000, $0x38;
	[tilespmem:$0x8400] =	vst v63  }
0x8f: {  	_ =	swait.ge [sflag:s4], $0x4000  }
0x90: {  	[sflag:s4] =	ssyncset.done $0x0  }
.LBB2_2:
0x91: {  	[sflag:s4] =	ssyncadd.s32 $0xFFFFC000  }
0x92: {  	_ =	sfence.sel $0x180000  }
0x93: {  	[bflag:$0x0] =	sbarrier.arrive $0xFFFF  }
0x94: {  	p0 =	sne.s32 s0, $0x0;
	_ =	strace $0x90000047  }
0x95: {  	s0 =	sadd.s32 @!p0 $0x100000, s1;
	[bflag:$0x2] =	sbarrier.arrive $0xFFFF  }
0x96: {  	[sflag:s0] =	ssyncadd.tile.s32 @!p0 $0x1;
	_ =	shalt  }
.Lfunc_end2:
_tile_overlayer_lowered:
.L_overlay_start_2:
0x97: {  	(tag) =	ssettag $0x2  }
0x98: {  	s0 =	rddreg [dreg:$0x0];
	s2 =	stileid.u32  }
0x99: {  	s1 =	rddreg [dreg:$0x1];
	p0 =	sne.s32 s2, $0x0  }
0x9a: {  	s3 =	rddreg [dreg:$0x2];
	[bflag:$0x3] =	sbarrier.arrive $0xFFFF;
	s2 =	simm.s32 @!p0 $0x1C03  }
0x9b: {  	[timem:s3], [sflag:s2] =	dma.local @!p0 [hbm:s0], s1  }
0x9c: {  	s0 =	simm.s32 @!p0 $0x3  }
0x9d: {  	_ =	swait.ge @!p0 [sflag:s0], s1  }
0x9e: {  	s1 =	ssub.s32 @!p0 $0x0, s1;
	[sflag:s0] =	ssyncset.done @!p0 $0x0  }
0x9f: {  	[sflag:s0] =	ssyncadd.s32 @!p0 s1  }
0xa0: {  	[bflag:$0x3] =	sbarrier.arrive $0xFFFF  }
0xa1: {  	_ =	shalt  }

// kernel: kernel.9.cloned.1.call-start
scs
__scs_entry_jumppad:
0x0: {  	(pc) =	sbr.rel $0x88, $3  }
0x1: {  	(tag) =	ssettag $0x0;
	lr =	simm.s32 $0x1  }
0x2: {  	[smem:$0x3F9D] =	sst lr;
	_ =	strace $0xD0000000  }
0x3: {  	_ = 	snop  }
0x4: {  	_ = 	snop  }
0x5: {  	_ = 	snop  }
0x6: {  	_ = 	snop  }
0x7: {  	_ = 	snop  }
__scs_overlays_trampoline_lowered:
0x8: {  	[smem:$0x3FAC] =	sst s0  }
0x9: {  	[smem:$0x3FAD] =	sst s1  }
0xa: {  	[smem:$0x3FAE] =	sst s2  }
0xb: {  	[smem:$0x3FAF] =	sst s3  }
0xc: {  	[smem:$0x3FB0] =	sst s4  }
0xd: {  	[smem:$0x3FB1] =	sst s5  }
0xe: {  	[smem:$0x3FB2] =	sst s6  }
0xf: {  	[smem:$0x3FB3] =	sst s7  }
0x10: {  	[smem:$0x3FB4] =	sst s8  }
0x11: {  	[smem:$0x3FB5] =	sst s9;
	s0 =	simm.s32 @!p0 $0x0  }
0x12: {  	s1 =	sld [smem:$0x3F9B];
	s0 =	simm.s32 @p0 $0x1  }
0x13: {  	[smem:$0x3FB6] =	sst s0;
	s0 =	simm.s32 @!p1 $0x0  }
0x14: {  	s2 =	sld [smem:$0x3F9A];
	s0 =	simm.s32 @p1 $0x1  }
0x15: {  	[smem:$0x3FB7] =	sst s0;
	s0 =	simm.s32 @!p2 $0x0  }
0x16: {  	s3 =	sld [smem:$0x3FDB];
	s0 =	simm.s32 @p2 $0x1  }
0x17: {  	s4 =	simm.s32 $0x1BF5;
	[smem:$0x3FB9] =	sst s0  }
0x18: {  	s0 =	sld [smem:$0x3F9C];
	_ =	swait.ge [sflag:s4], $0x0  }
0x19: {  	s7 =	sld [smem:$0x3F9D]  }
0x1a: {  	s8 =	sadd.s32 $0xFFFFE003, lr  }
0x1b: {  	s9 =	sadd.s32 $0xFFFFFEF7, lr;
	s5 =	simm.s32 $0xFFFFFFFF;
	p2 =	slt.u32 s8, $0xFFFFF086  }
0x1c: {  	p1 =	slt.u32 s9, $0xF7A;
	s5 =	simm.s32 @!p2 $0x0  }
0x1d: {  	s5 =	simm.s32 @p1 $0x1;
	p0 =	seq.s32 s7, s2  }
0x1e: {  	s7 =	smul.u32 @!p0 $0xF7A, s2;
	p2 =	seq.s32 @!p0 s5, $0x0  }
0x1f: {  	s9 =	smul.u32 $0xF7A, s1;
	s8 =	simm.s32 @!p0 $0x1BF5;
	p2 =	por !p2, p0  }
0x20: {  	[sflag:s8] =	ssyncset.s32 @!p0 $0xFFFFF086;
	s6 =	sadd.s32 @!p0 s3, s7;
	s7 =	simm.s32 @!p0 $0x108  }
0x21: {  	s3 =	sadd.s32 s3, s9;
	s6 =	sadd.s32 @!p0 $0x88, s6;
	s7 =	simm.s32 @p2 $0x1082  }
0x22: {  	[simem:s7], [sflag:s8] =	dma.local @!p0 [hbm:s6], $0xF7A  }
0x23: {  	s9 =	sor.u32 $0xD0000000, s2;
	s6 =	simm.s32 $0x108;
	_ =	swait.ge @!p0 [sflag:s8], $0x0  }
0x24: {  	s3 =	sadd.s32 $0x88, s3;
	s6 =	simm.s32 @!p1 $0x1082;
	[sflag:s4] =	ssyncset.s32 $0xFFFFF086  }
0x25: {  	[simem:s6], [sflag:s4] =	dma.local [hbm:s3], $0xF7A  }
0x26: {  	[smem:$0x3F9D] =	sst s1;
	(tag) =	ssettag s2;
	_ =	strace s9  }
0x27: {  	s1 =	sld [smem:$0x3FAD]  }
0x28: {  	s2 =	sld [smem:$0x3FAE]  }
0x29: {  	s4 =	sld [smem:$0x3FB0]  }
0x2a: {  	p0 =	seq.s32 s5, $0x0;
	s5 =	sld [smem:$0x3FB1]  }
0x2b: {  	s6 =	sld [smem:$0x3FB2]  }
0x2c: {  	s7 =	sld [smem:$0x3FB3]  }
0x2d: {  	s3 =	simm.s32 $0x108;
	s8 =	sld [smem:$0x3FB4]  }
0x2e: {  	s3 =	simm.s32 @!p0 $0x1082;
	s9 =	sld [smem:$0x3FB5]  }
0x2f: {  	lr =	sadd.s32 s0, s3;
	s0 =	sld [smem:$0x3FAC]  }
0x30: {  	s3 =	sld [smem:$0x3FAF]  }
0x31: {  	[smem:$0x3FB8] =	sst s10  }
0x32: {  	s10 =	sld [smem:$0x3FB6];
	_ =	sdelay $0x3  }
0x33: {  	p0 =	seq.s32 s10, $0x1;
	s10 =	sld [smem:$0x3FB8];
	_ =	sdelay $0x3  }
0x34: {  	[smem:$0x3FB8] =	sst s10  }
0x35: {  	s10 =	sld [smem:$0x3FB7];
	_ =	sdelay $0x3  }
0x36: {  	p1 =	seq.s32 s10, $0x1;
	s10 =	sld [smem:$0x3FB8];
	_ =	sdelay $0x3  }
0x37: {  	[smem:$0x3FB8] =	sst s10  }
0x38: {  	s10 =	sld [smem:$0x3FB9]  }
0x39: {  	_ = 	snop;
	(pc) =	sbr.ind lr, $3  }
0x3a: {  	_ = 	snop  }
0x3b: {  	_ = 	snop  }
0x3c: {  	p2 =	seq.s32 s10, $0x1;
	s10 =	sld [smem:$0x3FB8]  }
0x3d: {  	_ =	shalt  }
0x3e: {  	_ =	shalt  }
0x3f: {  	_ =	shalt  }
0x40: {  	_ =	shalt  }
0x41: {  	_ =	shalt  }
0x42: {  	_ =	shalt  }
0x43: {  	_ =	shalt  }
0x44: {  	_ =	shalt  }
0x45: {  	_ =	shalt  }
0x46: {  	_ =	shalt  }
0x47: {  	_ =	shalt  }
0x48: {  	_ =	shalt  }
0x49: {  	_ =	shalt  }
0x4a: {  	_ =	shalt  }
0x4b: {  	_ =	shalt  }
0x4c: {  	_ =	shalt  }
0x4d: {  	_ =	shalt  }
0x4e: {  	_ =	shalt  }
0x4f: {  	_ =	shalt  }
0x50: {  	_ =	shalt  }
0x51: {  	_ =	shalt  }
0x52: {  	_ =	shalt  }
0x53: {  	_ =	shalt  }
0x54: {  	_ =	shalt  }
0x55: {  	_ =	shalt  }
0x56: {  	_ =	shalt  }
0x57: {  	_ =	shalt  }
0x58: {  	_ =	shalt  }
0x59: {  	_ =	shalt  }
0x5a: {  	_ =	shalt  }
0x5b: {  	_ =	shalt  }
0x5c: {  	_ =	shalt  }
0x5d: {  	_ =	shalt  }
0x5e: {  	_ =	shalt  }
0x5f: {  	_ =	shalt  }
0x60: {  	_ =	shalt  }
0x61: {  	_ =	shalt  }
0x62: {  	_ =	shalt  }
0x63: {  	_ =	shalt  }
0x64: {  	_ =	shalt  }
0x65: {  	_ =	shalt  }
0x66: {  	_ =	shalt  }
0x67: {  	_ =	shalt  }
0x68: {  	_ =	shalt  }
0x69: {  	_ =	shalt  }
0x6a: {  	_ =	shalt  }
0x6b: {  	_ =	shalt  }
0x6c: {  	_ =	shalt  }
0x6d: {  	_ =	shalt  }
0x6e: {  	_ =	shalt  }
0x6f: {  	_ =	shalt  }
0x70: {  	_ =	shalt  }
0x71: {  	_ =	shalt  }
0x72: {  	_ =	shalt  }
0x73: {  	_ =	shalt  }
0x74: {  	_ =	shalt  }
0x75: {  	_ =	shalt  }
0x76: {  	_ =	shalt  }
0x77: {  	_ =	shalt  }
0x78: {  	_ =	shalt  }
0x79: {  	_ =	shalt  }
0x7a: {  	_ =	shalt  }
0x7b: {  	_ =	shalt  }
0x7c: {  	_ =	shalt  }
0x7d: {  	_ =	shalt  }
0x7e: {  	_ =	shalt  }
0x7f: {  	_ =	shalt  }
0x80: {  	_ =	shalt  }
0x81: {  	_ =	shalt  }
0x82: {  	_ =	shalt  }
0x83: {  	_ =	shalt  }
0x84: {  	_ =	shalt  }
0x85: {  	_ =	shalt  }
0x86: {  	_ =	shalt  }
0x87: {  	_ =	shalt  }
.Lfunc_end0:
.L_simem_size_0:
called_computation.1_lowered:
.L_overlay_start_0:
0x88: {  	s2 =	sld [smem:$0x3FD9]  }
0x89: {  	s3 =	sld [smem:$0x3FFE];
	_ =	sdelay $0x1  }
0x8a: {  	s1 =	srdreg.scid  }
0x8b: {  	s0 =	sand.u32 $0x1, s1  }
0x8c: {  	s16 =	sshll.u32 s0, $0xA;
	s2 =	sadd.s32 s3, s2  }
0x8d: {  	s2 =	sadd.s32 s2, s16  }
0x8e: {  	[smem:$0x3FC4] =	sst s2  }
0x8f: {  	_ = 	snop  }
0x90: {  	(tm) =	ssettm $0x1  }
0x91: {  	s17 =	sld [smem:$0x3FFB];
	_ =	sdelay $0x3  }
0x92: {  	_ =	strace s17  }
0x93: {  	s2 =	sld [smem:$0x3FFC];
	_ =	sdelay $0x3  }
0x94: {  	_ =	strace s2  }
0x95: {  	s2 =	sld [smem:$0x3FFD];
	_ =	sdelay $0x3  }
0x96: {  	_ =	strace s2  }
0x97: {  	_ =	strace $0x8FFFFFFF  }
0x98: {  	s18 =	sld [smem:$0x3FDB];
	_ =	sdelay $0x1  }
0x99: {  	s19 =	simm.s32 $_scs_section_size  }
0x9a: {  	s4 =	simm.s32 $_size__tile_overlayer_lowered;
	s5 =	simm.s32 $_tile_overlayer_lowered  }
0x9b: {  	s22 =	simm.s32 $0x1BFF;
	s21 =	sshll.u32 s5, $0x1;
	s2 =	sadd.s32 s19, s18  }
0x9c: {  	s6 =	simm.s32 $0x0;
	s20 =	sshll.u32 s4, $0x1;
	s4 =	sadd.s32 s21, s2  }
0x9d: {  	[timem:s6], [sflag:s22] =	dma.local [hbm:s4], s20  }
0x9e: {  	_ =	swait.ge [sflag:s22], s20  }
0x9f: {  	s3 =	ssub.s32 $0x0, s20;
	[sflag:s22] =	ssyncset.done $0x0  }
0xa0: {  	[sflag:s22] =	ssyncadd.s32 s3;
	_ =	sdelay $0x1  }
0xa1: {  	s23 =	simm.s32 $0x1B8B  }
0xa2: {  	_ =	swait.ge [sflag:s23], $0x1  }
0xa3: {  	[sflag:s23] =	ssyncset.done $0x0  }
0xa4: {  	s25 =	simm.s32 $0x1B8E;
	s24 =	sld [smem:$0x3FFE];
	[sflag:s23] =	ssyncadd.s32 $0xFFFFFFFF  }
0xa5: {  	s26 =	simm.s32 $execute0_lowered;
	[smem:$0x3FD2] =	sst s25  }
0xa6: {  	s4 =	sshll.u32 s26, $0x1;
	_ =	strace $0x80000049;
	[dreg:$0x1] =	wrdreg $0xFFFFFFFF  }
0xa7: {  	s28 =	simm.s32 $_size_execute0_lowered;
	s2 =	sadd.s32 s2, s4;
	[dreg:$0x0] =	wrdreg $0x0  }
0xa8: {  	s4 =	sshll.u32 s28, $0x1;
	[dreg:$0x2] =	wrdreg s2  }
0xa9: {  	[dreg:$0x3] =	wrdreg s4  }
0xaa: {  	[dreg:$0x4] =	wrdreg $0xC0  }
0xab: {  	_ =	task [dreg:s6], $0x5FFFF  }
0xac: {  	[dreg:$0x1] =	wrdreg $0xFFFFFFFF  }
0xad: {  	[dreg:$0x0] =	wrdreg $0x60  }
0xae: {  	[dreg:$0x2] =	wrdreg s24  }
0xaf: {  	[dreg:$0x3] =	wrdreg $0x9  }
0xb0: {  	_ =	task.clear_ibuf [dreg:s6], $0x4FFFF;
	_ =	strace $0x90000049  }
0xb1: {  	s29 =	simm.s32 $0x9;
	_ =	strace $0x8000004B  }
0xb2: {  	_ =	swait.ge [sflag:s29], $0x1  }
0xb3: {  	[sflag:s29] =	ssyncadd.s32 $0xFFFFFFFF  }
0xb4: {  	_ =	strace $0x9000004B  }
0xb5: {  	_ =	sfence  }
0xb6: {  	s30 =	sld [smem:$0x0];
	_ =	sdelay $0x2  }
0xb7: {  	s31 =	sshll.u32 s1, $0xD;
	s1 =	sshrl.u32 s1, $0x2  }
0xb8: {  	s3 =	sand.u32 $0x4000, s31;
	s1 =	sadd.s32 s1, s30  }
0xb9: {  	s0 =	sor.u32 s3, s0;
	s1 =	sshll.u32 s1, $0x11  }
0xba: {  	s0 =	sor.u32 s1, s0  }
0xbb: {  	s0 =	sadd.s32 $0x8F2B, s0  }
0xbc: {  	[sflag:s0] =	ssyncadd.remote.s32 $0x1  }
0xbd: {  	_ =	sfence.sel $0xFFFF  }
0xbe: {  	[dreg:$0x0] =	wrdreg $0xFFFFFFFF;
	(pc) =	sbr.abs _section_cstart, $3  }
0xbf: {  	[dreg:$0x1] =	wrdreg $0xFFFFFFFF  }
0xc0: {  	_ =	task.clear_ibuf [dreg:s6], $0x2FFFF;
	_ =	strace $0x9FFFFFFF  }
0xc1: {  	(tm) =	ssettm $0x7FFFFFFF  }
tec
execute0_lowered:
.L_overlay_start_1:
0x0: {  	(tag) =	ssettag $0x1  }
0x1: {  	s0 =	rddreg [dreg:$0x0]  }
0x2: {  	s2 =	simm.s32 $0x0;
	s1 =	srdreg.scid;
	s3 =	stileid.u32  }
0x3: {  	p0 =	por $0x0, $0x0;
	[smem:$0x7FF] =	sst s2;
	s1 =	sand.u32 $0x1, s1  }
0x4: {  	s3 =	sshll.u32 s3, $0x1;
	s5 =	sadd.s32 $0x11000, s0;
	s7 =	sadd.s32 $0x19000, s0  }
0x5: {  	s14 =	sadd.s32 $0x11080, s0;
	_ =	strace $0x8000004A;
	s4 =	sor.u32 s1, s3  }
0x6: {  	s3 =	sadd.s32 $0x1000, s0;
	s1 =	ssub.s32 $0x2, s1;
	s0 =	sadd.s32 $0x19008, s0  }
0x7: {  	s6 =	sshll.u32 s4, $0xA;
	s9 =	sshll.u32 s4, $0x10;
	s10 =	sshll.u32 s4, $0x2  }
0x8: {  	s12 =	sshrl.u32 s1, $0x1;
	s4 =	sshllo.u32 s4, $0x2;
	s8 =	sadd.s32 s5, s6  }
0x9: {  	s13 =	sadd.s32 s7, s9;
	s6 =	sadd.s32 s6, s14;
	s11 =	sor.u32 $0x1, s10  }
0xa: {  	s16 =	sadd.s32 s9, s0;
	s21 =	sor.u32 $0x2, s10;
	[dreg:$0x2] =	wrdreg s8  }
0xb: {  	s1 =	ssub.s32 s1, s12;
	s23 =	sshll.u32 s4, $0x8;
	[dreg:$0x3] =	wrdreg s13  }
0xc: {  	s4 =	sshll.u32 s4, $0xE;
	s12 =	simm.s32 $0x100;
	[dreg:$0x4] =	wrdreg s6  }
0xd: {  	s17 =	sshll.u32 s11, $0x8;
	[dreg:$0x5] =	wrdreg s16;
	s11 =	sshll.u32 s11, $0xE  }
0xe: {  	s22 =	sshll.u32 s21, $0x8;
	s9 =	sshll.u32 s21, $0xE;
	s25 =	sadd.s32 s5, s23  }
0xf: {  	s15 =	sadd.s32 s7, s4;
	s10 =	sadd.s32 s23, s14;
	s24 =	smax.u32 s1, $0x1  }
0x10: {  	s6 =	simm.s32 $0x80;
	s13 =	simm.s32 $0x4400;
	s16 =	simm.s32 $0x6400  }
0x11: {  	s21 =	simm.s32 $0x300;
	s23 =	simm.s32 $0x380;
	s8 =	simm.s32 $0x1  }
0x12: {  	s18 =	sadd.s32 s5, s17;
	s19 =	sadd.s32 s7, s11;
	s20 =	sadd.s32 s17, s14  }
0x13: {  	s31 =	sadd.s32 s11, s0;
	s30 =	sadd.s32 s5, s22;
	s29 =	sadd.s32 s7, s9  }
0x14: {  	s28 =	sadd.s32 s22, s14;
	s26 =	sadd.s32 s9, s0;
	s5 =	sadd.s32 s4, s0  }
0x15: {  	s4 =	simm.s32 $0x2;
	s7 =	simm.s32 $0x400;
	p1 =	sne.s32 s24, $0x1  }
.Ltmp0:
0x16: {  	s11 =	simm.s32 $0x2400;
	s1 =	rddreg [dreg:$0x2];
	(pc) =	sbr.rel @!p1 .LBB2_3-.Ltmp0, $4  }
0x17: {  	s14 =	simm.s32 $0x180;
	s17 =	simm.s32 $0x200;
	[dreg:$0x6] =	wrdreg s18  }
0x18: {  	s0 =	sadd.s32 $0xFFFFFFFF, s24;
	s22 =	simm.s32 $0xC400;
	[dreg:$0x7] =	wrdreg s19  }
0x19: {  	s24 =	simm.s32 $0xE400;
	s9 =	simm.s32 $0x40;
	[dreg:$0x8] =	wrdreg s20  }
0x1a: {  	s18 =	simm.s32 $0x8400;
	s19 =	simm.s32 $0x280;
	s20 =	simm.s32 $0xA400  }
0x1b: {  	[tilespmem:s2], [sflag:$0x2] =	stream.linear.gather [hbm4b:s1+s2], $0x400, $0x38;
	[tilespmem:$0x10400] =	vst v63  }
0x1c: {  	_ =	swait.ge [sflag:s4], $0x400  }
0x1d: {  	[sflag:s4] =	ssyncset.done $0x0  }
0x1e: {  	[sflag:s4] =	ssyncadd.s32 $0xFFFFFC00  }
0x1f: {  	[tilespmem:s7], [sflag:$0x1] =	stream.indirect.gather [hbm4b:s3+s6], $0x40, s2, s6, $0xb8;
	[tilespmem:$0x10400] =	vst v63  }
0x20: {  	_ = 	snop  }
0x21: {  	[tilespmem:s11], [sflag:$0x1] =	stream.indirect.gather [hbm4b:s3+s6], $0x40, s6, s6, $0xb8;
	[tilespmem:$0x10400] =	vst v63  }
0x22: {  	_ = 	snop  }
0x23: {  	[tilespmem:s13], [sflag:$0x1] =	stream.indirect.gather [hbm4b:s3+s6], $0x40, s12, s6, $0xb8;
	[tilespmem:$0x10400] =	vst v63  }
0x24: {  	_ = 	snop  }
0x25: {  	[tilespmem:s16], [sflag:$0x1] =	stream.indirect.gather [hbm4b:s3+s6], $0x40, s14, s6, $0xb8;
	[tilespmem:$0x10400] =	vst v63  }
0x26: {  	_ = 	snop  }
0x27: {  	[tilespmem:s18], [sflag:$0x1] =	stream.indirect.gather [hbm4b:s3+s6], $0x40, s17, s6, $0xb8;
	[tilespmem:$0x10400] =	vst v63  }
0x28: {  	_ = 	snop  }
0x29: {  	[tilespmem:s20], [sflag:$0x1] =	stream.indirect.gather [hbm4b:s3+s6], $0x40, s19, s6, $0xb8;
	[tilespmem:$0x10400] =	vst v63  }
0x2a: {  	_ = 	snop  }
0x2b: {  	[tilespmem:s22], [sflag:$0x1] =	stream.indirect.gather [hbm4b:s3+s6], $0x40, s21, s6, $0xb8;
	[tilespmem:$0x10400] =	vst v63  }
0x2c: {  	_ = 	snop  }
0x2d: {  	[tilespmem:s24], [sflag:$0x1] =	stream.indirect.gather [hbm4b:s3+s6], $0x40, s23, s6, $0xb8;
	[tilespmem:$0x10400] =	vst v63  }
0x2e: {  	_ =	swait.ge [sflag:s8], $0x2000  }
0x2f: {  	[sflag:s8] =	ssyncset.done $0x0  }
0x30: {  	[sflag:s8] =	ssyncadd.s32 $0xFFFFE000  }
0x31: {  	_ =	swait.ge [sflag:s8], $0x2000  }
0x32: {  	[sflag:s8] =	ssyncset.done $0x0  }
0x33: {  	[sflag:s8] =	ssyncadd.s32 $0xFFFFE000  }
0x34: {  	_ =	swait.ge [sflag:s8], $0x2000  }
0x35: {  	[sflag:s8] =	ssyncset.done $0x0  }
0x36: {  	[sflag:s8] =	ssyncadd.s32 $0xFFFFE000  }
0x37: {  	_ =	swait.ge [sflag:s8], $0x2000  }
0x38: {  	[sflag:s8] =	ssyncset.done $0x0  }
0x39: {  	[sflag:s8] =	ssyncadd.s32 $0xFFFFE000  }
0x3a: {  	_ =	swait.ge [sflag:s8], $0x2000  }
0x3b: {  	[sflag:s8] =	ssyncset.done $0x0  }
0x3c: {  	[sflag:s8] =	ssyncadd.s32 $0xFFFFE000  }
0x3d: {  	_ =	swait.ge [sflag:s8], $0x2000  }
0x3e: {  	[sflag:s8] =	ssyncset.done $0x0  }
0x3f: {  	[sflag:s8] =	ssyncadd.s32 $0xFFFFE000  }
0x40: {  	_ =	swait.ge [sflag:s8], $0x2000  }
0x41: {  	[sflag:s8] =	ssyncset.done $0x0  }
0x42: {  	[sflag:s8] =	ssyncadd.s32 $0xFFFFE000  }
0x43: {  	_ =	swait.ge [sflag:s8], $0x2000  }
0x44: {  	[sflag:s8] =	ssyncset.done $0x0  }
0x45: {  	s1 =	rddreg [dreg:$0x3];
	[sflag:s8] =	ssyncadd.s32 $0xFFFFE000  }
0x46: {  	[hbm4b:s1+s9] =	stream.strided.scatter [tilespmem:s7], [sflag:$0x2], $0x10000, s6, s9, $0x38;
	[tilespmem:$0x10400] =	vst v63  }
0x47: {  	_ =	swait.ge [sflag:s4], $0x10000  }
0x48: {  	[sflag:s4] =	ssyncset.done $0x0  }
0x49: {  	s1 =	rddreg [dreg:$0x4];
	[sflag:s4] =	ssyncadd.s32 $0xFFFF0000  }
0x4a: {  	[tilespmem:s2], [sflag:$0x2] =	stream.linear.gather [hbm4b:s1+s2], $0x400, $0x38;
	[tilespmem:$0x10400] =	vst v63  }
0x4b: {  	_ =	swait.ge [sflag:s4], $0x400  }
0x4c: {  	[sflag:s4] =	ssyncset.done $0x0  }
0x4d: {  	[sflag:s4] =	ssyncadd.s32 $0xFFFFFC00  }
0x4e: {  	[tilespmem:s7], [sflag:$0x1] =	stream.indirect.gather [hbm4b:s3+s6], $0x40, s2, s6, $0xb8;
	[tilespmem:$0x10400] =	vst v63  }
0x4f: {  	_ = 	snop  }
0x50: {  	[tilespmem:s11], [sflag:$0x1] =	stream.indirect.gather [hbm4b:s3+s6], $0x40, s6, s6, $0xb8;
	[tilespmem:$0x10400] =	vst v63  }
0x51: {  	_ = 	snop  }
0x52: {  	[tilespmem:s13], [sflag:$0x1] =	stream.indirect.gather [hbm4b:s3+s6], $0x40, s12, s6, $0xb8;
	[tilespmem:$0x10400] =	vst v63  }
0x53: {  	_ = 	snop  }
0x54: {  	[tilespmem:s16], [sflag:$0x1] =	stream.indirect.gather [hbm4b:s3+s6], $0x40, s14, s6, $0xb8;
	[tilespmem:$0x10400] =	vst v63  }
0x55: {  	_ = 	snop  }
0x56: {  	[tilespmem:s18], [sflag:$0x1] =	stream.indirect.gather [hbm4b:s3+s6], $0x40, s17, s6, $0xb8;
	[tilespmem:$0x10400] =	vst v63  }
0x57: {  	_ = 	snop  }
0x58: {  	[tilespmem:s20], [sflag:$0x1] =	stream.indirect.gather [hbm4b:s3+s6], $0x40, s19, s6, $0xb8;
	[tilespmem:$0x10400] =	vst v63  }
0x59: {  	_ = 	snop  }
0x5a: {  	[tilespmem:s22], [sflag:$0x1] =	stream.indirect.gather [hbm4b:s3+s6], $0x40, s21, s6, $0xb8;
	[tilespmem:$0x10400] =	vst v63  }
0x5b: {  	_ = 	snop  }
0x5c: {  	[tilespmem:s24], [sflag:$0x1] =	stream.indirect.gather [hbm4b:s3+s6], $0x40, s23, s6, $0xb8;
	[tilespmem:$0x10400] =	vst v63  }
0x5d: {  	_ =	swait.ge [sflag:s8], $0x2000  }
0x5e: {  	[sflag:s8] =	ssyncset.done $0x0  }
0x5f: {  	[sflag:s8] =	ssyncadd.s32 $0xFFFFE000  }
0x60: {  	_ =	swait.ge [sflag:s8], $0x2000  }
0x61: {  	[sflag:s8] =	ssyncset.done $0x0  }
0x62: {  	[sflag:s8] =	ssyncadd.s32 $0xFFFFE000  }
0x63: {  	_ =	swait.ge [sflag:s8], $0x2000  }
0x64: {  	[sflag:s8] =	ssyncset.done $0x0  }
0x65: {  	[sflag:s8] =	ssyncadd.s32 $0xFFFFE000  }
0x66: {  	_ =	swait.ge [sflag:s8], $0x2000  }
0x67: {  	[sflag:s8] =	ssyncset.done $0x0  }
0x68: {  	[sflag:s8] =	ssyncadd.s32 $0xFFFFE000  }
0x69: {  	_ =	swait.ge [sflag:s8], $0x2000  }
0x6a: {  	[sflag:s8] =	ssyncset.done $0x0  }
0x6b: {  	[sflag:s8] =	ssyncadd.s32 $0xFFFFE000  }
0x6c: {  	_ =	swait.ge [sflag:s8], $0x2000  }
0x6d: {  	[sflag:s8] =	ssyncset.done $0x0  }
0x6e: {  	[sflag:s8] =	ssyncadd.s32 $0xFFFFE000  }
0x6f: {  	_ =	swait.ge [sflag:s8], $0x2000  }
0x70: {  	[sflag:s8] =	ssyncset.done $0x0  }
0x71: {  	[sflag:s8] =	ssyncadd.s32 $0xFFFFE000  }
0x72: {  	_ =	swait.ge [sflag:s8], $0x2000  }
0x73: {  	[sflag:s8] =	ssyncset.done $0x0  }
0x74: {  	s1 =	rddreg [dreg:$0x5];
	[sflag:s8] =	ssyncadd.s32 $0xFFFFE000  }
0x75: {  	[hbm4b:s1+s9] =	stream.strided.scatter [tilespmem:s7], [sflag:$0x2], $0x10000, s6, s9, $0x38;
	[tilespmem:$0x10400] =	vst v63  }
0x76: {  	_ =	swait.ge [sflag:s4], $0x10000  }
0x77: {  	[sflag:s4] =	ssyncset.done $0x0  }
0x78: {  	s1 =	rddreg [dreg:$0x6];
	[sflag:s4] =	ssyncadd.s32 $0xFFFF0000  }
0x79: {  	[tilespmem:s2], [sflag:$0x2] =	stream.linear.gather [hbm4b:s1+s2], $0x400, $0x38;
	[tilespmem:$0x10400] =	vst v63  }
0x7a: {  	_ =	swait.ge [sflag:s4], $0x400  }
0x7b: {  	[sflag:s4] =	ssyncset.done $0x0  }
0x7c: {  	[sflag:s4] =	ssyncadd.s32 $0xFFFFFC00  }
0x7d: {  	[tilespmem:s7], [sflag:$0x1] =	stream.indirect.gather [hbm4b:s3+s6], $0x40, s2, s6, $0xb8;
	[tilespmem:$0x10400] =	vst v63  }
0x7e: {  	_ = 	snop  }
0x7f: {  	[tilespmem:s11], [sflag:$0x1] =	stream.indirect.gather [hbm4b:s3+s6], $0x40, s6, s6, $0xb8;
	[tilespmem:$0x10400] =	vst v63  }
0x80: {  	_ = 	snop  }
0x81: {  	[tilespmem:s13], [sflag:$0x1] =	stream.indirect.gather [hbm4b:s3+s6], $0x40, s12, s6, $0xb8;
	[tilespmem:$0x10400] =	vst v63  }
0x82: {  	_ = 	snop  }
0x83: {  	[tilespmem:s16], [sflag:$0x1] =	stream.indirect.gather [hbm4b:s3+s6], $0x40, s14, s6, $0xb8;
	[tilespmem:$0x10400] =	vst v63  }
0x84: {  	_ = 	snop  }
0x85: {  	[tilespmem:s18], [sflag:$0x1] =	stream.indirect.gather [hbm4b:s3+s6], $0x40, s17, s6, $0xb8;
	[tilespmem:$0x10400] =	vst v63  }
0x86: {  	_ = 	snop  }
0x87: {  	[tilespmem:s20], [sflag:$0x1] =	stream.indirect.gather [hbm4b:s3+s6], $0x40, s19, s6, $0xb8;
	[tilespmem:$0x10400] =	vst v63  }
0x88: {  	_ = 	snop  }
0x89: {  	[tilespmem:s22], [sflag:$0x1] =	stream.indirect.gather [hbm4b:s3+s6], $0x40, s21, s6, $0xb8;
	[tilespmem:$0x10400] =	vst v63  }
0x8a: {  	_ = 	snop  }
0x8b: {  	[tilespmem:s24], [sflag:$0x1] =	stream.indirect.gather [hbm4b:s3+s6], $0x40, s23, s6, $0xb8;
	[tilespmem:$0x10400] =	vst v63  }
0x8c: {  	_ =	swait.ge [sflag:s8], $0x2000  }
0x8d: {  	[sflag:s8] =	ssyncset.done $0x0  }
0x8e: {  	[sflag:s8] =	ssyncadd.s32 $0xFFFFE000  }
0x8f: {  	_ =	swait.ge [sflag:s8], $0x2000  }
0x90: {  	[sflag:s8] =	ssyncset.done $0x0  }
0x91: {  	[sflag:s8] =	ssyncadd.s32 $0xFFFFE000  }
0x92: {  	_ =	swait.ge [sflag:s8], $0x2000  }
0x93: {  	[sflag:s8] =	ssyncset.done $0x0  }
0x94: {  	[sflag:s8] =	ssyncadd.s32 $0xFFFFE000  }
0x95: {  	_ =	swait.ge [sflag:s8], $0x2000  }
0x96: {  	[sflag:s8] =	ssyncset.done $0x0  }
0x97: {  	[sflag:s8] =	ssyncadd.s32 $0xFFFFE000  }
0x98: {  	_ =	swait.ge [sflag:s8], $0x2000  }
0x99: {  	[sflag:s8] =	ssyncset.done $0x0  }
0x9a: {  	[sflag:s8] =	ssyncadd.s32 $0xFFFFE000  }
0x9b: {  	_ =	swait.ge [sflag:s8], $0x2000  }
0x9c: {  	[sflag:s8] =	ssyncset.done $0x0  }
0x9d: {  	[sflag:s8] =	ssyncadd.s32 $0xFFFFE000  }
0x9e: {  	_ =	swait.ge [sflag:s8], $0x2000  }
0x9f: {  	[sflag:s8] =	ssyncset.done $0x0  }
0xa0: {  	[sflag:s8] =	ssyncadd.s32 $0xFFFFE000  }
0xa1: {  	_ =	swait.ge [sflag:s8], $0x2000  }
0xa2: {  	[sflag:s8] =	ssyncset.done $0x0  }
0xa3: {  	s1 =	rddreg [dreg:$0x7];
	[sflag:s8] =	ssyncadd.s32 $0xFFFFE000  }
0xa4: {  	[hbm4b:s1+s9] =	stream.strided.scatter [tilespmem:s7], [sflag:$0x2], $0x10000, s6, s9, $0x38;
	[tilespmem:$0x10400] =	vst v63  }
0xa5: {  	_ =	swait.ge [sflag:s4], $0x10000  }
0xa6: {  	[sflag:s4] =	ssyncset.done $0x0  }
0xa7: {  	s1 =	rddreg [dreg:$0x8];
	[sflag:s4] =	ssyncadd.s32 $0xFFFF0000  }
0xa8: {  	[tilespmem:s2], [sflag:$0x2] =	stream.linear.gather [hbm4b:s1+s2], $0x400, $0x38;
	[tilespmem:$0x10400] =	vst v63  }
0xa9: {  	_ =	swait.ge [sflag:s4], $0x400  }
0xaa: {  	[sflag:s4] =	ssyncset.done $0x0  }
0xab: {  	[sflag:s4] =	ssyncadd.s32 $0xFFFFFC00  }
0xac: {  	[tilespmem:s7], [sflag:$0x1] =	stream.indirect.gather [hbm4b:s3+s6], $0x40, s2, s6, $0xb8;
	[tilespmem:$0x10400] =	vst v63  }
0xad: {  	_ = 	snop  }
0xae: {  	[tilespmem:s11], [sflag:$0x1] =	stream.indirect.gather [hbm4b:s3+s6], $0x40, s6, s6, $0xb8;
	[tilespmem:$0x10400] =	vst v63  }
0xaf: {  	_ = 	snop  }
0xb0: {  	[tilespmem:s13], [sflag:$0x1] =	stream.indirect.gather [hbm4b:s3+s6], $0x40, s12, s6, $0xb8;
	[tilespmem:$0x10400] =	vst v63  }
0xb1: {  	_ = 	snop  }
0xb2: {  	[tilespmem:s16], [sflag:$0x1] =	stream.indirect.gather [hbm4b:s3+s6], $0x40, s14, s6, $0xb8;
	[tilespmem:$0x10400] =	vst v63  }
0xb3: {  	_ = 	snop  }
0xb4: {  	[tilespmem:s18], [sflag:$0x1] =	stream.indirect.gather [hbm4b:s3+s6], $0x40, s17, s6, $0xb8;
	[tilespmem:$0x10400] =	vst v63  }
0xb5: {  	_ = 	snop  }
0xb6: {  	[tilespmem:s20], [sflag:$0x1] =	stream.indirect.gather [hbm4b:s3+s6], $0x40, s19, s6, $0xb8;
	[tilespmem:$0x10400] =	vst v63  }
0xb7: {  	_ = 	snop  }
0xb8: {  	[tilespmem:s22], [sflag:$0x1] =	stream.indirect.gather [hbm4b:s3+s6], $0x40, s21, s6, $0xb8;
	[tilespmem:$0x10400] =	vst v63  }
0xb9: {  	_ = 	snop  }
0xba: {  	[tilespmem:s24], [sflag:$0x1] =	stream.indirect.gather [hbm4b:s3+s6], $0x40, s23, s6, $0xb8;
	[tilespmem:$0x10400] =	vst v63  }
0xbb: {  	_ =	swait.ge [sflag:s8], $0x2000  }
0xbc: {  	[sflag:s8] =	ssyncset.done $0x0  }
0xbd: {  	[sflag:s8] =	ssyncadd.s32 $0xFFFFE000  }
0xbe: {  	_ =	swait.ge [sflag:s8], $0x2000  }
0xbf: {  	[sflag:s8] =	ssyncset.done $0x0  }
0xc0: {  	[sflag:s8] =	ssyncadd.s32 $0xFFFFE000  }
0xc1: {  	_ =	swait.ge [sflag:s8], $0x2000  }
0xc2: {  	[sflag:s8] =	ssyncset.done $0x0  }
0xc3: {  	[sflag:s8] =	ssyncadd.s32 $0xFFFFE000  }
0xc4: {  	_ =	swait.ge [sflag:s8], $0x2000  }
0xc5: {  	[sflag:s8] =	ssyncset.done $0x0  }
0xc6: {  	[sflag:s8] =	ssyncadd.s32 $0xFFFFE000  }
0xc7: {  	_ =	swait.ge [sflag:s8], $0x2000  }
0xc8: {  	[sflag:s8] =	ssyncset.done $0x0  }
0xc9: {  	[sflag:s8] =	ssyncadd.s32 $0xFFFFE000  }
0xca: {  	_ =	swait.ge [sflag:s8], $0x2000  }
0xcb: {  	[sflag:s8] =	ssyncset.done $0x0  }
0xcc: {  	[sflag:s8] =	ssyncadd.s32 $0xFFFFE000  }
0xcd: {  	_ =	swait.ge [sflag:s8], $0x2000  }
0xce: {  	[sflag:s8] =	ssyncset.done $0x0  }
0xcf: {  	[sflag:s8] =	ssyncadd.s32 $0xFFFFE000  }
0xd0: {  	_ =	swait.ge [sflag:s8], $0x2000  }
0xd1: {  	[sflag:s8] =	ssyncset.done $0x0  }
0xd2: {  	[sflag:s8] =	ssyncadd.s32 $0xFFFFE000  }
0xd3: {  	[hbm4b:s31+s9] =	stream.strided.scatter [tilespmem:s7], [sflag:$0x2], $0x10000, s6, s9, $0x38;
	[tilespmem:$0x10400] =	vst v63  }
0xd4: {  	_ =	swait.ge [sflag:s4], $0x10000  }
0xd5: {  	[sflag:s4] =	ssyncset.done $0x0  }
0xd6: {  	[sflag:s4] =	ssyncadd.s32 $0xFFFF0000  }
0xd7: {  	[tilespmem:s2], [sflag:$0x2] =	stream.linear.gather [hbm4b:s30+s2], $0x400, $0x38;
	[tilespmem:$0x10400] =	vst v63  }
0xd8: {  	_ =	swait.ge [sflag:s4], $0x400  }
0xd9: {  	[sflag:s4] =	ssyncset.done $0x0  }
0xda: {  	[sflag:s4] =	ssyncadd.s32 $0xFFFFFC00  }
0xdb: {  	[tilespmem:s7], [sflag:$0x1] =	stream.indirect.gather [hbm4b:s3+s6], $0x40, s2, s6, $0xb8;
	[tilespmem:$0x10400] =	vst v63  }
0xdc: {  	_ = 	snop  }
0xdd: {  	[tilespmem:s11], [sflag:$0x1] =	stream.indirect.gather [hbm4b:s3+s6], $0x40, s6, s6, $0xb8;
	[tilespmem:$0x10400] =	vst v63  }
0xde: {  	_ = 	snop  }
0xdf: {  	[tilespmem:s13], [sflag:$0x1] =	stream.indirect.gather [hbm4b:s3+s6], $0x40, s12, s6, $0xb8;
	[tilespmem:$0x10400] =	vst v63  }
0xe0: {  	_ = 	snop  }
0xe1: {  	[tilespmem:s16], [sflag:$0x1] =	stream.indirect.gather [hbm4b:s3+s6], $0x40, s14, s6, $0xb8;
	[tilespmem:$0x10400] =	vst v63  }
0xe2: {  	_ = 	snop  }
0xe3: {  	[tilespmem:s18], [sflag:$0x1] =	stream.indirect.gather [hbm4b:s3+s6], $0x40, s17, s6, $0xb8;
	[tilespmem:$0x10400] =	vst v63  }
0xe4: {  	_ = 	snop  }
0xe5: {  	[tilespmem:s20], [sflag:$0x1] =	stream.indirect.gather [hbm4b:s3+s6], $0x40, s19, s6, $0xb8;
	[tilespmem:$0x10400] =	vst v63  }
0xe6: {  	_ = 	snop  }
0xe7: {  	[tilespmem:s22], [sflag:$0x1] =	stream.indirect.gather [hbm4b:s3+s6], $0x40, s21, s6, $0xb8;
	[tilespmem:$0x10400] =	vst v63  }
0xe8: {  	_ = 	snop  }
0xe9: {  	[tilespmem:s24], [sflag:$0x1] =	stream.indirect.gather [hbm4b:s3+s6], $0x40, s23, s6, $0xb8;
	[tilespmem:$0x10400] =	vst v63  }
0xea: {  	_ =	swait.ge [sflag:s8], $0x2000  }
0xeb: {  	[sflag:s8] =	ssyncset.done $0x0  }
0xec: {  	[sflag:s8] =	ssyncadd.s32 $0xFFFFE000  }
0xed: {  	_ =	swait.ge [sflag:s8], $0x2000  }
0xee: {  	[sflag:s8] =	ssyncset.done $0x0  }
0xef: {  	[sflag:s8] =	ssyncadd.s32 $0xFFFFE000  }
0xf0: {  	_ =	swait.ge [sflag:s8], $0x2000  }
0xf1: {  	[sflag:s8] =	ssyncset.done $0x0  }
0xf2: {  	[sflag:s8] =	ssyncadd.s32 $0xFFFFE000  }
0xf3: {  	_ =	swait.ge [sflag:s8], $0x2000  }
0xf4: {  	[sflag:s8] =	ssyncset.done $0x0  }
0xf5: {  	[sflag:s8] =	ssyncadd.s32 $0xFFFFE000  }
0xf6: {  	_ =	swait.ge [sflag:s8], $0x2000  }
0xf7: {  	[sflag:s8] =	ssyncset.done $0x0  }
0xf8: {  	[sflag:s8] =	ssyncadd.s32 $0xFFFFE000  }
0xf9: {  	_ =	swait.ge [sflag:s8], $0x2000  }
0xfa: {  	[sflag:s8] =	ssyncset.done $0x0  }
0xfb: {  	[sflag:s8] =	ssyncadd.s32 $0xFFFFE000  }
0xfc: {  	_ =	swait.ge [sflag:s8], $0x2000  }
0xfd: {  	[sflag:s8] =	ssyncset.done $0x0  }
0xfe: {  	[sflag:s8] =	ssyncadd.s32 $0xFFFFE000  }
0xff: {  	_ =	swait.ge [sflag:s8], $0x2000  }
0x100: {  	[sflag:s8] =	ssyncset.done $0x0  }
0x101: {  	[sflag:s8] =	ssyncadd.s32 $0xFFFFE000  }
0x102: {  	[hbm4b:s29+s9] =	stream.strided.scatter [tilespmem:s7], [sflag:$0x2], $0x10000, s6, s9, $0x38;
	[tilespmem:$0x10400] =	vst v63  }
0x103: {  	_ =	swait.ge [sflag:s4], $0x10000  }
0x104: {  	[sflag:s4] =	ssyncset.done $0x0  }
0x105: {  	[sflag:s4] =	ssyncadd.s32 $0xFFFF0000  }
0x106: {  	[tilespmem:s2], [sflag:$0x2] =	stream.linear.gather [hbm4b:s28+s2], $0x400, $0x38;
	[tilespmem:$0x10400] =	vst v63  }
0x107: {  	_ =	swait.ge [sflag:s4], $0x400  }
0x108: {  	[sflag:s4] =	ssyncset.done $0x0  }
0x109: {  	[sflag:s4] =	ssyncadd.s32 $0xFFFFFC00  }
0x10a: {  	[tilespmem:s7], [sflag:$0x1] =	stream.indirect.gather [hbm4b:s3+s6], $0x40, s2, s6, $0xb8;
	[tilespmem:$0x10400] =	vst v63  }
0x10b: {  	_ = 	snop  }
0x10c: {  	[tilespmem:s11], [sflag:$0x1] =	stream.indirect.gather [hbm4b:s3+s6], $0x40, s6, s6, $0xb8;
	[tilespmem:$0x10400] =	vst v63  }
0x10d: {  	_ = 	snop  }
0x10e: {  	[tilespmem:s13], [sflag:$0x1] =	stream.indirect.gather [hbm4b:s3+s6], $0x40, s12, s6, $0xb8;
	[tilespmem:$0x10400] =	vst v63  }
0x10f: {  	_ = 	snop  }
0x110: {  	[tilespmem:s16], [sflag:$0x1] =	stream.indirect.gather [hbm4b:s3+s6], $0x40, s14, s6, $0xb8;
	[tilespmem:$0x10400] =	vst v63  }
0x111: {  	_ = 	snop  }
0x112: {  	[tilespmem:s18], [sflag:$0x1] =	stream.indirect.gather [hbm4b:s3+s6], $0x40, s17, s6, $0xb8;
	[tilespmem:$0x10400] =	vst v63  }
0x113: {  	_ = 	snop  }
0x114: {  	[tilespmem:s20], [sflag:$0x1] =	stream.indirect.gather [hbm4b:s3+s6], $0x40, s19, s6, $0xb8;
	[tilespmem:$0x10400] =	vst v63  }
0x115: {  	_ = 	snop  }
0x116: {  	[tilespmem:s22], [sflag:$0x1] =	stream.indirect.gather [hbm4b:s3+s6], $0x40, s21, s6, $0xb8;
	[tilespmem:$0x10400] =	vst v63  }
0x117: {  	_ = 	snop  }
0x118: {  	[tilespmem:s24], [sflag:$0x1] =	stream.indirect.gather [hbm4b:s3+s6], $0x40, s23, s6, $0xb8;
	[tilespmem:$0x10400] =	vst v63  }
0x119: {  	_ =	swait.ge [sflag:s8], $0x2000  }
0x11a: {  	[sflag:s8] =	ssyncset.done $0x0  }
0x11b: {  	[sflag:s8] =	ssyncadd.s32 $0xFFFFE000  }
0x11c: {  	_ =	swait.ge [sflag:s8], $0x2000  }
0x11d: {  	[sflag:s8] =	ssyncset.done $0x0  }
0x11e: {  	[sflag:s8] =	ssyncadd.s32 $0xFFFFE000  }
0x11f: {  	_ =	swait.ge [sflag:s8], $0x2000  }
0x120: {  	[sflag:s8] =	ssyncset.done $0x0  }
0x121: {  	[sflag:s8] =	ssyncadd.s32 $0xFFFFE000  }
0x122: {  	_ =	swait.ge [sflag:s8], $0x2000  }
0x123: {  	[sflag:s8] =	ssyncset.done $0x0  }
0x124: {  	[sflag:s8] =	ssyncadd.s32 $0xFFFFE000  }
0x125: {  	_ =	swait.ge [sflag:s8], $0x2000  }
0x126: {  	[sflag:s8] =	ssyncset.done $0x0  }
0x127: {  	[sflag:s8] =	ssyncadd.s32 $0xFFFFE000  }
0x128: {  	_ =	swait.ge [sflag:s8], $0x2000  }
0x129: {  	[sflag:s8] =	ssyncset.done $0x0  }
0x12a: {  	[sflag:s8] =	ssyncadd.s32 $0xFFFFE000  }
0x12b: {  	_ =	swait.ge [sflag:s8], $0x2000  }
0x12c: {  	[sflag:s8] =	ssyncset.done $0x0  }
0x12d: {  	[sflag:s8] =	ssyncadd.s32 $0xFFFFE000  }
0x12e: {  	_ =	swait.ge [sflag:s8], $0x2000  }
0x12f: {  	[sflag:s8] =	ssyncset.done $0x0  }
0x130: {  	[sflag:s8] =	ssyncadd.s32 $0xFFFFE000  }
0x131: {  	[hbm4b:s26+s9] =	stream.strided.scatter [tilespmem:s7], [sflag:$0x2], $0x10000, s6, s9, $0x38;
	[tilespmem:$0x10400] =	vst v63  }
0x132: {  	_ =	swait.ge [sflag:s4], $0x10000  }
0x133: {  	[sflag:s4] =	ssyncset.done $0x0  }
0x134: {  	[sflag:s4] =	ssyncadd.s32 $0xFFFF0000  }
0x135: {  	[tilespmem:s2], [sflag:$0x2] =	stream.linear.gather [hbm4b:s25+s2], $0x400, $0x38;
	[tilespmem:$0x10400] =	vst v63  }
0x136: {  	_ =	swait.ge [sflag:s4], $0x400  }
0x137: {  	[sflag:s4] =	ssyncset.done $0x0  }
0x138: {  	[sflag:s4] =	ssyncadd.s32 $0xFFFFFC00  }
0x139: {  	[tilespmem:s7], [sflag:$0x1] =	stream.indirect.gather [hbm4b:s3+s6], $0x40, s2, s6, $0xb8;
	[tilespmem:$0x10400] =	vst v63  }
0x13a: {  	_ = 	snop  }
0x13b: {  	[tilespmem:s11], [sflag:$0x1] =	stream.indirect.gather [hbm4b:s3+s6], $0x40, s6, s6, $0xb8;
	[tilespmem:$0x10400] =	vst v63  }
0x13c: {  	_ = 	snop  }
0x13d: {  	[tilespmem:s13], [sflag:$0x1] =	stream.indirect.gather [hbm4b:s3+s6], $0x40, s12, s6, $0xb8;
	[tilespmem:$0x10400] =	vst v63  }
0x13e: {  	_ = 	snop  }
0x13f: {  	[tilespmem:s16], [sflag:$0x1] =	stream.indirect.gather [hbm4b:s3+s6], $0x40, s14, s6, $0xb8;
	[tilespmem:$0x10400] =	vst v63  }
0x140: {  	_ = 	snop  }
0x141: {  	[tilespmem:s18], [sflag:$0x1] =	stream.indirect.gather [hbm4b:s3+s6], $0x40, s17, s6, $0xb8;
	[tilespmem:$0x10400] =	vst v63  }
0x142: {  	_ = 	snop  }
0x143: {  	[tilespmem:s20], [sflag:$0x1] =	stream.indirect.gather [hbm4b:s3+s6], $0x40, s19, s6, $0xb8;
	[tilespmem:$0x10400] =	vst v63  }
0x144: {  	_ = 	snop  }
0x145: {  	[tilespmem:s22], [sflag:$0x1] =	stream.indirect.gather [hbm4b:s3+s6], $0x40, s21, s6, $0xb8;
	[tilespmem:$0x10400] =	vst v63  }
0x146: {  	_ = 	snop  }
0x147: {  	[tilespmem:s24], [sflag:$0x1] =	stream.indirect.gather [hbm4b:s3+s6], $0x40, s23, s6, $0xb8;
	[tilespmem:$0x10400] =	vst v63  }
0x148: {  	_ =	swait.ge [sflag:s8], $0x2000  }
0x149: {  	[sflag:s8] =	ssyncset.done $0x0  }
0x14a: {  	[sflag:s8] =	ssyncadd.s32 $0xFFFFE000  }
0x14b: {  	_ =	swait.ge [sflag:s8], $0x2000  }
0x14c: {  	[sflag:s8] =	ssyncset.done $0x0  }
0x14d: {  	[sflag:s8] =	ssyncadd.s32 $0xFFFFE000  }
0x14e: {  	_ =	swait.ge [sflag:s8], $0x2000  }
0x14f: {  	[sflag:s8] =	ssyncset.done $0x0  }
0x150: {  	[sflag:s8] =	ssyncadd.s32 $0xFFFFE000  }
0x151: {  	_ =	swait.ge [sflag:s8], $0x2000  }
0x152: {  	[sflag:s8] =	ssyncset.done $0x0  }
0x153: {  	[sflag:s8] =	ssyncadd.s32 $0xFFFFE000  }
0x154: {  	_ =	swait.ge [sflag:s8], $0x2000  }
0x155: {  	[sflag:s8] =	ssyncset.done $0x0  }
0x156: {  	[sflag:s8] =	ssyncadd.s32 $0xFFFFE000  }
0x157: {  	_ =	swait.ge [sflag:s8], $0x2000  }
0x158: {  	[sflag:s8] =	ssyncset.done $0x0  }
0x159: {  	[sflag:s8] =	ssyncadd.s32 $0xFFFFE000  }
0x15a: {  	_ =	swait.ge [sflag:s8], $0x2000  }
0x15b: {  	[sflag:s8] =	ssyncset.done $0x0  }
0x15c: {  	[sflag:s8] =	ssyncadd.s32 $0xFFFFE000  }
0x15d: {  	_ =	swait.ge [sflag:s8], $0x2000  }
0x15e: {  	[sflag:s8] =	ssyncset.done $0x0  }
0x15f: {  	[sflag:s8] =	ssyncadd.s32 $0xFFFFE000  }
0x160: {  	[hbm4b:s15+s9] =	stream.strided.scatter [tilespmem:s7], [sflag:$0x2], $0x10000, s6, s9, $0x38;
	[tilespmem:$0x10400] =	vst v63  }
0x161: {  	_ =	swait.ge [sflag:s4], $0x10000  }
0x162: {  	[sflag:s4] =	ssyncset.done $0x0  }
0x163: {  	[sflag:s4] =	ssyncadd.s32 $0xFFFF0000  }
0x164: {  	[tilespmem:s2], [sflag:$0x2] =	stream.linear.gather [hbm4b:s10+s2], $0x400, $0x38;
	[tilespmem:$0x10400] =	vst v63  }
0x165: {  	_ =	swait.ge [sflag:s4], $0x400  }
0x166: {  	[sflag:s4] =	ssyncset.done $0x0  }
0x167: {  	[sflag:s4] =	ssyncadd.s32 $0xFFFFFC00  }
0x168: {  	[tilespmem:s7], [sflag:$0x1] =	stream.indirect.gather [hbm4b:s3+s6], $0x40, s2, s6, $0xb8;
	[tilespmem:$0x10400] =	vst v63  }
0x169: {  	_ = 	snop  }
0x16a: {  	[tilespmem:s11], [sflag:$0x1] =	stream.indirect.gather [hbm4b:s3+s6], $0x40, s6, s6, $0xb8;
	[tilespmem:$0x10400] =	vst v63  }
0x16b: {  	_ = 	snop  }
0x16c: {  	[tilespmem:s13], [sflag:$0x1] =	stream.indirect.gather [hbm4b:s3+s6], $0x40, s12, s6, $0xb8;
	[tilespmem:$0x10400] =	vst v63  }
0x16d: {  	_ = 	snop  }
0x16e: {  	[tilespmem:s16], [sflag:$0x1] =	stream.indirect.gather [hbm4b:s3+s6], $0x40, s14, s6, $0xb8;
	[tilespmem:$0x10400] =	vst v63  }
0x16f: {  	_ = 	snop  }
0x170: {  	[tilespmem:s18], [sflag:$0x1] =	stream.indirect.gather [hbm4b:s3+s6], $0x40, s17, s6, $0xb8;
	[tilespmem:$0x10400] =	vst v63  }
0x171: {  	_ = 	snop  }
0x172: {  	[tilespmem:s20], [sflag:$0x1] =	stream.indirect.gather [hbm4b:s3+s6], $0x40, s19, s6, $0xb8;
	[tilespmem:$0x10400] =	vst v63  }
0x173: {  	_ = 	snop  }
0x174: {  	[tilespmem:s22], [sflag:$0x1] =	stream.indirect.gather [hbm4b:s3+s6], $0x40, s21, s6, $0xb8;
	[tilespmem:$0x10400] =	vst v63  }
0x175: {  	_ = 	snop  }
0x176: {  	[tilespmem:s24], [sflag:$0x1] =	stream.indirect.gather [hbm4b:s3+s6], $0x40, s23, s6, $0xb8;
	[tilespmem:$0x10400] =	vst v63  }
0x177: {  	_ =	swait.ge [sflag:s8], $0x2000  }
0x178: {  	[sflag:s8] =	ssyncset.done $0x0  }
0x179: {  	[sflag:s8] =	ssyncadd.s32 $0xFFFFE000  }
0x17a: {  	_ =	swait.ge [sflag:s8], $0x2000  }
0x17b: {  	[sflag:s8] =	ssyncset.done $0x0  }
0x17c: {  	[sflag:s8] =	ssyncadd.s32 $0xFFFFE000  }
0x17d: {  	_ =	swait.ge [sflag:s8], $0x2000  }
0x17e: {  	[sflag:s8] =	ssyncset.done $0x0  }
0x17f: {  	[sflag:s8] =	ssyncadd.s32 $0xFFFFE000  }
0x180: {  	_ =	swait.ge [sflag:s8], $0x2000  }
0x181: {  	[sflag:s8] =	ssyncset.done $0x0  }
0x182: {  	[sflag:s8] =	ssyncadd.s32 $0xFFFFE000  }
0x183: {  	_ =	swait.ge [sflag:s8], $0x2000  }
0x184: {  	[sflag:s8] =	ssyncset.done $0x0  }
0x185: {  	[sflag:s8] =	ssyncadd.s32 $0xFFFFE000  }
0x186: {  	_ =	swait.ge [sflag:s8], $0x2000  }
0x187: {  	[sflag:s8] =	ssyncset.done $0x0  }
0x188: {  	[sflag:s8] =	ssyncadd.s32 $0xFFFFE000  }
0x189: {  	_ =	swait.ge [sflag:s8], $0x2000  }
0x18a: {  	[sflag:s8] =	ssyncset.done $0x0  }
0x18b: {  	[sflag:s8] =	ssyncadd.s32 $0xFFFFE000  }
0x18c: {  	p1 =	sne.s32 s0, $0x1;
	_ =	swait.ge [sflag:s8], $0x2000  }
.Ltmp1:
0x18d: {  	[sflag:s8] =	ssyncset.done $0x0;
	(pc) =	sbr.rel @!p1 .LBB2_3-.Ltmp1, $4  }
0x18e: {  	[sflag:s8] =	ssyncadd.s32 $0xFFFFE000  }
0x18f: {  	[hbm4b:s5+s9] =	stream.strided.scatter [tilespmem:s7], [sflag:$0x2], $0x10000, s6, s9, $0x38;
	[tilespmem:$0x10400] =	vst v63  }
0x190: {  	s0 =	sadd.s32 $0xFFFFFFFF, s0;
	_ =	swait.ge [sflag:s4], $0x10000  }
0x191: {  	p0 =	por $0x1, $0x1;
	s1 =	rddreg [dreg:$0x2];
	[sflag:s4] =	ssyncset.done $0x0  }
.LBB2_2:
0x192: {  	[sflag:s4] =	ssyncadd.s32 $0xFFFF0000  }
0x193: {  	[tilespmem:s2], [sflag:$0x2] =	stream.linear.gather [hbm4b:s1+s2], $0x400, $0x38;
	[tilespmem:$0x10400] =	vst v63  }
0x194: {  	_ =	swait.ge [sflag:s4], $0x400  }
0x195: {  	[sflag:s4] =	ssyncset.done $0x0  }
0x196: {  	[sflag:s4] =	ssyncadd.s32 $0xFFFFFC00  }
0x197: {  	[tilespmem:s7], [sflag:$0x1] =	stream.indirect.gather [hbm4b:s3+s6], $0x40, s2, s6, $0xb8;
	[tilespmem:$0x10400] =	vst v63  }
0x198: {  	_ = 	snop  }
0x199: {  	[tilespmem:s11], [sflag:$0x1] =	stream.indirect.gather [hbm4b:s3+s6], $0x40, s6, s6, $0xb8;
	[tilespmem:$0x10400] =	vst v63  }
0x19a: {  	_ = 	snop  }
0x19b: {  	[tilespmem:s13], [sflag:$0x1] =	stream.indirect.gather [hbm4b:s3+s6], $0x40, s12, s6, $0xb8;
	[tilespmem:$0x10400] =	vst v63  }
0x19c: {  	_ = 	snop  }
0x19d: {  	[tilespmem:s16], [sflag:$0x1] =	stream.indirect.gather [hbm4b:s3+s6], $0x40, s14, s6, $0xb8;
	[tilespmem:$0x10400] =	vst v63  }
0x19e: {  	_ = 	snop  }
0x19f: {  	[tilespmem:s18], [sflag:$0x1] =	stream.indirect.gather [hbm4b:s3+s6], $0x40, s17, s6, $0xb8;
	[tilespmem:$0x10400] =	vst v63  }
0x1a0: {  	_ = 	snop  }
0x1a1: {  	[tilespmem:s20], [sflag:$0x1] =	stream.indirect.gather [hbm4b:s3+s6], $0x40, s19, s6, $0xb8;
	[tilespmem:$0x10400] =	vst v63  }
0x1a2: {  	_ = 	snop  }
0x1a3: {  	[tilespmem:s22], [sflag:$0x1] =	stream.indirect.gather [hbm4b:s3+s6], $0x40, s21, s6, $0xb8;
	[tilespmem:$0x10400] =	vst v63  }
0x1a4: {  	_ = 	snop  }
0x1a5: {  	[tilespmem:s24], [sflag:$0x1] =	stream.indirect.gather [hbm4b:s3+s6], $0x40, s23, s6, $0xb8;
	[tilespmem:$0x10400] =	vst v63  }
0x1a6: {  	_ =	swait.ge [sflag:s8], $0x2000  }
0x1a7: {  	[sflag:s8] =	ssyncset.done $0x0  }
0x1a8: {  	[sflag:s8] =	ssyncadd.s32 $0xFFFFE000  }
0x1a9: {  	_ =	swait.ge [sflag:s8], $0x2000  }
0x1aa: {  	[sflag:s8] =	ssyncset.done $0x0  }
0x1ab: {  	[sflag:s8] =	ssyncadd.s32 $0xFFFFE000  }
0x1ac: {  	_ =	swait.ge [sflag:s8], $0x2000  }
0x1ad: {  	[sflag:s8] =	ssyncset.done $0x0  }
0x1ae: {  	[sflag:s8] =	ssyncadd.s32 $0xFFFFE000  }
0x1af: {  	_ =	swait.ge [sflag:s8], $0x2000  }
0x1b0: {  	[sflag:s8] =	ssyncset.done $0x0  }
0x1b1: {  	[sflag:s8] =	ssyncadd.s32 $0xFFFFE000  }
0x1b2: {  	_ =	swait.ge [sflag:s8], $0x2000  }
0x1b3: {  	[sflag:s8] =	ssyncset.done $0x0  }
0x1b4: {  	[sflag:s8] =	ssyncadd.s32 $0xFFFFE000  }
0x1b5: {  	_ =	swait.ge [sflag:s8], $0x2000  }
0x1b6: {  	[sflag:s8] =	ssyncset.done $0x0  }
0x1b7: {  	[sflag:s8] =	ssyncadd.s32 $0xFFFFE000  }
0x1b8: {  	_ =	swait.ge [sflag:s8], $0x2000  }
0x1b9: {  	[sflag:s8] =	ssyncset.done $0x0  }
0x1ba: {  	[sflag:s8] =	ssyncadd.s32 $0xFFFFE000  }
0x1bb: {  	_ =	swait.ge [sflag:s8], $0x2000  }
0x1bc: {  	[sflag:s8] =	ssyncset.done $0x0  }
0x1bd: {  	s1 =	rddreg [dreg:$0x3];
	[sflag:s8] =	ssyncadd.s32 $0xFFFFE000  }
0x1be: {  	[hbm4b:s1+s9] =	stream.strided.scatter [tilespmem:s7], [sflag:$0x2], $0x10000, s6, s9, $0x38;
	[tilespmem:$0x10400] =	vst v63  }
0x1bf: {  	_ =	swait.ge [sflag:s4], $0x10000  }
0x1c0: {  	[sflag:s4] =	ssyncset.done $0x0  }
0x1c1: {  	s1 =	rddreg [dreg:$0x4];
	[sflag:s4] =	ssyncadd.s32 $0xFFFF0000  }
0x1c2: {  	[tilespmem:s2], [sflag:$0x2] =	stream.linear.gather [hbm4b:s1+s2], $0x400, $0x38;
	[tilespmem:$0x10400] =	vst v63  }
0x1c3: {  	_ =	swait.ge [sflag:s4], $0x400  }
0x1c4: {  	[sflag:s4] =	ssyncset.done $0x0  }
0x1c5: {  	[sflag:s4] =	ssyncadd.s32 $0xFFFFFC00  }
0x1c6: {  	[tilespmem:s7], [sflag:$0x1] =	stream.indirect.gather [hbm4b:s3+s6], $0x40, s2, s6, $0xb8;
	[tilespmem:$0x10400] =	vst v63  }
0x1c7: {  	_ = 	snop  }
0x1c8: {  	[tilespmem:s11], [sflag:$0x1] =	stream.indirect.gather [hbm4b:s3+s6], $0x40, s6, s6, $0xb8;
	[tilespmem:$0x10400] =	vst v63  }
0x1c9: {  	_ = 	snop  }
0x1ca: {  	[tilespmem:s13], [sflag:$0x1] =	stream.indirect.gather [hbm4b:s3+s6], $0x40, s12, s6, $0xb8;
	[tilespmem:$0x10400] =	vst v63  }
0x1cb: {  	_ = 	snop  }
0x1cc: {  	[tilespmem:s16], [sflag:$0x1] =	stream.indirect.gather [hbm4b:s3+s6], $0x40, s14, s6, $0xb8;
	[tilespmem:$0x10400] =	vst v63  }
0x1cd: {  	_ = 	snop  }
0x1ce: {  	[tilespmem:s18], [sflag:$0x1] =	stream.indirect.gather [hbm4b:s3+s6], $0x40, s17, s6, $0xb8;
	[tilespmem:$0x10400] =	vst v63  }
0x1cf: {  	_ = 	snop  }
0x1d0: {  	[tilespmem:s20], [sflag:$0x1] =	stream.indirect.gather [hbm4b:s3+s6], $0x40, s19, s6, $0xb8;
	[tilespmem:$0x10400] =	vst v63  }
0x1d1: {  	_ = 	snop  }
0x1d2: {  	[tilespmem:s22], [sflag:$0x1] =	stream.indirect.gather [hbm4b:s3+s6], $0x40, s21, s6, $0xb8;
	[tilespmem:$0x10400] =	vst v63  }
0x1d3: {  	_ = 	snop  }
0x1d4: {  	[tilespmem:s24], [sflag:$0x1] =	stream.indirect.gather [hbm4b:s3+s6], $0x40, s23, s6, $0xb8;
	[tilespmem:$0x10400] =	vst v63  }
0x1d5: {  	_ =	swait.ge [sflag:s8], $0x2000  }
0x1d6: {  	[sflag:s8] =	ssyncset.done $0x0  }
0x1d7: {  	[sflag:s8] =	ssyncadd.s32 $0xFFFFE000  }
0x1d8: {  	_ =	swait.ge [sflag:s8], $0x2000  }
0x1d9: {  	[sflag:s8] =	ssyncset.done $0x0  }
0x1da: {  	[sflag:s8] =	ssyncadd.s32 $0xFFFFE000  }
0x1db: {  	_ =	swait.ge [sflag:s8], $0x2000  }
0x1dc: {  	[sflag:s8] =	ssyncset.done $0x0  }
0x1dd: {  	[sflag:s8] =	ssyncadd.s32 $0xFFFFE000  }
0x1de: {  	_ =	swait.ge [sflag:s8], $0x2000  }
0x1df: {  	[sflag:s8] =	ssyncset.done $0x0  }
0x1e0: {  	[sflag:s8] =	ssyncadd.s32 $0xFFFFE000  }
0x1e1: {  	_ =	swait.ge [sflag:s8], $0x2000  }
0x1e2: {  	[sflag:s8] =	ssyncset.done $0x0  }
0x1e3: {  	[sflag:s8] =	ssyncadd.s32 $0xFFFFE000  }
0x1e4: {  	_ =	swait.ge [sflag:s8], $0x2000  }
0x1e5: {  	[sflag:s8] =	ssyncset.done $0x0  }
0x1e6: {  	[sflag:s8] =	ssyncadd.s32 $0xFFFFE000  }
0x1e7: {  	_ =	swait.ge [sflag:s8], $0x2000  }
0x1e8: {  	[sflag:s8] =	ssyncset.done $0x0  }
0x1e9: {  	[sflag:s8] =	ssyncadd.s32 $0xFFFFE000  }
0x1ea: {  	_ =	swait.ge [sflag:s8], $0x2000  }
0x1eb: {  	[sflag:s8] =	ssyncset.done $0x0  }
0x1ec: {  	s1 =	rddreg [dreg:$0x5];
	[sflag:s8] =	ssyncadd.s32 $0xFFFFE000  }
0x1ed: {  	[hbm4b:s1+s9] =	stream.strided.scatter [tilespmem:s7], [sflag:$0x2], $0x10000, s6, s9, $0x38;
	[tilespmem:$0x10400] =	vst v63  }
0x1ee: {  	_ =	swait.ge [sflag:s4], $0x10000  }
0x1ef: {  	[sflag:s4] =	ssyncset.done $0x0  }
0x1f0: {  	s1 =	rddreg [dreg:$0x6];
	[sflag:s4] =	ssyncadd.s32 $0xFFFF0000  }
0x1f1: {  	[tilespmem:s2], [sflag:$0x2] =	stream.linear.gather [hbm4b:s1+s2], $0x400, $0x38;
	[tilespmem:$0x10400] =	vst v63  }
0x1f2: {  	_ =	swait.ge [sflag:s4], $0x400  }
0x1f3: {  	[sflag:s4] =	ssyncset.done $0x0  }
0x1f4: {  	[sflag:s4] =	ssyncadd.s32 $0xFFFFFC00  }
0x1f5: {  	[tilespmem:s7], [sflag:$0x1] =	stream.indirect.gather [hbm4b:s3+s6], $0x40, s2, s6, $0xb8;
	[tilespmem:$0x10400] =	vst v63  }
0x1f6: {  	_ = 	snop  }
0x1f7: {  	[tilespmem:s11], [sflag:$0x1] =	stream.indirect.gather [hbm4b:s3+s6], $0x40, s6, s6, $0xb8;
	[tilespmem:$0x10400] =	vst v63  }
0x1f8: {  	_ = 	snop  }
0x1f9: {  	[tilespmem:s13], [sflag:$0x1] =	stream.indirect.gather [hbm4b:s3+s6], $0x40, s12, s6, $0xb8;
	[tilespmem:$0x10400] =	vst v63  }
0x1fa: {  	_ = 	snop  }
0x1fb: {  	[tilespmem:s16], [sflag:$0x1] =	stream.indirect.gather [hbm4b:s3+s6], $0x40, s14, s6, $0xb8;
	[tilespmem:$0x10400] =	vst v63  }
0x1fc: {  	_ = 	snop  }
0x1fd: {  	[tilespmem:s18], [sflag:$0x1] =	stream.indirect.gather [hbm4b:s3+s6], $0x40, s17, s6, $0xb8;
	[tilespmem:$0x10400] =	vst v63  }
0x1fe: {  	_ = 	snop  }
0x1ff: {  	[tilespmem:s20], [sflag:$0x1] =	stream.indirect.gather [hbm4b:s3+s6], $0x40, s19, s6, $0xb8;
	[tilespmem:$0x10400] =	vst v63  }
0x200: {  	_ = 	snop  }
0x201: {  	[tilespmem:s22], [sflag:$0x1] =	stream.indirect.gather [hbm4b:s3+s6], $0x40, s21, s6, $0xb8;
	[tilespmem:$0x10400] =	vst v63  }
0x202: {  	_ = 	snop  }
0x203: {  	[tilespmem:s24], [sflag:$0x1] =	stream.indirect.gather [hbm4b:s3+s6], $0x40, s23, s6, $0xb8;
	[tilespmem:$0x10400] =	vst v63  }
0x204: {  	_ =	swait.ge [sflag:s8], $0x2000  }
0x205: {  	[sflag:s8] =	ssyncset.done $0x0  }
0x206: {  	[sflag:s8] =	ssyncadd.s32 $0xFFFFE000  }
0x207: {  	_ =	swait.ge [sflag:s8], $0x2000  }
0x208: {  	[sflag:s8] =	ssyncset.done $0x0  }
0x209: {  	[sflag:s8] =	ssyncadd.s32 $0xFFFFE000  }
0x20a: {  	_ =	swait.ge [sflag:s8], $0x2000  }
0x20b: {  	[sflag:s8] =	ssyncset.done $0x0  }
0x20c: {  	[sflag:s8] =	ssyncadd.s32 $0xFFFFE000  }
0x20d: {  	_ =	swait.ge [sflag:s8], $0x2000  }
0x20e: {  	[sflag:s8] =	ssyncset.done $0x0  }
0x20f: {  	[sflag:s8] =	ssyncadd.s32 $0xFFFFE000  }
0x210: {  	_ =	swait.ge [sflag:s8], $0x2000  }
0x211: {  	[sflag:s8] =	ssyncset.done $0x0  }
0x212: {  	[sflag:s8] =	ssyncadd.s32 $0xFFFFE000  }
0x213: {  	_ =	swait.ge [sflag:s8], $0x2000  }
0x214: {  	[sflag:s8] =	ssyncset.done $0x0  }
0x215: {  	[sflag:s8] =	ssyncadd.s32 $0xFFFFE000  }
0x216: {  	_ =	swait.ge [sflag:s8], $0x2000  }
0x217: {  	[sflag:s8] =	ssyncset.done $0x0  }
0x218: {  	[sflag:s8] =	ssyncadd.s32 $0xFFFFE000  }
0x219: {  	_ =	swait.ge [sflag:s8], $0x2000  }
0x21a: {  	[sflag:s8] =	ssyncset.done $0x0  }
0x21b: {  	s1 =	rddreg [dreg:$0x7];
	[sflag:s8] =	ssyncadd.s32 $0xFFFFE000  }
0x21c: {  	[hbm4b:s1+s9] =	stream.strided.scatter [tilespmem:s7], [sflag:$0x2], $0x10000, s6, s9, $0x38;
	[tilespmem:$0x10400] =	vst v63  }
0x21d: {  	_ =	swait.ge [sflag:s4], $0x10000  }
0x21e: {  	[sflag:s4] =	ssyncset.done $0x0  }
0x21f: {  	s1 =	rddreg [dreg:$0x8];
	[sflag:s4] =	ssyncadd.s32 $0xFFFF0000  }
0x220: {  	[tilespmem:s2], [sflag:$0x2] =	stream.linear.gather [hbm4b:s1+s2], $0x400, $0x38;
	[tilespmem:$0x10400] =	vst v63  }
0x221: {  	_ =	swait.ge [sflag:s4], $0x400  }
0x222: {  	[sflag:s4] =	ssyncset.done $0x0  }
0x223: {  	[sflag:s4] =	ssyncadd.s32 $0xFFFFFC00  }
0x224: {  	[tilespmem:s7], [sflag:$0x1] =	stream.indirect.gather [hbm4b:s3+s6], $0x40, s2, s6, $0xb8;
	[tilespmem:$0x10400] =	vst v63  }
0x225: {  	_ = 	snop  }
0x226: {  	[tilespmem:s11], [sflag:$0x1] =	stream.indirect.gather [hbm4b:s3+s6], $0x40, s6, s6, $0xb8;
	[tilespmem:$0x10400] =	vst v63  }
0x227: {  	_ = 	snop  }
0x228: {  	[tilespmem:s13], [sflag:$0x1] =	stream.indirect.gather [hbm4b:s3+s6], $0x40, s12, s6, $0xb8;
	[tilespmem:$0x10400] =	vst v63  }
0x229: {  	_ = 	snop  }
0x22a: {  	[tilespmem:s16], [sflag:$0x1] =	stream.indirect.gather [hbm4b:s3+s6], $0x40, s14, s6, $0xb8;
	[tilespmem:$0x10400] =	vst v63  }
0x22b: {  	_ = 	snop  }
0x22c: {  	[tilespmem:s18], [sflag:$0x1] =	stream.indirect.gather [hbm4b:s3+s6], $0x40, s17, s6, $0xb8;
	[tilespmem:$0x10400] =	vst v63  }
0x22d: {  	_ = 	snop  }
0x22e: {  	[tilespmem:s20], [sflag:$0x1] =	stream.indirect.gather [hbm4b:s3+s6], $0x40, s19, s6, $0xb8;
	[tilespmem:$0x10400] =	vst v63  }
0x22f: {  	_ = 	snop  }
0x230: {  	[tilespmem:s22], [sflag:$0x1] =	stream.indirect.gather [hbm4b:s3+s6], $0x40, s21, s6, $0xb8;
	[tilespmem:$0x10400] =	vst v63  }
0x231: {  	_ = 	snop  }
0x232: {  	[tilespmem:s24], [sflag:$0x1] =	stream.indirect.gather [hbm4b:s3+s6], $0x40, s23, s6, $0xb8;
	[tilespmem:$0x10400] =	vst v63  }
0x233: {  	_ =	swait.ge [sflag:s8], $0x2000  }
0x234: {  	[sflag:s8] =	ssyncset.done $0x0  }
0x235: {  	[sflag:s8] =	ssyncadd.s32 $0xFFFFE000  }
0x236: {  	_ =	swait.ge [sflag:s8], $0x2000  }
0x237: {  	[sflag:s8] =	ssyncset.done $0x0  }
0x238: {  	[sflag:s8] =	ssyncadd.s32 $0xFFFFE000  }
0x239: {  	_ =	swait.ge [sflag:s8], $0x2000  }
0x23a: {  	[sflag:s8] =	ssyncset.done $0x0  }
0x23b: {  	[sflag:s8] =	ssyncadd.s32 $0xFFFFE000  }
0x23c: {  	_ =	swait.ge [sflag:s8], $0x2000  }
0x23d: {  	[sflag:s8] =	ssyncset.done $0x0  }
0x23e: {  	[sflag:s8] =	ssyncadd.s32 $0xFFFFE000  }
0x23f: {  	_ =	swait.ge [sflag:s8], $0x2000  }
0x240: {  	[sflag:s8] =	ssyncset.done $0x0  }
0x241: {  	[sflag:s8] =	ssyncadd.s32 $0xFFFFE000  }
0x242: {  	_ =	swait.ge [sflag:s8], $0x2000  }
0x243: {  	[sflag:s8] =	ssyncset.done $0x0  }
0x244: {  	[sflag:s8] =	ssyncadd.s32 $0xFFFFE000  }
0x245: {  	_ =	swait.ge [sflag:s8], $0x2000  }
0x246: {  	[sflag:s8] =	ssyncset.done $0x0  }
0x247: {  	[sflag:s8] =	ssyncadd.s32 $0xFFFFE000  }
0x248: {  	_ =	swait.ge [sflag:s8], $0x2000  }
0x249: {  	[sflag:s8] =	ssyncset.done $0x0  }
0x24a: {  	[sflag:s8] =	ssyncadd.s32 $0xFFFFE000  }
0x24b: {  	[hbm4b:s31+s9] =	stream.strided.scatter [tilespmem:s7], [sflag:$0x2], $0x10000, s6, s9, $0x38;
	[tilespmem:$0x10400] =	vst v63  }
0x24c: {  	_ =	swait.ge [sflag:s4], $0x10000  }
0x24d: {  	[sflag:s4] =	ssyncset.done $0x0  }
0x24e: {  	[sflag:s4] =	ssyncadd.s32 $0xFFFF0000  }
0x24f: {  	[tilespmem:s2], [sflag:$0x2] =	stream.linear.gather [hbm4b:s30+s2], $0x400, $0x38;
	[tilespmem:$0x10400] =	vst v63  }
0x250: {  	_ =	swait.ge [sflag:s4], $0x400  }
0x251: {  	[sflag:s4] =	ssyncset.done $0x0  }
0x252: {  	[sflag:s4] =	ssyncadd.s32 $0xFFFFFC00  }
0x253: {  	[tilespmem:s7], [sflag:$0x1] =	stream.indirect.gather [hbm4b:s3+s6], $0x40, s2, s6, $0xb8;
	[tilespmem:$0x10400] =	vst v63  }
0x254: {  	_ = 	snop  }
0x255: {  	[tilespmem:s11], [sflag:$0x1] =	stream.indirect.gather [hbm4b:s3+s6], $0x40, s6, s6, $0xb8;
	[tilespmem:$0x10400] =	vst v63  }
0x256: {  	_ = 	snop  }
0x257: {  	[tilespmem:s13], [sflag:$0x1] =	stream.indirect.gather [hbm4b:s3+s6], $0x40, s12, s6, $0xb8;
	[tilespmem:$0x10400] =	vst v63  }
0x258: {  	_ = 	snop  }
0x259: {  	[tilespmem:s16], [sflag:$0x1] =	stream.indirect.gather [hbm4b:s3+s6], $0x40, s14, s6, $0xb8;
	[tilespmem:$0x10400] =	vst v63  }
0x25a: {  	_ = 	snop  }
0x25b: {  	[tilespmem:s18], [sflag:$0x1] =	stream.indirect.gather [hbm4b:s3+s6], $0x40, s17, s6, $0xb8;
	[tilespmem:$0x10400] =	vst v63  }
0x25c: {  	_ = 	snop  }
0x25d: {  	[tilespmem:s20], [sflag:$0x1] =	stream.indirect.gather [hbm4b:s3+s6], $0x40, s19, s6, $0xb8;
	[tilespmem:$0x10400] =	vst v63  }
0x25e: {  	_ = 	snop  }
0x25f: {  	[tilespmem:s22], [sflag:$0x1] =	stream.indirect.gather [hbm4b:s3+s6], $0x40, s21, s6, $0xb8;
	[tilespmem:$0x10400] =	vst v63  }
0x260: {  	_ = 	snop  }
0x261: {  	[tilespmem:s24], [sflag:$0x1] =	stream.indirect.gather [hbm4b:s3+s6], $0x40, s23, s6, $0xb8;
	[tilespmem:$0x10400] =	vst v63  }
0x262: {  	_ =	swait.ge [sflag:s8], $0x2000  }
0x263: {  	[sflag:s8] =	ssyncset.done $0x0  }
0x264: {  	[sflag:s8] =	ssyncadd.s32 $0xFFFFE000  }
0x265: {  	_ =	swait.ge [sflag:s8], $0x2000  }
0x266: {  	[sflag:s8] =	ssyncset.done $0x0  }
0x267: {  	[sflag:s8] =	ssyncadd.s32 $0xFFFFE000  }
0x268: {  	_ =	swait.ge [sflag:s8], $0x2000  }
0x269: {  	[sflag:s8] =	ssyncset.done $0x0  }
0x26a: {  	[sflag:s8] =	ssyncadd.s32 $0xFFFFE000  }
0x26b: {  	_ =	swait.ge [sflag:s8], $0x2000  }
0x26c: {  	[sflag:s8] =	ssyncset.done $0x0  }
0x26d: {  	[sflag:s8] =	ssyncadd.s32 $0xFFFFE000  }
0x26e: {  	_ =	swait.ge [sflag:s8], $0x2000  }
0x26f: {  	[sflag:s8] =	ssyncset.done $0x0  }
0x270: {  	[sflag:s8] =	ssyncadd.s32 $0xFFFFE000  }
0x271: {  	_ =	swait.ge [sflag:s8], $0x2000  }
0x272: {  	[sflag:s8] =	ssyncset.done $0x0  }
0x273: {  	[sflag:s8] =	ssyncadd.s32 $0xFFFFE000  }
0x274: {  	_ =	swait.ge [sflag:s8], $0x2000  }
0x275: {  	[sflag:s8] =	ssyncset.done $0x0  }
0x276: {  	[sflag:s8] =	ssyncadd.s32 $0xFFFFE000  }
0x277: {  	_ =	swait.ge [sflag:s8], $0x2000  }
0x278: {  	[sflag:s8] =	ssyncset.done $0x0  }
0x279: {  	[sflag:s8] =	ssyncadd.s32 $0xFFFFE000  }
0x27a: {  	[hbm4b:s29+s9] =	stream.strided.scatter [tilespmem:s7], [sflag:$0x2], $0x10000, s6, s9, $0x38;
	[tilespmem:$0x10400] =	vst v63  }
0x27b: {  	_ =	swait.ge [sflag:s4], $0x10000  }
0x27c: {  	[sflag:s4] =	ssyncset.done $0x0  }
0x27d: {  	[sflag:s4] =	ssyncadd.s32 $0xFFFF0000  }
0x27e: {  	[tilespmem:s2], [sflag:$0x2] =	stream.linear.gather [hbm4b:s28+s2], $0x400, $0x38;
	[tilespmem:$0x10400] =	vst v63  }
0x27f: {  	_ =	swait.ge [sflag:s4], $0x400  }
0x280: {  	[sflag:s4] =	ssyncset.done $0x0  }
0x281: {  	[sflag:s4] =	ssyncadd.s32 $0xFFFFFC00  }
0x282: {  	[tilespmem:s7], [sflag:$0x1] =	stream.indirect.gather [hbm4b:s3+s6], $0x40, s2, s6, $0xb8;
	[tilespmem:$0x10400] =	vst v63  }
0x283: {  	_ = 	snop  }
0x284: {  	[tilespmem:s11], [sflag:$0x1] =	stream.indirect.gather [hbm4b:s3+s6], $0x40, s6, s6, $0xb8;
	[tilespmem:$0x10400] =	vst v63  }
0x285: {  	_ = 	snop  }
0x286: {  	[tilespmem:s13], [sflag:$0x1] =	stream.indirect.gather [hbm4b:s3+s6], $0x40, s12, s6, $0xb8;
	[tilespmem:$0x10400] =	vst v63  }
0x287: {  	_ = 	snop  }
0x288: {  	[tilespmem:s16], [sflag:$0x1] =	stream.indirect.gather [hbm4b:s3+s6], $0x40, s14, s6, $0xb8;
	[tilespmem:$0x10400] =	vst v63  }
0x289: {  	_ = 	snop  }
0x28a: {  	[tilespmem:s18], [sflag:$0x1] =	stream.indirect.gather [hbm4b:s3+s6], $0x40, s17, s6, $0xb8;
	[tilespmem:$0x10400] =	vst v63  }
0x28b: {  	_ = 	snop  }
0x28c: {  	[tilespmem:s20], [sflag:$0x1] =	stream.indirect.gather [hbm4b:s3+s6], $0x40, s19, s6, $0xb8;
	[tilespmem:$0x10400] =	vst v63  }
0x28d: {  	_ = 	snop  }
0x28e: {  	[tilespmem:s22], [sflag:$0x1] =	stream.indirect.gather [hbm4b:s3+s6], $0x40, s21, s6, $0xb8;
	[tilespmem:$0x10400] =	vst v63  }
0x28f: {  	_ = 	snop  }
0x290: {  	[tilespmem:s24], [sflag:$0x1] =	stream.indirect.gather [hbm4b:s3+s6], $0x40, s23, s6, $0xb8;
	[tilespmem:$0x10400] =	vst v63  }
0x291: {  	_ =	swait.ge [sflag:s8], $0x2000  }
0x292: {  	[sflag:s8] =	ssyncset.done $0x0  }
0x293: {  	[sflag:s8] =	ssyncadd.s32 $0xFFFFE000  }
0x294: {  	_ =	swait.ge [sflag:s8], $0x2000  }
0x295: {  	[sflag:s8] =	ssyncset.done $0x0  }
0x296: {  	[sflag:s8] =	ssyncadd.s32 $0xFFFFE000  }
0x297: {  	_ =	swait.ge [sflag:s8], $0x2000  }
0x298: {  	[sflag:s8] =	ssyncset.done $0x0  }
0x299: {  	[sflag:s8] =	ssyncadd.s32 $0xFFFFE000  }
0x29a: {  	_ =	swait.ge [sflag:s8], $0x2000  }
0x29b: {  	[sflag:s8] =	ssyncset.done $0x0  }
0x29c: {  	[sflag:s8] =	ssyncadd.s32 $0xFFFFE000  }
0x29d: {  	_ =	swait.ge [sflag:s8], $0x2000  }
0x29e: {  	[sflag:s8] =	ssyncset.done $0x0  }
0x29f: {  	[sflag:s8] =	ssyncadd.s32 $0xFFFFE000  }
0x2a0: {  	_ =	swait.ge [sflag:s8], $0x2000  }
0x2a1: {  	[sflag:s8] =	ssyncset.done $0x0  }
0x2a2: {  	[sflag:s8] =	ssyncadd.s32 $0xFFFFE000  }
0x2a3: {  	_ =	swait.ge [sflag:s8], $0x2000  }
0x2a4: {  	[sflag:s8] =	ssyncset.done $0x0  }
0x2a5: {  	[sflag:s8] =	ssyncadd.s32 $0xFFFFE000  }
0x2a6: {  	_ =	swait.ge [sflag:s8], $0x2000  }
0x2a7: {  	[sflag:s8] =	ssyncset.done $0x0  }
0x2a8: {  	[sflag:s8] =	ssyncadd.s32 $0xFFFFE000  }
0x2a9: {  	[hbm4b:s26+s9] =	stream.strided.scatter [tilespmem:s7], [sflag:$0x2], $0x10000, s6, s9, $0x38;
	[tilespmem:$0x10400] =	vst v63  }
0x2aa: {  	_ =	swait.ge [sflag:s4], $0x10000  }
0x2ab: {  	[sflag:s4] =	ssyncset.done $0x0  }
0x2ac: {  	[sflag:s4] =	ssyncadd.s32 $0xFFFF0000  }
0x2ad: {  	[tilespmem:s2], [sflag:$0x2] =	stream.linear.gather [hbm4b:s25+s2], $0x400, $0x38;
	[tilespmem:$0x10400] =	vst v63  }
0x2ae: {  	_ =	swait.ge [sflag:s4], $0x400  }
0x2af: {  	[sflag:s4] =	ssyncset.done $0x0  }
0x2b0: {  	[sflag:s4] =	ssyncadd.s32 $0xFFFFFC00  }
0x2b1: {  	[tilespmem:s7], [sflag:$0x1] =	stream.indirect.gather [hbm4b:s3+s6], $0x40, s2, s6, $0xb8;
	[tilespmem:$0x10400] =	vst v63  }
0x2b2: {  	_ = 	snop  }
0x2b3: {  	[tilespmem:s11], [sflag:$0x1] =	stream.indirect.gather [hbm4b:s3+s6], $0x40, s6, s6, $0xb8;
	[tilespmem:$0x10400] =	vst v63  }
0x2b4: {  	_ = 	snop  }
0x2b5: {  	[tilespmem:s13], [sflag:$0x1] =	stream.indirect.gather [hbm4b:s3+s6], $0x40, s12, s6, $0xb8;
	[tilespmem:$0x10400] =	vst v63  }
0x2b6: {  	_ = 	snop  }
0x2b7: {  	[tilespmem:s16], [sflag:$0x1] =	stream.indirect.gather [hbm4b:s3+s6], $0x40, s14, s6, $0xb8;
	[tilespmem:$0x10400] =	vst v63  }
0x2b8: {  	_ = 	snop  }
0x2b9: {  	[tilespmem:s18], [sflag:$0x1] =	stream.indirect.gather [hbm4b:s3+s6], $0x40, s17, s6, $0xb8;
	[tilespmem:$0x10400] =	vst v63  }
0x2ba: {  	_ = 	snop  }
0x2bb: {  	[tilespmem:s20], [sflag:$0x1] =	stream.indirect.gather [hbm4b:s3+s6], $0x40, s19, s6, $0xb8;
	[tilespmem:$0x10400] =	vst v63  }
0x2bc: {  	_ = 	snop  }
0x2bd: {  	[tilespmem:s22], [sflag:$0x1] =	stream.indirect.gather [hbm4b:s3+s6], $0x40, s21, s6, $0xb8;
	[tilespmem:$0x10400] =	vst v63  }
0x2be: {  	_ = 	snop  }
0x2bf: {  	[tilespmem:s24], [sflag:$0x1] =	stream.indirect.gather [hbm4b:s3+s6], $0x40, s23, s6, $0xb8;
	[tilespmem:$0x10400] =	vst v63  }
0x2c0: {  	_ =	swait.ge [sflag:s8], $0x2000  }
0x2c1: {  	[sflag:s8] =	ssyncset.done $0x0  }
0x2c2: {  	[sflag:s8] =	ssyncadd.s32 $0xFFFFE000  }
0x2c3: {  	_ =	swait.ge [sflag:s8], $0x2000  }
0x2c4: {  	[sflag:s8] =	ssyncset.done $0x0  }
0x2c5: {  	[sflag:s8] =	ssyncadd.s32 $0xFFFFE000  }
0x2c6: {  	_ =	swait.ge [sflag:s8], $0x2000  }
0x2c7: {  	[sflag:s8] =	ssyncset.done $0x0  }
0x2c8: {  	[sflag:s8] =	ssyncadd.s32 $0xFFFFE000  }
0x2c9: {  	_ =	swait.ge [sflag:s8], $0x2000  }
0x2ca: {  	[sflag:s8] =	ssyncset.done $0x0  }
0x2cb: {  	[sflag:s8] =	ssyncadd.s32 $0xFFFFE000  }
0x2cc: {  	_ =	swait.ge [sflag:s8], $0x2000  }
0x2cd: {  	[sflag:s8] =	ssyncset.done $0x0  }
0x2ce: {  	[sflag:s8] =	ssyncadd.s32 $0xFFFFE000  }
0x2cf: {  	_ =	swait.ge [sflag:s8], $0x2000  }
0x2d0: {  	[sflag:s8] =	ssyncset.done $0x0  }
0x2d1: {  	[sflag:s8] =	ssyncadd.s32 $0xFFFFE000  }
0x2d2: {  	_ =	swait.ge [sflag:s8], $0x2000  }
0x2d3: {  	[sflag:s8] =	ssyncset.done $0x0  }
0x2d4: {  	[sflag:s8] =	ssyncadd.s32 $0xFFFFE000  }
0x2d5: {  	_ =	swait.ge [sflag:s8], $0x2000  }
0x2d6: {  	[sflag:s8] =	ssyncset.done $0x0  }
0x2d7: {  	[sflag:s8] =	ssyncadd.s32 $0xFFFFE000  }
0x2d8: {  	[hbm4b:s15+s9] =	stream.strided.scatter [tilespmem:s7], [sflag:$0x2], $0x10000, s6, s9, $0x38;
	[tilespmem:$0x10400] =	vst v63  }
0x2d9: {  	_ =	swait.ge [sflag:s4], $0x10000  }
0x2da: {  	[sflag:s4] =	ssyncset.done $0x0  }
0x2db: {  	[sflag:s4] =	ssyncadd.s32 $0xFFFF0000  }
0x2dc: {  	[tilespmem:s2], [sflag:$0x2] =	stream.linear.gather [hbm4b:s10+s2], $0x400, $0x38;
	[tilespmem:$0x10400] =	vst v63  }
0x2dd: {  	_ =	swait.ge [sflag:s4], $0x400  }
0x2de: {  	[sflag:s4] =	ssyncset.done $0x0  }
0x2df: {  	[sflag:s4] =	ssyncadd.s32 $0xFFFFFC00  }
0x2e0: {  	[tilespmem:s7], [sflag:$0x1] =	stream.indirect.gather [hbm4b:s3+s6], $0x40, s2, s6, $0xb8;
	[tilespmem:$0x10400] =	vst v63  }
0x2e1: {  	_ = 	snop  }
0x2e2: {  	[tilespmem:s11], [sflag:$0x1] =	stream.indirect.gather [hbm4b:s3+s6], $0x40, s6, s6, $0xb8;
	[tilespmem:$0x10400] =	vst v63  }
0x2e3: {  	_ = 	snop  }
0x2e4: {  	[tilespmem:s13], [sflag:$0x1] =	stream.indirect.gather [hbm4b:s3+s6], $0x40, s12, s6, $0xb8;
	[tilespmem:$0x10400] =	vst v63  }
0x2e5: {  	_ = 	snop  }
0x2e6: {  	[tilespmem:s16], [sflag:$0x1] =	stream.indirect.gather [hbm4b:s3+s6], $0x40, s14, s6, $0xb8;
	[tilespmem:$0x10400] =	vst v63  }
0x2e7: {  	_ = 	snop  }
0x2e8: {  	[tilespmem:s18], [sflag:$0x1] =	stream.indirect.gather [hbm4b:s3+s6], $0x40, s17, s6, $0xb8;
	[tilespmem:$0x10400] =	vst v63  }
0x2e9: {  	_ = 	snop  }
0x2ea: {  	[tilespmem:s20], [sflag:$0x1] =	stream.indirect.gather [hbm4b:s3+s6], $0x40, s19, s6, $0xb8;
	[tilespmem:$0x10400] =	vst v63  }
0x2eb: {  	_ = 	snop  }
0x2ec: {  	[tilespmem:s22], [sflag:$0x1] =	stream.indirect.gather [hbm4b:s3+s6], $0x40, s21, s6, $0xb8;
	[tilespmem:$0x10400] =	vst v63  }
0x2ed: {  	_ = 	snop  }
0x2ee: {  	[tilespmem:s24], [sflag:$0x1] =	stream.indirect.gather [hbm4b:s3+s6], $0x40, s23, s6, $0xb8;
	[tilespmem:$0x10400] =	vst v63  }
0x2ef: {  	_ =	swait.ge [sflag:s8], $0x2000  }
0x2f0: {  	[sflag:s8] =	ssyncset.done $0x0  }
0x2f1: {  	[sflag:s8] =	ssyncadd.s32 $0xFFFFE000  }
0x2f2: {  	_ =	swait.ge [sflag:s8], $0x2000  }
0x2f3: {  	[sflag:s8] =	ssyncset.done $0x0  }
0x2f4: {  	[sflag:s8] =	ssyncadd.s32 $0xFFFFE000  }
0x2f5: {  	_ =	swait.ge [sflag:s8], $0x2000  }
0x2f6: {  	[sflag:s8] =	ssyncset.done $0x0  }
0x2f7: {  	[sflag:s8] =	ssyncadd.s32 $0xFFFFE000  }
0x2f8: {  	_ =	swait.ge [sflag:s8], $0x2000  }
0x2f9: {  	[sflag:s8] =	ssyncset.done $0x0  }
0x2fa: {  	[sflag:s8] =	ssyncadd.s32 $0xFFFFE000  }
0x2fb: {  	_ =	swait.ge [sflag:s8], $0x2000  }
0x2fc: {  	[sflag:s8] =	ssyncset.done $0x0  }
0x2fd: {  	[sflag:s8] =	ssyncadd.s32 $0xFFFFE000  }
0x2fe: {  	_ =	swait.ge [sflag:s8], $0x2000  }
0x2ff: {  	[sflag:s8] =	ssyncset.done $0x0  }
0x300: {  	[sflag:s8] =	ssyncadd.s32 $0xFFFFE000  }
0x301: {  	_ =	swait.ge [sflag:s8], $0x2000  }
0x302: {  	[sflag:s8] =	ssyncset.done $0x0  }
0x303: {  	[sflag:s8] =	ssyncadd.s32 $0xFFFFE000  }
0x304: {  	p1 =	sne.s32 s0, $0x1;
	_ =	swait.ge [sflag:s8], $0x2000  }
.Ltmp2:
0x305: {  	[sflag:s8] =	ssyncset.done $0x0;
	(pc) =	sbr.rel @p1 .LBB2_2-.Ltmp2, $4  }
0x306: {  	[sflag:s8] =	ssyncadd.s32 $0xFFFFE000  }
0x307: {  	[hbm4b:s5+s9] =	stream.strided.scatter [tilespmem:s7], [sflag:$0x2], $0x10000, s6, s9, $0x38;
	[tilespmem:$0x10400] =	vst v63  }
0x308: {  	_ =	swait.ge [sflag:s4], $0x10000  }
0x309: {  	s0 =	sadd.s32 $0xFFFFFFFF, s0;
	s1 =	rddreg [dreg:$0x2];
	[sflag:s4] =	ssyncset.done $0x0  }
.LBB2_3:
0x30a: {  	[sflag:s4] =	ssyncadd.s32 @p0 $0xFFFF0000  }
0x30b: {  	[tilespmem:s2], [sflag:$0x2] =	stream.linear.gather [hbm4b:s1+s2], $0x400, $0x38;
	[tilespmem:$0x10400] =	vst v63  }
0x30c: {  	_ =	swait.ge [sflag:s4], $0x400  }
0x30d: {  	[sflag:s4] =	ssyncset.done $0x0  }
0x30e: {  	[sflag:s4] =	ssyncadd.s32 $0xFFFFFC00  }
0x30f: {  	[tilespmem:s7], [sflag:$0x1] =	stream.indirect.gather [hbm4b:s3+s6], $0x40, s2, s6, $0xb8;
	[tilespmem:$0x10400] =	vst v63  }
0x310: {  	_ = 	snop  }
0x311: {  	[tilespmem:s11], [sflag:$0x1] =	stream.indirect.gather [hbm4b:s3+s6], $0x40, s6, s6, $0xb8;
	[tilespmem:$0x10400] =	vst v63  }
0x312: {  	_ = 	snop  }
0x313: {  	[tilespmem:s13], [sflag:$0x1] =	stream.indirect.gather [hbm4b:s3+s6], $0x40, s12, s6, $0xb8;
	[tilespmem:$0x10400] =	vst v63  }
0x314: {  	_ = 	snop  }
0x315: {  	[tilespmem:s16], [sflag:$0x1] =	stream.indirect.gather [hbm4b:s3+s6], $0x40, s14, s6, $0xb8;
	[tilespmem:$0x10400] =	vst v63  }
0x316: {  	_ = 	snop  }
0x317: {  	[tilespmem:s18], [sflag:$0x1] =	stream.indirect.gather [hbm4b:s3+s6], $0x40, s17, s6, $0xb8;
	[tilespmem:$0x10400] =	vst v63  }
0x318: {  	_ = 	snop  }
0x319: {  	[tilespmem:s20], [sflag:$0x1] =	stream.indirect.gather [hbm4b:s3+s6], $0x40, s19, s6, $0xb8;
	[tilespmem:$0x10400] =	vst v63  }
0x31a: {  	_ = 	snop  }
0x31b: {  	[tilespmem:s22], [sflag:$0x1] =	stream.indirect.gather [hbm4b:s3+s6], $0x40, s21, s6, $0xb8;
	[tilespmem:$0x10400] =	vst v63  }
0x31c: {  	_ = 	snop  }
0x31d: {  	[tilespmem:s24], [sflag:$0x1] =	stream.indirect.gather [hbm4b:s3+s6], $0x40, s23, s6, $0xb8;
	[tilespmem:$0x10400] =	vst v63  }
0x31e: {  	_ =	swait.ge [sflag:s8], $0x2000  }
0x31f: {  	[sflag:s8] =	ssyncset.done $0x0  }
0x320: {  	[sflag:s8] =	ssyncadd.s32 $0xFFFFE000  }
0x321: {  	_ =	swait.ge [sflag:s8], $0x2000  }
0x322: {  	[sflag:s8] =	ssyncset.done $0x0  }
0x323: {  	[sflag:s8] =	ssyncadd.s32 $0xFFFFE000  }
0x324: {  	_ =	swait.ge [sflag:s8], $0x2000  }
0x325: {  	[sflag:s8] =	ssyncset.done $0x0  }
0x326: {  	[sflag:s8] =	ssyncadd.s32 $0xFFFFE000  }
0x327: {  	_ =	swait.ge [sflag:s8], $0x2000  }
0x328: {  	[sflag:s8] =	ssyncset.done $0x0  }
0x329: {  	[sflag:s8] =	ssyncadd.s32 $0xFFFFE000  }
0x32a: {  	_ =	swait.ge [sflag:s8], $0x2000  }
0x32b: {  	[sflag:s8] =	ssyncset.done $0x0  }
0x32c: {  	[sflag:s8] =	ssyncadd.s32 $0xFFFFE000  }
0x32d: {  	_ =	swait.ge [sflag:s8], $0x2000  }
0x32e: {  	[sflag:s8] =	ssyncset.done $0x0  }
0x32f: {  	[sflag:s8] =	ssyncadd.s32 $0xFFFFE000  }
0x330: {  	_ =	swait.ge [sflag:s8], $0x2000  }
0x331: {  	[sflag:s8] =	ssyncset.done $0x0  }
0x332: {  	[sflag:s8] =	ssyncadd.s32 $0xFFFFE000  }
0x333: {  	_ =	swait.ge [sflag:s8], $0x2000  }
0x334: {  	[sflag:s8] =	ssyncset.done $0x0  }
0x335: {  	s0 =	rddreg [dreg:$0x3];
	[sflag:s8] =	ssyncadd.s32 $0xFFFFE000  }
0x336: {  	[hbm4b:s0+s9] =	stream.strided.scatter [tilespmem:s7], [sflag:$0x2], $0x10000, s6, s9, $0x38;
	[tilespmem:$0x10400] =	vst v63  }
0x337: {  	_ =	swait.ge [sflag:s4], $0x10000  }
0x338: {  	[sflag:s4] =	ssyncset.done $0x0  }
0x339: {  	s1 =	rddreg [dreg:$0x4];
	[sflag:s4] =	ssyncadd.s32 $0xFFFF0000  }
0x33a: {  	[tilespmem:s2], [sflag:$0x2] =	stream.linear.gather [hbm4b:s1+s2], $0x400, $0x38;
	[tilespmem:$0x10400] =	vst v63  }
0x33b: {  	_ =	swait.ge [sflag:s4], $0x400  }
0x33c: {  	[sflag:s4] =	ssyncset.done $0x0  }
0x33d: {  	[sflag:s4] =	ssyncadd.s32 $0xFFFFFC00  }
0x33e: {  	[tilespmem:s7], [sflag:$0x1] =	stream.indirect.gather [hbm4b:s3+s6], $0x40, s2, s6, $0xb8;
	[tilespmem:$0x10400] =	vst v63  }
0x33f: {  	_ = 	snop  }
0x340: {  	[tilespmem:s11], [sflag:$0x1] =	stream.indirect.gather [hbm4b:s3+s6], $0x40, s6, s6, $0xb8;
	[tilespmem:$0x10400] =	vst v63  }
0x341: {  	_ = 	snop  }
0x342: {  	[tilespmem:s13], [sflag:$0x1] =	stream.indirect.gather [hbm4b:s3+s6], $0x40, s12, s6, $0xb8;
	[tilespmem:$0x10400] =	vst v63  }
0x343: {  	_ = 	snop  }
0x344: {  	[tilespmem:s16], [sflag:$0x1] =	stream.indirect.gather [hbm4b:s3+s6], $0x40, s14, s6, $0xb8;
	[tilespmem:$0x10400] =	vst v63  }
0x345: {  	_ = 	snop  }
0x346: {  	[tilespmem:s18], [sflag:$0x1] =	stream.indirect.gather [hbm4b:s3+s6], $0x40, s17, s6, $0xb8;
	[tilespmem:$0x10400] =	vst v63  }
0x347: {  	_ = 	snop  }
0x348: {  	[tilespmem:s20], [sflag:$0x1] =	stream.indirect.gather [hbm4b:s3+s6], $0x40, s19, s6, $0xb8;
	[tilespmem:$0x10400] =	vst v63  }
0x349: {  	_ = 	snop  }
0x34a: {  	[tilespmem:s22], [sflag:$0x1] =	stream.indirect.gather [hbm4b:s3+s6], $0x40, s21, s6, $0xb8;
	[tilespmem:$0x10400] =	vst v63  }
0x34b: {  	_ = 	snop  }
0x34c: {  	[tilespmem:s24], [sflag:$0x1] =	stream.indirect.gather [hbm4b:s3+s6], $0x40, s23, s6, $0xb8;
	[tilespmem:$0x10400] =	vst v63  }
0x34d: {  	_ =	swait.ge [sflag:s8], $0x2000  }
0x34e: {  	[sflag:s8] =	ssyncset.done $0x0  }
0x34f: {  	[sflag:s8] =	ssyncadd.s32 $0xFFFFE000  }
0x350: {  	_ =	swait.ge [sflag:s8], $0x2000  }
0x351: {  	[sflag:s8] =	ssyncset.done $0x0  }
0x352: {  	[sflag:s8] =	ssyncadd.s32 $0xFFFFE000  }
0x353: {  	_ =	swait.ge [sflag:s8], $0x2000  }
0x354: {  	[sflag:s8] =	ssyncset.done $0x0  }
0x355: {  	[sflag:s8] =	ssyncadd.s32 $0xFFFFE000  }
0x356: {  	_ =	swait.ge [sflag:s8], $0x2000  }
0x357: {  	[sflag:s8] =	ssyncset.done $0x0  }
0x358: {  	[sflag:s8] =	ssyncadd.s32 $0xFFFFE000  }
0x359: {  	_ =	swait.ge [sflag:s8], $0x2000  }
0x35a: {  	[sflag:s8] =	ssyncset.done $0x0  }
0x35b: {  	[sflag:s8] =	ssyncadd.s32 $0xFFFFE000  }
0x35c: {  	_ =	swait.ge [sflag:s8], $0x2000  }
0x35d: {  	[sflag:s8] =	ssyncset.done $0x0  }
0x35e: {  	[sflag:s8] =	ssyncadd.s32 $0xFFFFE000  }
0x35f: {  	_ =	swait.ge [sflag:s8], $0x2000  }
0x360: {  	[sflag:s8] =	ssyncset.done $0x0  }
0x361: {  	[sflag:s8] =	ssyncadd.s32 $0xFFFFE000  }
0x362: {  	_ =	swait.ge [sflag:s8], $0x2000  }
0x363: {  	[sflag:s8] =	ssyncset.done $0x0  }
0x364: {  	s1 =	rddreg [dreg:$0x5];
	[sflag:s8] =	ssyncadd.s32 $0xFFFFE000  }
0x365: {  	[hbm4b:s1+s9] =	stream.strided.scatter [tilespmem:s7], [sflag:$0x2], $0x10000, s6, s9, $0x38;
	[tilespmem:$0x10400] =	vst v63  }
0x366: {  	_ =	swait.ge [sflag:s4], $0x10000  }
0x367: {  	[sflag:s4] =	ssyncset.done $0x0  }
0x368: {  	s1 =	rddreg [dreg:$0x6];
	[sflag:s4] =	ssyncadd.s32 $0xFFFF0000  }
0x369: {  	[tilespmem:s2], [sflag:$0x2] =	stream.linear.gather [hbm4b:s1+s2], $0x400, $0x38;
	[tilespmem:$0x10400] =	vst v63  }
0x36a: {  	_ =	swait.ge [sflag:s4], $0x400  }
0x36b: {  	[sflag:s4] =	ssyncset.done $0x0  }
0x36c: {  	[sflag:s4] =	ssyncadd.s32 $0xFFFFFC00  }
0x36d: {  	[tilespmem:s7], [sflag:$0x1] =	stream.indirect.gather [hbm4b:s3+s6], $0x40, s2, s6, $0xb8;
	[tilespmem:$0x10400] =	vst v63  }
0x36e: {  	_ = 	snop  }
0x36f: {  	[tilespmem:s11], [sflag:$0x1] =	stream.indirect.gather [hbm4b:s3+s6], $0x40, s6, s6, $0xb8;
	[tilespmem:$0x10400] =	vst v63  }
0x370: {  	_ = 	snop  }
0x371: {  	[tilespmem:s13], [sflag:$0x1] =	stream.indirect.gather [hbm4b:s3+s6], $0x40, s12, s6, $0xb8;
	[tilespmem:$0x10400] =	vst v63  }
0x372: {  	_ = 	snop  }
0x373: {  	[tilespmem:s16], [sflag:$0x1] =	stream.indirect.gather [hbm4b:s3+s6], $0x40, s14, s6, $0xb8;
	[tilespmem:$0x10400] =	vst v63  }
0x374: {  	_ = 	snop  }
0x375: {  	[tilespmem:s18], [sflag:$0x1] =	stream.indirect.gather [hbm4b:s3+s6], $0x40, s17, s6, $0xb8;
	[tilespmem:$0x10400] =	vst v63  }
0x376: {  	_ = 	snop  }
0x377: {  	[tilespmem:s20], [sflag:$0x1] =	stream.indirect.gather [hbm4b:s3+s6], $0x40, s19, s6, $0xb8;
	[tilespmem:$0x10400] =	vst v63  }
0x378: {  	_ = 	snop  }
0x379: {  	[tilespmem:s22], [sflag:$0x1] =	stream.indirect.gather [hbm4b:s3+s6], $0x40, s21, s6, $0xb8;
	[tilespmem:$0x10400] =	vst v63  }
0x37a: {  	_ = 	snop  }
0x37b: {  	[tilespmem:s24], [sflag:$0x1] =	stream.indirect.gather [hbm4b:s3+s6], $0x40, s23, s6, $0xb8;
	[tilespmem:$0x10400] =	vst v63  }
0x37c: {  	_ =	swait.ge [sflag:s8], $0x2000  }
0x37d: {  	[sflag:s8] =	ssyncset.done $0x0  }
0x37e: {  	[sflag:s8] =	ssyncadd.s32 $0xFFFFE000  }
0x37f: {  	_ =	swait.ge [sflag:s8], $0x2000  }
0x380: {  	[sflag:s8] =	ssyncset.done $0x0  }
0x381: {  	[sflag:s8] =	ssyncadd.s32 $0xFFFFE000  }
0x382: {  	_ =	swait.ge [sflag:s8], $0x2000  }
0x383: {  	[sflag:s8] =	ssyncset.done $0x0  }
0x384: {  	[sflag:s8] =	ssyncadd.s32 $0xFFFFE000  }
0x385: {  	_ =	swait.ge [sflag:s8], $0x2000  }
0x386: {  	[sflag:s8] =	ssyncset.done $0x0  }
0x387: {  	[sflag:s8] =	ssyncadd.s32 $0xFFFFE000  }
0x388: {  	_ =	swait.ge [sflag:s8], $0x2000  }
0x389: {  	[sflag:s8] =	ssyncset.done $0x0  }
0x38a: {  	[sflag:s8] =	ssyncadd.s32 $0xFFFFE000  }
0x38b: {  	_ =	swait.ge [sflag:s8], $0x2000  }
0x38c: {  	[sflag:s8] =	ssyncset.done $0x0  }
0x38d: {  	[sflag:s8] =	ssyncadd.s32 $0xFFFFE000  }
0x38e: {  	_ =	swait.ge [sflag:s8], $0x2000  }
0x38f: {  	[sflag:s8] =	ssyncset.done $0x0  }
0x390: {  	[sflag:s8] =	ssyncadd.s32 $0xFFFFE000  }
0x391: {  	_ =	swait.ge [sflag:s8], $0x2000  }
0x392: {  	[sflag:s8] =	ssyncset.done $0x0  }
0x393: {  	s1 =	rddreg [dreg:$0x7];
	[sflag:s8] =	ssyncadd.s32 $0xFFFFE000  }
0x394: {  	[hbm4b:s1+s9] =	stream.strided.scatter [tilespmem:s7], [sflag:$0x2], $0x10000, s6, s9, $0x38;
	[tilespmem:$0x10400] =	vst v63  }
0x395: {  	_ =	swait.ge [sflag:s4], $0x10000  }
0x396: {  	[sflag:s4] =	ssyncset.done $0x0  }
0x397: {  	s1 =	rddreg [dreg:$0x8];
	[sflag:s4] =	ssyncadd.s32 $0xFFFF0000  }
0x398: {  	[tilespmem:s2], [sflag:$0x2] =	stream.linear.gather [hbm4b:s1+s2], $0x400, $0x38;
	[tilespmem:$0x10400] =	vst v63  }
0x399: {  	_ =	swait.ge [sflag:s4], $0x400  }
0x39a: {  	[sflag:s4] =	ssyncset.done $0x0  }
0x39b: {  	[sflag:s4] =	ssyncadd.s32 $0xFFFFFC00  }
0x39c: {  	[tilespmem:s7], [sflag:$0x1] =	stream.indirect.gather [hbm4b:s3+s6], $0x40, s2, s6, $0xb8;
	[tilespmem:$0x10400] =	vst v63  }
0x39d: {  	_ = 	snop  }
0x39e: {  	[tilespmem:s11], [sflag:$0x1] =	stream.indirect.gather [hbm4b:s3+s6], $0x40, s6, s6, $0xb8;
	[tilespmem:$0x10400] =	vst v63  }
0x39f: {  	_ = 	snop  }
0x3a0: {  	[tilespmem:s13], [sflag:$0x1] =	stream.indirect.gather [hbm4b:s3+s6], $0x40, s12, s6, $0xb8;
	[tilespmem:$0x10400] =	vst v63  }
0x3a1: {  	_ = 	snop  }
0x3a2: {  	[tilespmem:s16], [sflag:$0x1] =	stream.indirect.gather [hbm4b:s3+s6], $0x40, s14, s6, $0xb8;
	[tilespmem:$0x10400] =	vst v63  }
0x3a3: {  	_ = 	snop  }
0x3a4: {  	[tilespmem:s18], [sflag:$0x1] =	stream.indirect.gather [hbm4b:s3+s6], $0x40, s17, s6, $0xb8;
	[tilespmem:$0x10400] =	vst v63  }
0x3a5: {  	_ = 	snop  }
0x3a6: {  	[tilespmem:s20], [sflag:$0x1] =	stream.indirect.gather [hbm4b:s3+s6], $0x40, s19, s6, $0xb8;
	[tilespmem:$0x10400] =	vst v63  }
0x3a7: {  	_ = 	snop  }
0x3a8: {  	[tilespmem:s22], [sflag:$0x1] =	stream.indirect.gather [hbm4b:s3+s6], $0x40, s21, s6, $0xb8;
	[tilespmem:$0x10400] =	vst v63  }
0x3a9: {  	_ = 	snop  }
0x3aa: {  	[tilespmem:s24], [sflag:$0x1] =	stream.indirect.gather [hbm4b:s3+s6], $0x40, s23, s6, $0xb8;
	[tilespmem:$0x10400] =	vst v63  }
0x3ab: {  	_ =	swait.ge [sflag:s8], $0x2000  }
0x3ac: {  	[sflag:s8] =	ssyncset.done $0x0  }
0x3ad: {  	[sflag:s8] =	ssyncadd.s32 $0xFFFFE000  }
0x3ae: {  	_ =	swait.ge [sflag:s8], $0x2000  }
0x3af: {  	[sflag:s8] =	ssyncset.done $0x0  }
0x3b0: {  	[sflag:s8] =	ssyncadd.s32 $0xFFFFE000  }
0x3b1: {  	_ =	swait.ge [sflag:s8], $0x2000  }
0x3b2: {  	[sflag:s8] =	ssyncset.done $0x0  }
0x3b3: {  	[sflag:s8] =	ssyncadd.s32 $0xFFFFE000  }
0x3b4: {  	_ =	swait.ge [sflag:s8], $0x2000  }
0x3b5: {  	[sflag:s8] =	ssyncset.done $0x0  }
0x3b6: {  	[sflag:s8] =	ssyncadd.s32 $0xFFFFE000  }
0x3b7: {  	_ =	swait.ge [sflag:s8], $0x2000  }
0x3b8: {  	[sflag:s8] =	ssyncset.done $0x0  }
0x3b9: {  	[sflag:s8] =	ssyncadd.s32 $0xFFFFE000  }
0x3ba: {  	_ =	swait.ge [sflag:s8], $0x2000  }
0x3bb: {  	[sflag:s8] =	ssyncset.done $0x0  }
0x3bc: {  	[sflag:s8] =	ssyncadd.s32 $0xFFFFE000  }
0x3bd: {  	_ =	swait.ge [sflag:s8], $0x2000  }
0x3be: {  	[sflag:s8] =	ssyncset.done $0x0  }
0x3bf: {  	[sflag:s8] =	ssyncadd.s32 $0xFFFFE000  }
0x3c0: {  	_ =	swait.ge [sflag:s8], $0x2000  }
0x3c1: {  	[sflag:s8] =	ssyncset.done $0x0  }
0x3c2: {  	[sflag:s8] =	ssyncadd.s32 $0xFFFFE000  }
0x3c3: {  	[hbm4b:s31+s9] =	stream.strided.scatter [tilespmem:s7], [sflag:$0x2], $0x10000, s6, s9, $0x38;
	[tilespmem:$0x10400] =	vst v63  }
0x3c4: {  	_ =	swait.ge [sflag:s4], $0x10000  }
0x3c5: {  	[sflag:s4] =	ssyncset.done $0x0  }
0x3c6: {  	[sflag:s4] =	ssyncadd.s32 $0xFFFF0000  }
0x3c7: {  	[tilespmem:s2], [sflag:$0x2] =	stream.linear.gather [hbm4b:s30+s2], $0x400, $0x38;
	[tilespmem:$0x10400] =	vst v63  }
0x3c8: {  	_ =	swait.ge [sflag:s4], $0x400  }
0x3c9: {  	[sflag:s4] =	ssyncset.done $0x0  }
0x3ca: {  	[sflag:s4] =	ssyncadd.s32 $0xFFFFFC00  }
0x3cb: {  	[tilespmem:s7], [sflag:$0x1] =	stream.indirect.gather [hbm4b:s3+s6], $0x40, s2, s6, $0xb8;
	[tilespmem:$0x10400] =	vst v63  }
0x3cc: {  	_ = 	snop  }
0x3cd: {  	[tilespmem:s11], [sflag:$0x1] =	stream.indirect.gather [hbm4b:s3+s6], $0x40, s6, s6, $0xb8;
	[tilespmem:$0x10400] =	vst v63  }
0x3ce: {  	_ = 	snop  }
0x3cf: {  	[tilespmem:s13], [sflag:$0x1] =	stream.indirect.gather [hbm4b:s3+s6], $0x40, s12, s6, $0xb8;
	[tilespmem:$0x10400] =	vst v63  }
0x3d0: {  	_ = 	snop  }
0x3d1: {  	[tilespmem:s16], [sflag:$0x1] =	stream.indirect.gather [hbm4b:s3+s6], $0x40, s14, s6, $0xb8;
	[tilespmem:$0x10400] =	vst v63  }
0x3d2: {  	_ = 	snop  }
0x3d3: {  	[tilespmem:s18], [sflag:$0x1] =	stream.indirect.gather [hbm4b:s3+s6], $0x40, s17, s6, $0xb8;
	[tilespmem:$0x10400] =	vst v63  }
0x3d4: {  	_ = 	snop  }
0x3d5: {  	[tilespmem:s20], [sflag:$0x1] =	stream.indirect.gather [hbm4b:s3+s6], $0x40, s19, s6, $0xb8;
	[tilespmem:$0x10400] =	vst v63  }
0x3d6: {  	_ = 	snop  }
0x3d7: {  	[tilespmem:s22], [sflag:$0x1] =	stream.indirect.gather [hbm4b:s3+s6], $0x40, s21, s6, $0xb8;
	[tilespmem:$0x10400] =	vst v63  }
0x3d8: {  	_ = 	snop  }
0x3d9: {  	[tilespmem:s24], [sflag:$0x1] =	stream.indirect.gather [hbm4b:s3+s6], $0x40, s23, s6, $0xb8;
	[tilespmem:$0x10400] =	vst v63  }
0x3da: {  	_ =	swait.ge [sflag:s8], $0x2000  }
0x3db: {  	[sflag:s8] =	ssyncset.done $0x0  }
0x3dc: {  	[sflag:s8] =	ssyncadd.s32 $0xFFFFE000  }
0x3dd: {  	_ =	swait.ge [sflag:s8], $0x2000  }
0x3de: {  	[sflag:s8] =	ssyncset.done $0x0  }
0x3df: {  	[sflag:s8] =	ssyncadd.s32 $0xFFFFE000  }
0x3e0: {  	_ =	swait.ge [sflag:s8], $0x2000  }
0x3e1: {  	[sflag:s8] =	ssyncset.done $0x0  }
0x3e2: {  	[sflag:s8] =	ssyncadd.s32 $0xFFFFE000  }
0x3e3: {  	_ =	swait.ge [sflag:s8], $0x2000  }
0x3e4: {  	[sflag:s8] =	ssyncset.done $0x0  }
0x3e5: {  	[sflag:s8] =	ssyncadd.s32 $0xFFFFE000  }
0x3e6: {  	_ =	swait.ge [sflag:s8], $0x2000  }
0x3e7: {  	[sflag:s8] =	ssyncset.done $0x0  }
0x3e8: {  	[sflag:s8] =	ssyncadd.s32 $0xFFFFE000  }
0x3e9: {  	_ =	swait.ge [sflag:s8], $0x2000  }
0x3ea: {  	[sflag:s8] =	ssyncset.done $0x0  }
0x3eb: {  	[sflag:s8] =	ssyncadd.s32 $0xFFFFE000  }
0x3ec: {  	_ =	swait.ge [sflag:s8], $0x2000  }
0x3ed: {  	[sflag:s8] =	ssyncset.done $0x0  }
0x3ee: {  	[sflag:s8] =	ssyncadd.s32 $0xFFFFE000  }
0x3ef: {  	_ =	swait.ge [sflag:s8], $0x2000  }
0x3f0: {  	[sflag:s8] =	ssyncset.done $0x0  }
0x3f1: {  	[sflag:s8] =	ssyncadd.s32 $0xFFFFE000  }
0x3f2: {  	[hbm4b:s29+s9] =	stream.strided.scatter [tilespmem:s7], [sflag:$0x2], $0x10000, s6, s9, $0x38;
	[tilespmem:$0x10400] =	vst v63  }
0x3f3: {  	_ =	swait.ge [sflag:s4], $0x10000  }
0x3f4: {  	[sflag:s4] =	ssyncset.done $0x0  }
0x3f5: {  	[sflag:s4] =	ssyncadd.s32 $0xFFFF0000  }
0x3f6: {  	[tilespmem:s2], [sflag:$0x2] =	stream.linear.gather [hbm4b:s28+s2], $0x400, $0x38;
	[tilespmem:$0x10400] =	vst v63  }
0x3f7: {  	_ =	swait.ge [sflag:s4], $0x400  }
0x3f8: {  	[sflag:s4] =	ssyncset.done $0x0  }
0x3f9: {  	[sflag:s4] =	ssyncadd.s32 $0xFFFFFC00  }
0x3fa: {  	[tilespmem:s7], [sflag:$0x1] =	stream.indirect.gather [hbm4b:s3+s6], $0x40, s2, s6, $0xb8;
	[tilespmem:$0x10400] =	vst v63  }
0x3fb: {  	_ = 	snop  }
0x3fc: {  	[tilespmem:s11], [sflag:$0x1] =	stream.indirect.gather [hbm4b:s3+s6], $0x40, s6, s6, $0xb8;
	[tilespmem:$0x10400] =	vst v63  }
0x3fd: {  	_ = 	snop  }
0x3fe: {  	[tilespmem:s13], [sflag:$0x1] =	stream.indirect.gather [hbm4b:s3+s6], $0x40, s12, s6, $0xb8;
	[tilespmem:$0x10400] =	vst v63  }
0x3ff: {  	_ = 	snop  }
0x400: {  	[tilespmem:s16], [sflag:$0x1] =	stream.indirect.gather [hbm4b:s3+s6], $0x40, s14, s6, $0xb8;
	[tilespmem:$0x10400] =	vst v63  }
0x401: {  	_ = 	snop  }
0x402: {  	[tilespmem:s18], [sflag:$0x1] =	stream.indirect.gather [hbm4b:s3+s6], $0x40, s17, s6, $0xb8;
	[tilespmem:$0x10400] =	vst v63  }
0x403: {  	_ = 	snop  }
0x404: {  	[tilespmem:s20], [sflag:$0x1] =	stream.indirect.gather [hbm4b:s3+s6], $0x40, s19, s6, $0xb8;
	[tilespmem:$0x10400] =	vst v63  }
0x405: {  	_ = 	snop  }
0x406: {  	[tilespmem:s22], [sflag:$0x1] =	stream.indirect.gather [hbm4b:s3+s6], $0x40, s21, s6, $0xb8;
	[tilespmem:$0x10400] =	vst v63  }
0x407: {  	_ = 	snop  }
0x408: {  	[tilespmem:s24], [sflag:$0x1] =	stream.indirect.gather [hbm4b:s3+s6], $0x40, s23, s6, $0xb8;
	[tilespmem:$0x10400] =	vst v63  }
0x409: {  	_ =	swait.ge [sflag:s8], $0x2000  }
0x40a: {  	[sflag:s8] =	ssyncset.done $0x0  }
0x40b: {  	[sflag:s8] =	ssyncadd.s32 $0xFFFFE000  }
0x40c: {  	_ =	swait.ge [sflag:s8], $0x2000  }
0x40d: {  	[sflag:s8] =	ssyncset.done $0x0  }
0x40e: {  	[sflag:s8] =	ssyncadd.s32 $0xFFFFE000  }
0x40f: {  	_ =	swait.ge [sflag:s8], $0x2000  }
0x410: {  	[sflag:s8] =	ssyncset.done $0x0  }
0x411: {  	[sflag:s8] =	ssyncadd.s32 $0xFFFFE000  }
0x412: {  	_ =	swait.ge [sflag:s8], $0x2000  }
0x413: {  	[sflag:s8] =	ssyncset.done $0x0  }
0x414: {  	[sflag:s8] =	ssyncadd.s32 $0xFFFFE000  }
0x415: {  	_ =	swait.ge [sflag:s8], $0x2000  }
0x416: {  	[sflag:s8] =	ssyncset.done $0x0  }
0x417: {  	[sflag:s8] =	ssyncadd.s32 $0xFFFFE000  }
0x418: {  	_ =	swait.ge [sflag:s8], $0x2000  }
0x419: {  	[sflag:s8] =	ssyncset.done $0x0  }
0x41a: {  	[sflag:s8] =	ssyncadd.s32 $0xFFFFE000  }
0x41b: {  	_ =	swait.ge [sflag:s8], $0x2000  }
0x41c: {  	[sflag:s8] =	ssyncset.done $0x0  }
0x41d: {  	[sflag:s8] =	ssyncadd.s32 $0xFFFFE000  }
0x41e: {  	_ =	swait.ge [sflag:s8], $0x2000  }
0x41f: {  	[sflag:s8] =	ssyncset.done $0x0  }
0x420: {  	[sflag:s8] =	ssyncadd.s32 $0xFFFFE000  }
0x421: {  	[hbm4b:s26+s9] =	stream.strided.scatter [tilespmem:s7], [sflag:$0x2], $0x10000, s6, s9, $0x38;
	[tilespmem:$0x10400] =	vst v63  }
0x422: {  	_ =	swait.ge [sflag:s4], $0x10000  }
0x423: {  	[sflag:s4] =	ssyncset.done $0x0  }
0x424: {  	[sflag:s4] =	ssyncadd.s32 $0xFFFF0000  }
0x425: {  	[tilespmem:s2], [sflag:$0x2] =	stream.linear.gather [hbm4b:s25+s2], $0x400, $0x38;
	[tilespmem:$0x10400] =	vst v63  }
0x426: {  	_ =	swait.ge [sflag:s4], $0x400  }
0x427: {  	[sflag:s4] =	ssyncset.done $0x0  }
0x428: {  	[sflag:s4] =	ssyncadd.s32 $0xFFFFFC00  }
0x429: {  	[tilespmem:s7], [sflag:$0x1] =	stream.indirect.gather [hbm4b:s3+s6], $0x40, s2, s6, $0xb8;
	[tilespmem:$0x10400] =	vst v63  }
0x42a: {  	_ = 	snop  }
0x42b: {  	[tilespmem:s11], [sflag:$0x1] =	stream.indirect.gather [hbm4b:s3+s6], $0x40, s6, s6, $0xb8;
	[tilespmem:$0x10400] =	vst v63  }
0x42c: {  	_ = 	snop  }
0x42d: {  	[tilespmem:s13], [sflag:$0x1] =	stream.indirect.gather [hbm4b:s3+s6], $0x40, s12, s6, $0xb8;
	[tilespmem:$0x10400] =	vst v63  }
0x42e: {  	_ = 	snop  }
0x42f: {  	[tilespmem:s16], [sflag:$0x1] =	stream.indirect.gather [hbm4b:s3+s6], $0x40, s14, s6, $0xb8;
	[tilespmem:$0x10400] =	vst v63  }
0x430: {  	_ = 	snop  }
0x431: {  	[tilespmem:s18], [sflag:$0x1] =	stream.indirect.gather [hbm4b:s3+s6], $0x40, s17, s6, $0xb8;
	[tilespmem:$0x10400] =	vst v63  }
0x432: {  	_ = 	snop  }
0x433: {  	[tilespmem:s20], [sflag:$0x1] =	stream.indirect.gather [hbm4b:s3+s6], $0x40, s19, s6, $0xb8;
	[tilespmem:$0x10400] =	vst v63  }
0x434: {  	_ = 	snop  }
0x435: {  	[tilespmem:s22], [sflag:$0x1] =	stream.indirect.gather [hbm4b:s3+s6], $0x40, s21, s6, $0xb8;
	[tilespmem:$0x10400] =	vst v63  }
0x436: {  	_ = 	snop  }
0x437: {  	[tilespmem:s24], [sflag:$0x1] =	stream.indirect.gather [hbm4b:s3+s6], $0x40, s23, s6, $0xb8;
	[tilespmem:$0x10400] =	vst v63  }
0x438: {  	_ =	swait.ge [sflag:s8], $0x2000  }
0x439: {  	[sflag:s8] =	ssyncset.done $0x0  }
0x43a: {  	[sflag:s8] =	ssyncadd.s32 $0xFFFFE000  }
0x43b: {  	_ =	swait.ge [sflag:s8], $0x2000  }
0x43c: {  	[sflag:s8] =	ssyncset.done $0x0  }
0x43d: {  	[sflag:s8] =	ssyncadd.s32 $0xFFFFE000  }
0x43e: {  	_ =	swait.ge [sflag:s8], $0x2000  }
0x43f: {  	[sflag:s8] =	ssyncset.done $0x0  }
0x440: {  	[sflag:s8] =	ssyncadd.s32 $0xFFFFE000  }
0x441: {  	_ =	swait.ge [sflag:s8], $0x2000  }
0x442: {  	[sflag:s8] =	ssyncset.done $0x0  }
0x443: {  	[sflag:s8] =	ssyncadd.s32 $0xFFFFE000  }
0x444: {  	_ =	swait.ge [sflag:s8], $0x2000  }
0x445: {  	[sflag:s8] =	ssyncset.done $0x0  }
0x446: {  	[sflag:s8] =	ssyncadd.s32 $0xFFFFE000  }
0x447: {  	_ =	swait.ge [sflag:s8], $0x2000  }
0x448: {  	[sflag:s8] =	ssyncset.done $0x0  }
0x449: {  	[sflag:s8] =	ssyncadd.s32 $0xFFFFE000  }
0x44a: {  	_ =	swait.ge [sflag:s8], $0x2000  }
0x44b: {  	[sflag:s8] =	ssyncset.done $0x0  }
0x44c: {  	[sflag:s8] =	ssyncadd.s32 $0xFFFFE000  }
0x44d: {  	_ =	swait.ge [sflag:s8], $0x2000  }
0x44e: {  	[sflag:s8] =	ssyncset.done $0x0  }
0x44f: {  	[sflag:s8] =	ssyncadd.s32 $0xFFFFE000  }
0x450: {  	[hbm4b:s15+s9] =	stream.strided.scatter [tilespmem:s7], [sflag:$0x2], $0x10000, s6, s9, $0x38;
	[tilespmem:$0x10400] =	vst v63  }
0x451: {  	_ =	swait.ge [sflag:s4], $0x10000  }
0x452: {  	[sflag:s4] =	ssyncset.done $0x0  }
0x453: {  	[sflag:s4] =	ssyncadd.s32 $0xFFFF0000  }
0x454: {  	[tilespmem:s2], [sflag:$0x2] =	stream.linear.gather [hbm4b:s10+s2], $0x400, $0x38;
	[tilespmem:$0x10400] =	vst v63  }
0x455: {  	_ =	swait.ge [sflag:s4], $0x400  }
0x456: {  	[sflag:s4] =	ssyncset.done $0x0  }
0x457: {  	[sflag:s4] =	ssyncadd.s32 $0xFFFFFC00  }
0x458: {  	[tilespmem:s7], [sflag:$0x1] =	stream.indirect.gather [hbm4b:s3+s6], $0x40, s2, s6, $0xb8;
	[tilespmem:$0x10400] =	vst v63  }
0x459: {  	_ = 	snop  }
0x45a: {  	[tilespmem:s11], [sflag:$0x1] =	stream.indirect.gather [hbm4b:s3+s6], $0x40, s6, s6, $0xb8;
	[tilespmem:$0x10400] =	vst v63  }
0x45b: {  	_ = 	snop  }
0x45c: {  	[tilespmem:s13], [sflag:$0x1] =	stream.indirect.gather [hbm4b:s3+s6], $0x40, s12, s6, $0xb8;
	[tilespmem:$0x10400] =	vst v63  }
0x45d: {  	_ = 	snop  }
0x45e: {  	[tilespmem:s16], [sflag:$0x1] =	stream.indirect.gather [hbm4b:s3+s6], $0x40, s14, s6, $0xb8;
	[tilespmem:$0x10400] =	vst v63  }
0x45f: {  	_ = 	snop  }
0x460: {  	[tilespmem:s18], [sflag:$0x1] =	stream.indirect.gather [hbm4b:s3+s6], $0x40, s17, s6, $0xb8;
	[tilespmem:$0x10400] =	vst v63  }
0x461: {  	_ = 	snop  }
0x462: {  	[tilespmem:s20], [sflag:$0x1] =	stream.indirect.gather [hbm4b:s3+s6], $0x40, s19, s6, $0xb8;
	[tilespmem:$0x10400] =	vst v63  }
0x463: {  	_ = 	snop  }
0x464: {  	[tilespmem:s22], [sflag:$0x1] =	stream.indirect.gather [hbm4b:s3+s6], $0x40, s21, s6, $0xb8;
	[tilespmem:$0x10400] =	vst v63  }
0x465: {  	_ = 	snop  }
0x466: {  	[tilespmem:s24], [sflag:$0x1] =	stream.indirect.gather [hbm4b:s3+s6], $0x40, s23, s6, $0xb8;
	[tilespmem:$0x10400] =	vst v63  }
0x467: {  	_ =	swait.ge [sflag:s8], $0x2000  }
0x468: {  	[sflag:s8] =	ssyncset.done $0x0  }
0x469: {  	[sflag:s8] =	ssyncadd.s32 $0xFFFFE000  }
0x46a: {  	_ =	swait.ge [sflag:s8], $0x2000  }
0x46b: {  	[sflag:s8] =	ssyncset.done $0x0  }
0x46c: {  	[sflag:s8] =	ssyncadd.s32 $0xFFFFE000  }
0x46d: {  	_ =	swait.ge [sflag:s8], $0x2000  }
0x46e: {  	[sflag:s8] =	ssyncset.done $0x0  }
0x46f: {  	[sflag:s8] =	ssyncadd.s32 $0xFFFFE000  }
0x470: {  	_ =	swait.ge [sflag:s8], $0x2000  }
0x471: {  	[sflag:s8] =	ssyncset.done $0x0  }
0x472: {  	[sflag:s8] =	ssyncadd.s32 $0xFFFFE000  }
0x473: {  	_ =	swait.ge [sflag:s8], $0x2000  }
0x474: {  	[sflag:s8] =	ssyncset.done $0x0  }
0x475: {  	[sflag:s8] =	ssyncadd.s32 $0xFFFFE000  }
0x476: {  	_ =	swait.ge [sflag:s8], $0x2000  }
0x477: {  	[sflag:s8] =	ssyncset.done $0x0  }
0x478: {  	[sflag:s8] =	ssyncadd.s32 $0xFFFFE000  }
0x479: {  	_ =	swait.ge [sflag:s8], $0x2000  }
0x47a: {  	[sflag:s8] =	ssyncset.done $0x0  }
0x47b: {  	[sflag:s8] =	ssyncadd.s32 $0xFFFFE000  }
0x47c: {  	_ =	swait.ge [sflag:s8], $0x2000  }
0x47d: {  	[sflag:s8] =	ssyncset.done $0x0  }
0x47e: {  	[sflag:s8] =	ssyncadd.s32 $0xFFFFE000  }
0x47f: {  	[hbm4b:s5+s9] =	stream.strided.scatter [tilespmem:s7], [sflag:$0x2], $0x10000, s6, s9, $0x38;
	[tilespmem:$0x10400] =	vst v63  }
0x480: {  	_ =	swait.ge [sflag:s4], $0x10000  }
0x481: {  	[sflag:s4] =	ssyncset.done $0x0  }
0x482: {  	[sflag:s4] =	ssyncadd.s32 $0xFFFF0000  }
0x483: {  	_ =	sfence.sel $0x180000  }
0x484: {  	[bflag:$0x0] =	sbarrier.arrive $0xFFFF  }
0x485: {  	_ =	strace $0x9000004A  }
0x486: {  	s31 =	stileid.u32;
	[bflag:$0x2] =	sbarrier.arrive $0xFFFF  }
0x487: {  	p0 =	sne.s32 s31, $0x0;
	s0 =	rddreg [dreg:$0x1]  }
0x488: {  	s0 =	sadd.s32 @!p0 $0x100000, s0  }
0x489: {  	[sflag:s0] =	ssyncadd.tile.s32 @!p0 $0x1;
	_ =	shalt  }
.Lfunc_end2:
_tile_overlayer_lowered:
.L_overlay_start_2:
0x48a: {  	(tag) =	ssettag $0x2  }
0x48b: {  	s0 =	rddreg [dreg:$0x0];
	s2 =	stileid.u32  }
0x48c: {  	s1 =	rddreg [dreg:$0x1];
	p0 =	sne.s32 s2, $0x0  }
0x48d: {  	s3 =	rddreg [dreg:$0x2];
	[bflag:$0x3] =	sbarrier.arrive $0xFFFF;
	s2 =	simm.s32 @!p0 $0x1C02  }
0x48e: {  	[timem:s3], [sflag:s2] =	dma.local @!p0 [hbm:s0], s1  }
0x48f: {  	s0 =	simm.s32 @!p0 $0x2  }
0x490: {  	_ =	swait.ge @!p0 [sflag:s0], s1  }
0x491: {  	s1 =	ssub.s32 @!p0 $0x0, s1;
	[sflag:s0] =	ssyncset.done @!p0 $0x0  }
0x492: {  	[sflag:s0] =	ssyncadd.s32 @!p0 s1  }
0x493: {  	[bflag:$0x3] =	sbarrier.arrive $0xFFFF  }
0x494: {  	_ =	shalt  }

</sc_bundles>
